<compile_context>
chip_gen: v7x
topology: tpu7x:2x2x1
jax: 0.10.2.dev20260603
libtpu: 0.0.44.dev20260713+nightly
codegen_flags: <defaults>
</compile_context>

<pallas_src>
import functools
import math

import numpy as np

import jax
import jax.numpy as jnp
from jax import lax
from jax.experimental import pallas as pl
from jax.experimental.pallas import tpu as pltpu
from jax.experimental.pallas import tpu_sc as plsc

_N = 10000
_E = 320000
_D = 128
_HID = 64
_NB = 8
_NL = 3
_SH = 15

_NC = 2
_NS = 16
_K = 40
_EPT = _E // _NS
_CHUNKS = _EPT // _K
_EPW = _E // (_NC * _NS)
_GCHUNKS = _EPW // _K
_RPT = _N // _NS


def _swish(x):
    return x / (1.0 + jnp.exp(-x))


_LANES = np.arange(_D)
_GRP, _OFF = _LANES // 32, _LANES % 32
_PERM = np.where(_OFF < 16, 16 * _GRP + _OFF, 64 + 16 * _GRP + (_OFF - 16))


def _pack_halves(x):
    lo = lax.bitcast_convert_type(
        x[:, :_D // 2].astype(jnp.bfloat16).astype(jnp.float32), jnp.int32)
    hi = lax.bitcast_convert_type(
        x[:, _D // 2:].astype(jnp.bfloat16).astype(jnp.float32), jnp.int32)
    return lax.shift_right_logical(lo, 16) | hi


_GNBUF = 5
_GOUTER = _GCHUNKS // _GNBUF


def _pos_gather_body(pos16, send, recv, out_d, *scr):
    sidx = scr[0:_GNBUF]
    ridx = scr[_GNBUF:2 * _GNBUF]
    bufs = scr[2 * _GNBUF:3 * _GNBUF]
    bufr = scr[3 * _GNBUF:4 * _GNBUF]
    isem = scr[4 * _GNBUF:5 * _GNBUF]
    rsem = scr[5 * _GNBUF:6 * _GNBUF]
    gssem = scr[6 * _GNBUF:7 * _GNBUF]
    grsem = scr[7 * _GNBUF:8 * _GNBUF]
    osem = scr[8 * _GNBUF:9 * _GNBUF]
    c = lax.axis_index("c")
    s = lax.axis_index("s")
    w = s * _NC + c

    def outer(g, carry):
        base0 = w * _EPW + g * (_GNBUF * _K)
        for b in range(_GNBUF):
            @pl.when(g > 0)
            def _(b=b):
                pltpu.make_async_copy(bufr[b], out_d.at[pl.ds(base0, _K)], osem[b]).wait()
            pltpu.async_copy(send.at[pl.ds(base0 + b * _K, _K)], sidx[b], isem[b])
            pltpu.async_copy(recv.at[pl.ds(base0 + b * _K, _K)], ridx[b], rsem[b])
        for b in range(_GNBUF):
            pltpu.make_async_copy(send.at[pl.ds(base0 + b * _K, _K)], sidx[b], isem[b]).wait()
            pltpu.make_async_copy(recv.at[pl.ds(base0 + b * _K, _K)], ridx[b], rsem[b]).wait()
            pltpu.async_copy(pos16.at[sidx[b]], bufs[b], gssem[b])
            pltpu.async_copy(pos16.at[ridx[b]], bufr[b], grsem[b])
        for b in range(_GNBUF):
            pltpu.make_async_copy(pos16.at[sidx[b]], bufs[b], gssem[b]).wait()
            pltpu.make_async_copy(pos16.at[ridx[b]], bufr[b], grsem[b]).wait()

            def sub_row(k, cr, b=b):
                bufr[b][k, :] = bufr[b][k, :] - bufs[b][k, :]
                return cr

            lax.fori_loop(0, _K, sub_row, 0)
            pltpu.async_copy(bufr[b], out_d.at[pl.ds(base0 + b * _K, _K)], osem[b])
        return carry

    lax.fori_loop(0, _GOUTER, outer, 0)
    for b in range(_GNBUF):
        pltpu.make_async_copy(bufr[b], out_d.at[pl.ds(0, _K)], osem[b]).wait()


_NBUF = 4
_OUTER = _CHUNKS // _NBUF


def _msg_body(hu, coeff, send, recv, zrows, out, *scr):
    sidx = scr[0:_NBUF]
    ridx = scr[_NBUF:2 * _NBUF]
    cbuf = scr[2 * _NBUF:3 * _NBUF]
    rows = scr[3 * _NBUF:4 * _NBUF]
    prod = scr[4 * _NBUF:5 * _NBUF]
    acc = scr[5 * _NBUF]
    isem = scr[5 * _NBUF + 1:6 * _NBUF + 1]
    rsem = scr[6 * _NBUF + 1:7 * _NBUF + 1]
    gsem = scr[7 * _NBUF + 1:8 * _NBUF + 1]
    csem = scr[8 * _NBUF + 1:9 * _NBUF + 1]
    ssem = scr[9 * _NBUF + 1:10 * _NBUF + 1]
    c = lax.axis_index("c")
    s = lax.axis_index("s")
    pltpu.sync_copy(zrows, acc.at[pl.ds(s * _RPT, _RPT)])
    plsc.subcore_barrier()

    def outer(g, carry):
        base0 = s * _EPT + g * (_NBUF * _K)
        for b in range(_NBUF):
            @pl.when(g > 0)
            def _(b=b):
                pltpu.make_async_copy(prod[b], acc.at[ridx[b]], ssem[b]).wait()
            pltpu.async_copy(send.at[pl.ds(base0 + b * _K, _K)], sidx[b], isem[b])
            pltpu.async_copy(recv.at[pl.ds(base0 + b * _K, _K)], ridx[b], rsem[b])
        for b in range(_NBUF):
            pltpu.make_async_copy(send.at[pl.ds(base0 + b * _K, _K)], sidx[b], isem[b]).wait()
            pltpu.make_async_copy(recv.at[pl.ds(base0 + b * _K, _K)], ridx[b], rsem[b]).wait()
            pltpu.async_copy(hu.at[sidx[b]], rows[b], gsem[b])
            pltpu.async_copy(coeff.at[c, pl.ds(base0 + b * _K, _K)], cbuf[b], csem[b])
        for b in range(_NBUF):
            pltpu.make_async_copy(hu.at[sidx[b]], rows[b], gsem[b]).wait()
            pltpu.make_async_copy(coeff.at[c, pl.ds(base0 + b * _K, _K)], cbuf[b], csem[b]).wait()

            def mul_row(k, cr, b=b):
                hi_mask = jnp.int32(-65536)
                ng = _D // 32
                cws = [cbuf[b][k, pl.ds(j * 16, 16)] for j in range(ng)]
                rws = [rows[b][k, pl.ds(j * 16, 16)] for j in range(ng)]
                pe = [lax.bitcast_convert_type(cws[j] << 16, jnp.float32)
                      * lax.bitcast_convert_type(rws[j] << 16, jnp.float32)
                      for j in range(ng)]
                po = [lax.bitcast_convert_type(cws[j] & hi_mask, jnp.float32)
                      * lax.bitcast_convert_type(rws[j] & hi_mask, jnp.float32)
                      for j in range(ng)]
                for j in range(ng):
                    prod[b][k, pl.ds(j * 32, 16)] = pe[j]
                    prod[b][k, pl.ds(j * 32 + 16, 16)] = po[j]
                return cr

            lax.fori_loop(0, _K, mul_row, 0)
            pltpu.async_copy(prod[b], acc.at[ridx[b]], ssem[b], add=True)
        return carry

    lax.fori_loop(0, _OUTER, outer, 0)
    for b in range(_NBUF):
        pltpu.make_async_copy(prod[b], acc.at[ridx[b]], ssem[b]).wait()
    plsc.subcore_barrier()
    pltpu.sync_copy(acc.at[pl.ds(s * _RPT, _RPT)],
                    out.at[c, pl.ds(s * _RPT, _RPT)])


@functools.cache
def _sc_kernels():
    mesh = plsc.VectorSubcoreMesh(core_axis_name="c", subcore_axis_name="s")
    pos_gather = pl.kernel(
        _pos_gather_body,
        mesh=mesh,
        compiler_params=pltpu.CompilerParams(use_tc_tiling_on_sc=False),
        out_type=jax.ShapeDtypeStruct((_E, 16), jnp.float32),
        scratch_types=(
            [pltpu.VMEM((_K,), jnp.int32)] * (2 * _GNBUF)
            + [pltpu.VMEM((_K, 16), jnp.float32)] * (2 * _GNBUF)
            + [pltpu.SemaphoreType.DMA] * (5 * _GNBUF)
        ),
    )
    msg_pass = pl.kernel(
        _msg_body,
        mesh=mesh,
        compiler_params=pltpu.CompilerParams(use_tc_tiling_on_sc=False),
        out_type=jax.ShapeDtypeStruct((2, _N, _D), jnp.float32),
        scratch_types=(
            [pltpu.VMEM((_K,), jnp.int32)] * (2 * _NBUF)
            + [pltpu.VMEM((_K, _D // 2), jnp.int32)] * (2 * _NBUF)
            + [pltpu.VMEM((_K, _D), jnp.float32)] * _NBUF
            + [pltpu.VMEM_SHARED((_N, _D), jnp.float32)]
            + [pltpu.SemaphoreType.DMA] * (5 * _NBUF)
        ),
    )
    return pos_gather, msg_pass


_EPAD = 327680
_EP = _EPAD // 128
_BR = 32
_BV = 512


def _vtr_body(d_ref, ident_ref, vt_ref):
    vt_ref[...] = lax.dot_general(d_ref[...], ident_ref[...],
                                  (((0,), (0,)), ((), ())),
                                  precision=lax.Precision.HIGHEST,
                                  preferred_element_type=jnp.float32)


_vtr_call = pl.pallas_call(
    _vtr_body,
    grid=(_E // _BV,),
    in_specs=[
        pl.BlockSpec((_BV, 16), lambda e: (e, 0)),
        pl.BlockSpec((_BV, _BV), lambda e: (0, 0)),
    ],
    out_specs=pl.BlockSpec((16, _BV), lambda e: (0, e)),
    out_shape=jax.ShapeDtypeStruct((16, _EPAD), jnp.float32),
)


def _geom_body(vx_ref, vy_ref, vz_ref, rb_ref, sh_ref):
    x = vx_ref[0]
    y = vy_ref[0]
    z = vz_ref[0]
    sq = x * x + y * y + z * z
    is0 = sq == 0.0
    r = jnp.sqrt(jnp.where(is0, 1.0, sq))
    r = jnp.where(is0, 0.0, r)
    inv = 1.0 / jnp.where(is0, 1.0, r)
    ux = x * inv
    uy = y * inv
    uz = z * inv
    s3 = math.sqrt(3.0)
    s15 = math.sqrt(15.0)
    sh_ref[0] = s3 * ux
    sh_ref[1] = s3 * uy
    sh_ref[2] = s3 * uz
    sh_ref[3] = s15 * ux * uy
    sh_ref[4] = s15 * uy * uz
    sh_ref[5] = (math.sqrt(5.0) / 2.0) * (3.0 * uz * uz - 1.0)
    sh_ref[6] = s15 * ux * uz
    sh_ref[7] = (s15 / 2.0) * (ux * ux - uy * uy)
    sh_ref[8] = (math.sqrt(70.0) / 4.0) * uy * (3.0 * ux * ux - uy * uy)
    sh_ref[9] = math.sqrt(105.0) * ux * uy * uz
    sh_ref[10] = (math.sqrt(42.0) / 4.0) * uy * (5.0 * uz * uz - 1.0)
    sh_ref[11] = (math.sqrt(7.0) / 2.0) * uz * (5.0 * uz * uz - 3.0)
    sh_ref[12] = (math.sqrt(42.0) / 4.0) * ux * (5.0 * uz * uz - 1.0)
    sh_ref[13] = (math.sqrt(105.0) / 2.0) * uz * (ux * ux - uy * uy)
    sh_ref[14] = (math.sqrt(70.0) / 4.0) * ux * (ux * ux - 3.0 * uy * uy)
    r2 = r * r
    r5 = r2 * r2 * r
    poly = 1.0 - 21.0 * r5 + 35.0 * r5 * r - 15.0 * r5 * r2
    env = jnp.where(r < 1.0, poly, 0.0)
    fac = math.sqrt(2.0) * jnp.where(is0, 0.0, env * inv)
    for k in range(_NB):
        rb_ref[k] = jnp.sin((math.pi * (k + 1)) * r) * fac


_geom_call = pl.pallas_call(
    _geom_body,
    grid=(_EP // _BR,),
    in_specs=[
        pl.BlockSpec((1, _BR, 128), lambda i: (0, i, 0)),
        pl.BlockSpec((1, _BR, 128), lambda i: (1, i, 0)),
        pl.BlockSpec((1, _BR, 128), lambda i: (2, i, 0)),
    ],
    out_specs=[
        pl.BlockSpec((_NB, _BR, 128), lambda i: (0, i, 0)),
        pl.BlockSpec((_SH, _BR, 128), lambda i: (0, i, 0)),
    ],
    out_shape=[
        jax.ShapeDtypeStruct((_NB, _EP, 128), jnp.float32),
        jax.ShapeDtypeStruct((_SH, _EP, 128), jnp.float32),
    ],
)

_BE = 4096


def _coeff_body(rb_ref, sh_ref, m1t_ref, m2t_ref, m3_ref, wsh_ref, out_ref):
    t = _swish(jnp.dot(m1t_ref[...], rb_ref[...],
                       preferred_element_type=jnp.float32))
    t = _swish(jnp.dot(m2t_ref[...], t, preferred_element_type=jnp.float32))
    mix = lax.dot_general(t, m3_ref[...], (((0,), (0,)), ((), ())),
                          preferred_element_type=jnp.float32)
    wsh = lax.dot_general(sh_ref[...], wsh_ref[...], (((0,), (0,)), ((), ())),
                          preferred_element_type=jnp.float32)
    out_ref[0] = _pack_halves(mix[:, :_D])
    out_ref[1] = _pack_halves(wsh * mix[:, _D:])


_coeff_call = pl.pallas_call(
    _coeff_body,
    grid=(_EPAD // _BE,),
    in_specs=[
        pl.BlockSpec((_NB, _BE), lambda e: (0, e)),
        pl.BlockSpec((_SH, _BE), lambda e: (0, e)),
        pl.BlockSpec((_HID, _NB), lambda e: (0, 0)),
        pl.BlockSpec((_HID, _HID), lambda e: (0, 0)),
        pl.BlockSpec((_HID, 2 * _D), lambda e: (0, 0)),
        pl.BlockSpec((_SH, _D), lambda e: (0, 0)),
    ],
    out_specs=pl.BlockSpec((2, _BE, _D // 2), lambda e: (0, e, 0)),
    out_shape=jax.ShapeDtypeStruct((2, _EPAD, _D // 2), jnp.int32),
)

_BN = 2000


def _node_body(h_ref, w_ref, sc_ref, hu_ref):
    hw = jnp.dot(h_ref[...], w_ref[...], preferred_element_type=jnp.float32)
    sc_ref[...] = hw[:, :_D]
    hu_ref[...] = _pack_halves(hw[:, _D:])


_node_call = pl.pallas_call(
    _node_body,
    grid=(_N // _BN,),
    in_specs=[
        pl.BlockSpec((_BN, _D), lambda i: (i, 0)),
        pl.BlockSpec((_D, 2 * _D), lambda i: (0, 0)),
    ],
    out_specs=[
        pl.BlockSpec((_BN, _D), lambda i: (i, 0)),
        pl.BlockSpec((_BN, _D // 2), lambda i: (i, 0)),
    ],
    out_shape=[
        jax.ShapeDtypeStruct((_N, _D), jnp.float32),
        jax.ShapeDtypeStruct((_N, _D // 2), jnp.int32),
    ],
)


def _down_body(a_ref, b_ref, sc_ref, wt_ref, wb_ref, h_ref):
    t = (jnp.dot(a_ref[0], wt_ref[...], preferred_element_type=jnp.float32)
         + jnp.dot(b_ref[0], wb_ref[...], preferred_element_type=jnp.float32)
         + sc_ref[...])
    h_ref[...] = _swish(t)


_down_call = pl.pallas_call(
    _down_body,
    grid=(_N // _BN,),
    in_specs=[
        pl.BlockSpec((1, _BN, _D), lambda i: (0, i, 0)),
        pl.BlockSpec((1, _BN, _D), lambda i: (1, i, 0)),
        pl.BlockSpec((_BN, _D), lambda i: (i, 0)),
        pl.BlockSpec((_D, _D), lambda i: (0, 0)),
        pl.BlockSpec((_D, _D), lambda i: (0, 0)),
    ],
    out_specs=pl.BlockSpec((_BN, _D), lambda i: (i, 0)),
    out_shape=jax.ShapeDtypeStruct((_N, _D), jnp.float32),
)


def kernel(positions, node_features, senders, receivers, W_sc, W_up, W_sh, W_down, M1, M2, M3):
    pos_gather, msg_pass = _sc_kernels()
    pos16 = jnp.pad(positions, ((0, 0), (0, 13)))
    dvec = pos_gather(pos16, senders, receivers)
    vt3 = _vtr_call(dvec, jnp.eye(_BV, dtype=jnp.float32)).reshape(16, _EP, 128)
    rb3, sh3 = _geom_call(vt3, vt3, vt3)
    rb2 = rb3.reshape(_NB, _EPAD)
    sh2 = sh3.reshape(_SH, _EPAD)
    coeffs = [
        _coeff_call(rb2, sh2, M1[l].T, M2[l].T, M3[l], W_sh[l])
        for l in range(_NL)
    ]
    zrows = jnp.zeros((_RPT, _D), jnp.float32)
    h = node_features
    for l in range(_NL):
        wn = jnp.concatenate([W_sc[l], W_up[l]], axis=1)
        sc, hu = _node_call(h, wn)
        agg = msg_pass(hu, coeffs[l], senders, receivers, zrows)
        h = _down_call(agg, agg, sc, W_down[l, :_D][_PERM], W_down[l, _D:][_PERM])
    return h[:, :3]

# --- scband reference (transcript-rebuilt; emitter-appended) ---
"""Pipeline reference for scband-nequip-2920577761400 (READ-ONLY COPY).

The authoritative reference and input builder live on the scoring server;
editing this copy changes nothing except your own understanding.
"""

import math
import jax
import jax.numpy as jnp
import numpy as np

N_NODES = 10000
N_EDGES = 320000
D = 128
HID = 64
NB = 8
NL = 3
SH_DIM = 15


def _sph(u):
    x, y, z = u[:, 0], u[:, 1], u[:, 2]
    s3 = math.sqrt(3.0)
    sh1 = jnp.stack([s3 * x, s3 * y, s3 * z], axis=-1)
    s15 = math.sqrt(15.0)
    sh2 = jnp.stack([
        s15 * x * y,
        s15 * y * z,
        (math.sqrt(5.0) / 2.0) * (3.0 * z * z - 1.0),
        s15 * x * z,
        (s15 / 2.0) * (x * x - y * y),
    ], axis=-1)
    sh3 = jnp.stack([
        (math.sqrt(70.0) / 4.0) * y * (3.0 * x * x - y * y),
        math.sqrt(105.0) * x * y * z,
        (math.sqrt(42.0) / 4.0) * y * (5.0 * z * z - 1.0),
        (math.sqrt(7.0) / 2.0) * z * (5.0 * z * z - 3.0),
        (math.sqrt(42.0) / 4.0) * x * (5.0 * z * z - 1.0),
        (math.sqrt(105.0) / 2.0) * z * (x * x - y * y),
        (math.sqrt(70.0) / 4.0) * x * (x * x - 3.0 * y * y),
    ], axis=-1)
    return jnp.concatenate([sh1, sh2, sh3], axis=-1)


def _bessel(r, n):
    k = jnp.arange(1, n + 1, dtype=r.dtype)
    r_safe = jnp.where(r == 0.0, 1.0, r)
    return math.sqrt(2.0) * jnp.sin(math.pi * k[None, :] * r[:, None]) / r_safe[:, None]


def _envelope(r):
    poly = 1.0 - 21.0 * r ** 5 + 35.0 * r ** 6 - 15.0 * r ** 7
    return jnp.where(r < 1.0, poly, 0.0)


def _forward(positions, node_features, senders, receivers, W_sc, W_up, W_sh, W_down, M1, M2, M3):
    # edge vectors (gather on positions)
    vectors = positions[receivers] - positions[senders]
    sq = jnp.sum(vectors * vectors, axis=1)
    r = jnp.sqrt(jnp.where(sq == 0.0, 1.0, sq))
    r = jnp.where(sq == 0.0, 0.0, r)
    r_safe = jnp.where(r == 0.0, 1.0, r)
    u = vectors / r_safe[:, None]
    sh = _sph(u)
    rb = _bessel(r, NB) * _envelope(r)[:, None]
    rb = jnp.where((r == 0.0)[:, None], 0.0, rb)
    h = node_features
    n_node = h.shape[0]
    for i in range(NL):
        # self connection + linear_up
        sc = h @ W_sc[i]
        hu = h @ W_up[i]
        # gather messages at senders
        msg = hu[senders]
        # channelwise tensor product with spherical harmonics, filtered/projected
        tp = msg * (sh @ W_sh[i])
        m2 = jnp.concatenate([msg, tp], axis=1)
        # radial MLP mixing (bessel basis * smooth polynomial envelope)
        mix = jax.nn.swish(rb @ M1[i])
        mix = jax.nn.swish(mix @ M2[i])
        mix = mix @ M3[i]
        m2 = m2 * mix
        # scatter-add to receiver nodes
        agg = jnp.zeros((n_node, m2.shape[1]), m2.dtype).at[receivers].add(m2)
        agg = agg / jnp.sqrt(1.0)  # avg_num_neighbors = 1.0 as in NEQUIP.__call__
        # linear_down + self connection + gate nonlinearity
        h = jax.nn.swish(agg @ W_down[i] + sc)
    # displacement = first vector ('1o') slice of node features
    return h[:, :3]


def setup_inputs(seed: int = 0):
    key = jax.random.key(seed)
    ks = jax.random.split(key, 12)
    positions = jax.random.uniform(ks[0], (N_NODES, 3), dtype=jnp.float32)
    node_features = jax.random.normal(ks[1], (N_NODES, D), dtype=jnp.float32)
    senders = jax.random.randint(ks[2], (N_EDGES,), 0, N_NODES).astype(jnp.int32)
    receivers = jax.random.randint(ks[3], (N_EDGES,), 0, N_NODES).astype(jnp.int32)
    W_sc = jax.random.normal(ks[4], (NL, D, D), dtype=jnp.float32) / math.sqrt(D)
    W_up = jax.random.normal(ks[5], (NL, D, D), dtype=jnp.float32) / math.sqrt(D)
    W_sh = jax.random.normal(ks[6], (NL, SH_DIM, D), dtype=jnp.float32) / math.sqrt(SH_DIM)
    W_down = jax.random.normal(ks[7], (NL, 2 * D, D), dtype=jnp.float32) / math.sqrt(2 * D)
    M1 = jax.random.normal(ks[8], (NL, NB, HID), dtype=jnp.float32) / math.sqrt(NB)
    M2 = jax.random.normal(ks[9], (NL, HID, HID), dtype=jnp.float32) / math.sqrt(HID)
    M3 = jax.random.normal(ks[10], (NL, HID, 2 * D), dtype=jnp.float32) / math.sqrt(HID)
    return {"positions": positions, "node_features": node_features, "senders": senders, "receivers": receivers, "W_sc": W_sc, "W_up": W_up, "W_sh": W_sh, "W_down": W_down, "M1": M1, "M2": M2, "M3": M3}


def reference(positions, node_features, senders, receivers, W_sc, W_up, W_sh, W_down, M1, M2, M3):
    return _forward(positions, node_features, senders, receivers, W_sc, W_up, W_sh, W_down, M1, M2, M3)

if __name__ == "__main__":
    import jax
    _d = setup_inputs()
    print(jax.jit(kernel)(*tuple(_d.values())))

</pallas_src>

<mosaic_0001>
#map = affine_map<(d0, d1) -> (0, 0)>
#map1 = affine_map<(d0, d1) -> (0, 0, 0)>
#map2 = affine_map<(d0, d1) -> (0)>
module attributes {stable_mosaic.version = 14 : i64} {
  func.func @_msg_body(%arg0: i32, %arg1: i32, %arg2: memref<10000x64xi32, #tpu.memory_space<hbm>>, %arg3: memref<2x327680x64xi32, #tpu.memory_space<hbm>>, %arg4: memref<320000xi32, #tpu.memory_space<hbm>>, %arg5: memref<320000xi32, #tpu.memory_space<hbm>>, %arg6: memref<625x128xf32, #tpu.memory_space<hbm>>, %arg7: memref<2x10000x128xf32, #tpu.memory_space<hbm>>, %arg8: memref<40xi32, #tpu.memory_space<vmem>>, %arg9: memref<40xi32, #tpu.memory_space<vmem>>, %arg10: memref<40xi32, #tpu.memory_space<vmem>>, %arg11: memref<40xi32, #tpu.memory_space<vmem>>, %arg12: memref<40xi32, #tpu.memory_space<vmem>>, %arg13: memref<40xi32, #tpu.memory_space<vmem>>, %arg14: memref<40xi32, #tpu.memory_space<vmem>>, %arg15: memref<40xi32, #tpu.memory_space<vmem>>, %arg16: memref<40x64xi32, #tpu.memory_space<vmem>>, %arg17: memref<40x64xi32, #tpu.memory_space<vmem>>, %arg18: memref<40x64xi32, #tpu.memory_space<vmem>>, %arg19: memref<40x64xi32, #tpu.memory_space<vmem>>, %arg20: memref<40x64xi32, #tpu.memory_space<vmem>>, %arg21: memref<40x64xi32, #tpu.memory_space<vmem>>, %arg22: memref<40x64xi32, #tpu.memory_space<vmem>>, %arg23: memref<40x64xi32, #tpu.memory_space<vmem>>, %arg24: memref<40x128xf32, #tpu.memory_space<vmem>>, %arg25: memref<40x128xf32, #tpu.memory_space<vmem>>, %arg26: memref<40x128xf32, #tpu.memory_space<vmem>>, %arg27: memref<40x128xf32, #tpu.memory_space<vmem>>, %arg28: memref<10000x128xf32, #tpu.memory_space<vmem_shared>>, %arg29: memref<!tpu.dma_semaphore, #tpu.memory_space<semaphore_mem>>, %arg30: memref<!tpu.dma_semaphore, #tpu.memory_space<semaphore_mem>>, %arg31: memref<!tpu.dma_semaphore, #tpu.memory_space<semaphore_mem>>, %arg32: memref<!tpu.dma_semaphore, #tpu.memory_space<semaphore_mem>>, %arg33: memref<!tpu.dma_semaphore, #tpu.memory_space<semaphore_mem>>, %arg34: memref<!tpu.dma_semaphore, #tpu.memory_space<semaphore_mem>>, %arg35: memref<!tpu.dma_semaphore, #tpu.memory_space<semaphore_mem>>, %arg36: memref<!tpu.dma_semaphore, #tpu.memory_space<semaphore_mem>>, %arg37: memref<!tpu.dma_semaphore, #tpu.memory_space<semaphore_mem>>, %arg38: memref<!tpu.dma_semaphore, #tpu.memory_space<semaphore_mem>>, %arg39: memref<!tpu.dma_semaphore, #tpu.memory_space<semaphore_mem>>, %arg40: memref<!tpu.dma_semaphore, #tpu.memory_space<semaphore_mem>>, %arg41: memref<!tpu.dma_semaphore, #tpu.memory_space<semaphore_mem>>, %arg42: memref<!tpu.dma_semaphore, #tpu.memory_space<semaphore_mem>>, %arg43: memref<!tpu.dma_semaphore, #tpu.memory_space<semaphore_mem>>, %arg44: memref<!tpu.dma_semaphore, #tpu.memory_space<semaphore_mem>>, %arg45: memref<!tpu.dma_semaphore, #tpu.memory_space<semaphore_mem>>, %arg46: memref<!tpu.dma_semaphore, #tpu.memory_space<semaphore_mem>>, %arg47: memref<!tpu.dma_semaphore, #tpu.memory_space<semaphore_mem>>, %arg48: memref<!tpu.dma_semaphore, #tpu.memory_space<semaphore_mem>>) attributes {dimension_semantics = [#tpu.dimension_semantics<core_parallel>, #tpu.dimension_semantics<subcore_parallel>], iteration_bounds = array<i64: 2, 16>, scalar_prefetch = 0 : i64, scratch_operands = 41 : i64, tpu.core_type = #tpu.core_type<sc_vector_subcore>, window_params = [{transform_indices = #map}, {transform_indices = #map1}, {transform_indices = #map2}, {transform_indices = #map2}, {transform_indices = #map}, {transform_indices = #map1}]} {
    %mul3A = arith.constant 625 : i32
    %mul3A_0 = arith.muli %arg1, %mul3A : i32
    "tpu.region"() ({
      %run_scoped3A = tpu.sem_alloc : memref<!tpu.dma_semaphore, #tpu.memory_space<semaphore_mem>>
      %dma_start3A = arith.constant 0 : i32
      %dma_start3A_22 = tpu.memref_slice %arg28[%mul3A_0, %dma_start3A] : memref<10000x128xf32, #tpu.memory_space<vmem_shared>> -> memref<625x128xf32, #tpu.memory_space<vmem_shared>>
      tpu.enqueue_dma source(%arg6 : memref<625x128xf32, #tpu.memory_space<hbm>>) target(%dma_start3A_22 : memref<625x128xf32, #tpu.memory_space<vmem_shared>>) target_semaphore(%run_scoped3A : memref<!tpu.dma_semaphore, #tpu.memory_space<semaphore_mem>>)
      %dma_wait3A_23 = arith.constant 0 : i32
      %dma_wait3A_24 = tpu.memref_slice %arg28[%mul3A_0, %dma_wait3A_23] : memref<10000x128xf32, #tpu.memory_space<vmem_shared>> -> memref<625x128xf32, #tpu.memory_space<vmem_shared>>
      tpu.wait_dma2 semaphore(%run_scoped3A : memref<!tpu.dma_semaphore, #tpu.memory_space<semaphore_mem>>) src(%arg6 : memref<625x128xf32, #tpu.memory_space<hbm>>) dst(%dma_wait3A_24 : memref<625x128xf32, #tpu.memory_space<vmem_shared>>)
      tpu.yield
    }) : () -> ()
    %barrier3A = arith.constant 0 : index
    tpu.barrier barrier_id(%barrier3A)
    %scan3A = arith.constant 0 : i32
    %scan3A_1 = arith.constant 0 : i32
    %scan3A_2 = arith.constant 125 : i32
    %scan3A_3 = arith.addi %scan3A_1, %scan3A_2 : i32
    %scan3A_4 = arith.constant 1 : i32
    scf.for %scan3A_22 = %scan3A_1 to %scan3A_3 step %scan3A_4  : i32 {
      %mul3A_23 = arith.constant 20000 : i32
      %mul3A_24 = arith.muli %arg1, %mul3A_23 : i32
      %mul3A_25 = arith.constant 160 : i32
      %mul3A_26 = arith.muli %scan3A_22, %mul3A_25 : i32
      %add3A = arith.addi %mul3A_24, %mul3A_26 : i32
      %gt3A = arith.constant 0 : i32
      %gt3A_27 = arith.cmpi sgt, %scan3A_22, %gt3A : i32
      %convert_element_type3A = arith.extui %gt3A_27 : i1 to i32
      %cond3A = arith.constant 0 : i32
      %cond3A_28 = arith.cmpi ne, %convert_element_type3A, %cond3A : i32
      scf.if %cond3A_28 {
        %dma_wait3A_231 = arith.constant 0 : i32
        %dma_wait3A_232 = arith.constant 0 : i32
        %dma_wait3A_233 = tpu.memref_slice %arg28[%dma_wait3A_231, %dma_wait3A_232] : memref<10000x128xf32, #tpu.memory_space<vmem_shared>> -> memref<10000x128xf32, #tpu.memory_space<vmem_shared>>
        tpu.wait_indirect_dma semaphore(%arg45 : memref<!tpu.dma_semaphore, #tpu.memory_space<semaphore_mem>>) src(%arg24 : memref<40x128xf32, #tpu.memory_space<vmem>>) dst(%dma_wait3A_233 : memref<10000x128xf32, #tpu.memory_space<vmem_shared>>)
      } else {
      }
      %add3A_29 = arith.constant 0 : i32
      %add3A_30 = arith.addi %add3A, %add3A_29 : i32
      %dma_start3A = tpu.memref_slice %arg4[%add3A_30] : memref<320000xi32, #tpu.memory_space<hbm>> -> memref<40xi32, #tpu.memory_space<hbm>>
      %dma_start3A_31 = tpu.memref_slice %arg4[%add3A_30] : memref<320000xi32, #tpu.memory_space<hbm>> -> memref<40xi32, #tpu.memory_space<hbm>>
      tpu.enqueue_dma source(%dma_start3A_31 : memref<40xi32, #tpu.memory_space<hbm>>) target(%arg8 : memref<40xi32, #tpu.memory_space<vmem>>) target_semaphore(%arg29 : memref<!tpu.dma_semaphore, #tpu.memory_space<semaphore_mem>>)
      %add3A_32 = arith.constant 0 : i32
      %add3A_33 = arith.addi %add3A, %add3A_32 : i32
      %dma_start3A_34 = tpu.memref_slice %arg5[%add3A_33] : memref<320000xi32, #tpu.memory_space<hbm>> -> memref<40xi32, #tpu.memory_space<hbm>>
      %dma_start3A_35 = tpu.memref_slice %arg5[%add3A_33] : memref<320000xi32, #tpu.memory_space<hbm>> -> memref<40xi32, #tpu.memory_space<hbm>>
      tpu.enqueue_dma source(%dma_start3A_35 : memref<40xi32, #tpu.memory_space<hbm>>) target(%arg12 : memref<40xi32, #tpu.memory_space<vmem>>) target_semaphore(%arg33 : memref<!tpu.dma_semaphore, #tpu.memory_space<semaphore_mem>>)
      %gt3A_36 = arith.constant 0 : i32
      %gt3A_37 = arith.cmpi sgt, %scan3A_22, %gt3A_36 : i32
      %convert_element_type3A_38 = arith.extui %gt3A_37 : i1 to i32
      %cond3A_39 = arith.constant 0 : i32
      %cond3A_40 = arith.cmpi ne, %convert_element_type3A_38, %cond3A_39 : i32
      scf.if %cond3A_40 {
        %dma_wait3A_231 = arith.constant 0 : i32
        %dma_wait3A_232 = arith.constant 0 : i32
        %dma_wait3A_233 = tpu.memref_slice %arg28[%dma_wait3A_231, %dma_wait3A_232] : memref<10000x128xf32, #tpu.memory_space<vmem_shared>> -> memref<10000x128xf32, #tpu.memory_space<vmem_shared>>
        tpu.wait_indirect_dma semaphore(%arg46 : memref<!tpu.dma_semaphore, #tpu.memory_space<semaphore_mem>>) src(%arg25 : memref<40x128xf32, #tpu.memory_space<vmem>>) dst(%dma_wait3A_233 : memref<10000x128xf32, #tpu.memory_space<vmem_shared>>)
      } else {
      }
      %add3A_41 = arith.constant 40 : i32
      %add3A_42 = arith.addi %add3A, %add3A_41 : i32
      %dma_start3A_43 = tpu.memref_slice %arg4[%add3A_42] : memref<320000xi32, #tpu.memory_space<hbm>> -> memref<40xi32, #tpu.memory_space<hbm>>
      %dma_start3A_44 = tpu.memref_slice %arg4[%add3A_42] : memref<320000xi32, #tpu.memory_space<hbm>> -> memref<40xi32, #tpu.memory_space<hbm>>
      tpu.enqueue_dma source(%dma_start3A_44 : memref<40xi32, #tpu.memory_space<hbm>>) target(%arg9 : memref<40xi32, #tpu.memory_space<vmem>>) target_semaphore(%arg30 : memref<!tpu.dma_semaphore, #tpu.memory_space<semaphore_mem>>)
      %add3A_45 = arith.constant 40 : i32
      %add3A_46 = arith.addi %add3A, %add3A_45 : i32
      %dma_start3A_47 = tpu.memref_slice %arg5[%add3A_46] : memref<320000xi32, #tpu.memory_space<hbm>> -> memref<40xi32, #tpu.memory_space<hbm>>
      %dma_start3A_48 = tpu.memref_slice %arg5[%add3A_46] : memref<320000xi32, #tpu.memory_space<hbm>> -> memref<40xi32, #tpu.memory_space<hbm>>
      tpu.enqueue_dma source(%dma_start3A_48 : memref<40xi32, #tpu.memory_space<hbm>>) target(%arg13 : memref<40xi32, #tpu.memory_space<vmem>>) target_semaphore(%arg34 : memref<!tpu.dma_semaphore, #tpu.memory_space<semaphore_mem>>)
      %gt3A_49 = arith.constant 0 : i32
      %gt3A_50 = arith.cmpi sgt, %scan3A_22, %gt3A_49 : i32
      %convert_element_type3A_51 = arith.extui %gt3A_50 : i1 to i32
      %cond3A_52 = arith.constant 0 : i32
      %cond3A_53 = arith.cmpi ne, %convert_element_type3A_51, %cond3A_52 : i32
      scf.if %cond3A_53 {
        %dma_wait3A_231 = arith.constant 0 : i32
        %dma_wait3A_232 = arith.constant 0 : i32
        %dma_wait3A_233 = tpu.memref_slice %arg28[%dma_wait3A_231, %dma_wait3A_232] : memref<10000x128xf32, #tpu.memory_space<vmem_shared>> -> memref<10000x128xf32, #tpu.memory_space<vmem_shared>>
        tpu.wait_indirect_dma semaphore(%arg47 : memref<!tpu.dma_semaphore, #tpu.memory_space<semaphore_mem>>) src(%arg26 : memref<40x128xf32, #tpu.memory_space<vmem>>) dst(%dma_wait3A_233 : memref<10000x128xf32, #tpu.memory_space<vmem_shared>>)
      } else {
      }
      %add3A_54 = arith.constant 80 : i32
      %add3A_55 = arith.addi %add3A, %add3A_54 : i32
      %dma_start3A_56 = tpu.memref_slice %arg4[%add3A_55] : memref<320000xi32, #tpu.memory_space<hbm>> -> memref<40xi32, #tpu.memory_space<hbm>>
      %dma_start3A_57 = tpu.memref_slice %arg4[%add3A_55] : memref<320000xi32, #tpu.memory_space<hbm>> -> memref<40xi32, #tpu.memory_space<hbm>>
      tpu.enqueue_dma source(%dma_start3A_57 : memref<40xi32, #tpu.memory_space<hbm>>) target(%arg10 : memref<40xi32, #tpu.memory_space<vmem>>) target_semaphore(%arg31 : memref<!tpu.dma_semaphore, #tpu.memory_space<semaphore_mem>>)
      %add3A_58 = arith.constant 80 : i32
      %add3A_59 = arith.addi %add3A, %add3A_58 : i32
      %dma_start3A_60 = tpu.memref_slice %arg5[%add3A_59] : memref<320000xi32, #tpu.memory_space<hbm>> -> memref<40xi32, #tpu.memory_space<hbm>>
      %dma_start3A_61 = tpu.memref_slice %arg5[%add3A_59] : memref<320000xi32, #tpu.memory_space<hbm>> -> memref<40xi32, #tpu.memory_space<hbm>>
      tpu.enqueue_dma source(%dma_start3A_61 : memref<40xi32, #tpu.memory_space<hbm>>) target(%arg14 : memref<40xi32, #tpu.memory_space<vmem>>) target_semaphore(%arg35 : memref<!tpu.dma_semaphore, #tpu.memory_space<semaphore_mem>>)
      %gt3A_62 = arith.constant 0 : i32
      %gt3A_63 = arith.cmpi sgt, %scan3A_22, %gt3A_62 : i32
      %convert_element_type3A_64 = arith.extui %gt3A_63 : i1 to i32
      %cond3A_65 = arith.constant 0 : i32
      %cond3A_66 = arith.cmpi ne, %convert_element_type3A_64, %cond3A_65 : i32
      scf.if %cond3A_66 {
        %dma_wait3A_231 = arith.constant 0 : i32
        %dma_wait3A_232 = arith.constant 0 : i32
        %dma_wait3A_233 = tpu.memref_slice %arg28[%dma_wait3A_231, %dma_wait3A_232] : memref<10000x128xf32, #tpu.memory_space<vmem_shared>> -> memref<10000x128xf32, #tpu.memory_space<vmem_shared>>
        tpu.wait_indirect_dma semaphore(%arg48 : memref<!tpu.dma_semaphore, #tpu.memory_space<semaphore_mem>>) src(%arg27 : memref<40x128xf32, #tpu.memory_space<vmem>>) dst(%dma_wait3A_233 : memref<10000x128xf32, #tpu.memory_space<vmem_shared>>)
      } else {
      }
      %add3A_67 = arith.constant 120 : i32
      %add3A_68 = arith.addi %add3A, %add3A_67 : i32
      %dma_start3A_69 = tpu.memref_slice %arg4[%add3A_68] : memref<320000xi32, #tpu.memory_space<hbm>> -> memref<40xi32, #tpu.memory_space<hbm>>
      %dma_start3A_70 = tpu.memref_slice %arg4[%add3A_68] : memref<320000xi32, #tpu.memory_space<hbm>> -> memref<40xi32, #tpu.memory_space<hbm>>
      tpu.enqueue_dma source(%dma_start3A_70 : memref<40xi32, #tpu.memory_space<hbm>>) target(%arg11 : memref<40xi32, #tpu.memory_space<vmem>>) target_semaphore(%arg32 : memref<!tpu.dma_semaphore, #tpu.memory_space<semaphore_mem>>)
      %add3A_71 = arith.constant 120 : i32
      %add3A_72 = arith.addi %add3A, %add3A_71 : i32
      %dma_start3A_73 = tpu.memref_slice %arg5[%add3A_72] : memref<320000xi32, #tpu.memory_space<hbm>> -> memref<40xi32, #tpu.memory_space<hbm>>
      %dma_start3A_74 = tpu.memref_slice %arg5[%add3A_72] : memref<320000xi32, #tpu.memory_space<hbm>> -> memref<40xi32, #tpu.memory_space<hbm>>
      tpu.enqueue_dma source(%dma_start3A_74 : memref<40xi32, #tpu.memory_space<hbm>>) target(%arg15 : memref<40xi32, #tpu.memory_space<vmem>>) target_semaphore(%arg36 : memref<!tpu.dma_semaphore, #tpu.memory_space<semaphore_mem>>)
      %add3A_75 = arith.constant 0 : i32
      %add3A_76 = arith.addi %add3A, %add3A_75 : i32
      %dma_wait3A_77 = tpu.memref_slice %arg4[%add3A_76] : memref<320000xi32, #tpu.memory_space<hbm>> -> memref<40xi32, #tpu.memory_space<hbm>>
      %dma_wait3A_78 = tpu.memref_slice %arg4[%add3A_76] : memref<320000xi32, #tpu.memory_space<hbm>> -> memref<40xi32, #tpu.memory_space<hbm>>
      tpu.wait_dma2 semaphore(%arg29 : memref<!tpu.dma_semaphore, #tpu.memory_space<semaphore_mem>>) src(%dma_wait3A_78 : memref<40xi32, #tpu.memory_space<hbm>>) dst(%arg8 : memref<40xi32, #tpu.memory_space<vmem>>)
      %add3A_79 = arith.constant 0 : i32
      %add3A_80 = arith.addi %add3A, %add3A_79 : i32
      %dma_wait3A_81 = tpu.memref_slice %arg5[%add3A_80] : memref<320000xi32, #tpu.memory_space<hbm>> -> memref<40xi32, #tpu.memory_space<hbm>>
      %dma_wait3A_82 = tpu.memref_slice %arg5[%add3A_80] : memref<320000xi32, #tpu.memory_space<hbm>> -> memref<40xi32, #tpu.memory_space<hbm>>
      tpu.wait_dma2 semaphore(%arg33 : memref<!tpu.dma_semaphore, #tpu.memory_space<semaphore_mem>>) src(%dma_wait3A_82 : memref<40xi32, #tpu.memory_space<hbm>>) dst(%arg12 : memref<40xi32, #tpu.memory_space<vmem>>)
      %dma_start3A_83 = arith.constant 0 : i32
      %dma_start3A_84 = arith.constant 0 : i32
      %dma_start3A_85 = tpu.memref_slice %arg2[%dma_start3A_83, %dma_start3A_84] : memref<10000x64xi32, #tpu.memory_space<hbm>> -> memref<10000x64xi32, #tpu.memory_space<hbm>>
      tpu.enqueue_indirect_dma source(%dma_start3A_85 : memref<10000x64xi32, #tpu.memory_space<hbm>>) target(%arg20 : memref<40x64xi32, #tpu.memory_space<vmem>>) offsets(%arg8 : memref<40xi32, #tpu.memory_space<vmem>>) semaphore(%arg37 : memref<!tpu.dma_semaphore, #tpu.memory_space<semaphore_mem>>)
      %add3A_86 = arith.constant 0 : i32
      %add3A_87 = arith.addi %add3A, %add3A_86 : i32
      %dma_start3A_88 = arith.constant 0 : i32
      %dma_start3A_89 = tpu.memref_slice %arg3[%arg0, %add3A_87, %dma_start3A_88] : memref<2x327680x64xi32, #tpu.memory_space<hbm>> -> memref<1x40x64xi32, #tpu.memory_space<hbm>>
      %dma_start3A_90 = tpu.memref_squeeze %dma_start3A_89 : memref<1x40x64xi32, #tpu.memory_space<hbm>> -> memref<40x64xi32, #tpu.memory_space<hbm>>
      %dma_start3A_91 = arith.constant 0 : i32
      %dma_start3A_92 = tpu.memref_slice %arg3[%arg0, %add3A_87, %dma_start3A_91] : memref<2x327680x64xi32, #tpu.memory_space<hbm>> -> memref<1x40x64xi32, #tpu.memory_space<hbm>>
      %dma_start3A_93 = tpu.memref_squeeze %dma_start3A_92 : memref<1x40x64xi32, #tpu.memory_space<hbm>> -> memref<40x64xi32, #tpu.memory_space<hbm>>
      tpu.enqueue_dma source(%dma_start3A_93 : memref<40x64xi32, #tpu.memory_space<hbm>>) target(%arg16 : memref<40x64xi32, #tpu.memory_space<vmem>>) target_semaphore(%arg41 : memref<!tpu.dma_semaphore, #tpu.memory_space<semaphore_mem>>)
      %add3A_94 = arith.constant 40 : i32
      %add3A_95 = arith.addi %add3A, %add3A_94 : i32
      %dma_wait3A_96 = tpu.memref_slice %arg4[%add3A_95] : memref<320000xi32, #tpu.memory_space<hbm>> -> memref<40xi32, #tpu.memory_space<hbm>>
      %dma_wait3A_97 = tpu.memref_slice %arg4[%add3A_95] : memref<320000xi32, #tpu.memory_space<hbm>> -> memref<40xi32, #tpu.memory_space<hbm>>
      tpu.wait_dma2 semaphore(%arg30 : memref<!tpu.dma_semaphore, #tpu.memory_space<semaphore_mem>>) src(%dma_wait3A_97 : memref<40xi32, #tpu.memory_space<hbm>>) dst(%arg9 : memref<40xi32, #tpu.memory_space<vmem>>)
      %add3A_98 = arith.constant 40 : i32
      %add3A_99 = arith.addi %add3A, %add3A_98 : i32
      %dma_wait3A_100 = tpu.memref_slice %arg5[%add3A_99] : memref<320000xi32, #tpu.memory_space<hbm>> -> memref<40xi32, #tpu.memory_space<hbm>>
      %dma_wait3A_101 = tpu.memref_slice %arg5[%add3A_99] : memref<320000xi32, #tpu.memory_space<hbm>> -> memref<40xi32, #tpu.memory_space<hbm>>
      tpu.wait_dma2 semaphore(%arg34 : memref<!tpu.dma_semaphore, #tpu.memory_space<semaphore_mem>>) src(%dma_wait3A_101 : memref<40xi32, #tpu.memory_space<hbm>>) dst(%arg13 : memref<40xi32, #tpu.memory_space<vmem>>)
      %dma_start3A_102 = arith.constant 0 : i32
      %dma_start3A_103 = arith.constant 0 : i32
      %dma_start3A_104 = tpu.memref_slice %arg2[%dma_start3A_102, %dma_start3A_103] : memref<10000x64xi32, #tpu.memory_space<hbm>> -> memref<10000x64xi32, #tpu.memory_space<hbm>>
      tpu.enqueue_indirect_dma source(%dma_start3A_104 : memref<10000x64xi32, #tpu.memory_space<hbm>>) target(%arg21 : memref<40x64xi32, #tpu.memory_space<vmem>>) offsets(%arg9 : memref<40xi32, #tpu.memory_space<vmem>>) semaphore(%arg38 : memref<!tpu.dma_semaphore, #tpu.memory_space<semaphore_mem>>)
      %add3A_105 = arith.constant 40 : i32
      %add3A_106 = arith.addi %add3A, %add3A_105 : i32
      %dma_start3A_107 = arith.constant 0 : i32
      %dma_start3A_108 = tpu.memref_slice %arg3[%arg0, %add3A_106, %dma_start3A_107] : memref<2x327680x64xi32, #tpu.memory_space<hbm>> -> memref<1x40x64xi32, #tpu.memory_space<hbm>>
      %dma_start3A_109 = tpu.memref_squeeze %dma_start3A_108 : memref<1x40x64xi32, #tpu.memory_space<hbm>> -> memref<40x64xi32, #tpu.memory_space<hbm>>
      %dma_start3A_110 = arith.constant 0 : i32
      %dma_start3A_111 = tpu.memref_slice %arg3[%arg0, %add3A_106, %dma_start3A_110] : memref<2x327680x64xi32, #tpu.memory_space<hbm>> -> memref<1x40x64xi32, #tpu.memory_space<hbm>>
      %dma_start3A_112 = tpu.memref_squeeze %dma_start3A_111 : memref<1x40x64xi32, #tpu.memory_space<hbm>> -> memref<40x64xi32, #tpu.memory_space<hbm>>
      tpu.enqueue_dma source(%dma_start3A_112 : memref<40x64xi32, #tpu.memory_space<hbm>>) target(%arg17 : memref<40x64xi32, #tpu.memory_space<vmem>>) target_semaphore(%arg42 : memref<!tpu.dma_semaphore, #tpu.memory_space<semaphore_mem>>)
      %add3A_113 = arith.constant 80 : i32
      %add3A_114 = arith.addi %add3A, %add3A_113 : i32
      %dma_wait3A_115 = tpu.memref_slice %arg4[%add3A_114] : memref<320000xi32, #tpu.memory_space<hbm>> -> memref<40xi32, #tpu.memory_space<hbm>>
      %dma_wait3A_116 = tpu.memref_slice %arg4[%add3A_114] : memref<320000xi32, #tpu.memory_space<hbm>> -> memref<40xi32, #tpu.memory_space<hbm>>
      tpu.wait_dma2 semaphore(%arg31 : memref<!tpu.dma_semaphore, #tpu.memory_space<semaphore_mem>>) src(%dma_wait3A_116 : memref<40xi32, #tpu.memory_space<hbm>>) dst(%arg10 : memref<40xi32, #tpu.memory_space<vmem>>)
      %add3A_117 = arith.constant 80 : i32
      %add3A_118 = arith.addi %add3A, %add3A_117 : i32
      %dma_wait3A_119 = tpu.memref_slice %arg5[%add3A_118] : memref<320000xi32, #tpu.memory_space<hbm>> -> memref<40xi32, #tpu.memory_space<hbm>>
      %dma_wait3A_120 = tpu.memref_slice %arg5[%add3A_118] : memref<320000xi32, #tpu.memory_space<hbm>> -> memref<40xi32, #tpu.memory_space<hbm>>
      tpu.wait_dma2 semaphore(%arg35 : memref<!tpu.dma_semaphore, #tpu.memory_space<semaphore_mem>>) src(%dma_wait3A_120 : memref<40xi32, #tpu.memory_space<hbm>>) dst(%arg14 : memref<40xi32, #tpu.memory_space<vmem>>)
      %dma_start3A_121 = arith.constant 0 : i32
      %dma_start3A_122 = arith.constant 0 : i32
      %dma_start3A_123 = tpu.memref_slice %arg2[%dma_start3A_121, %dma_start3A_122] : memref<10000x64xi32, #tpu.memory_space<hbm>> -> memref<10000x64xi32, #tpu.memory_space<hbm>>
      tpu.enqueue_indirect_dma source(%dma_start3A_123 : memref<10000x64xi32, #tpu.memory_space<hbm>>) target(%arg22 : memref<40x64xi32, #tpu.memory_space<vmem>>) offsets(%arg10 : memref<40xi32, #tpu.memory_space<vmem>>) semaphore(%arg39 : memref<!tpu.dma_semaphore, #tpu.memory_space<semaphore_mem>>)
      %add3A_124 = arith.constant 80 : i32
      %add3A_125 = arith.addi %add3A, %add3A_124 : i32
      %dma_start3A_126 = arith.constant 0 : i32
      %dma_start3A_127 = tpu.memref_slice %arg3[%arg0, %add3A_125, %dma_start3A_126] : memref<2x327680x64xi32, #tpu.memory_space<hbm>> -> memref<1x40x64xi32, #tpu.memory_space<hbm>>
      %dma_start3A_128 = tpu.memref_squeeze %dma_start3A_127 : memref<1x40x64xi32, #tpu.memory_space<hbm>> -> memref<40x64xi32, #tpu.memory_space<hbm>>
      %dma_start3A_129 = arith.constant 0 : i32
      %dma_start3A_130 = tpu.memref_slice %arg3[%arg0, %add3A_125, %dma_start3A_129] : memref<2x327680x64xi32, #tpu.memory_space<hbm>> -> memref<1x40x64xi32, #tpu.memory_space<hbm>>
      %dma_start3A_131 = tpu.memref_squeeze %dma_start3A_130 : memref<1x40x64xi32, #tpu.memory_space<hbm>> -> memref<40x64xi32, #tpu.memory_space<hbm>>
      tpu.enqueue_dma source(%dma_start3A_131 : memref<40x64xi32, #tpu.memory_space<hbm>>) target(%arg18 : memref<40x64xi32, #tpu.memory_space<vmem>>) target_semaphore(%arg43 : memref<!tpu.dma_semaphore, #tpu.memory_space<semaphore_mem>>)
      %add3A_132 = arith.constant 120 : i32
      %add3A_133 = arith.addi %add3A, %add3A_132 : i32
      %dma_wait3A_134 = tpu.memref_slice %arg4[%add3A_133] : memref<320000xi32, #tpu.memory_space<hbm>> -> memref<40xi32, #tpu.memory_space<hbm>>
      %dma_wait3A_135 = tpu.memref_slice %arg4[%add3A_133] : memref<320000xi32, #tpu.memory_space<hbm>> -> memref<40xi32, #tpu.memory_space<hbm>>
      tpu.wait_dma2 semaphore(%arg32 : memref<!tpu.dma_semaphore, #tpu.memory_space<semaphore_mem>>) src(%dma_wait3A_135 : memref<40xi32, #tpu.memory_space<hbm>>) dst(%arg11 : memref<40xi32, #tpu.memory_space<vmem>>)
      %add3A_136 = arith.constant 120 : i32
      %add3A_137 = arith.addi %add3A, %add3A_136 : i32
      %dma_wait3A_138 = tpu.memref_slice %arg5[%add3A_137] : memref<320000xi32, #tpu.memory_space<hbm>> -> memref<40xi32, #tpu.memory_space<hbm>>
      %dma_wait3A_139 = tpu.memref_slice %arg5[%add3A_137] : memref<320000xi32, #tpu.memory_space<hbm>> -> memref<40xi32, #tpu.memory_space<hbm>>
      tpu.wait_dma2 semaphore(%arg36 : memref<!tpu.dma_semaphore, #tpu.memory_space<semaphore_mem>>) src(%dma_wait3A_139 : memref<40xi32, #tpu.memory_space<hbm>>) dst(%arg15 : memref<40xi32, #tpu.memory_space<vmem>>)
      %dma_start3A_140 = arith.constant 0 : i32
      %dma_start3A_141 = arith.constant 0 : i32
      %dma_start3A_142 = tpu.memref_slice %arg2[%dma_start3A_140, %dma_start3A_141] : memref<10000x64xi32, #tpu.memory_space<hbm>> -> memref<10000x64xi32, #tpu.memory_space<hbm>>
      tpu.enqueue_indirect_dma source(%dma_start3A_142 : memref<10000x64xi32, #tpu.memory_space<hbm>>) target(%arg23 : memref<40x64xi32, #tpu.memory_space<vmem>>) offsets(%arg11 : memref<40xi32, #tpu.memory_space<vmem>>) semaphore(%arg40 : memref<!tpu.dma_semaphore, #tpu.memory_space<semaphore_mem>>)
      %add3A_143 = arith.constant 120 : i32
      %add3A_144 = arith.addi %add3A, %add3A_143 : i32
      %dma_start3A_145 = arith.constant 0 : i32
      %dma_start3A_146 = tpu.memref_slice %arg3[%arg0, %add3A_144, %dma_start3A_145] : memref<2x327680x64xi32, #tpu.memory_space<hbm>> -> memref<1x40x64xi32, #tpu.memory_space<hbm>>
      %dma_start3A_147 = tpu.memref_squeeze %dma_start3A_146 : memref<1x40x64xi32, #tpu.memory_space<hbm>> -> memref<40x64xi32, #tpu.memory_space<hbm>>
      %dma_start3A_148 = arith.constant 0 : i32
      %dma_start3A_149 = tpu.memref_slice %arg3[%arg0, %add3A_144, %dma_start3A_148] : memref<2x327680x64xi32, #tpu.memory_space<hbm>> -> memref<1x40x64xi32, #tpu.memory_space<hbm>>
      %dma_start3A_150 = tpu.memref_squeeze %dma_start3A_149 : memref<1x40x64xi32, #tpu.memory_space<hbm>> -> memref<40x64xi32, #tpu.memory_space<hbm>>
      tpu.enqueue_dma source(%dma_start3A_150 : memref<40x64xi32, #tpu.memory_space<hbm>>) target(%arg19 : memref<40x64xi32, #tpu.memory_space<vmem>>) target_semaphore(%arg44 : memref<!tpu.dma_semaphore, #tpu.memory_space<semaphore_mem>>)
      %dma_wait3A_151 = arith.constant 0 : i32
      %dma_wait3A_152 = arith.constant 0 : i32
      %dma_wait3A_153 = tpu.memref_slice %arg2[%dma_wait3A_151, %dma_wait3A_152] : memref<10000x64xi32, #tpu.memory_space<hbm>> -> memref<10000x64xi32, #tpu.memory_space<hbm>>
      tpu.wait_indirect_dma semaphore(%arg37 : memref<!tpu.dma_semaphore, #tpu.memory_space<semaphore_mem>>) src(%dma_wait3A_153 : memref<10000x64xi32, #tpu.memory_space<hbm>>) dst(%arg20 : memref<40x64xi32, #tpu.memory_space<vmem>>)
      %add3A_154 = arith.constant 0 : i32
      %add3A_155 = arith.addi %add3A, %add3A_154 : i32
      %dma_wait3A_156 = arith.constant 0 : i32
      %dma_wait3A_157 = tpu.memref_slice %arg3[%arg0, %add3A_155, %dma_wait3A_156] : memref<2x327680x64xi32, #tpu.memory_space<hbm>> -> memref<1x40x64xi32, #tpu.memory_space<hbm>>
      %dma_wait3A_158 = tpu.memref_squeeze %dma_wait3A_157 : memref<1x40x64xi32, #tpu.memory_space<hbm>> -> memref<40x64xi32, #tpu.memory_space<hbm>>
      %dma_wait3A_159 = arith.constant 0 : i32
      %dma_wait3A_160 = tpu.memref_slice %arg3[%arg0, %add3A_155, %dma_wait3A_159] : memref<2x327680x64xi32, #tpu.memory_space<hbm>> -> memref<1x40x64xi32, #tpu.memory_space<hbm>>
      %dma_wait3A_161 = tpu.memref_squeeze %dma_wait3A_160 : memref<1x40x64xi32, #tpu.memory_space<hbm>> -> memref<40x64xi32, #tpu.memory_space<hbm>>
      tpu.wait_dma2 semaphore(%arg41 : memref<!tpu.dma_semaphore, #tpu.memory_space<semaphore_mem>>) src(%dma_wait3A_161 : memref<40x64xi32, #tpu.memory_space<hbm>>) dst(%arg16 : memref<40x64xi32, #tpu.memory_space<vmem>>)
      %scan3A_162 = arith.constant 0 : i32
      %scan3A_163 = arith.constant 0 : i32
      %scan3A_164 = arith.constant 40 : i32
      %scan3A_165 = arith.addi %scan3A_163, %scan3A_164 : i32
      %scan3A_166 = arith.constant 1 : i32
      scf.for %scan3A_231 = %scan3A_163 to %scan3A_165 step %scan3A_166  : i32 {
        %get3A = arith.index_cast %scan3A_231 : i32 to index
        %get3A_232 = arith.constant 0 : index
        %get3A_233 = tpu.vector_load %arg16[%get3A, %get3A_232] {strides = array<i32>} : memref<40x64xi32, #tpu.memory_space<vmem>>, vector<1x16xi32>,
        %get3A_234 = vector.shape_cast %get3A_233 : vector<1x16xi32> to vector<16xi32>
        %get3A_235 = arith.index_cast %scan3A_231 : i32 to index
        %get3A_236 = arith.constant 16 : index
        %get3A_237 = tpu.vector_load %arg16[%get3A_235, %get3A_236] {strides = array<i32>} : memref<40x64xi32, #tpu.memory_space<vmem>>, vector<1x16xi32>,
        %get3A_238 = vector.shape_cast %get3A_237 : vector<1x16xi32> to vector<16xi32>
        %get3A_239 = arith.index_cast %scan3A_231 : i32 to index
        %get3A_240 = arith.constant 32 : index
        %get3A_241 = tpu.vector_load %arg16[%get3A_239, %get3A_240] {strides = array<i32>} : memref<40x64xi32, #tpu.memory_space<vmem>>, vector<1x16xi32>,
        %get3A_242 = vector.shape_cast %get3A_241 : vector<1x16xi32> to vector<16xi32>
        %get3A_243 = arith.index_cast %scan3A_231 : i32 to index
        %get3A_244 = arith.constant 48 : index
        %get3A_245 = tpu.vector_load %arg16[%get3A_243, %get3A_244] {strides = array<i32>} : memref<40x64xi32, #tpu.memory_space<vmem>>, vector<1x16xi32>,
        %get3A_246 = vector.shape_cast %get3A_245 : vector<1x16xi32> to vector<16xi32>
        %get3A_247 = arith.index_cast %scan3A_231 : i32 to index
        %get3A_248 = arith.constant 0 : index
        %get3A_249 = tpu.vector_load %arg20[%get3A_247, %get3A_248] {strides = array<i32>} : memref<40x64xi32, #tpu.memory_space<vmem>>, vector<1x16xi32>,
        %get3A_250 = vector.shape_cast %get3A_249 : vector<1x16xi32> to vector<16xi32>
        %get3A_251 = arith.index_cast %scan3A_231 : i32 to index
        %get3A_252 = arith.constant 16 : index
        %get3A_253 = tpu.vector_load %arg20[%get3A_251, %get3A_252] {strides = array<i32>} : memref<40x64xi32, #tpu.memory_space<vmem>>, vector<1x16xi32>,
        %get3A_254 = vector.shape_cast %get3A_253 : vector<1x16xi32> to vector<16xi32>
        %get3A_255 = arith.index_cast %scan3A_231 : i32 to index
        %get3A_256 = arith.constant 32 : index
        %get3A_257 = tpu.vector_load %arg20[%get3A_255, %get3A_256] {strides = array<i32>} : memref<40x64xi32, #tpu.memory_space<vmem>>, vector<1x16xi32>,
        %get3A_258 = vector.shape_cast %get3A_257 : vector<1x16xi32> to vector<16xi32>
        %get3A_259 = arith.index_cast %scan3A_231 : i32 to index
        %get3A_260 = arith.constant 48 : index
        %get3A_261 = tpu.vector_load %arg20[%get3A_259, %get3A_260] {strides = array<i32>} : memref<40x64xi32, #tpu.memory_space<vmem>>, vector<1x16xi32>,
        %get3A_262 = vector.shape_cast %get3A_261 : vector<1x16xi32> to vector<16xi32>
        %shift_left3A = arith.constant 16 : i32
        %shift_left3A_263 = vector.broadcast %shift_left3A : i32 to vector<16xi32>
        %shift_left3A_264 = arith.shli %get3A_234, %shift_left3A_263 : vector<16xi32>
        %bitcast_convert_type3A = tpu.bitcast %shift_left3A_264 : vector<16xi32> -> vector<16xf32>
        %shift_left3A_265 = arith.constant 16 : i32
        %shift_left3A_266 = vector.broadcast %shift_left3A_265 : i32 to vector<16xi32>
        %shift_left3A_267 = arith.shli %get3A_250, %shift_left3A_266 : vector<16xi32>
        %bitcast_convert_type3A_268 = tpu.bitcast %shift_left3A_267 : vector<16xi32> -> vector<16xf32>
        %mul3A_269 = arith.mulf %bitcast_convert_type3A, %bitcast_convert_type3A_268 : vector<16xf32>
        %shift_left3A_270 = arith.constant 16 : i32
        %shift_left3A_271 = vector.broadcast %shift_left3A_270 : i32 to vector<16xi32>
        %shift_left3A_272 = arith.shli %get3A_238, %shift_left3A_271 : vector<16xi32>
        %bitcast_convert_type3A_273 = tpu.bitcast %shift_left3A_272 : vector<16xi32> -> vector<16xf32>
        %shift_left3A_274 = arith.constant 16 : i32
        %shift_left3A_275 = vector.broadcast %shift_left3A_274 : i32 to vector<16xi32>
        %shift_left3A_276 = arith.shli %get3A_254, %shift_left3A_275 : vector<16xi32>
        %bitcast_convert_type3A_277 = tpu.bitcast %shift_left3A_276 : vector<16xi32> -> vector<16xf32>
        %mul3A_278 = arith.mulf %bitcast_convert_type3A_273, %bitcast_convert_type3A_277 : vector<16xf32>
        %shift_left3A_279 = arith.constant 16 : i32
        %shift_left3A_280 = vector.broadcast %shift_left3A_279 : i32 to vector<16xi32>
        %shift_left3A_281 = arith.shli %get3A_242, %shift_left3A_280 : vector<16xi32>
        %bitcast_convert_type3A_282 = tpu.bitcast %shift_left3A_281 : vector<16xi32> -> vector<16xf32>
        %shift_left3A_283 = arith.constant 16 : i32
        %shift_left3A_284 = vector.broadcast %shift_left3A_283 : i32 to vector<16xi32>
        %shift_left3A_285 = arith.shli %get3A_258, %shift_left3A_284 : vector<16xi32>
        %bitcast_convert_type3A_286 = tpu.bitcast %shift_left3A_285 : vector<16xi32> -> vector<16xf32>
        %mul3A_287 = arith.mulf %bitcast_convert_type3A_282, %bitcast_convert_type3A_286 : vector<16xf32>
        %shift_left3A_288 = arith.constant 16 : i32
        %shift_left3A_289 = vector.broadcast %shift_left3A_288 : i32 to vector<16xi32>
        %shift_left3A_290 = arith.shli %get3A_246, %shift_left3A_289 : vector<16xi32>
        %bitcast_convert_type3A_291 = tpu.bitcast %shift_left3A_290 : vector<16xi32> -> vector<16xf32>
        %shift_left3A_292 = arith.constant 16 : i32
        %shift_left3A_293 = vector.broadcast %shift_left3A_292 : i32 to vector<16xi32>
        %shift_left3A_294 = arith.shli %get3A_262, %shift_left3A_293 : vector<16xi32>
        %bitcast_convert_type3A_295 = tpu.bitcast %shift_left3A_294 : vector<16xi32> -> vector<16xf32>
        %mul3A_296 = arith.mulf %bitcast_convert_type3A_291, %bitcast_convert_type3A_295 : vector<16xf32>
        %and3A = arith.constant -65536 : i32
        %and3A_297 = vector.broadcast %and3A : i32 to vector<16xi32>
        %and3A_298 = arith.andi %get3A_234, %and3A_297 : vector<16xi32>
        %bitcast_convert_type3A_299 = tpu.bitcast %and3A_298 : vector<16xi32> -> vector<16xf32>
        %and3A_300 = arith.constant -65536 : i32
        %and3A_301 = vector.broadcast %and3A_300 : i32 to vector<16xi32>
        %and3A_302 = arith.andi %get3A_250, %and3A_301 : vector<16xi32>
        %bitcast_convert_type3A_303 = tpu.bitcast %and3A_302 : vector<16xi32> -> vector<16xf32>
        %mul3A_304 = arith.mulf %bitcast_convert_type3A_299, %bitcast_convert_type3A_303 : vector<16xf32>
        %and3A_305 = arith.constant -65536 : i32
        %and3A_306 = vector.broadcast %and3A_305 : i32 to vector<16xi32>
        %and3A_307 = arith.andi %get3A_238, %and3A_306 : vector<16xi32>
        %bitcast_convert_type3A_308 = tpu.bitcast %and3A_307 : vector<16xi32> -> vector<16xf32>
        %and3A_309 = arith.constant -65536 : i32
        %and3A_310 = vector.broadcast %and3A_309 : i32 to vector<16xi32>
        %and3A_311 = arith.andi %get3A_254, %and3A_310 : vector<16xi32>
        %bitcast_convert_type3A_312 = tpu.bitcast %and3A_311 : vector<16xi32> -> vector<16xf32>
        %mul3A_313 = arith.mulf %bitcast_convert_type3A_308, %bitcast_convert_type3A_312 : vector<16xf32>
        %and3A_314 = arith.constant -65536 : i32
        %and3A_315 = vector.broadcast %and3A_314 : i32 to vector<16xi32>
        %and3A_316 = arith.andi %get3A_242, %and3A_315 : vector<16xi32>
        %bitcast_convert_type3A_317 = tpu.bitcast %and3A_316 : vector<16xi32> -> vector<16xf32>
        %and3A_318 = arith.constant -65536 : i32
        %and3A_319 = vector.broadcast %and3A_318 : i32 to vector<16xi32>
        %and3A_320 = arith.andi %get3A_258, %and3A_319 : vector<16xi32>
        %bitcast_convert_type3A_321 = tpu.bitcast %and3A_320 : vector<16xi32> -> vector<16xf32>
        %mul3A_322 = arith.mulf %bitcast_convert_type3A_317, %bitcast_convert_type3A_321 : vector<16xf32>
        %and3A_323 = arith.constant -65536 : i32
        %and3A_324 = vector.broadcast %and3A_323 : i32 to vector<16xi32>
        %and3A_325 = arith.andi %get3A_246, %and3A_324 : vector<16xi32>
        %bitcast_convert_type3A_326 = tpu.bitcast %and3A_325 : vector<16xi32> -> vector<16xf32>
        %and3A_327 = arith.constant -65536 : i32
        %and3A_328 = vector.broadcast %and3A_327 : i32 to vector<16xi32>
        %and3A_329 = arith.andi %get3A_262, %and3A_328 : vector<16xi32>
        %bitcast_convert_type3A_330 = tpu.bitcast %and3A_329 : vector<16xi32> -> vector<16xf32>
        %mul3A_331 = arith.mulf %bitcast_convert_type3A_326, %bitcast_convert_type3A_330 : vector<16xf32>
        %swap3A = arith.index_cast %scan3A_231 : i32 to index
        %swap3A_332 = arith.constant 0 : index
        %swap3A_333 = tpu.vector_load %arg24[%swap3A, %swap3A_332] {strides = array<i32>} : memref<40x128xf32, #tpu.memory_space<vmem>>, vector<1x16xf32>,
        %swap3A_334 = vector.shape_cast %swap3A_333 : vector<1x16xf32> to vector<16xf32>
        %swap3A_335 = vector.shape_cast %mul3A_269 : vector<16xf32> to vector<1x16xf32>
        tpu.vector_store %arg24[%swap3A, %swap3A_332], %swap3A_335 {strides = array<i32>} : memref<40x128xf32, #tpu.memory_space<vmem>>, vector<1x16xf32>,
        %swap3A_336 = arith.index_cast %scan3A_231 : i32 to index
        %swap3A_337 = arith.constant 16 : index
        %swap3A_338 = tpu.vector_load %arg24[%swap3A_336, %swap3A_337] {strides = array<i32>} : memref<40x128xf32, #tpu.memory_space<vmem>>, vector<1x16xf32>,
        %swap3A_339 = vector.shape_cast %swap3A_338 : vector<1x16xf32> to vector<16xf32>
        %swap3A_340 = vector.shape_cast %mul3A_304 : vector<16xf32> to vector<1x16xf32>
        tpu.vector_store %arg24[%swap3A_336, %swap3A_337], %swap3A_340 {strides = array<i32>} : memref<40x128xf32, #tpu.memory_space<vmem>>, vector<1x16xf32>,
        %swap3A_341 = arith.index_cast %scan3A_231 : i32 to index
        %swap3A_342 = arith.constant 32 : index
        %swap3A_343 = tpu.vector_load %arg24[%swap3A_341, %swap3A_342] {strides = array<i32>} : memref<40x128xf32, #tpu.memory_space<vmem>>, vector<1x16xf32>,
        %swap3A_344 = vector.shape_cast %swap3A_343 : vector<1x16xf32> to vector<16xf32>
        %swap3A_345 = vector.shape_cast %mul3A_278 : vector<16xf32> to vector<1x16xf32>
        tpu.vector_store %arg24[%swap3A_341, %swap3A_342], %swap3A_345 {strides = array<i32>} : memref<40x128xf32, #tpu.memory_space<vmem>>, vector<1x16xf32>,
        %swap3A_346 = arith.index_cast %scan3A_231 : i32 to index
        %swap3A_347 = arith.constant 48 : index
        %swap3A_348 = tpu.vector_load %arg24[%swap3A_346, %swap3A_347] {strides = array<i32>} : memref<40x128xf32, #tpu.memory_space<vmem>>, vector<1x16xf32>,
        %swap3A_349 = vector.shape_cast %swap3A_348 : vector<1x16xf32> to vector<16xf32>
        %swap3A_350 = vector.shape_cast %mul3A_313 : vector<16xf32> to vector<1x16xf32>
        tpu.vector_store %arg24[%swap3A_346, %swap3A_347], %swap3A_350 {strides = array<i32>} : memref<40x128xf32, #tpu.memory_space<vmem>>, vector<1x16xf32>,
        %swap3A_351 = arith.index_cast %scan3A_231 : i32 to index
        %swap3A_352 = arith.constant 64 : index
        %swap3A_353 = tpu.vector_load %arg24[%swap3A_351, %swap3A_352] {strides = array<i32>} : memref<40x128xf32, #tpu.memory_space<vmem>>, vector<1x16xf32>,
        %swap3A_354 = vector.shape_cast %swap3A_353 : vector<1x16xf32> to vector<16xf32>
        %swap3A_355 = vector.shape_cast %mul3A_287 : vector<16xf32> to vector<1x16xf32>
        tpu.vector_store %arg24[%swap3A_351, %swap3A_352], %swap3A_355 {strides = array<i32>} : memref<40x128xf32, #tpu.memory_space<vmem>>, vector<1x16xf32>,
        %swap3A_356 = arith.index_cast %scan3A_231 : i32 to index
        %swap3A_357 = arith.constant 80 : index
        %swap3A_358 = tpu.vector_load %arg24[%swap3A_356, %swap3A_357] {strides = array<i32>} : memref<40x128xf32, #tpu.memory_space<vmem>>, vector<1x16xf32>,
        %swap3A_359 = vector.shape_cast %swap3A_358 : vector<1x16xf32> to vector<16xf32>
        %swap3A_360 = vector.shape_cast %mul3A_322 : vector<16xf32> to vector<1x16xf32>
        tpu.vector_store %arg24[%swap3A_356, %swap3A_357], %swap3A_360 {strides = array<i32>} : memref<40x128xf32, #tpu.memory_space<vmem>>, vector<1x16xf32>,
        %swap3A_361 = arith.index_cast %scan3A_231 : i32 to index
        %swap3A_362 = arith.constant 96 : index
        %swap3A_363 = tpu.vector_load %arg24[%swap3A_361, %swap3A_362] {strides = array<i32>} : memref<40x128xf32, #tpu.memory_space<vmem>>, vector<1x16xf32>,
        %swap3A_364 = vector.shape_cast %swap3A_363 : vector<1x16xf32> to vector<16xf32>
        %swap3A_365 = vector.shape_cast %mul3A_296 : vector<16xf32> to vector<1x16xf32>
        tpu.vector_store %arg24[%swap3A_361, %swap3A_362], %swap3A_365 {strides = array<i32>} : memref<40x128xf32, #tpu.memory_space<vmem>>, vector<1x16xf32>,
        %swap3A_366 = arith.index_cast %scan3A_231 : i32 to index
        %swap3A_367 = arith.constant 112 : index
        %swap3A_368 = tpu.vector_load %arg24[%swap3A_366, %swap3A_367] {strides = array<i32>} : memref<40x128xf32, #tpu.memory_space<vmem>>, vector<1x16xf32>,
        %swap3A_369 = vector.shape_cast %swap3A_368 : vector<1x16xf32> to vector<16xf32>
        %swap3A_370 = vector.shape_cast %mul3A_331 : vector<16xf32> to vector<1x16xf32>
        tpu.vector_store %arg24[%swap3A_366, %swap3A_367], %swap3A_370 {strides = array<i32>} : memref<40x128xf32, #tpu.memory_space<vmem>>, vector<1x16xf32>,
      }
      %scan3A_167 = arith.constant 40 : i32
      %dma_start3A_168 = arith.constant 0 : i32
      %dma_start3A_169 = arith.constant 0 : i32
      %dma_start3A_170 = tpu.memref_slice %arg28[%dma_start3A_168, %dma_start3A_169] : memref<10000x128xf32, #tpu.memory_space<vmem_shared>> -> memref<10000x128xf32, #tpu.memory_space<vmem_shared>>
      tpu.enqueue_indirect_dma source(%arg24 : memref<40x128xf32, #tpu.memory_space<vmem>>) target(%dma_start3A_170 : memref<10000x128xf32, #tpu.memory_space<vmem_shared>>) offsets(%arg12 : memref<40xi32, #tpu.memory_space<vmem>>) semaphore(%arg45 : memref<!tpu.dma_semaphore, #tpu.memory_space<semaphore_mem>>) {add = true}
      %dma_wait3A_171 = arith.constant 0 : i32
      %dma_wait3A_172 = arith.constant 0 : i32
      %dma_wait3A_173 = tpu.memref_slice %arg2[%dma_wait3A_171, %dma_wait3A_172] : memref<10000x64xi32, #tpu.memory_space<hbm>> -> memref<10000x64xi32, #tpu.memory_space<hbm>>
      tpu.wait_indirect_dma semaphore(%arg38 : memref<!tpu.dma_semaphore, #tpu.memory_space<semaphore_mem>>) src(%dma_wait3A_173 : memref<10000x64xi32, #tpu.memory_space<hbm>>) dst(%arg21 : memref<40x64xi32, #tpu.memory_space<vmem>>)
      %add3A_174 = arith.constant 40 : i32
      %add3A_175 = arith.addi %add3A, %add3A_174 : i32
      %dma_wait3A_176 = arith.constant 0 : i32
      %dma_wait3A_177 = tpu.memref_slice %arg3[%arg0, %add3A_175, %dma_wait3A_176] : memref<2x327680x64xi32, #tpu.memory_space<hbm>> -> memref<1x40x64xi32, #tpu.memory_space<hbm>>
      %dma_wait3A_178 = tpu.memref_squeeze %dma_wait3A_177 : memref<1x40x64xi32, #tpu.memory_space<hbm>> -> memref<40x64xi32, #tpu.memory_space<hbm>>
      %dma_wait3A_179 = arith.constant 0 : i32
      %dma_wait3A_180 = tpu.memref_slice %arg3[%arg0, %add3A_175, %dma_wait3A_179] : memref<2x327680x64xi32, #tpu.memory_space<hbm>> -> memref<1x40x64xi32, #tpu.memory_space<hbm>>
      %dma_wait3A_181 = tpu.memref_squeeze %dma_wait3A_180 : memref<1x40x64xi32, #tpu.memory_space<hbm>> -> memref<40x64xi32, #tpu.memory_space<hbm>>
      tpu.wait_dma2 semaphore(%arg42 : memref<!tpu.dma_semaphore, #tpu.memory_space<semaphore_mem>>) src(%dma_wait3A_181 : memref<40x64xi32, #tpu.memory_space<hbm>>) dst(%arg17 : memref<40x64xi32, #tpu.memory_space<vmem>>)
      %scan3A_182 = arith.constant 0 : i32
      %scan3A_183 = arith.constant 0 : i32
      %scan3A_184 = arith.constant 40 : i32
      %scan3A_185 = arith.addi %scan3A_183, %scan3A_184 : i32
      %scan3A_186 = arith.constant 1 : i32
      scf.for %scan3A_231 = %scan3A_183 to %scan3A_185 step %scan3A_186  : i32 {
        %get3A = arith.index_cast %scan3A_231 : i32 to index
        %get3A_232 = arith.constant 0 : index
        %get3A_233 = tpu.vector_load %arg17[%get3A, %get3A_232] {strides = array<i32>} : memref<40x64xi32, #tpu.memory_space<vmem>>, vector<1x16xi32>,
        %get3A_234 = vector.shape_cast %get3A_233 : vector<1x16xi32> to vector<16xi32>
        %get3A_235 = arith.index_cast %scan3A_231 : i32 to index
        %get3A_236 = arith.constant 16 : index
        %get3A_237 = tpu.vector_load %arg17[%get3A_235, %get3A_236] {strides = array<i32>} : memref<40x64xi32, #tpu.memory_space<vmem>>, vector<1x16xi32>,
        %get3A_238 = vector.shape_cast %get3A_237 : vector<1x16xi32> to vector<16xi32>
        %get3A_239 = arith.index_cast %scan3A_231 : i32 to index
        %get3A_240 = arith.constant 32 : index
        %get3A_241 = tpu.vector_load %arg17[%get3A_239, %get3A_240] {strides = array<i32>} : memref<40x64xi32, #tpu.memory_space<vmem>>, vector<1x16xi32>,
        %get3A_242 = vector.shape_cast %get3A_241 : vector<1x16xi32> to vector<16xi32>
        %get3A_243 = arith.index_cast %scan3A_231 : i32 to index
        %get3A_244 = arith.constant 48 : index
        %get3A_245 = tpu.vector_load %arg17[%get3A_243, %get3A_244] {strides = array<i32>} : memref<40x64xi32, #tpu.memory_space<vmem>>, vector<1x16xi32>,
        %get3A_246 = vector.shape_cast %get3A_245 : vector<1x16xi32> to vector<16xi32>
        %get3A_247 = arith.index_cast %scan3A_231 : i32 to index
        %get3A_248 = arith.constant 0 : index
        %get3A_249 = tpu.vector_load %arg21[%get3A_247, %get3A_248] {strides = array<i32>} : memref<40x64xi32, #tpu.memory_space<vmem>>, vector<1x16xi32>,
        %get3A_250 = vector.shape_cast %get3A_249 : vector<1x16xi32> to vector<16xi32>
        %get3A_251 = arith.index_cast %scan3A_231 : i32 to index
        %get3A_252 = arith.constant 16 : index
        %get3A_253 = tpu.vector_load %arg21[%get3A_251, %get3A_252] {strides = array<i32>} : memref<40x64xi32, #tpu.memory_space<vmem>>, vector<1x16xi32>,
        %get3A_254 = vector.shape_cast %get3A_253 : vector<1x16xi32> to vector<16xi32>
        %get3A_255 = arith.index_cast %scan3A_231 : i32 to index
        %get3A_256 = arith.constant 32 : index
        %get3A_257 = tpu.vector_load %arg21[%get3A_255, %get3A_256] {strides = array<i32>} : memref<40x64xi32, #tpu.memory_space<vmem>>, vector<1x16xi32>,
        %get3A_258 = vector.shape_cast %get3A_257 : vector<1x16xi32> to vector<16xi32>
        %get3A_259 = arith.index_cast %scan3A_231 : i32 to index
        %get3A_260 = arith.constant 48 : index
        %get3A_261 = tpu.vector_load %arg21[%get3A_259, %get3A_260] {strides = array<i32>} : memref<40x64xi32, #tpu.memory_space<vmem>>, vector<1x16xi32>,
        %get3A_262 = vector.shape_cast %get3A_261 : vector<1x16xi32> to vector<16xi32>
        %shift_left3A = arith.constant 16 : i32
        %shift_left3A_263 = vector.broadcast %shift_left3A : i32 to vector<16xi32>
        %shift_left3A_264 = arith.shli %get3A_234, %shift_left3A_263 : vector<16xi32>
        %bitcast_convert_type3A = tpu.bitcast %shift_left3A_264 : vector<16xi32> -> vector<16xf32>
        %shift_left3A_265 = arith.constant 16 : i32
        %shift_left3A_266 = vector.broadcast %shift_left3A_265 : i32 to vector<16xi32>
        %shift_left3A_267 = arith.shli %get3A_250, %shift_left3A_266 : vector<16xi32>
        %bitcast_convert_type3A_268 = tpu.bitcast %shift_left3A_267 : vector<16xi32> -> vector<16xf32>
        %mul3A_269 = arith.mulf %bitcast_convert_type3A, %bitcast_convert_type3A_268 : vector<16xf32>
        %shift_left3A_270 = arith.constant 16 : i32
        %shift_left3A_271 = vector.broadcast %shift_left3A_270 : i32 to vector<16xi32>
        %shift_left3A_272 = arith.shli %get3A_238, %shift_left3A_271 : vector<16xi32>
        %bitcast_convert_type3A_273 = tpu.bitcast %shift_left3A_272 : vector<16xi32> -> vector<16xf32>
        %shift_left3A_274 = arith.constant 16 : i32
        %shift_left3A_275 = vector.broadcast %shift_left3A_274 : i32 to vector<16xi32>
        %shift_left3A_276 = arith.shli %get3A_254, %shift_left3A_275 : vector<16xi32>
        %bitcast_convert_type3A_277 = tpu.bitcast %shift_left3A_276 : vector<16xi32> -> vector<16xf32>
        %mul3A_278 = arith.mulf %bitcast_convert_type3A_273, %bitcast_convert_type3A_277 : vector<16xf32>
        %shift_left3A_279 = arith.constant 16 : i32
        %shift_left3A_280 = vector.broadcast %shift_left3A_279 : i32 to vector<16xi32>
        %shift_left3A_281 = arith.shli %get3A_242, %shift_left3A_280 : vector<16xi32>
        %bitcast_convert_type3A_282 = tpu.bitcast %shift_left3A_281 : vector<16xi32> -> vector<16xf32>
        %shift_left3A_283 = arith.constant 16 : i32
        %shift_left3A_284 = vector.broadcast %shift_left3A_283 : i32 to vector<16xi32>
        %shift_left3A_285 = arith.shli %get3A_258, %shift_left3A_284 : vector<16xi32>
        %bitcast_convert_type3A_286 = tpu.bitcast %shift_left3A_285 : vector<16xi32> -> vector<16xf32>
        %mul3A_287 = arith.mulf %bitcast_convert_type3A_282, %bitcast_convert_type3A_286 : vector<16xf32>
        %shift_left3A_288 = arith.constant 16 : i32
        %shift_left3A_289 = vector.broadcast %shift_left3A_288 : i32 to vector<16xi32>
        %shift_left3A_290 = arith.shli %get3A_246, %shift_left3A_289 : vector<16xi32>
        %bitcast_convert_type3A_291 = tpu.bitcast %shift_left3A_290 : vector<16xi32> -> vector<16xf32>
        %shift_left3A_292 = arith.constant 16 : i32
        %shift_left3A_293 = vector.broadcast %shift_left3A_292 : i32 to vector<16xi32>
        %shift_left3A_294 = arith.shli %get3A_262, %shift_left3A_293 : vector<16xi32>
        %bitcast_convert_type3A_295 = tpu.bitcast %shift_left3A_294 : vector<16xi32> -> vector<16xf32>
        %mul3A_296 = arith.mulf %bitcast_convert_type3A_291, %bitcast_convert_type3A_295 : vector<16xf32>
        %and3A = arith.constant -65536 : i32
        %and3A_297 = vector.broadcast %and3A : i32 to vector<16xi32>
        %and3A_298 = arith.andi %get3A_234, %and3A_297 : vector<16xi32>
        %bitcast_convert_type3A_299 = tpu.bitcast %and3A_298 : vector<16xi32> -> vector<16xf32>
        %and3A_300 = arith.constant -65536 : i32
        %and3A_301 = vector.broadcast %and3A_300 : i32 to vector<16xi32>
        %and3A_302 = arith.andi %get3A_250, %and3A_301 : vector<16xi32>
        %bitcast_convert_type3A_303 = tpu.bitcast %and3A_302 : vector<16xi32> -> vector<16xf32>
        %mul3A_304 = arith.mulf %bitcast_convert_type3A_299, %bitcast_convert_type3A_303 : vector<16xf32>
        %and3A_305 = arith.constant -65536 : i32
        %and3A_306 = vector.broadcast %and3A_305 : i32 to vector<16xi32>
        %and3A_307 = arith.andi %get3A_238, %and3A_306 : vector<16xi32>
        %bitcast_convert_type3A_308 = tpu.bitcast %and3A_307 : vector<16xi32> -> vector<16xf32>
        %and3A_309 = arith.constant -65536 : i32
        %and3A_310 = vector.broadcast %and3A_309 : i32 to vector<16xi32>
        %and3A_311 = arith.andi %get3A_254, %and3A_310 : vector<16xi32>
        %bitcast_convert_type3A_312 = tpu.bitcast %and3A_311 : vector<16xi32> -> vector<16xf32>
        %mul3A_313 = arith.mulf %bitcast_convert_type3A_308, %bitcast_convert_type3A_312 : vector<16xf32>
        %and3A_314 = arith.constant -65536 : i32
        %and3A_315 = vector.broadcast %and3A_314 : i32 to vector<16xi32>
        %and3A_316 = arith.andi %get3A_242, %and3A_315 : vector<16xi32>
        %bitcast_convert_type3A_317 = tpu.bitcast %and3A_316 : vector<16xi32> -> vector<16xf32>
        %and3A_318 = arith.constant -65536 : i32
        %and3A_319 = vector.broadcast %and3A_318 : i32 to vector<16xi32>
        %and3A_320 = arith.andi %get3A_258, %and3A_319 : vector<16xi32>
        %bitcast_convert_type3A_321 = tpu.bitcast %and3A_320 : vector<16xi32> -> vector<16xf32>
        %mul3A_322 = arith.mulf %bitcast_convert_type3A_317, %bitcast_convert_type3A_321 : vector<16xf32>
        %and3A_323 = arith.constant -65536 : i32
        %and3A_324 = vector.broadcast %and3A_323 : i32 to vector<16xi32>
        %and3A_325 = arith.andi %get3A_246, %and3A_324 : vector<16xi32>
        %bitcast_convert_type3A_326 = tpu.bitcast %and3A_325 : vector<16xi32> -> vector<16xf32>
        %and3A_327 = arith.constant -65536 : i32
        %and3A_328 = vector.broadcast %and3A_327 : i32 to vector<16xi32>
        %and3A_329 = arith.andi %get3A_262, %and3A_328 : vector<16xi32>
        %bitcast_convert_type3A_330 = tpu.bitcast %and3A_329 : vector<16xi32> -> vector<16xf32>
        %mul3A_331 = arith.mulf %bitcast_convert_type3A_326, %bitcast_convert_type3A_330 : vector<16xf32>
        %swap3A = arith.index_cast %scan3A_231 : i32 to index
        %swap3A_332 = arith.constant 0 : index
        %swap3A_333 = tpu.vector_load %arg25[%swap3A, %swap3A_332] {strides = array<i32>} : memref<40x128xf32, #tpu.memory_space<vmem>>, vector<1x16xf32>,
        %swap3A_334 = vector.shape_cast %swap3A_333 : vector<1x16xf32> to vector<16xf32>
        %swap3A_335 = vector.shape_cast %mul3A_269 : vector<16xf32> to vector<1x16xf32>
        tpu.vector_store %arg25[%swap3A, %swap3A_332], %swap3A_335 {strides = array<i32>} : memref<40x128xf32, #tpu.memory_space<vmem>>, vector<1x16xf32>,
        %swap3A_336 = arith.index_cast %scan3A_231 : i32 to index
        %swap3A_337 = arith.constant 16 : index
        %swap3A_338 = tpu.vector_load %arg25[%swap3A_336, %swap3A_337] {strides = array<i32>} : memref<40x128xf32, #tpu.memory_space<vmem>>, vector<1x16xf32>,
        %swap3A_339 = vector.shape_cast %swap3A_338 : vector<1x16xf32> to vector<16xf32>
        %swap3A_340 = vector.shape_cast %mul3A_304 : vector<16xf32> to vector<1x16xf32>
        tpu.vector_store %arg25[%swap3A_336, %swap3A_337], %swap3A_340 {strides = array<i32>} : memref<40x128xf32, #tpu.memory_space<vmem>>, vector<1x16xf32>,
        %swap3A_341 = arith.index_cast %scan3A_231 : i32 to index
        %swap3A_342 = arith.constant 32 : index
        %swap3A_343 = tpu.vector_load %arg25[%swap3A_341, %swap3A_342] {strides = array<i32>} : memref<40x128xf32, #tpu.memory_space<vmem>>, vector<1x16xf32>,
        %swap3A_344 = vector.shape_cast %swap3A_343 : vector<1x16xf32> to vector<16xf32>
        %swap3A_345 = vector.shape_cast %mul3A_278 : vector<16xf32> to vector<1x16xf32>
        tpu.vector_store %arg25[%swap3A_341, %swap3A_342], %swap3A_345 {strides = array<i32>} : memref<40x128xf32, #tpu.memory_space<vmem>>, vector<1x16xf32>,
        %swap3A_346 = arith.index_cast %scan3A_231 : i32 to index
        %swap3A_347 = arith.constant 48 : index
        %swap3A_348 = tpu.vector_load %arg25[%swap3A_346, %swap3A_347] {strides = array<i32>} : memref<40x128xf32, #tpu.memory_space<vmem>>, vector<1x16xf32>,
        %swap3A_349 = vector.shape_cast %swap3A_348 : vector<1x16xf32> to vector<16xf32>
        %swap3A_350 = vector.shape_cast %mul3A_313 : vector<16xf32> to vector<1x16xf32>
        tpu.vector_store %arg25[%swap3A_346, %swap3A_347], %swap3A_350 {strides = array<i32>} : memref<40x128xf32, #tpu.memory_space<vmem>>, vector<1x16xf32>,
        %swap3A_351 = arith.index_cast %scan3A_231 : i32 to index
        %swap3A_352 = arith.constant 64 : index
        %swap3A_353 = tpu.vector_load %arg25[%swap3A_351, %swap3A_352] {strides = array<i32>} : memref<40x128xf32, #tpu.memory_space<vmem>>, vector<1x16xf32>,
        %swap3A_354 = vector.shape_cast %swap3A_353 : vector<1x16xf32> to vector<16xf32>
        %swap3A_355 = vector.shape_cast %mul3A_287 : vector<16xf32> to vector<1x16xf32>
        tpu.vector_store %arg25[%swap3A_351, %swap3A_352], %swap3A_355 {strides = array<i32>} : memref<40x128xf32, #tpu.memory_space<vmem>>, vector<1x16xf32>,
        %swap3A_356 = arith.index_cast %scan3A_231 : i32 to index
        %swap3A_357 = arith.constant 80 : index
        %swap3A_358 = tpu.vector_load %arg25[%swap3A_356, %swap3A_357] {strides = array<i32>} : memref<40x128xf32, #tpu.memory_space<vmem>>, vector<1x16xf32>,
        %swap3A_359 = vector.shape_cast %swap3A_358 : vector<1x16xf32> to vector<16xf32>
        %swap3A_360 = vector.shape_cast %mul3A_322 : vector<16xf32> to vector<1x16xf32>
        tpu.vector_store %arg25[%swap3A_356, %swap3A_357], %swap3A_360 {strides = array<i32>} : memref<40x128xf32, #tpu.memory_space<vmem>>, vector<1x16xf32>,
        %swap3A_361 = arith.index_cast %scan3A_231 : i32 to index
        %swap3A_362 = arith.constant 96 : index
        %swap3A_363 = tpu.vector_load %arg25[%swap3A_361, %swap3A_362] {strides = array<i32>} : memref<40x128xf32, #tpu.memory_space<vmem>>, vector<1x16xf32>,
        %swap3A_364 = vector.shape_cast %swap3A_363 : vector<1x16xf32> to vector<16xf32>
        %swap3A_365 = vector.shape_cast %mul3A_296 : vector<16xf32> to vector<1x16xf32>
        tpu.vector_store %arg25[%swap3A_361, %swap3A_362], %swap3A_365 {strides = array<i32>} : memref<40x128xf32, #tpu.memory_space<vmem>>, vector<1x16xf32>,
        %swap3A_366 = arith.index_cast %scan3A_231 : i32 to index
        %swap3A_367 = arith.constant 112 : index
        %swap3A_368 = tpu.vector_load %arg25[%swap3A_366, %swap3A_367] {strides = array<i32>} : memref<40x128xf32, #tpu.memory_space<vmem>>, vector<1x16xf32>,
        %swap3A_369 = vector.shape_cast %swap3A_368 : vector<1x16xf32> to vector<16xf32>
        %swap3A_370 = vector.shape_cast %mul3A_331 : vector<16xf32> to vector<1x16xf32>
        tpu.vector_store %arg25[%swap3A_366, %swap3A_367], %swap3A_370 {strides = array<i32>} : memref<40x128xf32, #tpu.memory_space<vmem>>, vector<1x16xf32>,
      }
      %scan3A_187 = arith.constant 40 : i32
      %dma_start3A_188 = arith.constant 0 : i32
      %dma_start3A_189 = arith.constant 0 : i32
      %dma_start3A_190 = tpu.memref_slice %arg28[%dma_start3A_188, %dma_start3A_189] : memref<10000x128xf32, #tpu.memory_space<vmem_shared>> -> memref<10000x128xf32, #tpu.memory_space<vmem_shared>>
      tpu.enqueue_indirect_dma source(%arg25 : memref<40x128xf32, #tpu.memory_space<vmem>>) target(%dma_start3A_190 : memref<10000x128xf32, #tpu.memory_space<vmem_shared>>) offsets(%arg13 : memref<40xi32, #tpu.memory_space<vmem>>) semaphore(%arg46 : memref<!tpu.dma_semaphore, #tpu.memory_space<semaphore_mem>>) {add = true}
      %dma_wait3A_191 = arith.constant 0 : i32
      %dma_wait3A_192 = arith.constant 0 : i32
      %dma_wait3A_193 = tpu.memref_slice %arg2[%dma_wait3A_191, %dma_wait3A_192] : memref<10000x64xi32, #tpu.memory_space<hbm>> -> memref<10000x64xi32, #tpu.memory_space<hbm>>
      tpu.wait_indirect_dma semaphore(%arg39 : memref<!tpu.dma_semaphore, #tpu.memory_space<semaphore_mem>>) src(%dma_wait3A_193 : memref<10000x64xi32, #tpu.memory_space<hbm>>) dst(%arg22 : memref<40x64xi32, #tpu.memory_space<vmem>>)
      %add3A_194 = arith.constant 80 : i32
      %add3A_195 = arith.addi %add3A, %add3A_194 : i32
      %dma_wait3A_196 = arith.constant 0 : i32
      %dma_wait3A_197 = tpu.memref_slice %arg3[%arg0, %add3A_195, %dma_wait3A_196] : memref<2x327680x64xi32, #tpu.memory_space<hbm>> -> memref<1x40x64xi32, #tpu.memory_space<hbm>>
      %dma_wait3A_198 = tpu.memref_squeeze %dma_wait3A_197 : memref<1x40x64xi32, #tpu.memory_space<hbm>> -> memref<40x64xi32, #tpu.memory_space<hbm>>
      %dma_wait3A_199 = arith.constant 0 : i32
      %dma_wait3A_200 = tpu.memref_slice %arg3[%arg0, %add3A_195, %dma_wait3A_199] : memref<2x327680x64xi32, #tpu.memory_space<hbm>> -> memref<1x40x64xi32, #tpu.memory_space<hbm>>
      %dma_wait3A_201 = tpu.memref_squeeze %dma_wait3A_200 : memref<1x40x64xi32, #tpu.memory_space<hbm>> -> memref<40x64xi32, #tpu.memory_space<hbm>>
      tpu.wait_dma2 semaphore(%arg43 : memref<!tpu.dma_semaphore, #tpu.memory_space<semaphore_mem>>) src(%dma_wait3A_201 : memref<40x64xi32, #tpu.memory_space<hbm>>) dst(%arg18 : memref<40x64xi32, #tpu.memory_space<vmem>>)
      %scan3A_202 = arith.constant 0 : i32
      %scan3A_203 = arith.constant 0 : i32
      %scan3A_204 = arith.constant 40 : i32
      %scan3A_205 = arith.addi %scan3A_203, %scan3A_204 : i32
      %scan3A_206 = arith.constant 1 : i32
      scf.for %scan3A_231 = %scan3A_203 to %scan3A_205 step %scan3A_206  : i32 {
        %get3A = arith.index_cast %scan3A_231 : i32 to index
        %get3A_232 = arith.constant 0 : index
        %get3A_233 = tpu.vector_load %arg18[%get3A, %get3A_232] {strides = array<i32>} : memref<40x64xi32, #tpu.memory_space<vmem>>, vector<1x16xi32>,
        %get3A_234 = vector.shape_cast %get3A_233 : vector<1x16xi32> to vector<16xi32>
        %get3A_235 = arith.index_cast %scan3A_231 : i32 to index
        %get3A_236 = arith.constant 16 : index
        %get3A_237 = tpu.vector_load %arg18[%get3A_235, %get3A_236] {strides = array<i32>} : memref<40x64xi32, #tpu.memory_space<vmem>>, vector<1x16xi32>,
        %get3A_238 = vector.shape_cast %get3A_237 : vector<1x16xi32> to vector<16xi32>
        %get3A_239 = arith.index_cast %scan3A_231 : i32 to index
        %get3A_240 = arith.constant 32 : index
        %get3A_241 = tpu.vector_load %arg18[%get3A_239, %get3A_240] {strides = array<i32>} : memref<40x64xi32, #tpu.memory_space<vmem>>, vector<1x16xi32>,
        %get3A_242 = vector.shape_cast %get3A_241 : vector<1x16xi32> to vector<16xi32>
        %get3A_243 = arith.index_cast %scan3A_231 : i32 to index
        %get3A_244 = arith.constant 48 : index
        %get3A_245 = tpu.vector_load %arg18[%get3A_243, %get3A_244] {strides = array<i32>} : memref<40x64xi32, #tpu.memory_space<vmem>>, vector<1x16xi32>,
        %get3A_246 = vector.shape_cast %get3A_245 : vector<1x16xi32> to vector<16xi32>
        %get3A_247 = arith.index_cast %scan3A_231 : i32 to index
        %get3A_248 = arith.constant 0 : index
        %get3A_249 = tpu.vector_load %arg22[%get3A_247, %get3A_248] {strides = array<i32>} : memref<40x64xi32, #tpu.memory_space<vmem>>, vector<1x16xi32>,
        %get3A_250 = vector.shape_cast %get3A_249 : vector<1x16xi32> to vector<16xi32>
        %get3A_251 = arith.index_cast %scan3A_231 : i32 to index
        %get3A_252 = arith.constant 16 : index
        %get3A_253 = tpu.vector_load %arg22[%get3A_251, %get3A_252] {strides = array<i32>} : memref<40x64xi32, #tpu.memory_space<vmem>>, vector<1x16xi32>,
        %get3A_254 = vector.shape_cast %get3A_253 : vector<1x16xi32> to vector<16xi32>
        %get3A_255 = arith.index_cast %scan3A_231 : i32 to index
        %get3A_256 = arith.constant 32 : index
        %get3A_257 = tpu.vector_load %arg22[%get3A_255, %get3A_256] {strides = array<i32>} : memref<40x64xi32, #tpu.memory_space<vmem>>, vector<1x16xi32>,
        %get3A_258 = vector.shape_cast %get3A_257 : vector<1x16xi32> to vector<16xi32>
        %get3A_259 = arith.index_cast %scan3A_231 : i32 to index
        %get3A_260 = arith.constant 48 : index
        %get3A_261 = tpu.vector_load %arg22[%get3A_259, %get3A_260] {strides = array<i32>} : memref<40x64xi32, #tpu.memory_space<vmem>>, vector<1x16xi32>,
        %get3A_262 = vector.shape_cast %get3A_261 : vector<1x16xi32> to vector<16xi32>
        %shift_left3A = arith.constant 16 : i32
        %shift_left3A_263 = vector.broadcast %shift_left3A : i32 to vector<16xi32>
        %shift_left3A_264 = arith.shli %get3A_234, %shift_left3A_263 : vector<16xi32>
        %bitcast_convert_type3A = tpu.bitcast %shift_left3A_264 : vector<16xi32> -> vector<16xf32>
        %shift_left3A_265 = arith.constant 16 : i32
        %shift_left3A_266 = vector.broadcast %shift_left3A_265 : i32 to vector<16xi32>
        %shift_left3A_267 = arith.shli %get3A_250, %shift_left3A_266 : vector<16xi32>
        %bitcast_convert_type3A_268 = tpu.bitcast %shift_left3A_267 : vector<16xi32> -> vector<16xf32>
        %mul3A_269 = arith.mulf %bitcast_convert_type3A, %bitcast_convert_type3A_268 : vector<16xf32>
        %shift_left3A_270 = arith.constant 16 : i32
        %shift_left3A_271 = vector.broadcast %shift_left3A_270 : i32 to vector<16xi32>
        %shift_left3A_272 = arith.shli %get3A_238, %shift_left3A_271 : vector<16xi32>
        %bitcast_convert_type3A_273 = tpu.bitcast %shift_left3A_272 : vector<16xi32> -> vector<16xf32>
        %shift_left3A_274 = arith.constant 16 : i32
        %shift_left3A_275 = vector.broadcast %shift_left3A_274 : i32 to vector<16xi32>
        %shift_left3A_276 = arith.shli %get3A_254, %shift_left3A_275 : vector<16xi32>
        %bitcast_convert_type3A_277 = tpu.bitcast %shift_left3A_276 : vector<16xi32> -> vector<16xf32>
        %mul3A_278 = arith.mulf %bitcast_convert_type3A_273, %bitcast_convert_type3A_277 : vector<16xf32>
        %shift_left3A_279 = arith.constant 16 : i32
        %shift_left3A_280 = vector.broadcast %shift_left3A_279 : i32 to vector<16xi32>
        %shift_left3A_281 = arith.shli %get3A_242, %shift_left3A_280 : vector<16xi32>
        %bitcast_convert_type3A_282 = tpu.bitcast %shift_left3A_281 : vector<16xi32> -> vector<16xf32>
        %shift_left3A_283 = arith.constant 16 : i32
        %shift_left3A_284 = vector.broadcast %shift_left3A_283 : i32 to vector<16xi32>
        %shift_left3A_285 = arith.shli %get3A_258, %shift_left3A_284 : vector<16xi32>
        %bitcast_convert_type3A_286 = tpu.bitcast %shift_left3A_285 : vector<16xi32> -> vector<16xf32>
        %mul3A_287 = arith.mulf %bitcast_convert_type3A_282, %bitcast_convert_type3A_286 : vector<16xf32>
        %shift_left3A_288 = arith.constant 16 : i32
        %shift_left3A_289 = vector.broadcast %shift_left3A_288 : i32 to vector<16xi32>
        %shift_left3A_290 = arith.shli %get3A_246, %shift_left3A_289 : vector<16xi32>
        %bitcast_convert_type3A_291 = tpu.bitcast %shift_left3A_290 : vector<16xi32> -> vector<16xf32>
        %shift_left3A_292 = arith.constant 16 : i32
        %shift_left3A_293 = vector.broadcast %shift_left3A_292 : i32 to vector<16xi32>
        %shift_left3A_294 = arith.shli %get3A_262, %shift_left3A_293 : vector<16xi32>
        %bitcast_convert_type3A_295 = tpu.bitcast %shift_left3A_294 : vector<16xi32> -> vector<16xf32>
        %mul3A_296 = arith.mulf %bitcast_convert_type3A_291, %bitcast_convert_type3A_295 : vector<16xf32>
        %and3A = arith.constant -65536 : i32
        %and3A_297 = vector.broadcast %and3A : i32 to vector<16xi32>
        %and3A_298 = arith.andi %get3A_234, %and3A_297 : vector<16xi32>
        %bitcast_convert_type3A_299 = tpu.bitcast %and3A_298 : vector<16xi32> -> vector<16xf32>
        %and3A_300 = arith.constant -65536 : i32
        %and3A_301 = vector.broadcast %and3A_300 : i32 to vector<16xi32>
        %and3A_302 = arith.andi %get3A_250, %and3A_301 : vector<16xi32>
        %bitcast_convert_type3A_303 = tpu.bitcast %and3A_302 : vector<16xi32> -> vector<16xf32>
        %mul3A_304 = arith.mulf %bitcast_convert_type3A_299, %bitcast_convert_type3A_303 : vector<16xf32>
        %and3A_305 = arith.constant -65536 : i32
        %and3A_306 = vector.broadcast %and3A_305 : i32 to vector<16xi32>
        %and3A_307 = arith.andi %get3A_238, %and3A_306 : vector<16xi32>
        %bitcast_convert_type3A_308 = tpu.bitcast %and3A_307 : vector<16xi32> -> vector<16xf32>
        %and3A_309 = arith.constant -65536 : i32
        %and3A_310 = vector.broadcast %and3A_309 : i32 to vector<16xi32>
        %and3A_311 = arith.andi %get3A_254, %and3A_310 : vector<16xi32>
        %bitcast_convert_type3A_312 = tpu.bitcast %and3A_311 : vector<16xi32> -> vector<16xf32>
        %mul3A_313 = arith.mulf %bitcast_convert_type3A_308, %bitcast_convert_type3A_312 : vector<16xf32>
        %and3A_314 = arith.constant -65536 : i32
        %and3A_315 = vector.broadcast %and3A_314 : i32 to vector<16xi32>
        %and3A_316 = arith.andi %get3A_242, %and3A_315 : vector<16xi32>
        %bitcast_convert_type3A_317 = tpu.bitcast %and3A_316 : vector<16xi32> -> vector<16xf32>
        %and3A_318 = arith.constant -65536 : i32
        %and3A_319 = vector.broadcast %and3A_318 : i32 to vector<16xi32>
        %and3A_320 = arith.andi %get3A_258, %and3A_319 : vector<16xi32>
        %bitcast_convert_type3A_321 = tpu.bitcast %and3A_320 : vector<16xi32> -> vector<16xf32>
        %mul3A_322 = arith.mulf %bitcast_convert_type3A_317, %bitcast_convert_type3A_321 : vector<16xf32>
        %and3A_323 = arith.constant -65536 : i32
        %and3A_324 = vector.broadcast %and3A_323 : i32 to vector<16xi32>
        %and3A_325 = arith.andi %get3A_246, %and3A_324 : vector<16xi32>
        %bitcast_convert_type3A_326 = tpu.bitcast %and3A_325 : vector<16xi32> -> vector<16xf32>
        %and3A_327 = arith.constant -65536 : i32
        %and3A_328 = vector.broadcast %and3A_327 : i32 to vector<16xi32>
        %and3A_329 = arith.andi %get3A_262, %and3A_328 : vector<16xi32>
        %bitcast_convert_type3A_330 = tpu.bitcast %and3A_329 : vector<16xi32> -> vector<16xf32>
        %mul3A_331 = arith.mulf %bitcast_convert_type3A_326, %bitcast_convert_type3A_330 : vector<16xf32>
        %swap3A = arith.index_cast %scan3A_231 : i32 to index
        %swap3A_332 = arith.constant 0 : index
        %swap3A_333 = tpu.vector_load %arg26[%swap3A, %swap3A_332] {strides = array<i32>} : memref<40x128xf32, #tpu.memory_space<vmem>>, vector<1x16xf32>,
        %swap3A_334 = vector.shape_cast %swap3A_333 : vector<1x16xf32> to vector<16xf32>
        %swap3A_335 = vector.shape_cast %mul3A_269 : vector<16xf32> to vector<1x16xf32>
        tpu.vector_store %arg26[%swap3A, %swap3A_332], %swap3A_335 {strides = array<i32>} : memref<40x128xf32, #tpu.memory_space<vmem>>, vector<1x16xf32>,
        %swap3A_336 = arith.index_cast %scan3A_231 : i32 to index
        %swap3A_337 = arith.constant 16 : index
        %swap3A_338 = tpu.vector_load %arg26[%swap3A_336, %swap3A_337] {strides = array<i32>} : memref<40x128xf32, #tpu.memory_space<vmem>>, vector<1x16xf32>,
        %swap3A_339 = vector.shape_cast %swap3A_338 : vector<1x16xf32> to vector<16xf32>
        %swap3A_340 = vector.shape_cast %mul3A_304 : vector<16xf32> to vector<1x16xf32>
        tpu.vector_store %arg26[%swap3A_336, %swap3A_337], %swap3A_340 {strides = array<i32>} : memref<40x128xf32, #tpu.memory_space<vmem>>, vector<1x16xf32>,
        %swap3A_341 = arith.index_cast %scan3A_231 : i32 to index
        %swap3A_342 = arith.constant 32 : index
        %swap3A_343 = tpu.vector_load %arg26[%swap3A_341, %swap3A_342] {strides = array<i32>} : memref<40x128xf32, #tpu.memory_space<vmem>>, vector<1x16xf32>,
        %swap3A_344 = vector.shape_cast %swap3A_343 : vector<1x16xf32> to vector<16xf32>
        %swap3A_345 = vector.shape_cast %mul3A_278 : vector<16xf32> to vector<1x16xf32>
        tpu.vector_store %arg26[%swap3A_341, %swap3A_342], %swap3A_345 {strides = array<i32>} : memref<40x128xf32, #tpu.memory_space<vmem>>, vector<1x16xf32>,
        %swap3A_346 = arith.index_cast %scan3A_231 : i32 to index
        %swap3A_347 = arith.constant 48 : index
        %swap3A_348 = tpu.vector_load %arg26[%swap3A_346, %swap3A_347] {strides = array<i32>} : memref<40x128xf32, #tpu.memory_space<vmem>>, vector<1x16xf32>,
        %swap3A_349 = vector.shape_cast %swap3A_348 : vector<1x16xf32> to vector<16xf32>
        %swap3A_350 = vector.shape_cast %mul3A_313 : vector<16xf32> to vector<1x16xf32>
        tpu.vector_store %arg26[%swap3A_346, %swap3A_347], %swap3A_350 {strides = array<i32>} : memref<40x128xf32, #tpu.memory_space<vmem>>, vector<1x16xf32>,
        %swap3A_351 = arith.index_cast %scan3A_231 : i32 to index
        %swap3A_352 = arith.constant 64 : index
        %swap3A_353 = tpu.vector_load %arg26[%swap3A_351, %swap3A_352] {strides = array<i32>} : memref<40x128xf32, #tpu.memory_space<vmem>>, vector<1x16xf32>,
        %swap3A_354 = vector.shape_cast %swap3A_353 : vector<1x16xf32> to vector<16xf32>
        %swap3A_355 = vector.shape_cast %mul3A_287 : vector<16xf32> to vector<1x16xf32>
        tpu.vector_store %arg26[%swap3A_351, %swap3A_352], %swap3A_355 {strides = array<i32>} : memref<40x128xf32, #tpu.memory_space<vmem>>, vector<1x16xf32>,
        %swap3A_356 = arith.index_cast %scan3A_231 : i32 to index
        %swap3A_357 = arith.constant 80 : index
        %swap3A_358 = tpu.vector_load %arg26[%swap3A_356, %swap3A_357] {strides = array<i32>} : memref<40x128xf32, #tpu.memory_space<vmem>>, vector<1x16xf32>,
        %swap3A_359 = vector.shape_cast %swap3A_358 : vector<1x16xf32> to vector<16xf32>
        %swap3A_360 = vector.shape_cast %mul3A_322 : vector<16xf32> to vector<1x16xf32>
        tpu.vector_store %arg26[%swap3A_356, %swap3A_357], %swap3A_360 {strides = array<i32>} : memref<40x128xf32, #tpu.memory_space<vmem>>, vector<1x16xf32>,
        %swap3A_361 = arith.index_cast %scan3A_231 : i32 to index
        %swap3A_362 = arith.constant 96 : index
        %swap3A_363 = tpu.vector_load %arg26[%swap3A_361, %swap3A_362] {strides = array<i32>} : memref<40x128xf32, #tpu.memory_space<vmem>>, vector<1x16xf32>,
        %swap3A_364 = vector.shape_cast %swap3A_363 : vector<1x16xf32> to vector<16xf32>
        %swap3A_365 = vector.shape_cast %mul3A_296 : vector<16xf32> to vector<1x16xf32>
        tpu.vector_store %arg26[%swap3A_361, %swap3A_362], %swap3A_365 {strides = array<i32>} : memref<40x128xf32, #tpu.memory_space<vmem>>, vector<1x16xf32>,
        %swap3A_366 = arith.index_cast %scan3A_231 : i32 to index
        %swap3A_367 = arith.constant 112 : index
        %swap3A_368 = tpu.vector_load %arg26[%swap3A_366, %swap3A_367] {strides = array<i32>} : memref<40x128xf32, #tpu.memory_space<vmem>>, vector<1x16xf32>,
        %swap3A_369 = vector.shape_cast %swap3A_368 : vector<1x16xf32> to vector<16xf32>
        %swap3A_370 = vector.shape_cast %mul3A_331 : vector<16xf32> to vector<1x16xf32>
        tpu.vector_store %arg26[%swap3A_366, %swap3A_367], %swap3A_370 {strides = array<i32>} : memref<40x128xf32, #tpu.memory_space<vmem>>, vector<1x16xf32>,
      }
      %scan3A_207 = arith.constant 40 : i32
      %dma_start3A_208 = arith.constant 0 : i32
      %dma_start3A_209 = arith.constant 0 : i32
      %dma_start3A_210 = tpu.memref_slice %arg28[%dma_start3A_208, %dma_start3A_209] : memref<10000x128xf32, #tpu.memory_space<vmem_shared>> -> memref<10000x128xf32, #tpu.memory_space<vmem_shared>>
      tpu.enqueue_indirect_dma source(%arg26 : memref<40x128xf32, #tpu.memory_space<vmem>>) target(%dma_start3A_210 : memref<10000x128xf32, #tpu.memory_space<vmem_shared>>) offsets(%arg14 : memref<40xi32, #tpu.memory_space<vmem>>) semaphore(%arg47 : memref<!tpu.dma_semaphore, #tpu.memory_space<semaphore_mem>>) {add = true}
      %dma_wait3A_211 = arith.constant 0 : i32
      %dma_wait3A_212 = arith.constant 0 : i32
      %dma_wait3A_213 = tpu.memref_slice %arg2[%dma_wait3A_211, %dma_wait3A_212] : memref<10000x64xi32, #tpu.memory_space<hbm>> -> memref<10000x64xi32, #tpu.memory_space<hbm>>
      tpu.wait_indirect_dma semaphore(%arg40 : memref<!tpu.dma_semaphore, #tpu.memory_space<semaphore_mem>>) src(%dma_wait3A_213 : memref<10000x64xi32, #tpu.memory_space<hbm>>) dst(%arg23 : memref<40x64xi32, #tpu.memory_space<vmem>>)
      %add3A_214 = arith.constant 120 : i32
      %add3A_215 = arith.addi %add3A, %add3A_214 : i32
      %dma_wait3A_216 = arith.constant 0 : i32
      %dma_wait3A_217 = tpu.memref_slice %arg3[%arg0, %add3A_215, %dma_wait3A_216] : memref<2x327680x64xi32, #tpu.memory_space<hbm>> -> memref<1x40x64xi32, #tpu.memory_space<hbm>>
      %dma_wait3A_218 = tpu.memref_squeeze %dma_wait3A_217 : memref<1x40x64xi32, #tpu.memory_space<hbm>> -> memref<40x64xi32, #tpu.memory_space<hbm>>
      %dma_wait3A_219 = arith.constant 0 : i32
      %dma_wait3A_220 = tpu.memref_slice %arg3[%arg0, %add3A_215, %dma_wait3A_219] : memref<2x327680x64xi32, #tpu.memory_space<hbm>> -> memref<1x40x64xi32, #tpu.memory_space<hbm>>
      %dma_wait3A_221 = tpu.memref_squeeze %dma_wait3A_220 : memref<1x40x64xi32, #tpu.memory_space<hbm>> -> memref<40x64xi32, #tpu.memory_space<hbm>>
      tpu.wait_dma2 semaphore(%arg44 : memref<!tpu.dma_semaphore, #tpu.memory_space<semaphore_mem>>) src(%dma_wait3A_221 : memref<40x64xi32, #tpu.memory_space<hbm>>) dst(%arg19 : memref<40x64xi32, #tpu.memory_space<vmem>>)
      %scan3A_222 = arith.constant 0 : i32
      %scan3A_223 = arith.constant 0 : i32
      %scan3A_224 = arith.constant 40 : i32
      %scan3A_225 = arith.addi %scan3A_223, %scan3A_224 : i32
      %scan3A_226 = arith.constant 1 : i32
      scf.for %scan3A_231 = %scan3A_223 to %scan3A_225 step %scan3A_226  : i32 {
        %get3A = arith.index_cast %scan3A_231 : i32 to index
        %get3A_232 = arith.constant 0 : index
        %get3A_233 = tpu.vector_load %arg19[%get3A, %get3A_232] {strides = array<i32>} : memref<40x64xi32, #tpu.memory_space<vmem>>, vector<1x16xi32>,
        %get3A_234 = vector.shape_cast %get3A_233 : vector<1x16xi32> to vector<16xi32>
        %get3A_235 = arith.index_cast %scan3A_231 : i32 to index
        %get3A_236 = arith.constant 16 : index
        %get3A_237 = tpu.vector_load %arg19[%get3A_235, %get3A_236] {strides = array<i32>} : memref<40x64xi32, #tpu.memory_space<vmem>>, vector<1x16xi32>,
        %get3A_238 = vector.shape_cast %get3A_237 : vector<1x16xi32> to vector<16xi32>
        %get3A_239 = arith.index_cast %scan3A_231 : i32 to index
        %get3A_240 = arith.constant 32 : index
        %get3A_241 = tpu.vector_load %arg19[%get3A_239, %get3A_240] {strides = array<i32>} : memref<40x64xi32, #tpu.memory_space<vmem>>, vector<1x16xi32>,
        %get3A_242 = vector.shape_cast %get3A_241 : vector<1x16xi32> to vector<16xi32>
        %get3A_243 = arith.index_cast %scan3A_231 : i32 to index
        %get3A_244 = arith.constant 48 : index
        %get3A_245 = tpu.vector_load %arg19[%get3A_243, %get3A_244] {strides = array<i32>} : memref<40x64xi32, #tpu.memory_space<vmem>>, vector<1x16xi32>,
        %get3A_246 = vector.shape_cast %get3A_245 : vector<1x16xi32> to vector<16xi32>
        %get3A_247 = arith.index_cast %scan3A_231 : i32 to index
        %get3A_248 = arith.constant 0 : index
        %get3A_249 = tpu.vector_load %arg23[%get3A_247, %get3A_248] {strides = array<i32>} : memref<40x64xi32, #tpu.memory_space<vmem>>, vector<1x16xi32>,
        %get3A_250 = vector.shape_cast %get3A_249 : vector<1x16xi32> to vector<16xi32>
        %get3A_251 = arith.index_cast %scan3A_231 : i32 to index
        %get3A_252 = arith.constant 16 : index
        %get3A_253 = tpu.vector_load %arg23[%get3A_251, %get3A_252] {strides = array<i32>} : memref<40x64xi32, #tpu.memory_space<vmem>>, vector<1x16xi32>,
        %get3A_254 = vector.shape_cast %get3A_253 : vector<1x16xi32> to vector<16xi32>
        %get3A_255 = arith.index_cast %scan3A_231 : i32 to index
        %get3A_256 = arith.constant 32 : index
        %get3A_257 = tpu.vector_load %arg23[%get3A_255, %get3A_256] {strides = array<i32>} : memref<40x64xi32, #tpu.memory_space<vmem>>, vector<1x16xi32>,
        %get3A_258 = vector.shape_cast %get3A_257 : vector<1x16xi32> to vector<16xi32>
        %get3A_259 = arith.index_cast %scan3A_231 : i32 to index
        %get3A_260 = arith.constant 48 : index
        %get3A_261 = tpu.vector_load %arg23[%get3A_259, %get3A_260] {strides = array<i32>} : memref<40x64xi32, #tpu.memory_space<vmem>>, vector<1x16xi32>,
        %get3A_262 = vector.shape_cast %get3A_261 : vector<1x16xi32> to vector<16xi32>
        %shift_left3A = arith.constant 16 : i32
        %shift_left3A_263 = vector.broadcast %shift_left3A : i32 to vector<16xi32>
        %shift_left3A_264 = arith.shli %get3A_234, %shift_left3A_263 : vector<16xi32>
        %bitcast_convert_type3A = tpu.bitcast %shift_left3A_264 : vector<16xi32> -> vector<16xf32>
        %shift_left3A_265 = arith.constant 16 : i32
        %shift_left3A_266 = vector.broadcast %shift_left3A_265 : i32 to vector<16xi32>
        %shift_left3A_267 = arith.shli %get3A_250, %shift_left3A_266 : vector<16xi32>
        %bitcast_convert_type3A_268 = tpu.bitcast %shift_left3A_267 : vector<16xi32> -> vector<16xf32>
        %mul3A_269 = arith.mulf %bitcast_convert_type3A, %bitcast_convert_type3A_268 : vector<16xf32>
        %shift_left3A_270 = arith.constant 16 : i32
        %shift_left3A_271 = vector.broadcast %shift_left3A_270 : i32 to vector<16xi32>
        %shift_left3A_272 = arith.shli %get3A_238, %shift_left3A_271 : vector<16xi32>
        %bitcast_convert_type3A_273 = tpu.bitcast %shift_left3A_272 : vector<16xi32> -> vector<16xf32>
        %shift_left3A_274 = arith.constant 16 : i32
        %shift_left3A_275 = vector.broadcast %shift_left3A_274 : i32 to vector<16xi32>
        %shift_left3A_276 = arith.shli %get3A_254, %shift_left3A_275 : vector<16xi32>
        %bitcast_convert_type3A_277 = tpu.bitcast %shift_left3A_276 : vector<16xi32> -> vector<16xf32>
        %mul3A_278 = arith.mulf %bitcast_convert_type3A_273, %bitcast_convert_type3A_277 : vector<16xf32>
        %shift_left3A_279 = arith.constant 16 : i32
        %shift_left3A_280 = vector.broadcast %shift_left3A_279 : i32 to vector<16xi32>
        %shift_left3A_281 = arith.shli %get3A_242, %shift_left3A_280 : vector<16xi32>
        %bitcast_convert_type3A_282 = tpu.bitcast %shift_left3A_281 : vector<16xi32> -> vector<16xf32>
        %shift_left3A_283 = arith.constant 16 : i32
        %shift_left3A_284 = vector.broadcast %shift_left3A_283 : i32 to vector<16xi32>
        %shift_left3A_285 = arith.shli %get3A_258, %shift_left3A_284 : vector<16xi32>
        %bitcast_convert_type3A_286 = tpu.bitcast %shift_left3A_285 : vector<16xi32> -> vector<16xf32>
        %mul3A_287 = arith.mulf %bitcast_convert_type3A_282, %bitcast_convert_type3A_286 : vector<16xf32>
        %shift_left3A_288 = arith.constant 16 : i32
        %shift_left3A_289 = vector.broadcast %shift_left3A_288 : i32 to vector<16xi32>
        %shift_left3A_290 = arith.shli %get3A_246, %shift_left3A_289 : vector<16xi32>
        %bitcast_convert_type3A_291 = tpu.bitcast %shift_left3A_290 : vector<16xi32> -> vector<16xf32>
        %shift_left3A_292 = arith.constant 16 : i32
        %shift_left3A_293 = vector.broadcast %shift_left3A_292 : i32 to vector<16xi32>
        %shift_left3A_294 = arith.shli %get3A_262, %shift_left3A_293 : vector<16xi32>
        %bitcast_convert_type3A_295 = tpu.bitcast %shift_left3A_294 : vector<16xi32> -> vector<16xf32>
        %mul3A_296 = arith.mulf %bitcast_convert_type3A_291, %bitcast_convert_type3A_295 : vector<16xf32>
        %and3A = arith.constant -65536 : i32
        %and3A_297 = vector.broadcast %and3A : i32 to vector<16xi32>
        %and3A_298 = arith.andi %get3A_234, %and3A_297 : vector<16xi32>
        %bitcast_convert_type3A_299 = tpu.bitcast %and3A_298 : vector<16xi32> -> vector<16xf32>
        %and3A_300 = arith.constant -65536 : i32
        %and3A_301 = vector.broadcast %and3A_300 : i32 to vector<16xi32>
        %and3A_302 = arith.andi %get3A_250, %and3A_301 : vector<16xi32>
        %bitcast_convert_type3A_303 = tpu.bitcast %and3A_302 : vector<16xi32> -> vector<16xf32>
        %mul3A_304 = arith.mulf %bitcast_convert_type3A_299, %bitcast_convert_type3A_303 : vector<16xf32>
        %and3A_305 = arith.constant -65536 : i32
        %and3A_306 = vector.broadcast %and3A_305 : i32 to vector<16xi32>
        %and3A_307 = arith.andi %get3A_238, %and3A_306 : vector<16xi32>
        %bitcast_convert_type3A_308 = tpu.bitcast %and3A_307 : vector<16xi32> -> vector<16xf32>
        %and3A_309 = arith.constant -65536 : i32
        %and3A_310 = vector.broadcast %and3A_309 : i32 to vector<16xi32>
        %and3A_311 = arith.andi %get3A_254, %and3A_310 : vector<16xi32>
        %bitcast_convert_type3A_312 = tpu.bitcast %and3A_311 : vector<16xi32> -> vector<16xf32>
        %mul3A_313 = arith.mulf %bitcast_convert_type3A_308, %bitcast_convert_type3A_312 : vector<16xf32>
        %and3A_314 = arith.constant -65536 : i32
        %and3A_315 = vector.broadcast %and3A_314 : i32 to vector<16xi32>
        %and3A_316 = arith.andi %get3A_242, %and3A_315 : vector<16xi32>
        %bitcast_convert_type3A_317 = tpu.bitcast %and3A_316 : vector<16xi32> -> vector<16xf32>
        %and3A_318 = arith.constant -65536 : i32
        %and3A_319 = vector.broadcast %and3A_318 : i32 to vector<16xi32>
        %and3A_320 = arith.andi %get3A_258, %and3A_319 : vector<16xi32>
        %bitcast_convert_type3A_321 = tpu.bitcast %and3A_320 : vector<16xi32> -> vector<16xf32>
        %mul3A_322 = arith.mulf %bitcast_convert_type3A_317, %bitcast_convert_type3A_321 : vector<16xf32>
        %and3A_323 = arith.constant -65536 : i32
        %and3A_324 = vector.broadcast %and3A_323 : i32 to vector<16xi32>
        %and3A_325 = arith.andi %get3A_246, %and3A_324 : vector<16xi32>
        %bitcast_convert_type3A_326 = tpu.bitcast %and3A_325 : vector<16xi32> -> vector<16xf32>
        %and3A_327 = arith.constant -65536 : i32
        %and3A_328 = vector.broadcast %and3A_327 : i32 to vector<16xi32>
        %and3A_329 = arith.andi %get3A_262, %and3A_328 : vector<16xi32>
        %bitcast_convert_type3A_330 = tpu.bitcast %and3A_329 : vector<16xi32> -> vector<16xf32>
        %mul3A_331 = arith.mulf %bitcast_convert_type3A_326, %bitcast_convert_type3A_330 : vector<16xf32>
        %swap3A = arith.index_cast %scan3A_231 : i32 to index
        %swap3A_332 = arith.constant 0 : index
        %swap3A_333 = tpu.vector_load %arg27[%swap3A, %swap3A_332] {strides = array<i32>} : memref<40x128xf32, #tpu.memory_space<vmem>>, vector<1x16xf32>,
        %swap3A_334 = vector.shape_cast %swap3A_333 : vector<1x16xf32> to vector<16xf32>
        %swap3A_335 = vector.shape_cast %mul3A_269 : vector<16xf32> to vector<1x16xf32>
        tpu.vector_store %arg27[%swap3A, %swap3A_332], %swap3A_335 {strides = array<i32>} : memref<40x128xf32, #tpu.memory_space<vmem>>, vector<1x16xf32>,
        %swap3A_336 = arith.index_cast %scan3A_231 : i32 to index
        %swap3A_337 = arith.constant 16 : index
        %swap3A_338 = tpu.vector_load %arg27[%swap3A_336, %swap3A_337] {strides = array<i32>} : memref<40x128xf32, #tpu.memory_space<vmem>>, vector<1x16xf32>,
        %swap3A_339 = vector.shape_cast %swap3A_338 : vector<1x16xf32> to vector<16xf32>
        %swap3A_340 = vector.shape_cast %mul3A_304 : vector<16xf32> to vector<1x16xf32>
        tpu.vector_store %arg27[%swap3A_336, %swap3A_337], %swap3A_340 {strides = array<i32>} : memref<40x128xf32, #tpu.memory_space<vmem>>, vector<1x16xf32>,
        %swap3A_341 = arith.index_cast %scan3A_231 : i32 to index
        %swap3A_342 = arith.constant 32 : index
        %swap3A_343 = tpu.vector_load %arg27[%swap3A_341, %swap3A_342] {strides = array<i32>} : memref<40x128xf32, #tpu.memory_space<vmem>>, vector<1x16xf32>,
        %swap3A_344 = vector.shape_cast %swap3A_343 : vector<1x16xf32> to vector<16xf32>
        %swap3A_345 = vector.shape_cast %mul3A_278 : vector<16xf32> to vector<1x16xf32>
        tpu.vector_store %arg27[%swap3A_341, %swap3A_342], %swap3A_345 {strides = array<i32>} : memref<40x128xf32, #tpu.memory_space<vmem>>, vector<1x16xf32>,
        %swap3A_346 = arith.index_cast %scan3A_231 : i32 to index
        %swap3A_347 = arith.constant 48 : index
        %swap3A_348 = tpu.vector_load %arg27[%swap3A_346, %swap3A_347] {strides = array<i32>} : memref<40x128xf32, #tpu.memory_space<vmem>>, vector<1x16xf32>,
        %swap3A_349 = vector.shape_cast %swap3A_348 : vector<1x16xf32> to vector<16xf32>
        %swap3A_350 = vector.shape_cast %mul3A_313 : vector<16xf32> to vector<1x16xf32>
        tpu.vector_store %arg27[%swap3A_346, %swap3A_347], %swap3A_350 {strides = array<i32>} : memref<40x128xf32, #tpu.memory_space<vmem>>, vector<1x16xf32>,
        %swap3A_351 = arith.index_cast %scan3A_231 : i32 to index
        %swap3A_352 = arith.constant 64 : index
        %swap3A_353 = tpu.vector_load %arg27[%swap3A_351, %swap3A_352] {strides = array<i32>} : memref<40x128xf32, #tpu.memory_space<vmem>>, vector<1x16xf32>,
        %swap3A_354 = vector.shape_cast %swap3A_353 : vector<1x16xf32> to vector<16xf32>
        %swap3A_355 = vector.shape_cast %mul3A_287 : vector<16xf32> to vector<1x16xf32>
        tpu.vector_store %arg27[%swap3A_351, %swap3A_352], %swap3A_355 {strides = array<i32>} : memref<40x128xf32, #tpu.memory_space<vmem>>, vector<1x16xf32>,
        %swap3A_356 = arith.index_cast %scan3A_231 : i32 to index
        %swap3A_357 = arith.constant 80 : index
        %swap3A_358 = tpu.vector_load %arg27[%swap3A_356, %swap3A_357] {strides = array<i32>} : memref<40x128xf32, #tpu.memory_space<vmem>>, vector<1x16xf32>,
        %swap3A_359 = vector.shape_cast %swap3A_358 : vector<1x16xf32> to vector<16xf32>
        %swap3A_360 = vector.shape_cast %mul3A_322 : vector<16xf32> to vector<1x16xf32>
        tpu.vector_store %arg27[%swap3A_356, %swap3A_357], %swap3A_360 {strides = array<i32>} : memref<40x128xf32, #tpu.memory_space<vmem>>, vector<1x16xf32>,
        %swap3A_361 = arith.index_cast %scan3A_231 : i32 to index
        %swap3A_362 = arith.constant 96 : index
        %swap3A_363 = tpu.vector_load %arg27[%swap3A_361, %swap3A_362] {strides = array<i32>} : memref<40x128xf32, #tpu.memory_space<vmem>>, vector<1x16xf32>,
        %swap3A_364 = vector.shape_cast %swap3A_363 : vector<1x16xf32> to vector<16xf32>
        %swap3A_365 = vector.shape_cast %mul3A_296 : vector<16xf32> to vector<1x16xf32>
        tpu.vector_store %arg27[%swap3A_361, %swap3A_362], %swap3A_365 {strides = array<i32>} : memref<40x128xf32, #tpu.memory_space<vmem>>, vector<1x16xf32>,
        %swap3A_366 = arith.index_cast %scan3A_231 : i32 to index
        %swap3A_367 = arith.constant 112 : index
        %swap3A_368 = tpu.vector_load %arg27[%swap3A_366, %swap3A_367] {strides = array<i32>} : memref<40x128xf32, #tpu.memory_space<vmem>>, vector<1x16xf32>,
        %swap3A_369 = vector.shape_cast %swap3A_368 : vector<1x16xf32> to vector<16xf32>
        %swap3A_370 = vector.shape_cast %mul3A_331 : vector<16xf32> to vector<1x16xf32>
        tpu.vector_store %arg27[%swap3A_366, %swap3A_367], %swap3A_370 {strides = array<i32>} : memref<40x128xf32, #tpu.memory_space<vmem>>, vector<1x16xf32>,
      }
      %scan3A_227 = arith.constant 40 : i32
      %dma_start3A_228 = arith.constant 0 : i32
      %dma_start3A_229 = arith.constant 0 : i32
      %dma_start3A_230 = tpu.memref_slice %arg28[%dma_start3A_228, %dma_start3A_229] : memref<10000x128xf32, #tpu.memory_space<vmem_shared>> -> memref<10000x128xf32, #tpu.memory_space<vmem_shared>>
      tpu.enqueue_indirect_dma source(%arg27 : memref<40x128xf32, #tpu.memory_space<vmem>>) target(%dma_start3A_230 : memref<10000x128xf32, #tpu.memory_space<vmem_shared>>) offsets(%arg15 : memref<40xi32, #tpu.memory_space<vmem>>) semaphore(%arg48 : memref<!tpu.dma_semaphore, #tpu.memory_space<semaphore_mem>>) {add = true}
    }
    %scan3A_5 = arith.constant 125 : i32
    %dma_wait3A = arith.constant 0 : i32
    %dma_wait3A_6 = arith.constant 0 : i32
    %dma_wait3A_7 = tpu.memref_slice %arg28[%dma_wait3A, %dma_wait3A_6] : memref<10000x128xf32, #tpu.memory_space<vmem_shared>> -> memref<10000x128xf32, #tpu.memory_space<vmem_shared>>
    tpu.wait_indirect_dma semaphore(%arg45 : memref<!tpu.dma_semaphore, #tpu.memory_space<semaphore_mem>>) src(%arg24 : memref<40x128xf32, #tpu.memory_space<vmem>>) dst(%dma_wait3A_7 : memref<10000x128xf32, #tpu.memory_space<vmem_shared>>)
    %dma_wait3A_8 = arith.constant 0 : i32
    %dma_wait3A_9 = arith.constant 0 : i32
    %dma_wait3A_10 = tpu.memref_slice %arg28[%dma_wait3A_8, %dma_wait3A_9] : memref<10000x128xf32, #tpu.memory_space<vmem_shared>> -> memref<10000x128xf32, #tpu.memory_space<vmem_shared>>
    tpu.wait_indirect_dma semaphore(%arg46 : memref<!tpu.dma_semaphore, #tpu.memory_space<semaphore_mem>>) src(%arg25 : memref<40x128xf32, #tpu.memory_space<vmem>>) dst(%dma_wait3A_10 : memref<10000x128xf32, #tpu.memory_space<vmem_shared>>)
    %dma_wait3A_11 = arith.constant 0 : i32
    %dma_wait3A_12 = arith.constant 0 : i32
    %dma_wait3A_13 = tpu.memref_slice %arg28[%dma_wait3A_11, %dma_wait3A_12] : memref<10000x128xf32, #tpu.memory_space<vmem_shared>> -> memref<10000x128xf32, #tpu.memory_space<vmem_shared>>
    tpu.wait_indirect_dma semaphore(%arg47 : memref<!tpu.dma_semaphore, #tpu.memory_space<semaphore_mem>>) src(%arg26 : memref<40x128xf32, #tpu.memory_space<vmem>>) dst(%dma_wait3A_13 : memref<10000x128xf32, #tpu.memory_space<vmem_shared>>)
    %dma_wait3A_14 = arith.constant 0 : i32
    %dma_wait3A_15 = arith.constant 0 : i32
    %dma_wait3A_16 = tpu.memref_slice %arg28[%dma_wait3A_14, %dma_wait3A_15] : memref<10000x128xf32, #tpu.memory_space<vmem_shared>> -> memref<10000x128xf32, #tpu.memory_space<vmem_shared>>
    tpu.wait_indirect_dma semaphore(%arg48 : memref<!tpu.dma_semaphore, #tpu.memory_space<semaphore_mem>>) src(%arg27 : memref<40x128xf32, #tpu.memory_space<vmem>>) dst(%dma_wait3A_16 : memref<10000x128xf32, #tpu.memory_space<vmem_shared>>)
    %barrier3A_17 = arith.constant 0 : index
    tpu.barrier barrier_id(%barrier3A_17)
    %mul3A_18 = arith.constant 625 : i32
    %mul3A_19 = arith.muli %arg1, %mul3A_18 : i32
    %mul3A_20 = arith.constant 625 : i32
    %mul3A_21 = arith.muli %arg1, %mul3A_20 : i32
    "tpu.region"() ({
      %run_scoped3A = tpu.sem_alloc : memref<!tpu.dma_semaphore, #tpu.memory_space<semaphore_mem>>
      %dma_start3A = arith.constant 0 : i32
      %dma_start3A_22 = tpu.memref_slice %arg7[%arg0, %mul3A_21, %dma_start3A] : memref<2x10000x128xf32, #tpu.memory_space<hbm>> -> memref<1x625x128xf32, #tpu.memory_space<hbm>>
      %dma_start3A_23 = tpu.memref_squeeze %dma_start3A_22 : memref<1x625x128xf32, #tpu.memory_space<hbm>> -> memref<625x128xf32, #tpu.memory_space<hbm>>
      %dma_start3A_24 = arith.constant 0 : i32
      %dma_start3A_25 = tpu.memref_slice %arg28[%mul3A_19, %dma_start3A_24] : memref<10000x128xf32, #tpu.memory_space<vmem_shared>> -> memref<625x128xf32, #tpu.memory_space<vmem_shared>>
      tpu.enqueue_dma source(%dma_start3A_25 : memref<625x128xf32, #tpu.memory_space<vmem_shared>>) target(%dma_start3A_23 : memref<625x128xf32, #tpu.memory_space<hbm>>) target_semaphore(%run_scoped3A : memref<!tpu.dma_semaphore, #tpu.memory_space<semaphore_mem>>)
      %dma_wait3A_26 = arith.constant 0 : i32
      %dma_wait3A_27 = tpu.memref_slice %arg7[%arg0, %mul3A_21, %dma_wait3A_26] : memref<2x10000x128xf32, #tpu.memory_space<hbm>> -> memref<1x625x128xf32, #tpu.memory_space<hbm>>
      %dma_wait3A_28 = tpu.memref_squeeze %dma_wait3A_27 : memref<1x625x128xf32, #tpu.memory_space<hbm>> -> memref<625x128xf32, #tpu.memory_space<hbm>>
      %dma_wait3A_29 = arith.constant 0 : i32
      %dma_wait3A_30 = tpu.memref_slice %arg28[%mul3A_19, %dma_wait3A_29] : memref<10000x128xf32, #tpu.memory_space<vmem_shared>> -> memref<625x128xf32, #tpu.memory_space<vmem_shared>>
      tpu.wait_dma2 semaphore(%run_scoped3A : memref<!tpu.dma_semaphore, #tpu.memory_space<semaphore_mem>>) src(%dma_wait3A_30 : memref<625x128xf32, #tpu.memory_space<vmem_shared>>) dst(%dma_wait3A_28 : memref<625x128xf32, #tpu.memory_space<hbm>>)
      tpu.yield
    }) : () -> ()
    return
  }
}

#map = affine_map<(d0, d1) -> (0, 0)>
#map1 = affine_map<(d0, d1) -> (0)>
module attributes {stable_mosaic.version = 14 : i64} {
  func.func @_pos_gather_body(%arg0: i32, %arg1: i32, %arg2: memref<10000x16xf32, #tpu.memory_space<hbm>>, %arg3: memref<320000xi32, #tpu.memory_space<hbm>>, %arg4: memref<320000xi32, #tpu.memory_space<hbm>>, %arg5: memref<320000x16xf32, #tpu.memory_space<hbm>>, %arg6: memref<40xi32, #tpu.memory_space<vmem>>, %arg7: memref<40xi32, #tpu.memory_space<vmem>>, %arg8: memref<40xi32, #tpu.memory_space<vmem>>, %arg9: memref<40xi32, #tpu.memory_space<vmem>>, %arg10: memref<40xi32, #tpu.memory_space<vmem>>, %arg11: memref<40xi32, #tpu.memory_space<vmem>>, %arg12: memref<40xi32, #tpu.memory_space<vmem>>, %arg13: memref<40xi32, #tpu.memory_space<vmem>>, %arg14: memref<40xi32, #tpu.memory_space<vmem>>, %arg15: memref<40xi32, #tpu.memory_space<vmem>>, %arg16: memref<40x16xf32, #tpu.memory_space<vmem>>, %arg17: memref<40x16xf32, #tpu.memory_space<vmem>>, %arg18: memref<40x16xf32, #tpu.memory_space<vmem>>, %arg19: memref<40x16xf32, #tpu.memory_space<vmem>>, %arg20: memref<40x16xf32, #tpu.memory_space<vmem>>, %arg21: memref<40x16xf32, #tpu.memory_space<vmem>>, %arg22: memref<40x16xf32, #tpu.memory_space<vmem>>, %arg23: memref<40x16xf32, #tpu.memory_space<vmem>>, %arg24: memref<40x16xf32, #tpu.memory_space<vmem>>, %arg25: memref<40x16xf32, #tpu.memory_space<vmem>>, %arg26: memref<!tpu.dma_semaphore, #tpu.memory_space<semaphore_mem>>, %arg27: memref<!tpu.dma_semaphore, #tpu.memory_space<semaphore_mem>>, %arg28: memref<!tpu.dma_semaphore, #tpu.memory_space<semaphore_mem>>, %arg29: memref<!tpu.dma_semaphore, #tpu.memory_space<semaphore_mem>>, %arg30: memref<!tpu.dma_semaphore, #tpu.memory_space<semaphore_mem>>, %arg31: memref<!tpu.dma_semaphore, #tpu.memory_space<semaphore_mem>>, %arg32: memref<!tpu.dma_semaphore, #tpu.memory_space<semaphore_mem>>, %arg33: memref<!tpu.dma_semaphore, #tpu.memory_space<semaphore_mem>>, %arg34: memref<!tpu.dma_semaphore, #tpu.memory_space<semaphore_mem>>, %arg35: memref<!tpu.dma_semaphore, #tpu.memory_space<semaphore_mem>>, %arg36: memref<!tpu.dma_semaphore, #tpu.memory_space<semaphore_mem>>, %arg37: memref<!tpu.dma_semaphore, #tpu.memory_space<semaphore_mem>>, %arg38: memref<!tpu.dma_semaphore, #tpu.memory_space<semaphore_mem>>, %arg39: memref<!tpu.dma_semaphore, #tpu.memory_space<semaphore_mem>>, %arg40: memref<!tpu.dma_semaphore, #tpu.memory_space<semaphore_mem>>, %arg41: memref<!tpu.dma_semaphore, #tpu.memory_space<semaphore_mem>>, %arg42: memref<!tpu.dma_semaphore, #tpu.memory_space<semaphore_mem>>, %arg43: memref<!tpu.dma_semaphore, #tpu.memory_space<semaphore_mem>>, %arg44: memref<!tpu.dma_semaphore, #tpu.memory_space<semaphore_mem>>, %arg45: memref<!tpu.dma_semaphore, #tpu.memory_space<semaphore_mem>>, %arg46: memref<!tpu.dma_semaphore, #tpu.memory_space<semaphore_mem>>, %arg47: memref<!tpu.dma_semaphore, #tpu.memory_space<semaphore_mem>>, %arg48: memref<!tpu.dma_semaphore, #tpu.memory_space<semaphore_mem>>, %arg49: memref<!tpu.dma_semaphore, #tpu.memory_space<semaphore_mem>>, %arg50: memref<!tpu.dma_semaphore, #tpu.memory_space<semaphore_mem>>) attributes {dimension_semantics = [#tpu.dimension_semantics<core_parallel>, #tpu.dimension_semantics<subcore_parallel>], iteration_bounds = array<i64: 2, 16>, scalar_prefetch = 0 : i64, scratch_operands = 45 : i64, tpu.core_type = #tpu.core_type<sc_vector_subcore>, window_params = [{transform_indices = #map}, {transform_indices = #map1}, {transform_indices = #map1}, {transform_indices = #map}]} {
    %mul3A = arith.constant 2 : i32
    %mul3A_0 = arith.muli %arg1, %mul3A : i32
    %add3A = arith.addi %mul3A_0, %arg0 : i32
    %scan3A = arith.constant 0 : i32
    %scan3A_1 = arith.constant 0 : i32
    %scan3A_2 = arith.constant 50 : i32
    %scan3A_3 = arith.addi %scan3A_1, %scan3A_2 : i32
    %scan3A_4 = arith.constant 1 : i32
    scf.for %scan3A_35 = %scan3A_1 to %scan3A_3 step %scan3A_4  : i32 {
      %mul3A_36 = arith.constant 10000 : i32
      %mul3A_37 = arith.muli %add3A, %mul3A_36 : i32
      %mul3A_38 = arith.constant 200 : i32
      %mul3A_39 = arith.muli %scan3A_35, %mul3A_38 : i32
      %add3A_40 = arith.addi %mul3A_37, %mul3A_39 : i32
      %gt3A = arith.constant 0 : i32
      %gt3A_41 = arith.cmpi sgt, %scan3A_35, %gt3A : i32
      %convert_element_type3A = arith.extui %gt3A_41 : i1 to i32
      %cond3A = arith.constant 0 : i32
      %cond3A_42 = arith.cmpi ne, %convert_element_type3A, %cond3A : i32
      scf.if %cond3A_42 {
        %dma_wait3A_262 = arith.constant 0 : i32
        %dma_wait3A_263 = tpu.memref_slice %arg5[%add3A_40, %dma_wait3A_262] : memref<320000x16xf32, #tpu.memory_space<hbm>> -> memref<40x16xf32, #tpu.memory_space<hbm>>
        %dma_wait3A_264 = arith.constant 0 : i32
        %dma_wait3A_265 = tpu.memref_slice %arg5[%add3A_40, %dma_wait3A_264] : memref<320000x16xf32, #tpu.memory_space<hbm>> -> memref<40x16xf32, #tpu.memory_space<hbm>>
        tpu.wait_dma2 semaphore(%arg46 : memref<!tpu.dma_semaphore, #tpu.memory_space<semaphore_mem>>) src(%arg21 : memref<40x16xf32, #tpu.memory_space<vmem>>) dst(%dma_wait3A_265 : memref<40x16xf32, #tpu.memory_space<hbm>>)
      } else {
      }
      %add3A_43 = arith.constant 0 : i32
      %add3A_44 = arith.addi %add3A_40, %add3A_43 : i32
      %dma_start3A = tpu.memref_slice %arg3[%add3A_44] : memref<320000xi32, #tpu.memory_space<hbm>> -> memref<40xi32, #tpu.memory_space<hbm>>
      %dma_start3A_45 = tpu.memref_slice %arg3[%add3A_44] : memref<320000xi32, #tpu.memory_space<hbm>> -> memref<40xi32, #tpu.memory_space<hbm>>
      tpu.enqueue_dma source(%dma_start3A_45 : memref<40xi32, #tpu.memory_space<hbm>>) target(%arg6 : memref<40xi32, #tpu.memory_space<vmem>>) target_semaphore(%arg26 : memref<!tpu.dma_semaphore, #tpu.memory_space<semaphore_mem>>)
      %add3A_46 = arith.constant 0 : i32
      %add3A_47 = arith.addi %add3A_40, %add3A_46 : i32
      %dma_start3A_48 = tpu.memref_slice %arg4[%add3A_47] : memref<320000xi32, #tpu.memory_space<hbm>> -> memref<40xi32, #tpu.memory_space<hbm>>
      %dma_start3A_49 = tpu.memref_slice %arg4[%add3A_47] : memref<320000xi32, #tpu.memory_space<hbm>> -> memref<40xi32, #tpu.memory_space<hbm>>
      tpu.enqueue_dma source(%dma_start3A_49 : memref<40xi32, #tpu.memory_space<hbm>>) target(%arg11 : memref<40xi32, #tpu.memory_space<vmem>>) target_semaphore(%arg31 : memref<!tpu.dma_semaphore, #tpu.memory_space<semaphore_mem>>)
      %gt3A_50 = arith.constant 0 : i32
      %gt3A_51 = arith.cmpi sgt, %scan3A_35, %gt3A_50 : i32
      %convert_element_type3A_52 = arith.extui %gt3A_51 : i1 to i32
      %cond3A_53 = arith.constant 0 : i32
      %cond3A_54 = arith.cmpi ne, %convert_element_type3A_52, %cond3A_53 : i32
      scf.if %cond3A_54 {
        %dma_wait3A_262 = arith.constant 0 : i32
        %dma_wait3A_263 = tpu.memref_slice %arg5[%add3A_40, %dma_wait3A_262] : memref<320000x16xf32, #tpu.memory_space<hbm>> -> memref<40x16xf32, #tpu.memory_space<hbm>>
        %dma_wait3A_264 = arith.constant 0 : i32
        %dma_wait3A_265 = tpu.memref_slice %arg5[%add3A_40, %dma_wait3A_264] : memref<320000x16xf32, #tpu.memory_space<hbm>> -> memref<40x16xf32, #tpu.memory_space<hbm>>
        tpu.wait_dma2 semaphore(%arg47 : memref<!tpu.dma_semaphore, #tpu.memory_space<semaphore_mem>>) src(%arg22 : memref<40x16xf32, #tpu.memory_space<vmem>>) dst(%dma_wait3A_265 : memref<40x16xf32, #tpu.memory_space<hbm>>)
      } else {
      }
      %add3A_55 = arith.constant 40 : i32
      %add3A_56 = arith.addi %add3A_40, %add3A_55 : i32
      %dma_start3A_57 = tpu.memref_slice %arg3[%add3A_56] : memref<320000xi32, #tpu.memory_space<hbm>> -> memref<40xi32, #tpu.memory_space<hbm>>
      %dma_start3A_58 = tpu.memref_slice %arg3[%add3A_56] : memref<320000xi32, #tpu.memory_space<hbm>> -> memref<40xi32, #tpu.memory_space<hbm>>
      tpu.enqueue_dma source(%dma_start3A_58 : memref<40xi32, #tpu.memory_space<hbm>>) target(%arg7 : memref<40xi32, #tpu.memory_space<vmem>>) target_semaphore(%arg27 : memref<!tpu.dma_semaphore, #tpu.memory_space<semaphore_mem>>)
      %add3A_59 = arith.constant 40 : i32
      %add3A_60 = arith.addi %add3A_40, %add3A_59 : i32
      %dma_start3A_61 = tpu.memref_slice %arg4[%add3A_60] : memref<320000xi32, #tpu.memory_space<hbm>> -> memref<40xi32, #tpu.memory_space<hbm>>
      %dma_start3A_62 = tpu.memref_slice %arg4[%add3A_60] : memref<320000xi32, #tpu.memory_space<hbm>> -> memref<40xi32, #tpu.memory_space<hbm>>
      tpu.enqueue_dma source(%dma_start3A_62 : memref<40xi32, #tpu.memory_space<hbm>>) target(%arg12 : memref<40xi32, #tpu.memory_space<vmem>>) target_semaphore(%arg32 : memref<!tpu.dma_semaphore, #tpu.memory_space<semaphore_mem>>)
      %gt3A_63 = arith.constant 0 : i32
      %gt3A_64 = arith.cmpi sgt, %scan3A_35, %gt3A_63 : i32
      %convert_element_type3A_65 = arith.extui %gt3A_64 : i1 to i32
      %cond3A_66 = arith.constant 0 : i32
      %cond3A_67 = arith.cmpi ne, %convert_element_type3A_65, %cond3A_66 : i32
      scf.if %cond3A_67 {
        %dma_wait3A_262 = arith.constant 0 : i32
        %dma_wait3A_263 = tpu.memref_slice %arg5[%add3A_40, %dma_wait3A_262] : memref<320000x16xf32, #tpu.memory_space<hbm>> -> memref<40x16xf32, #tpu.memory_space<hbm>>
        %dma_wait3A_264 = arith.constant 0 : i32
        %dma_wait3A_265 = tpu.memref_slice %arg5[%add3A_40, %dma_wait3A_264] : memref<320000x16xf32, #tpu.memory_space<hbm>> -> memref<40x16xf32, #tpu.memory_space<hbm>>
        tpu.wait_dma2 semaphore(%arg48 : memref<!tpu.dma_semaphore, #tpu.memory_space<semaphore_mem>>) src(%arg23 : memref<40x16xf32, #tpu.memory_space<vmem>>) dst(%dma_wait3A_265 : memref<40x16xf32, #tpu.memory_space<hbm>>)
      } else {
      }
      %add3A_68 = arith.constant 80 : i32
      %add3A_69 = arith.addi %add3A_40, %add3A_68 : i32
      %dma_start3A_70 = tpu.memref_slice %arg3[%add3A_69] : memref<320000xi32, #tpu.memory_space<hbm>> -> memref<40xi32, #tpu.memory_space<hbm>>
      %dma_start3A_71 = tpu.memref_slice %arg3[%add3A_69] : memref<320000xi32, #tpu.memory_space<hbm>> -> memref<40xi32, #tpu.memory_space<hbm>>
      tpu.enqueue_dma source(%dma_start3A_71 : memref<40xi32, #tpu.memory_space<hbm>>) target(%arg8 : memref<40xi32, #tpu.memory_space<vmem>>) target_semaphore(%arg28 : memref<!tpu.dma_semaphore, #tpu.memory_space<semaphore_mem>>)
      %add3A_72 = arith.constant 80 : i32
      %add3A_73 = arith.addi %add3A_40, %add3A_72 : i32
      %dma_start3A_74 = tpu.memref_slice %arg4[%add3A_73] : memref<320000xi32, #tpu.memory_space<hbm>> -> memref<40xi32, #tpu.memory_space<hbm>>
      %dma_start3A_75 = tpu.memref_slice %arg4[%add3A_73] : memref<320000xi32, #tpu.memory_space<hbm>> -> memref<40xi32, #tpu.memory_space<hbm>>
      tpu.enqueue_dma source(%dma_start3A_75 : memref<40xi32, #tpu.memory_space<hbm>>) target(%arg13 : memref<40xi32, #tpu.memory_space<vmem>>) target_semaphore(%arg33 : memref<!tpu.dma_semaphore, #tpu.memory_space<semaphore_mem>>)
      %gt3A_76 = arith.constant 0 : i32
      %gt3A_77 = arith.cmpi sgt, %scan3A_35, %gt3A_76 : i32
      %convert_element_type3A_78 = arith.extui %gt3A_77 : i1 to i32
      %cond3A_79 = arith.constant 0 : i32
      %cond3A_80 = arith.cmpi ne, %convert_element_type3A_78, %cond3A_79 : i32
      scf.if %cond3A_80 {
        %dma_wait3A_262 = arith.constant 0 : i32
        %dma_wait3A_263 = tpu.memref_slice %arg5[%add3A_40, %dma_wait3A_262] : memref<320000x16xf32, #tpu.memory_space<hbm>> -> memref<40x16xf32, #tpu.memory_space<hbm>>
        %dma_wait3A_264 = arith.constant 0 : i32
        %dma_wait3A_265 = tpu.memref_slice %arg5[%add3A_40, %dma_wait3A_264] : memref<320000x16xf32, #tpu.memory_space<hbm>> -> memref<40x16xf32, #tpu.memory_space<hbm>>
        tpu.wait_dma2 semaphore(%arg49 : memref<!tpu.dma_semaphore, #tpu.memory_space<semaphore_mem>>) src(%arg24 : memref<40x16xf32, #tpu.memory_space<vmem>>) dst(%dma_wait3A_265 : memref<40x16xf32, #tpu.memory_space<hbm>>)
      } else {
      }
      %add3A_81 = arith.constant 120 : i32
      %add3A_82 = arith.addi %add3A_40, %add3A_81 : i32
      %dma_start3A_83 = tpu.memref_slice %arg3[%add3A_82] : memref<320000xi32, #tpu.memory_space<hbm>> -> memref<40xi32, #tpu.memory_space<hbm>>
      %dma_start3A_84 = tpu.memref_slice %arg3[%add3A_82] : memref<320000xi32, #tpu.memory_space<hbm>> -> memref<40xi32, #tpu.memory_space<hbm>>
      tpu.enqueue_dma source(%dma_start3A_84 : memref<40xi32, #tpu.memory_space<hbm>>) target(%arg9 : memref<40xi32, #tpu.memory_space<vmem>>) target_semaphore(%arg29 : memref<!tpu.dma_semaphore, #tpu.memory_space<semaphore_mem>>)
      %add3A_85 = arith.constant 120 : i32
      %add3A_86 = arith.addi %add3A_40, %add3A_85 : i32
      %dma_start3A_87 = tpu.memref_slice %arg4[%add3A_86] : memref<320000xi32, #tpu.memory_space<hbm>> -> memref<40xi32, #tpu.memory_space<hbm>>
      %dma_start3A_88 = tpu.memref_slice %arg4[%add3A_86] : memref<320000xi32, #tpu.memory_space<hbm>> -> memref<40xi32, #tpu.memory_space<hbm>>
      tpu.enqueue_dma source(%dma_start3A_88 : memref<40xi32, #tpu.memory_space<hbm>>) target(%arg14 : memref<40xi32, #tpu.memory_space<vmem>>) target_semaphore(%arg34 : memref<!tpu.dma_semaphore, #tpu.memory_space<semaphore_mem>>)
      %gt3A_89 = arith.constant 0 : i32
      %gt3A_90 = arith.cmpi sgt, %scan3A_35, %gt3A_89 : i32
      %convert_element_type3A_91 = arith.extui %gt3A_90 : i1 to i32
      %cond3A_92 = arith.constant 0 : i32
      %cond3A_93 = arith.cmpi ne, %convert_element_type3A_91, %cond3A_92 : i32
      scf.if %cond3A_93 {
        %dma_wait3A_262 = arith.constant 0 : i32
        %dma_wait3A_263 = tpu.memref_slice %arg5[%add3A_40, %dma_wait3A_262] : memref<320000x16xf32, #tpu.memory_space<hbm>> -> memref<40x16xf32, #tpu.memory_space<hbm>>
        %dma_wait3A_264 = arith.constant 0 : i32
        %dma_wait3A_265 = tpu.memref_slice %arg5[%add3A_40, %dma_wait3A_264] : memref<320000x16xf32, #tpu.memory_space<hbm>> -> memref<40x16xf32, #tpu.memory_space<hbm>>
        tpu.wait_dma2 semaphore(%arg50 : memref<!tpu.dma_semaphore, #tpu.memory_space<semaphore_mem>>) src(%arg25 : memref<40x16xf32, #tpu.memory_space<vmem>>) dst(%dma_wait3A_265 : memref<40x16xf32, #tpu.memory_space<hbm>>)
      } else {
      }
      %add3A_94 = arith.constant 160 : i32
      %add3A_95 = arith.addi %add3A_40, %add3A_94 : i32
      %dma_start3A_96 = tpu.memref_slice %arg3[%add3A_95] : memref<320000xi32, #tpu.memory_space<hbm>> -> memref<40xi32, #tpu.memory_space<hbm>>
      %dma_start3A_97 = tpu.memref_slice %arg3[%add3A_95] : memref<320000xi32, #tpu.memory_space<hbm>> -> memref<40xi32, #tpu.memory_space<hbm>>
      tpu.enqueue_dma source(%dma_start3A_97 : memref<40xi32, #tpu.memory_space<hbm>>) target(%arg10 : memref<40xi32, #tpu.memory_space<vmem>>) target_semaphore(%arg30 : memref<!tpu.dma_semaphore, #tpu.memory_space<semaphore_mem>>)
      %add3A_98 = arith.constant 160 : i32
      %add3A_99 = arith.addi %add3A_40, %add3A_98 : i32
      %dma_start3A_100 = tpu.memref_slice %arg4[%add3A_99] : memref<320000xi32, #tpu.memory_space<hbm>> -> memref<40xi32, #tpu.memory_space<hbm>>
      %dma_start3A_101 = tpu.memref_slice %arg4[%add3A_99] : memref<320000xi32, #tpu.memory_space<hbm>> -> memref<40xi32, #tpu.memory_space<hbm>>
      tpu.enqueue_dma source(%dma_start3A_101 : memref<40xi32, #tpu.memory_space<hbm>>) target(%arg15 : memref<40xi32, #tpu.memory_space<vmem>>) target_semaphore(%arg35 : memref<!tpu.dma_semaphore, #tpu.memory_space<semaphore_mem>>)
      %add3A_102 = arith.constant 0 : i32
      %add3A_103 = arith.addi %add3A_40, %add3A_102 : i32
      %dma_wait3A_104 = tpu.memref_slice %arg3[%add3A_103] : memref<320000xi32, #tpu.memory_space<hbm>> -> memref<40xi32, #tpu.memory_space<hbm>>
      %dma_wait3A_105 = tpu.memref_slice %arg3[%add3A_103] : memref<320000xi32, #tpu.memory_space<hbm>> -> memref<40xi32, #tpu.memory_space<hbm>>
      tpu.wait_dma2 semaphore(%arg26 : memref<!tpu.dma_semaphore, #tpu.memory_space<semaphore_mem>>) src(%dma_wait3A_105 : memref<40xi32, #tpu.memory_space<hbm>>) dst(%arg6 : memref<40xi32, #tpu.memory_space<vmem>>)
      %add3A_106 = arith.constant 0 : i32
      %add3A_107 = arith.addi %add3A_40, %add3A_106 : i32
      %dma_wait3A_108 = tpu.memref_slice %arg4[%add3A_107] : memref<320000xi32, #tpu.memory_space<hbm>> -> memref<40xi32, #tpu.memory_space<hbm>>
      %dma_wait3A_109 = tpu.memref_slice %arg4[%add3A_107] : memref<320000xi32, #tpu.memory_space<hbm>> -> memref<40xi32, #tpu.memory_space<hbm>>
      tpu.wait_dma2 semaphore(%arg31 : memref<!tpu.dma_semaphore, #tpu.memory_space<semaphore_mem>>) src(%dma_wait3A_109 : memref<40xi32, #tpu.memory_space<hbm>>) dst(%arg11 : memref<40xi32, #tpu.memory_space<vmem>>)
      %dma_start3A_110 = arith.constant 0 : i32
      %dma_start3A_111 = arith.constant 0 : i32
      %dma_start3A_112 = tpu.memref_slice %arg2[%dma_start3A_110, %dma_start3A_111] : memref<10000x16xf32, #tpu.memory_space<hbm>> -> memref<10000x16xf32, #tpu.memory_space<hbm>>
      tpu.enqueue_indirect_dma source(%dma_start3A_112 : memref<10000x16xf32, #tpu.memory_space<hbm>>) target(%arg16 : memref<40x16xf32, #tpu.memory_space<vmem>>) offsets(%arg6 : memref<40xi32, #tpu.memory_space<vmem>>) semaphore(%arg36 : memref<!tpu.dma_semaphore, #tpu.memory_space<semaphore_mem>>)
      %dma_start3A_113 = arith.constant 0 : i32
      %dma_start3A_114 = arith.constant 0 : i32
      %dma_start3A_115 = tpu.memref_slice %arg2[%dma_start3A_113, %dma_start3A_114] : memref<10000x16xf32, #tpu.memory_space<hbm>> -> memref<10000x16xf32, #tpu.memory_space<hbm>>
      tpu.enqueue_indirect_dma source(%dma_start3A_115 : memref<10000x16xf32, #tpu.memory_space<hbm>>) target(%arg21 : memref<40x16xf32, #tpu.memory_space<vmem>>) offsets(%arg11 : memref<40xi32, #tpu.memory_space<vmem>>) semaphore(%arg41 : memref<!tpu.dma_semaphore, #tpu.memory_space<semaphore_mem>>)
      %add3A_116 = arith.constant 40 : i32
      %add3A_117 = arith.addi %add3A_40, %add3A_116 : i32
      %dma_wait3A_118 = tpu.memref_slice %arg3[%add3A_117] : memref<320000xi32, #tpu.memory_space<hbm>> -> memref<40xi32, #tpu.memory_space<hbm>>
      %dma_wait3A_119 = tpu.memref_slice %arg3[%add3A_117] : memref<320000xi32, #tpu.memory_space<hbm>> -> memref<40xi32, #tpu.memory_space<hbm>>
      tpu.wait_dma2 semaphore(%arg27 : memref<!tpu.dma_semaphore, #tpu.memory_space<semaphore_mem>>) src(%dma_wait3A_119 : memref<40xi32, #tpu.memory_space<hbm>>) dst(%arg7 : memref<40xi32, #tpu.memory_space<vmem>>)
      %add3A_120 = arith.constant 40 : i32
      %add3A_121 = arith.addi %add3A_40, %add3A_120 : i32
      %dma_wait3A_122 = tpu.memref_slice %arg4[%add3A_121] : memref<320000xi32, #tpu.memory_space<hbm>> -> memref<40xi32, #tpu.memory_space<hbm>>
      %dma_wait3A_123 = tpu.memref_slice %arg4[%add3A_121] : memref<320000xi32, #tpu.memory_space<hbm>> -> memref<40xi32, #tpu.memory_space<hbm>>
      tpu.wait_dma2 semaphore(%arg32 : memref<!tpu.dma_semaphore, #tpu.memory_space<semaphore_mem>>) src(%dma_wait3A_123 : memref<40xi32, #tpu.memory_space<hbm>>) dst(%arg12 : memref<40xi32, #tpu.memory_space<vmem>>)
      %dma_start3A_124 = arith.constant 0 : i32
      %dma_start3A_125 = arith.constant 0 : i32
      %dma_start3A_126 = tpu.memref_slice %arg2[%dma_start3A_124, %dma_start3A_125] : memref<10000x16xf32, #tpu.memory_space<hbm>> -> memref<10000x16xf32, #tpu.memory_space<hbm>>
      tpu.enqueue_indirect_dma source(%dma_start3A_126 : memref<10000x16xf32, #tpu.memory_space<hbm>>) target(%arg17 : memref<40x16xf32, #tpu.memory_space<vmem>>) offsets(%arg7 : memref<40xi32, #tpu.memory_space<vmem>>) semaphore(%arg37 : memref<!tpu.dma_semaphore, #tpu.memory_space<semaphore_mem>>)
      %dma_start3A_127 = arith.constant 0 : i32
      %dma_start3A_128 = arith.constant 0 : i32
      %dma_start3A_129 = tpu.memref_slice %arg2[%dma_start3A_127, %dma_start3A_128] : memref<10000x16xf32, #tpu.memory_space<hbm>> -> memref<10000x16xf32, #tpu.memory_space<hbm>>
      tpu.enqueue_indirect_dma source(%dma_start3A_129 : memref<10000x16xf32, #tpu.memory_space<hbm>>) target(%arg22 : memref<40x16xf32, #tpu.memory_space<vmem>>) offsets(%arg12 : memref<40xi32, #tpu.memory_space<vmem>>) semaphore(%arg42 : memref<!tpu.dma_semaphore, #tpu.memory_space<semaphore_mem>>)
      %add3A_130 = arith.constant 80 : i32
      %add3A_131 = arith.addi %add3A_40, %add3A_130 : i32
      %dma_wait3A_132 = tpu.memref_slice %arg3[%add3A_131] : memref<320000xi32, #tpu.memory_space<hbm>> -> memref<40xi32, #tpu.memory_space<hbm>>
      %dma_wait3A_133 = tpu.memref_slice %arg3[%add3A_131] : memref<320000xi32, #tpu.memory_space<hbm>> -> memref<40xi32, #tpu.memory_space<hbm>>
      tpu.wait_dma2 semaphore(%arg28 : memref<!tpu.dma_semaphore, #tpu.memory_space<semaphore_mem>>) src(%dma_wait3A_133 : memref<40xi32, #tpu.memory_space<hbm>>) dst(%arg8 : memref<40xi32, #tpu.memory_space<vmem>>)
      %add3A_134 = arith.constant 80 : i32
      %add3A_135 = arith.addi %add3A_40, %add3A_134 : i32
      %dma_wait3A_136 = tpu.memref_slice %arg4[%add3A_135] : memref<320000xi32, #tpu.memory_space<hbm>> -> memref<40xi32, #tpu.memory_space<hbm>>
      %dma_wait3A_137 = tpu.memref_slice %arg4[%add3A_135] : memref<320000xi32, #tpu.memory_space<hbm>> -> memref<40xi32, #tpu.memory_space<hbm>>
      tpu.wait_dma2 semaphore(%arg33 : memref<!tpu.dma_semaphore, #tpu.memory_space<semaphore_mem>>) src(%dma_wait3A_137 : memref<40xi32, #tpu.memory_space<hbm>>) dst(%arg13 : memref<40xi32, #tpu.memory_space<vmem>>)
      %dma_start3A_138 = arith.constant 0 : i32
      %dma_start3A_139 = arith.constant 0 : i32
      %dma_start3A_140 = tpu.memref_slice %arg2[%dma_start3A_138, %dma_start3A_139] : memref<10000x16xf32, #tpu.memory_space<hbm>> -> memref<10000x16xf32, #tpu.memory_space<hbm>>
      tpu.enqueue_indirect_dma source(%dma_start3A_140 : memref<10000x16xf32, #tpu.memory_space<hbm>>) target(%arg18 : memref<40x16xf32, #tpu.memory_space<vmem>>) offsets(%arg8 : memref<40xi32, #tpu.memory_space<vmem>>) semaphore(%arg38 : memref<!tpu.dma_semaphore, #tpu.memory_space<semaphore_mem>>)
      %dma_start3A_141 = arith.constant 0 : i32
      %dma_start3A_142 = arith.constant 0 : i32
      %dma_start3A_143 = tpu.memref_slice %arg2[%dma_start3A_141, %dma_start3A_142] : memref<10000x16xf32, #tpu.memory_space<hbm>> -> memref<10000x16xf32, #tpu.memory_space<hbm>>
      tpu.enqueue_indirect_dma source(%dma_start3A_143 : memref<10000x16xf32, #tpu.memory_space<hbm>>) target(%arg23 : memref<40x16xf32, #tpu.memory_space<vmem>>) offsets(%arg13 : memref<40xi32, #tpu.memory_space<vmem>>) semaphore(%arg43 : memref<!tpu.dma_semaphore, #tpu.memory_space<semaphore_mem>>)
      %add3A_144 = arith.constant 120 : i32
      %add3A_145 = arith.addi %add3A_40, %add3A_144 : i32
      %dma_wait3A_146 = tpu.memref_slice %arg3[%add3A_145] : memref<320000xi32, #tpu.memory_space<hbm>> -> memref<40xi32, #tpu.memory_space<hbm>>
      %dma_wait3A_147 = tpu.memref_slice %arg3[%add3A_145] : memref<320000xi32, #tpu.memory_space<hbm>> -> memref<40xi32, #tpu.memory_space<hbm>>
      tpu.wait_dma2 semaphore(%arg29 : memref<!tpu.dma_semaphore, #tpu.memory_space<semaphore_mem>>) src(%dma_wait3A_147 : memref<40xi32, #tpu.memory_space<hbm>>) dst(%arg9 : memref<40xi32, #tpu.memory_space<vmem>>)
      %add3A_148 = arith.constant 120 : i32
      %add3A_149 = arith.addi %add3A_40, %add3A_148 : i32
      %dma_wait3A_150 = tpu.memref_slice %arg4[%add3A_149] : memref<320000xi32, #tpu.memory_space<hbm>> -> memref<40xi32, #tpu.memory_space<hbm>>
      %dma_wait3A_151 = tpu.memref_slice %arg4[%add3A_149] : memref<320000xi32, #tpu.memory_space<hbm>> -> memref<40xi32, #tpu.memory_space<hbm>>
      tpu.wait_dma2 semaphore(%arg34 : memref<!tpu.dma_semaphore, #tpu.memory_space<semaphore_mem>>) src(%dma_wait3A_151 : memref<40xi32, #tpu.memory_space<hbm>>) dst(%arg14 : memref<40xi32, #tpu.memory_space<vmem>>)
      %dma_start3A_152 = arith.constant 0 : i32
      %dma_start3A_153 = arith.constant 0 : i32
      %dma_start3A_154 = tpu.memref_slice %arg2[%dma_start3A_152, %dma_start3A_153] : memref<10000x16xf32, #tpu.memory_space<hbm>> -> memref<10000x16xf32, #tpu.memory_space<hbm>>
      tpu.enqueue_indirect_dma source(%dma_start3A_154 : memref<10000x16xf32, #tpu.memory_space<hbm>>) target(%arg19 : memref<40x16xf32, #tpu.memory_space<vmem>>) offsets(%arg9 : memref<40xi32, #tpu.memory_space<vmem>>) semaphore(%arg39 : memref<!tpu.dma_semaphore, #tpu.memory_space<semaphore_mem>>)
      %dma_start3A_155 = arith.constant 0 : i32
      %dma_start3A_156 = arith.constant 0 : i32
      %dma_start3A_157 = tpu.memref_slice %arg2[%dma_start3A_155, %dma_start3A_156] : memref<10000x16xf32, #tpu.memory_space<hbm>> -> memref<10000x16xf32, #tpu.memory_space<hbm>>
      tpu.enqueue_indirect_dma source(%dma_start3A_157 : memref<10000x16xf32, #tpu.memory_space<hbm>>) target(%arg24 : memref<40x16xf32, #tpu.memory_space<vmem>>) offsets(%arg14 : memref<40xi32, #tpu.memory_space<vmem>>) semaphore(%arg44 : memref<!tpu.dma_semaphore, #tpu.memory_space<semaphore_mem>>)
      %add3A_158 = arith.constant 160 : i32
      %add3A_159 = arith.addi %add3A_40, %add3A_158 : i32
      %dma_wait3A_160 = tpu.memref_slice %arg3[%add3A_159] : memref<320000xi32, #tpu.memory_space<hbm>> -> memref<40xi32, #tpu.memory_space<hbm>>
      %dma_wait3A_161 = tpu.memref_slice %arg3[%add3A_159] : memref<320000xi32, #tpu.memory_space<hbm>> -> memref<40xi32, #tpu.memory_space<hbm>>
      tpu.wait_dma2 semaphore(%arg30 : memref<!tpu.dma_semaphore, #tpu.memory_space<semaphore_mem>>) src(%dma_wait3A_161 : memref<40xi32, #tpu.memory_space<hbm>>) dst(%arg10 : memref<40xi32, #tpu.memory_space<vmem>>)
      %add3A_162 = arith.constant 160 : i32
      %add3A_163 = arith.addi %add3A_40, %add3A_162 : i32
      %dma_wait3A_164 = tpu.memref_slice %arg4[%add3A_163] : memref<320000xi32, #tpu.memory_space<hbm>> -> memref<40xi32, #tpu.memory_space<hbm>>
      %dma_wait3A_165 = tpu.memref_slice %arg4[%add3A_163] : memref<320000xi32, #tpu.memory_space<hbm>> -> memref<40xi32, #tpu.memory_space<hbm>>
      tpu.wait_dma2 semaphore(%arg35 : memref<!tpu.dma_semaphore, #tpu.memory_space<semaphore_mem>>) src(%dma_wait3A_165 : memref<40xi32, #tpu.memory_space<hbm>>) dst(%arg15 : memref<40xi32, #tpu.memory_space<vmem>>)
      %dma_start3A_166 = arith.constant 0 : i32
      %dma_start3A_167 = arith.constant 0 : i32
      %dma_start3A_168 = tpu.memref_slice %arg2[%dma_start3A_166, %dma_start3A_167] : memref<10000x16xf32, #tpu.memory_space<hbm>> -> memref<10000x16xf32, #tpu.memory_space<hbm>>
      tpu.enqueue_indirect_dma source(%dma_start3A_168 : memref<10000x16xf32, #tpu.memory_space<hbm>>) target(%arg20 : memref<40x16xf32, #tpu.memory_space<vmem>>) offsets(%arg10 : memref<40xi32, #tpu.memory_space<vmem>>) semaphore(%arg40 : memref<!tpu.dma_semaphore, #tpu.memory_space<semaphore_mem>>)
      %dma_start3A_169 = arith.constant 0 : i32
      %dma_start3A_170 = arith.constant 0 : i32
      %dma_start3A_171 = tpu.memref_slice %arg2[%dma_start3A_169, %dma_start3A_170] : memref<10000x16xf32, #tpu.memory_space<hbm>> -> memref<10000x16xf32, #tpu.memory_space<hbm>>
      tpu.enqueue_indirect_dma source(%dma_start3A_171 : memref<10000x16xf32, #tpu.memory_space<hbm>>) target(%arg25 : memref<40x16xf32, #tpu.memory_space<vmem>>) offsets(%arg15 : memref<40xi32, #tpu.memory_space<vmem>>) semaphore(%arg45 : memref<!tpu.dma_semaphore, #tpu.memory_space<semaphore_mem>>)
      %dma_wait3A_172 = arith.constant 0 : i32
      %dma_wait3A_173 = arith.constant 0 : i32
      %dma_wait3A_174 = tpu.memref_slice %arg2[%dma_wait3A_172, %dma_wait3A_173] : memref<10000x16xf32, #tpu.memory_space<hbm>> -> memref<10000x16xf32, #tpu.memory_space<hbm>>
      tpu.wait_indirect_dma semaphore(%arg36 : memref<!tpu.dma_semaphore, #tpu.memory_space<semaphore_mem>>) src(%dma_wait3A_174 : memref<10000x16xf32, #tpu.memory_space<hbm>>) dst(%arg16 : memref<40x16xf32, #tpu.memory_space<vmem>>)
      %dma_wait3A_175 = arith.constant 0 : i32
      %dma_wait3A_176 = arith.constant 0 : i32
      %dma_wait3A_177 = tpu.memref_slice %arg2[%dma_wait3A_175, %dma_wait3A_176] : memref<10000x16xf32, #tpu.memory_space<hbm>> -> memref<10000x16xf32, #tpu.memory_space<hbm>>
      tpu.wait_indirect_dma semaphore(%arg41 : memref<!tpu.dma_semaphore, #tpu.memory_space<semaphore_mem>>) src(%dma_wait3A_177 : memref<10000x16xf32, #tpu.memory_space<hbm>>) dst(%arg21 : memref<40x16xf32, #tpu.memory_space<vmem>>)
      %scan3A_178 = arith.constant 0 : i32
      %scan3A_179 = arith.constant 0 : i32
      %scan3A_180 = arith.constant 40 : i32
      %scan3A_181 = arith.addi %scan3A_179, %scan3A_180 : i32
      %scan3A_182 = arith.constant 1 : i32
      scf.for %scan3A_262 = %scan3A_179 to %scan3A_181 step %scan3A_182  : i32 {
        %get3A = arith.index_cast %scan3A_262 : i32 to index
        %get3A_263 = arith.constant 0 : index
        %get3A_264 = tpu.vector_load %arg21[%get3A, %get3A_263] {strides = array<i32>} : memref<40x16xf32, #tpu.memory_space<vmem>>, vector<1x16xf32>,
        %get3A_265 = vector.shape_cast %get3A_264 : vector<1x16xf32> to vector<16xf32>
        %get3A_266 = arith.index_cast %scan3A_262 : i32 to index
        %get3A_267 = arith.constant 0 : index
        %get3A_268 = tpu.vector_load %arg16[%get3A_266, %get3A_267] {strides = array<i32>} : memref<40x16xf32, #tpu.memory_space<vmem>>, vector<1x16xf32>,
        %get3A_269 = vector.shape_cast %get3A_268 : vector<1x16xf32> to vector<16xf32>
        %sub3A = arith.subf %get3A_265, %get3A_269 : vector<16xf32>
        %swap3A = arith.index_cast %scan3A_262 : i32 to index
        %swap3A_270 = arith.constant 0 : index
        %swap3A_271 = tpu.vector_load %arg21[%swap3A, %swap3A_270] {strides = array<i32>} : memref<40x16xf32, #tpu.memory_space<vmem>>, vector<1x16xf32>,
        %swap3A_272 = vector.shape_cast %swap3A_271 : vector<1x16xf32> to vector<16xf32>
        %swap3A_273 = vector.shape_cast %sub3A : vector<16xf32> to vector<1x16xf32>
        tpu.vector_store %arg21[%swap3A, %swap3A_270], %swap3A_273 {strides = array<i32>} : memref<40x16xf32, #tpu.memory_space<vmem>>, vector<1x16xf32>,
      }
      %scan3A_183 = arith.constant 40 : i32
      %add3A_184 = arith.constant 0 : i32
      %add3A_185 = arith.addi %add3A_40, %add3A_184 : i32
      %dma_start3A_186 = arith.constant 0 : i32
      %dma_start3A_187 = tpu.memref_slice %arg5[%add3A_185, %dma_start3A_186] : memref<320000x16xf32, #tpu.memory_space<hbm>> -> memref<40x16xf32, #tpu.memory_space<hbm>>
      %dma_start3A_188 = arith.constant 0 : i32
      %dma_start3A_189 = tpu.memref_slice %arg5[%add3A_185, %dma_start3A_188] : memref<320000x16xf32, #tpu.memory_space<hbm>> -> memref<40x16xf32, #tpu.memory_space<hbm>>
      tpu.enqueue_dma source(%arg21 : memref<40x16xf32, #tpu.memory_space<vmem>>) target(%dma_start3A_189 : memref<40x16xf32, #tpu.memory_space<hbm>>) target_semaphore(%arg46 : memref<!tpu.dma_semaphore, #tpu.memory_space<semaphore_mem>>)
      %dma_wait3A_190 = arith.constant 0 : i32
      %dma_wait3A_191 = arith.constant 0 : i32
      %dma_wait3A_192 = tpu.memref_slice %arg2[%dma_wait3A_190, %dma_wait3A_191] : memref<10000x16xf32, #tpu.memory_space<hbm>> -> memref<10000x16xf32, #tpu.memory_space<hbm>>
      tpu.wait_indirect_dma semaphore(%arg37 : memref<!tpu.dma_semaphore, #tpu.memory_space<semaphore_mem>>) src(%dma_wait3A_192 : memref<10000x16xf32, #tpu.memory_space<hbm>>) dst(%arg17 : memref<40x16xf32, #tpu.memory_space<vmem>>)
      %dma_wait3A_193 = arith.constant 0 : i32
      %dma_wait3A_194 = arith.constant 0 : i32
      %dma_wait3A_195 = tpu.memref_slice %arg2[%dma_wait3A_193, %dma_wait3A_194] : memref<10000x16xf32, #tpu.memory_space<hbm>> -> memref<10000x16xf32, #tpu.memory_space<hbm>>
      tpu.wait_indirect_dma semaphore(%arg42 : memref<!tpu.dma_semaphore, #tpu.memory_space<semaphore_mem>>) src(%dma_wait3A_195 : memref<10000x16xf32, #tpu.memory_space<hbm>>) dst(%arg22 : memref<40x16xf32, #tpu.memory_space<vmem>>)
      %scan3A_196 = arith.constant 0 : i32
      %scan3A_197 = arith.constant 0 : i32
      %scan3A_198 = arith.constant 40 : i32
      %scan3A_199 = arith.addi %scan3A_197, %scan3A_198 : i32
      %scan3A_200 = arith.constant 1 : i32
      scf.for %scan3A_262 = %scan3A_197 to %scan3A_199 step %scan3A_200  : i32 {
        %get3A = arith.index_cast %scan3A_262 : i32 to index
        %get3A_263 = arith.constant 0 : index
        %get3A_264 = tpu.vector_load %arg22[%get3A, %get3A_263] {strides = array<i32>} : memref<40x16xf32, #tpu.memory_space<vmem>>, vector<1x16xf32>,
        %get3A_265 = vector.shape_cast %get3A_264 : vector<1x16xf32> to vector<16xf32>
        %get3A_266 = arith.index_cast %scan3A_262 : i32 to index
        %get3A_267 = arith.constant 0 : index
        %get3A_268 = tpu.vector_load %arg17[%get3A_266, %get3A_267] {strides = array<i32>} : memref<40x16xf32, #tpu.memory_space<vmem>>, vector<1x16xf32>,
        %get3A_269 = vector.shape_cast %get3A_268 : vector<1x16xf32> to vector<16xf32>
        %sub3A = arith.subf %get3A_265, %get3A_269 : vector<16xf32>
        %swap3A = arith.index_cast %scan3A_262 : i32 to index
        %swap3A_270 = arith.constant 0 : index
        %swap3A_271 = tpu.vector_load %arg22[%swap3A, %swap3A_270] {strides = array<i32>} : memref<40x16xf32, #tpu.memory_space<vmem>>, vector<1x16xf32>,
        %swap3A_272 = vector.shape_cast %swap3A_271 : vector<1x16xf32> to vector<16xf32>
        %swap3A_273 = vector.shape_cast %sub3A : vector<16xf32> to vector<1x16xf32>
        tpu.vector_store %arg22[%swap3A, %swap3A_270], %swap3A_273 {strides = array<i32>} : memref<40x16xf32, #tpu.memory_space<vmem>>, vector<1x16xf32>,
      }
      %scan3A_201 = arith.constant 40 : i32
      %add3A_202 = arith.constant 40 : i32
      %add3A_203 = arith.addi %add3A_40, %add3A_202 : i32
      %dma_start3A_204 = arith.constant 0 : i32
      %dma_start3A_205 = tpu.memref_slice %arg5[%add3A_203, %dma_start3A_204] : memref<320000x16xf32, #tpu.memory_space<hbm>> -> memref<40x16xf32, #tpu.memory_space<hbm>>
      %dma_start3A_206 = arith.constant 0 : i32
      %dma_start3A_207 = tpu.memref_slice %arg5[%add3A_203, %dma_start3A_206] : memref<320000x16xf32, #tpu.memory_space<hbm>> -> memref<40x16xf32, #tpu.memory_space<hbm>>
      tpu.enqueue_dma source(%arg22 : memref<40x16xf32, #tpu.memory_space<vmem>>) target(%dma_start3A_207 : memref<40x16xf32, #tpu.memory_space<hbm>>) target_semaphore(%arg47 : memref<!tpu.dma_semaphore, #tpu.memory_space<semaphore_mem>>)
      %dma_wait3A_208 = arith.constant 0 : i32
      %dma_wait3A_209 = arith.constant 0 : i32
      %dma_wait3A_210 = tpu.memref_slice %arg2[%dma_wait3A_208, %dma_wait3A_209] : memref<10000x16xf32, #tpu.memory_space<hbm>> -> memref<10000x16xf32, #tpu.memory_space<hbm>>
      tpu.wait_indirect_dma semaphore(%arg38 : memref<!tpu.dma_semaphore, #tpu.memory_space<semaphore_mem>>) src(%dma_wait3A_210 : memref<10000x16xf32, #tpu.memory_space<hbm>>) dst(%arg18 : memref<40x16xf32, #tpu.memory_space<vmem>>)
      %dma_wait3A_211 = arith.constant 0 : i32
      %dma_wait3A_212 = arith.constant 0 : i32
      %dma_wait3A_213 = tpu.memref_slice %arg2[%dma_wait3A_211, %dma_wait3A_212] : memref<10000x16xf32, #tpu.memory_space<hbm>> -> memref<10000x16xf32, #tpu.memory_space<hbm>>
      tpu.wait_indirect_dma semaphore(%arg43 : memref<!tpu.dma_semaphore, #tpu.memory_space<semaphore_mem>>) src(%dma_wait3A_213 : memref<10000x16xf32, #tpu.memory_space<hbm>>) dst(%arg23 : memref<40x16xf32, #tpu.memory_space<vmem>>)
      %scan3A_214 = arith.constant 0 : i32
      %scan3A_215 = arith.constant 0 : i32
      %scan3A_216 = arith.constant 40 : i32
      %scan3A_217 = arith.addi %scan3A_215, %scan3A_216 : i32
      %scan3A_218 = arith.constant 1 : i32
      scf.for %scan3A_262 = %scan3A_215 to %scan3A_217 step %scan3A_218  : i32 {
        %get3A = arith.index_cast %scan3A_262 : i32 to index
        %get3A_263 = arith.constant 0 : index
        %get3A_264 = tpu.vector_load %arg23[%get3A, %get3A_263] {strides = array<i32>} : memref<40x16xf32, #tpu.memory_space<vmem>>, vector<1x16xf32>,
        %get3A_265 = vector.shape_cast %get3A_264 : vector<1x16xf32> to vector<16xf32>
        %get3A_266 = arith.index_cast %scan3A_262 : i32 to index
        %get3A_267 = arith.constant 0 : index
        %get3A_268 = tpu.vector_load %arg18[%get3A_266, %get3A_267] {strides = array<i32>} : memref<40x16xf32, #tpu.memory_space<vmem>>, vector<1x16xf32>,
        %get3A_269 = vector.shape_cast %get3A_268 : vector<1x16xf32> to vector<16xf32>
        %sub3A = arith.subf %get3A_265, %get3A_269 : vector<16xf32>
        %swap3A = arith.index_cast %scan3A_262 : i32 to index
        %swap3A_270 = arith.constant 0 : index
        %swap3A_271 = tpu.vector_load %arg23[%swap3A, %swap3A_270] {strides = array<i32>} : memref<40x16xf32, #tpu.memory_space<vmem>>, vector<1x16xf32>,
        %swap3A_272 = vector.shape_cast %swap3A_271 : vector<1x16xf32> to vector<16xf32>
        %swap3A_273 = vector.shape_cast %sub3A : vector<16xf32> to vector<1x16xf32>
        tpu.vector_store %arg23[%swap3A, %swap3A_270], %swap3A_273 {strides = array<i32>} : memref<40x16xf32, #tpu.memory_space<vmem>>, vector<1x16xf32>,
      }
      %scan3A_219 = arith.constant 40 : i32
      %add3A_220 = arith.constant 80 : i32
      %add3A_221 = arith.addi %add3A_40, %add3A_220 : i32
      %dma_start3A_222 = arith.constant 0 : i32
      %dma_start3A_223 = tpu.memref_slice %arg5[%add3A_221, %dma_start3A_222] : memref<320000x16xf32, #tpu.memory_space<hbm>> -> memref<40x16xf32, #tpu.memory_space<hbm>>
      %dma_start3A_224 = arith.constant 0 : i32
      %dma_start3A_225 = tpu.memref_slice %arg5[%add3A_221, %dma_start3A_224] : memref<320000x16xf32, #tpu.memory_space<hbm>> -> memref<40x16xf32, #tpu.memory_space<hbm>>
      tpu.enqueue_dma source(%arg23 : memref<40x16xf32, #tpu.memory_space<vmem>>) target(%dma_start3A_225 : memref<40x16xf32, #tpu.memory_space<hbm>>) target_semaphore(%arg48 : memref<!tpu.dma_semaphore, #tpu.memory_space<semaphore_mem>>)
      %dma_wait3A_226 = arith.constant 0 : i32
      %dma_wait3A_227 = arith.constant 0 : i32
      %dma_wait3A_228 = tpu.memref_slice %arg2[%dma_wait3A_226, %dma_wait3A_227] : memref<10000x16xf32, #tpu.memory_space<hbm>> -> memref<10000x16xf32, #tpu.memory_space<hbm>>
      tpu.wait_indirect_dma semaphore(%arg39 : memref<!tpu.dma_semaphore, #tpu.memory_space<semaphore_mem>>) src(%dma_wait3A_228 : memref<10000x16xf32, #tpu.memory_space<hbm>>) dst(%arg19 : memref<40x16xf32, #tpu.memory_space<vmem>>)
      %dma_wait3A_229 = arith.constant 0 : i32
      %dma_wait3A_230 = arith.constant 0 : i32
      %dma_wait3A_231 = tpu.memref_slice %arg2[%dma_wait3A_229, %dma_wait3A_230] : memref<10000x16xf32, #tpu.memory_space<hbm>> -> memref<10000x16xf32, #tpu.memory_space<hbm>>
      tpu.wait_indirect_dma semaphore(%arg44 : memref<!tpu.dma_semaphore, #tpu.memory_space<semaphore_mem>>) src(%dma_wait3A_231 : memref<10000x16xf32, #tpu.memory_space<hbm>>) dst(%arg24 : memref<40x16xf32, #tpu.memory_space<vmem>>)
      %scan3A_232 = arith.constant 0 : i32
      %scan3A_233 = arith.constant 0 : i32
      %scan3A_234 = arith.constant 40 : i32
      %scan3A_235 = arith.addi %scan3A_233, %scan3A_234 : i32
      %scan3A_236 = arith.constant 1 : i32
      scf.for %scan3A_262 = %scan3A_233 to %scan3A_235 step %scan3A_236  : i32 {
        %get3A = arith.index_cast %scan3A_262 : i32 to index
        %get3A_263 = arith.constant 0 : index
        %get3A_264 = tpu.vector_load %arg24[%get3A, %get3A_263] {strides = array<i32>} : memref<40x16xf32, #tpu.memory_space<vmem>>, vector<1x16xf32>,
        %get3A_265 = vector.shape_cast %get3A_264 : vector<1x16xf32> to vector<16xf32>
        %get3A_266 = arith.index_cast %scan3A_262 : i32 to index
        %get3A_267 = arith.constant 0 : index
        %get3A_268 = tpu.vector_load %arg19[%get3A_266, %get3A_267] {strides = array<i32>} : memref<40x16xf32, #tpu.memory_space<vmem>>, vector<1x16xf32>,
        %get3A_269 = vector.shape_cast %get3A_268 : vector<1x16xf32> to vector<16xf32>
        %sub3A = arith.subf %get3A_265, %get3A_269 : vector<16xf32>
        %swap3A = arith.index_cast %scan3A_262 : i32 to index
        %swap3A_270 = arith.constant 0 : index
        %swap3A_271 = tpu.vector_load %arg24[%swap3A, %swap3A_270] {strides = array<i32>} : memref<40x16xf32, #tpu.memory_space<vmem>>, vector<1x16xf32>,
        %swap3A_272 = vector.shape_cast %swap3A_271 : vector<1x16xf32> to vector<16xf32>
        %swap3A_273 = vector.shape_cast %sub3A : vector<16xf32> to vector<1x16xf32>
        tpu.vector_store %arg24[%swap3A, %swap3A_270], %swap3A_273 {strides = array<i32>} : memref<40x16xf32, #tpu.memory_space<vmem>>, vector<1x16xf32>,
      }
      %scan3A_237 = arith.constant 40 : i32
      %add3A_238 = arith.constant 120 : i32
      %add3A_239 = arith.addi %add3A_40, %add3A_238 : i32
      %dma_start3A_240 = arith.constant 0 : i32
      %dma_start3A_241 = tpu.memref_slice %arg5[%add3A_239, %dma_start3A_240] : memref<320000x16xf32, #tpu.memory_space<hbm>> -> memref<40x16xf32, #tpu.memory_space<hbm>>
      %dma_start3A_242 = arith.constant 0 : i32
      %dma_start3A_243 = tpu.memref_slice %arg5[%add3A_239, %dma_start3A_242] : memref<320000x16xf32, #tpu.memory_space<hbm>> -> memref<40x16xf32, #tpu.memory_space<hbm>>
      tpu.enqueue_dma source(%arg24 : memref<40x16xf32, #tpu.memory_space<vmem>>) target(%dma_start3A_243 : memref<40x16xf32, #tpu.memory_space<hbm>>) target_semaphore(%arg49 : memref<!tpu.dma_semaphore, #tpu.memory_space<semaphore_mem>>)
      %dma_wait3A_244 = arith.constant 0 : i32
      %dma_wait3A_245 = arith.constant 0 : i32
      %dma_wait3A_246 = tpu.memref_slice %arg2[%dma_wait3A_244, %dma_wait3A_245] : memref<10000x16xf32, #tpu.memory_space<hbm>> -> memref<10000x16xf32, #tpu.memory_space<hbm>>
      tpu.wait_indirect_dma semaphore(%arg40 : memref<!tpu.dma_semaphore, #tpu.memory_space<semaphore_mem>>) src(%dma_wait3A_246 : memref<10000x16xf32, #tpu.memory_space<hbm>>) dst(%arg20 : memref<40x16xf32, #tpu.memory_space<vmem>>)
      %dma_wait3A_247 = arith.constant 0 : i32
      %dma_wait3A_248 = arith.constant 0 : i32
      %dma_wait3A_249 = tpu.memref_slice %arg2[%dma_wait3A_247, %dma_wait3A_248] : memref<10000x16xf32, #tpu.memory_space<hbm>> -> memref<10000x16xf32, #tpu.memory_space<hbm>>
      tpu.wait_indirect_dma semaphore(%arg45 : memref<!tpu.dma_semaphore, #tpu.memory_space<semaphore_mem>>) src(%dma_wait3A_249 : memref<10000x16xf32, #tpu.memory_space<hbm>>) dst(%arg25 : memref<40x16xf32, #tpu.memory_space<vmem>>)
      %scan3A_250 = arith.constant 0 : i32
      %scan3A_251 = arith.constant 0 : i32
      %scan3A_252 = arith.constant 40 : i32
      %scan3A_253 = arith.addi %scan3A_251, %scan3A_252 : i32
      %scan3A_254 = arith.constant 1 : i32
      scf.for %scan3A_262 = %scan3A_251 to %scan3A_253 step %scan3A_254  : i32 {
        %get3A = arith.index_cast %scan3A_262 : i32 to index
        %get3A_263 = arith.constant 0 : index
        %get3A_264 = tpu.vector_load %arg25[%get3A, %get3A_263] {strides = array<i32>} : memref<40x16xf32, #tpu.memory_space<vmem>>, vector<1x16xf32>,
        %get3A_265 = vector.shape_cast %get3A_264 : vector<1x16xf32> to vector<16xf32>
        %get3A_266 = arith.index_cast %scan3A_262 : i32 to index
        %get3A_267 = arith.constant 0 : index
        %get3A_268 = tpu.vector_load %arg20[%get3A_266, %get3A_267] {strides = array<i32>} : memref<40x16xf32, #tpu.memory_space<vmem>>, vector<1x16xf32>,
        %get3A_269 = vector.shape_cast %get3A_268 : vector<1x16xf32> to vector<16xf32>
        %sub3A = arith.subf %get3A_265, %get3A_269 : vector<16xf32>
        %swap3A = arith.index_cast %scan3A_262 : i32 to index
        %swap3A_270 = arith.constant 0 : index
        %swap3A_271 = tpu.vector_load %arg25[%swap3A, %swap3A_270] {strides = array<i32>} : memref<40x16xf32, #tpu.memory_space<vmem>>, vector<1x16xf32>,
        %swap3A_272 = vector.shape_cast %swap3A_271 : vector<1x16xf32> to vector<16xf32>
        %swap3A_273 = vector.shape_cast %sub3A : vector<16xf32> to vector<1x16xf32>
        tpu.vector_store %arg25[%swap3A, %swap3A_270], %swap3A_273 {strides = array<i32>} : memref<40x16xf32, #tpu.memory_space<vmem>>, vector<1x16xf32>,
      }
      %scan3A_255 = arith.constant 40 : i32
      %add3A_256 = arith.constant 160 : i32
      %add3A_257 = arith.addi %add3A_40, %add3A_256 : i32
      %dma_start3A_258 = arith.constant 0 : i32
      %dma_start3A_259 = tpu.memref_slice %arg5[%add3A_257, %dma_start3A_258] : memref<320000x16xf32, #tpu.memory_space<hbm>> -> memref<40x16xf32, #tpu.memory_space<hbm>>
      %dma_start3A_260 = arith.constant 0 : i32
      %dma_start3A_261 = tpu.memref_slice %arg5[%add3A_257, %dma_start3A_260] : memref<320000x16xf32, #tpu.memory_space<hbm>> -> memref<40x16xf32, #tpu.memory_space<hbm>>
      tpu.enqueue_dma source(%arg25 : memref<40x16xf32, #tpu.memory_space<vmem>>) target(%dma_start3A_261 : memref<40x16xf32, #tpu.memory_space<hbm>>) target_semaphore(%arg50 : memref<!tpu.dma_semaphore, #tpu.memory_space<semaphore_mem>>)
    }
    %scan3A_5 = arith.constant 50 : i32
    %dma_wait3A = arith.constant 0 : i32
    %dma_wait3A_6 = arith.constant 0 : i32
    %dma_wait3A_7 = tpu.memref_slice %arg5[%dma_wait3A, %dma_wait3A_6] : memref<320000x16xf32, #tpu.memory_space<hbm>> -> memref<40x16xf32, #tpu.memory_space<hbm>>
    %dma_wait3A_8 = arith.constant 0 : i32
    %dma_wait3A_9 = arith.constant 0 : i32
    %dma_wait3A_10 = tpu.memref_slice %arg5[%dma_wait3A_8, %dma_wait3A_9] : memref<320000x16xf32, #tpu.memory_space<hbm>> -> memref<40x16xf32, #tpu.memory_space<hbm>>
    tpu.wait_dma2 semaphore(%arg46 : memref<!tpu.dma_semaphore, #tpu.memory_space<semaphore_mem>>) src(%arg21 : memref<40x16xf32, #tpu.memory_space<vmem>>) dst(%dma_wait3A_10 : memref<40x16xf32, #tpu.memory_space<hbm>>)
    %dma_wait3A_11 = arith.constant 0 : i32
    %dma_wait3A_12 = arith.constant 0 : i32
    %dma_wait3A_13 = tpu.memref_slice %arg5[%dma_wait3A_11, %dma_wait3A_12] : memref<320000x16xf32, #tpu.memory_space<hbm>> -> memref<40x16xf32, #tpu.memory_space<hbm>>
    %dma_wait3A_14 = arith.constant 0 : i32
    %dma_wait3A_15 = arith.constant 0 : i32
    %dma_wait3A_16 = tpu.memref_slice %arg5[%dma_wait3A_14, %dma_wait3A_15] : memref<320000x16xf32, #tpu.memory_space<hbm>> -> memref<40x16xf32, #tpu.memory_space<hbm>>
    tpu.wait_dma2 semaphore(%arg47 : memref<!tpu.dma_semaphore, #tpu.memory_space<semaphore_mem>>) src(%arg22 : memref<40x16xf32, #tpu.memory_space<vmem>>) dst(%dma_wait3A_16 : memref<40x16xf32, #tpu.memory_space<hbm>>)
    %dma_wait3A_17 = arith.constant 0 : i32
    %dma_wait3A_18 = arith.constant 0 : i32
    %dma_wait3A_19 = tpu.memref_slice %arg5[%dma_wait3A_17, %dma_wait3A_18] : memref<320000x16xf32, #tpu.memory_space<hbm>> -> memref<40x16xf32, #tpu.memory_space<hbm>>
    %dma_wait3A_20 = arith.constant 0 : i32
    %dma_wait3A_21 = arith.constant 0 : i32
    %dma_wait3A_22 = tpu.memref_slice %arg5[%dma_wait3A_20, %dma_wait3A_21] : memref<320000x16xf32, #tpu.memory_space<hbm>> -> memref<40x16xf32, #tpu.memory_space<hbm>>
    tpu.wait_dma2 semaphore(%arg48 : memref<!tpu.dma_semaphore, #tpu.memory_space<semaphore_mem>>) src(%arg23 : memref<40x16xf32, #tpu.memory_space<vmem>>) dst(%dma_wait3A_22 : memref<40x16xf32, #tpu.memory_space<hbm>>)
    %dma_wait3A_23 = arith.constant 0 : i32
    %dma_wait3A_24 = arith.constant 0 : i32
    %dma_wait3A_25 = tpu.memref_slice %arg5[%dma_wait3A_23, %dma_wait3A_24] : memref<320000x16xf32, #tpu.memory_space<hbm>> -> memref<40x16xf32, #tpu.memory_space<hbm>>
    %dma_wait3A_26 = arith.constant 0 : i32
    %dma_wait3A_27 = arith.constant 0 : i32
    %dma_wait3A_28 = tpu.memref_slice %arg5[%dma_wait3A_26, %dma_wait3A_27] : memref<320000x16xf32, #tpu.memory_space<hbm>> -> memref<40x16xf32, #tpu.memory_space<hbm>>
    tpu.wait_dma2 semaphore(%arg49 : memref<!tpu.dma_semaphore, #tpu.memory_space<semaphore_mem>>) src(%arg24 : memref<40x16xf32, #tpu.memory_space<vmem>>) dst(%dma_wait3A_28 : memref<40x16xf32, #tpu.memory_space<hbm>>)
    %dma_wait3A_29 = arith.constant 0 : i32
    %dma_wait3A_30 = arith.constant 0 : i32
    %dma_wait3A_31 = tpu.memref_slice %arg5[%dma_wait3A_29, %dma_wait3A_30] : memref<320000x16xf32, #tpu.memory_space<hbm>> -> memref<40x16xf32, #tpu.memory_space<hbm>>
    %dma_wait3A_32 = arith.constant 0 : i32
    %dma_wait3A_33 = arith.constant 0 : i32
    %dma_wait3A_34 = tpu.memref_slice %arg5[%dma_wait3A_32, %dma_wait3A_33] : memref<320000x16xf32, #tpu.memory_space<hbm>> -> memref<40x16xf32, #tpu.memory_space<hbm>>
    tpu.wait_dma2 semaphore(%arg50 : memref<!tpu.dma_semaphore, #tpu.memory_space<semaphore_mem>>) src(%arg25 : memref<40x16xf32, #tpu.memory_space<vmem>>) dst(%dma_wait3A_34 : memref<40x16xf32, #tpu.memory_space<hbm>>)
    return
  }
}

#map = affine_map<(d0, d1) -> (0, 0)>
#map1 = affine_map<(d0, d1) -> (0, 0, 0)>
#map2 = affine_map<(d0, d1) -> (0)>
module attributes {stable_mosaic.version = 14 : i64} {
  func.func @_msg_body(%arg0: i32, %arg1: i32, %arg2: memref<10000x64xi32, #tpu.memory_space<hbm>>, %arg3: memref<2x327680x64xi32, #tpu.memory_space<hbm>>, %arg4: memref<320000xi32, #tpu.memory_space<hbm>>, %arg5: memref<320000xi32, #tpu.memory_space<hbm>>, %arg6: memref<625x128xf32, #tpu.memory_space<hbm>>, %arg7: memref<2x10000x128xf32, #tpu.memory_space<hbm>>, %arg8: memref<40xi32, #tpu.memory_space<vmem>>, %arg9: memref<40xi32, #tpu.memory_space<vmem>>, %arg10: memref<40xi32, #tpu.memory_space<vmem>>, %arg11: memref<40xi32, #tpu.memory_space<vmem>>, %arg12: memref<40xi32, #tpu.memory_space<vmem>>, %arg13: memref<40xi32, #tpu.memory_space<vmem>>, %arg14: memref<40xi32, #tpu.memory_space<vmem>>, %arg15: memref<40xi32, #tpu.memory_space<vmem>>, %arg16: memref<40x64xi32, #tpu.memory_space<vmem>>, %arg17: memref<40x64xi32, #tpu.memory_space<vmem>>, %arg18: memref<40x64xi32, #tpu.memory_space<vmem>>, %arg19: memref<40x64xi32, #tpu.memory_space<vmem>>, %arg20: memref<40x64xi32, #tpu.memory_space<vmem>>, %arg21: memref<40x64xi32, #tpu.memory_space<vmem>>, %arg22: memref<40x64xi32, #tpu.memory_space<vmem>>, %arg23: memref<40x64xi32, #tpu.memory_space<vmem>>, %arg24: memref<40x128xf32, #tpu.memory_space<vmem>>, %arg25: memref<40x128xf32, #tpu.memory_space<vmem>>, %arg26: memref<40x128xf32, #tpu.memory_space<vmem>>, %arg27: memref<40x128xf32, #tpu.memory_space<vmem>>, %arg28: memref<10000x128xf32, #tpu.memory_space<vmem_shared>>, %arg29: memref<!tpu.dma_semaphore, #tpu.memory_space<semaphore_mem>>, %arg30: memref<!tpu.dma_semaphore, #tpu.memory_space<semaphore_mem>>, %arg31: memref<!tpu.dma_semaphore, #tpu.memory_space<semaphore_mem>>, %arg32: memref<!tpu.dma_semaphore, #tpu.memory_space<semaphore_mem>>, %arg33: memref<!tpu.dma_semaphore, #tpu.memory_space<semaphore_mem>>, %arg34: memref<!tpu.dma_semaphore, #tpu.memory_space<semaphore_mem>>, %arg35: memref<!tpu.dma_semaphore, #tpu.memory_space<semaphore_mem>>, %arg36: memref<!tpu.dma_semaphore, #tpu.memory_space<semaphore_mem>>, %arg37: memref<!tpu.dma_semaphore, #tpu.memory_space<semaphore_mem>>, %arg38: memref<!tpu.dma_semaphore, #tpu.memory_space<semaphore_mem>>, %arg39: memref<!tpu.dma_semaphore, #tpu.memory_space<semaphore_mem>>, %arg40: memref<!tpu.dma_semaphore, #tpu.memory_space<semaphore_mem>>, %arg41: memref<!tpu.dma_semaphore, #tpu.memory_space<semaphore_mem>>, %arg42: memref<!tpu.dma_semaphore, #tpu.memory_space<semaphore_mem>>, %arg43: memref<!tpu.dma_semaphore, #tpu.memory_space<semaphore_mem>>, %arg44: memref<!tpu.dma_semaphore, #tpu.memory_space<semaphore_mem>>, %arg45: memref<!tpu.dma_semaphore, #tpu.memory_space<semaphore_mem>>, %arg46: memref<!tpu.dma_semaphore, #tpu.memory_space<semaphore_mem>>, %arg47: memref<!tpu.dma_semaphore, #tpu.memory_space<semaphore_mem>>, %arg48: memref<!tpu.dma_semaphore, #tpu.memory_space<semaphore_mem>>) attributes {dimension_semantics = [#tpu.dimension_semantics<core_parallel>, #tpu.dimension_semantics<subcore_parallel>], iteration_bounds = array<i64: 2, 16>, scalar_prefetch = 0 : i64, scratch_operands = 41 : i64, tpu.core_type = #tpu.core_type<sc_vector_subcore>, window_params = [{transform_indices = #map}, {transform_indices = #map1}, {transform_indices = #map2}, {transform_indices = #map2}, {transform_indices = #map}, {transform_indices = #map1}]} {
    %mul3A = arith.constant 625 : i32
    %mul3A_0 = arith.muli %arg1, %mul3A : i32
    "tpu.region"() ({
      %run_scoped3A = tpu.sem_alloc : memref<!tpu.dma_semaphore, #tpu.memory_space<semaphore_mem>>
      %dma_start3A = arith.constant 0 : i32
      %dma_start3A_22 = tpu.memref_slice %arg28[%mul3A_0, %dma_start3A] : memref<10000x128xf32, #tpu.memory_space<vmem_shared>> -> memref<625x128xf32, #tpu.memory_space<vmem_shared>>
      tpu.enqueue_dma source(%arg6 : memref<625x128xf32, #tpu.memory_space<hbm>>) target(%dma_start3A_22 : memref<625x128xf32, #tpu.memory_space<vmem_shared>>) target_semaphore(%run_scoped3A : memref<!tpu.dma_semaphore, #tpu.memory_space<semaphore_mem>>)
      %dma_wait3A_23 = arith.constant 0 : i32
      %dma_wait3A_24 = tpu.memref_slice %arg28[%mul3A_0, %dma_wait3A_23] : memref<10000x128xf32, #tpu.memory_space<vmem_shared>> -> memref<625x128xf32, #tpu.memory_space<vmem_shared>>
      tpu.wait_dma2 semaphore(%run_scoped3A : memref<!tpu.dma_semaphore, #tpu.memory_space<semaphore_mem>>) src(%arg6 : memref<625x128xf32, #tpu.memory_space<hbm>>) dst(%dma_wait3A_24 : memref<625x128xf32, #tpu.memory_space<vmem_shared>>)
      tpu.yield
    }) : () -> ()
    %barrier3A = arith.constant 0 : index
    tpu.barrier barrier_id(%barrier3A)
    %scan3A = arith.constant 0 : i32
    %scan3A_1 = arith.constant 0 : i32
    %scan3A_2 = arith.constant 125 : i32
    %scan3A_3 = arith.addi %scan3A_1, %scan3A_2 : i32
    %scan3A_4 = arith.constant 1 : i32
    scf.for %scan3A_22 = %scan3A_1 to %scan3A_3 step %scan3A_4  : i32 {
      %mul3A_23 = arith.constant 20000 : i32
      %mul3A_24 = arith.muli %arg1, %mul3A_23 : i32
      %mul3A_25 = arith.constant 160 : i32
      %mul3A_26 = arith.muli %scan3A_22, %mul3A_25 : i32
      %add3A = arith.addi %mul3A_24, %mul3A_26 : i32
      %gt3A = arith.constant 0 : i32
      %gt3A_27 = arith.cmpi sgt, %scan3A_22, %gt3A : i32
      %convert_element_type3A = arith.extui %gt3A_27 : i1 to i32
      %cond3A = arith.constant 0 : i32
      %cond3A_28 = arith.cmpi ne, %convert_element_type3A, %cond3A : i32
      scf.if %cond3A_28 {
        %dma_wait3A_231 = arith.constant 0 : i32
        %dma_wait3A_232 = arith.constant 0 : i32
        %dma_wait3A_233 = tpu.memref_slice %arg28[%dma_wait3A_231, %dma_wait3A_232] : memref<10000x128xf32, #tpu.memory_space<vmem_shared>> -> memref<10000x128xf32, #tpu.memory_space<vmem_shared>>
        tpu.wait_indirect_dma semaphore(%arg45 : memref<!tpu.dma_semaphore, #tpu.memory_space<semaphore_mem>>) src(%arg24 : memref<40x128xf32, #tpu.memory_space<vmem>>) dst(%dma_wait3A_233 : memref<10000x128xf32, #tpu.memory_space<vmem_shared>>)
      } else {
      }
      %add3A_29 = arith.constant 0 : i32
      %add3A_30 = arith.addi %add3A, %add3A_29 : i32
      %dma_start3A = tpu.memref_slice %arg4[%add3A_30] : memref<320000xi32, #tpu.memory_space<hbm>> -> memref<40xi32, #tpu.memory_space<hbm>>
      %dma_start3A_31 = tpu.memref_slice %arg4[%add3A_30] : memref<320000xi32, #tpu.memory_space<hbm>> -> memref<40xi32, #tpu.memory_space<hbm>>
      tpu.enqueue_dma source(%dma_start3A_31 : memref<40xi32, #tpu.memory_space<hbm>>) target(%arg8 : memref<40xi32, #tpu.memory_space<vmem>>) target_semaphore(%arg29 : memref<!tpu.dma_semaphore, #tpu.memory_space<semaphore_mem>>)
      %add3A_32 = arith.constant 0 : i32
      %add3A_33 = arith.addi %add3A, %add3A_32 : i32
      %dma_start3A_34 = tpu.memref_slice %arg5[%add3A_33] : memref<320000xi32, #tpu.memory_space<hbm>> -> memref<40xi32, #tpu.memory_space<hbm>>
      %dma_start3A_35 = tpu.memref_slice %arg5[%add3A_33] : memref<320000xi32, #tpu.memory_space<hbm>> -> memref<40xi32, #tpu.memory_space<hbm>>
      tpu.enqueue_dma source(%dma_start3A_35 : memref<40xi32, #tpu.memory_space<hbm>>) target(%arg12 : memref<40xi32, #tpu.memory_space<vmem>>) target_semaphore(%arg33 : memref<!tpu.dma_semaphore, #tpu.memory_space<semaphore_mem>>)
      %gt3A_36 = arith.constant 0 : i32
      %gt3A_37 = arith.cmpi sgt, %scan3A_22, %gt3A_36 : i32
      %convert_element_type3A_38 = arith.extui %gt3A_37 : i1 to i32
      %cond3A_39 = arith.constant 0 : i32
      %cond3A_40 = arith.cmpi ne, %convert_element_type3A_38, %cond3A_39 : i32
      scf.if %cond3A_40 {
        %dma_wait3A_231 = arith.constant 0 : i32
        %dma_wait3A_232 = arith.constant 0 : i32
        %dma_wait3A_233 = tpu.memref_slice %arg28[%dma_wait3A_231, %dma_wait3A_232] : memref<10000x128xf32, #tpu.memory_space<vmem_shared>> -> memref<10000x128xf32, #tpu.memory_space<vmem_shared>>
        tpu.wait_indirect_dma semaphore(%arg46 : memref<!tpu.dma_semaphore, #tpu.memory_space<semaphore_mem>>) src(%arg25 : memref<40x128xf32, #tpu.memory_space<vmem>>) dst(%dma_wait3A_233 : memref<10000x128xf32, #tpu.memory_space<vmem_shared>>)
      } else {
      }
      %add3A_41 = arith.constant 40 : i32
      %add3A_42 = arith.addi %add3A, %add3A_41 : i32
      %dma_start3A_43 = tpu.memref_slice %arg4[%add3A_42] : memref<320000xi32, #tpu.memory_space<hbm>> -> memref<40xi32, #tpu.memory_space<hbm>>
      %dma_start3A_44 = tpu.memref_slice %arg4[%add3A_42] : memref<320000xi32, #tpu.memory_space<hbm>> -> memref<40xi32, #tpu.memory_space<hbm>>
      tpu.enqueue_dma source(%dma_start3A_44 : memref<40xi32, #tpu.memory_space<hbm>>) target(%arg9 : memref<40xi32, #tpu.memory_space<vmem>>) target_semaphore(%arg30 : memref<!tpu.dma_semaphore, #tpu.memory_space<semaphore_mem>>)
      %add3A_45 = arith.constant 40 : i32
      %add3A_46 = arith.addi %add3A, %add3A_45 : i32
      %dma_start3A_47 = tpu.memref_slice %arg5[%add3A_46] : memref<320000xi32, #tpu.memory_space<hbm>> -> memref<40xi32, #tpu.memory_space<hbm>>
      %dma_start3A_48 = tpu.memref_slice %arg5[%add3A_46] : memref<320000xi32, #tpu.memory_space<hbm>> -> memref<40xi32, #tpu.memory_space<hbm>>
      tpu.enqueue_dma source(%dma_start3A_48 : memref<40xi32, #tpu.memory_space<hbm>>) target(%arg13 : memref<40xi32, #tpu.memory_space<vmem>>) target_semaphore(%arg34 : memref<!tpu.dma_semaphore, #tpu.memory_space<semaphore_mem>>)
      %gt3A_49 = arith.constant 0 : i32
      %gt3A_50 = arith.cmpi sgt, %scan3A_22, %gt3A_49 : i32
      %convert_element_type3A_51 = arith.extui %gt3A_50 : i1 to i32
      %cond3A_52 = arith.constant 0 : i32
      %cond3A_53 = arith.cmpi ne, %convert_element_type3A_51, %cond3A_52 : i32
      scf.if %cond3A_53 {
        %dma_wait3A_231 = arith.constant 0 : i32
        %dma_wait3A_232 = arith.constant 0 : i32
        %dma_wait3A_233 = tpu.memref_slice %arg28[%dma_wait3A_231, %dma_wait3A_232] : memref<10000x128xf32, #tpu.memory_space<vmem_shared>> -> memref<10000x128xf32, #tpu.memory_space<vmem_shared>>
        tpu.wait_indirect_dma semaphore(%arg47 : memref<!tpu.dma_semaphore, #tpu.memory_space<semaphore_mem>>) src(%arg26 : memref<40x128xf32, #tpu.memory_space<vmem>>) dst(%dma_wait3A_233 : memref<10000x128xf32, #tpu.memory_space<vmem_shared>>)
      } else {
      }
      %add3A_54 = arith.constant 80 : i32
      %add3A_55 = arith.addi %add3A, %add3A_54 : i32
      %dma_start3A_56 = tpu.memref_slice %arg4[%add3A_55] : memref<320000xi32, #tpu.memory_space<hbm>> -> memref<40xi32, #tpu.memory_space<hbm>>
      %dma_start3A_57 = tpu.memref_slice %arg4[%add3A_55] : memref<320000xi32, #tpu.memory_space<hbm>> -> memref<40xi32, #tpu.memory_space<hbm>>
      tpu.enqueue_dma source(%dma_start3A_57 : memref<40xi32, #tpu.memory_space<hbm>>) target(%arg10 : memref<40xi32, #tpu.memory_space<vmem>>) target_semaphore(%arg31 : memref<!tpu.dma_semaphore, #tpu.memory_space<semaphore_mem>>)
      %add3A_58 = arith.constant 80 : i32
      %add3A_59 = arith.addi %add3A, %add3A_58 : i32
      %dma_start3A_60 = tpu.memref_slice %arg5[%add3A_59] : memref<320000xi32, #tpu.memory_space<hbm>> -> memref<40xi32, #tpu.memory_space<hbm>>
      %dma_start3A_61 = tpu.memref_slice %arg5[%add3A_59] : memref<320000xi32, #tpu.memory_space<hbm>> -> memref<40xi32, #tpu.memory_space<hbm>>
      tpu.enqueue_dma source(%dma_start3A_61 : memref<40xi32, #tpu.memory_space<hbm>>) target(%arg14 : memref<40xi32, #tpu.memory_space<vmem>>) target_semaphore(%arg35 : memref<!tpu.dma_semaphore, #tpu.memory_space<semaphore_mem>>)
      %gt3A_62 = arith.constant 0 : i32
      %gt3A_63 = arith.cmpi sgt, %scan3A_22, %gt3A_62 : i32
      %convert_element_type3A_64 = arith.extui %gt3A_63 : i1 to i32
      %cond3A_65 = arith.constant 0 : i32
      %cond3A_66 = arith.cmpi ne, %convert_element_type3A_64, %cond3A_65 : i32
      scf.if %cond3A_66 {
        %dma_wait3A_231 = arith.constant 0 : i32
        %dma_wait3A_232 = arith.constant 0 : i32
        %dma_wait3A_233 = tpu.memref_slice %arg28[%dma_wait3A_231, %dma_wait3A_232] : memref<10000x128xf32, #tpu.memory_space<vmem_shared>> -> memref<10000x128xf32, #tpu.memory_space<vmem_shared>>
        tpu.wait_indirect_dma semaphore(%arg48 : memref<!tpu.dma_semaphore, #tpu.memory_space<semaphore_mem>>) src(%arg27 : memref<40x128xf32, #tpu.memory_space<vmem>>) dst(%dma_wait3A_233 : memref<10000x128xf32, #tpu.memory_space<vmem_shared>>)
      } else {
      }
      %add3A_67 = arith.constant 120 : i32
      %add3A_68 = arith.addi %add3A, %add3A_67 : i32
      %dma_start3A_69 = tpu.memref_slice %arg4[%add3A_68] : memref<320000xi32, #tpu.memory_space<hbm>> -> memref<40xi32, #tpu.memory_space<hbm>>
      %dma_start3A_70 = tpu.memref_slice %arg4[%add3A_68] : memref<320000xi32, #tpu.memory_space<hbm>> -> memref<40xi32, #tpu.memory_space<hbm>>
      tpu.enqueue_dma source(%dma_start3A_70 : memref<40xi32, #tpu.memory_space<hbm>>) target(%arg11 : memref<40xi32, #tpu.memory_space<vmem>>) target_semaphore(%arg32 : memref<!tpu.dma_semaphore, #tpu.memory_space<semaphore_mem>>)
      %add3A_71 = arith.constant 120 : i32
      %add3A_72 = arith.addi %add3A, %add3A_71 : i32
      %dma_start3A_73 = tpu.memref_slice %arg5[%add3A_72] : memref<320000xi32, #tpu.memory_space<hbm>> -> memref<40xi32, #tpu.memory_space<hbm>>
      %dma_start3A_74 = tpu.memref_slice %arg5[%add3A_72] : memref<320000xi32, #tpu.memory_space<hbm>> -> memref<40xi32, #tpu.memory_space<hbm>>
      tpu.enqueue_dma source(%dma_start3A_74 : memref<40xi32, #tpu.memory_space<hbm>>) target(%arg15 : memref<40xi32, #tpu.memory_space<vmem>>) target_semaphore(%arg36 : memref<!tpu.dma_semaphore, #tpu.memory_space<semaphore_mem>>)
      %add3A_75 = arith.constant 0 : i32
      %add3A_76 = arith.addi %add3A, %add3A_75 : i32
      %dma_wait3A_77 = tpu.memref_slice %arg4[%add3A_76] : memref<320000xi32, #tpu.memory_space<hbm>> -> memref<40xi32, #tpu.memory_space<hbm>>
      %dma_wait3A_78 = tpu.memref_slice %arg4[%add3A_76] : memref<320000xi32, #tpu.memory_space<hbm>> -> memref<40xi32, #tpu.memory_space<hbm>>
      tpu.wait_dma2 semaphore(%arg29 : memref<!tpu.dma_semaphore, #tpu.memory_space<semaphore_mem>>) src(%dma_wait3A_78 : memref<40xi32, #tpu.memory_space<hbm>>) dst(%arg8 : memref<40xi32, #tpu.memory_space<vmem>>)
      %add3A_79 = arith.constant 0 : i32
      %add3A_80 = arith.addi %add3A, %add3A_79 : i32
      %dma_wait3A_81 = tpu.memref_slice %arg5[%add3A_80] : memref<320000xi32, #tpu.memory_space<hbm>> -> memref<40xi32, #tpu.memory_space<hbm>>
      %dma_wait3A_82 = tpu.memref_slice %arg5[%add3A_80] : memref<320000xi32, #tpu.memory_space<hbm>> -> memref<40xi32, #tpu.memory_space<hbm>>
      tpu.wait_dma2 semaphore(%arg33 : memref<!tpu.dma_semaphore, #tpu.memory_space<semaphore_mem>>) src(%dma_wait3A_82 : memref<40xi32, #tpu.memory_space<hbm>>) dst(%arg12 : memref<40xi32, #tpu.memory_space<vmem>>)
      %dma_start3A_83 = arith.constant 0 : i32
      %dma_start3A_84 = arith.constant 0 : i32
      %dma_start3A_85 = tpu.memref_slice %arg2[%dma_start3A_83, %dma_start3A_84] : memref<10000x64xi32, #tpu.memory_space<hbm>> -> memref<10000x64xi32, #tpu.memory_space<hbm>>
      tpu.enqueue_indirect_dma source(%dma_start3A_85 : memref<10000x64xi32, #tpu.memory_space<hbm>>) target(%arg20 : memref<40x64xi32, #tpu.memory_space<vmem>>) offsets(%arg8 : memref<40xi32, #tpu.memory_space<vmem>>) semaphore(%arg37 : memref<!tpu.dma_semaphore, #tpu.memory_space<semaphore_mem>>)
      %add3A_86 = arith.constant 0 : i32
      %add3A_87 = arith.addi %add3A, %add3A_86 : i32
      %dma_start3A_88 = arith.constant 0 : i32
      %dma_start3A_89 = tpu.memref_slice %arg3[%arg0, %add3A_87, %dma_start3A_88] : memref<2x327680x64xi32, #tpu.memory_space<hbm>> -> memref<1x40x64xi32, #tpu.memory_space<hbm>>
      %dma_start3A_90 = tpu.memref_squeeze %dma_start3A_89 : memref<1x40x64xi32, #tpu.memory_space<hbm>> -> memref<40x64xi32, #tpu.memory_space<hbm>>
      %dma_start3A_91 = arith.constant 0 : i32
      %dma_start3A_92 = tpu.memref_slice %arg3[%arg0, %add3A_87, %dma_start3A_91] : memref<2x327680x64xi32, #tpu.memory_space<hbm>> -> memref<1x40x64xi32, #tpu.memory_space<hbm>>
      %dma_start3A_93 = tpu.memref_squeeze %dma_start3A_92 : memref<1x40x64xi32, #tpu.memory_space<hbm>> -> memref<40x64xi32, #tpu.memory_space<hbm>>
      tpu.enqueue_dma source(%dma_start3A_93 : memref<40x64xi32, #tpu.memory_space<hbm>>) target(%arg16 : memref<40x64xi32, #tpu.memory_space<vmem>>) target_semaphore(%arg41 : memref<!tpu.dma_semaphore, #tpu.memory_space<semaphore_mem>>)
      %add3A_94 = arith.constant 40 : i32
      %add3A_95 = arith.addi %add3A, %add3A_94 : i32
      %dma_wait3A_96 = tpu.memref_slice %arg4[%add3A_95] : memref<320000xi32, #tpu.memory_space<hbm>> -> memref<40xi32, #tpu.memory_space<hbm>>
      %dma_wait3A_97 = tpu.memref_slice %arg4[%add3A_95] : memref<320000xi32, #tpu.memory_space<hbm>> -> memref<40xi32, #tpu.memory_space<hbm>>
      tpu.wait_dma2 semaphore(%arg30 : memref<!tpu.dma_semaphore, #tpu.memory_space<semaphore_mem>>) src(%dma_wait3A_97 : memref<40xi32, #tpu.memory_space<hbm>>) dst(%arg9 : memref<40xi32, #tpu.memory_space<vmem>>)
      %add3A_98 = arith.constant 40 : i32
      %add3A_99 = arith.addi %add3A, %add3A_98 : i32
      %dma_wait3A_100 = tpu.memref_slice %arg5[%add3A_99] : memref<320000xi32, #tpu.memory_space<hbm>> -> memref<40xi32, #tpu.memory_space<hbm>>
      %dma_wait3A_101 = tpu.memref_slice %arg5[%add3A_99] : memref<320000xi32, #tpu.memory_space<hbm>> -> memref<40xi32, #tpu.memory_space<hbm>>
      tpu.wait_dma2 semaphore(%arg34 : memref<!tpu.dma_semaphore, #tpu.memory_space<semaphore_mem>>) src(%dma_wait3A_101 : memref<40xi32, #tpu.memory_space<hbm>>) dst(%arg13 : memref<40xi32, #tpu.memory_space<vmem>>)
      %dma_start3A_102 = arith.constant 0 : i32
      %dma_start3A_103 = arith.constant 0 : i32
      %dma_start3A_104 = tpu.memref_slice %arg2[%dma_start3A_102, %dma_start3A_103] : memref<10000x64xi32, #tpu.memory_space<hbm>> -> memref<10000x64xi32, #tpu.memory_space<hbm>>
      tpu.enqueue_indirect_dma source(%dma_start3A_104 : memref<10000x64xi32, #tpu.memory_space<hbm>>) target(%arg21 : memref<40x64xi32, #tpu.memory_space<vmem>>) offsets(%arg9 : memref<40xi32, #tpu.memory_space<vmem>>) semaphore(%arg38 : memref<!tpu.dma_semaphore, #tpu.memory_space<semaphore_mem>>)
      %add3A_105 = arith.constant 40 : i32
      %add3A_106 = arith.addi %add3A, %add3A_105 : i32
      %dma_start3A_107 = arith.constant 0 : i32
      %dma_start3A_108 = tpu.memref_slice %arg3[%arg0, %add3A_106, %dma_start3A_107] : memref<2x327680x64xi32, #tpu.memory_space<hbm>> -> memref<1x40x64xi32, #tpu.memory_space<hbm>>
      %dma_start3A_109 = tpu.memref_squeeze %dma_start3A_108 : memref<1x40x64xi32, #tpu.memory_space<hbm>> -> memref<40x64xi32, #tpu.memory_space<hbm>>
      %dma_start3A_110 = arith.constant 0 : i32
      %dma_start3A_111 = tpu.memref_slice %arg3[%arg0, %add3A_106, %dma_start3A_110] : memref<2x327680x64xi32, #tpu.memory_space<hbm>> -> memref<1x40x64xi32, #tpu.memory_space<hbm>>
      %dma_start3A_112 = tpu.memref_squeeze %dma_start3A_111 : memref<1x40x64xi32, #tpu.memory_space<hbm>> -> memref<40x64xi32, #tpu.memory_space<hbm>>
      tpu.enqueue_dma source(%dma_start3A_112 : memref<40x64xi32, #tpu.memory_space<hbm>>) target(%arg17 : memref<40x64xi32, #tpu.memory_space<vmem>>) target_semaphore(%arg42 : memref<!tpu.dma_semaphore, #tpu.memory_space<semaphore_mem>>)
      %add3A_113 = arith.constant 80 : i32
      %add3A_114 = arith.addi %add3A, %add3A_113 : i32
      %dma_wait3A_115 = tpu.memref_slice %arg4[%add3A_114] : memref<320000xi32, #tpu.memory_space<hbm>> -> memref<40xi32, #tpu.memory_space<hbm>>
      %dma_wait3A_116 = tpu.memref_slice %arg4[%add3A_114] : memref<320000xi32, #tpu.memory_space<hbm>> -> memref<40xi32, #tpu.memory_space<hbm>>
      tpu.wait_dma2 semaphore(%arg31 : memref<!tpu.dma_semaphore, #tpu.memory_space<semaphore_mem>>) src(%dma_wait3A_116 : memref<40xi32, #tpu.memory_space<hbm>>) dst(%arg10 : memref<40xi32, #tpu.memory_space<vmem>>)
      %add3A_117 = arith.constant 80 : i32
      %add3A_118 = arith.addi %add3A, %add3A_117 : i32
      %dma_wait3A_119 = tpu.memref_slice %arg5[%add3A_118] : memref<320000xi32, #tpu.memory_space<hbm>> -> memref<40xi32, #tpu.memory_space<hbm>>
      %dma_wait3A_120 = tpu.memref_slice %arg5[%add3A_118] : memref<320000xi32, #tpu.memory_space<hbm>> -> memref<40xi32, #tpu.memory_space<hbm>>
      tpu.wait_dma2 semaphore(%arg35 : memref<!tpu.dma_semaphore, #tpu.memory_space<semaphore_mem>>) src(%dma_wait3A_120 : memref<40xi32, #tpu.memory_space<hbm>>) dst(%arg14 : memref<40xi32, #tpu.memory_space<vmem>>)
      %dma_start3A_121 = arith.constant 0 : i32
      %dma_start3A_122 = arith.constant 0 : i32
      %dma_start3A_123 = tpu.memref_slice %arg2[%dma_start3A_121, %dma_start3A_122] : memref<10000x64xi32, #tpu.memory_space<hbm>> -> memref<10000x64xi32, #tpu.memory_space<hbm>>
      tpu.enqueue_indirect_dma source(%dma_start3A_123 : memref<10000x64xi32, #tpu.memory_space<hbm>>) target(%arg22 : memref<40x64xi32, #tpu.memory_space<vmem>>) offsets(%arg10 : memref<40xi32, #tpu.memory_space<vmem>>) semaphore(%arg39 : memref<!tpu.dma_semaphore, #tpu.memory_space<semaphore_mem>>)
      %add3A_124 = arith.constant 80 : i32
      %add3A_125 = arith.addi %add3A, %add3A_124 : i32
      %dma_start3A_126 = arith.constant 0 : i32
      %dma_start3A_127 = tpu.memref_slice %arg3[%arg0, %add3A_125, %dma_start3A_126] : memref<2x327680x64xi32, #tpu.memory_space<hbm>> -> memref<1x40x64xi32, #tpu.memory_space<hbm>>
      %dma_start3A_128 = tpu.memref_squeeze %dma_start3A_127 : memref<1x40x64xi32, #tpu.memory_space<hbm>> -> memref<40x64xi32, #tpu.memory_space<hbm>>
      %dma_start3A_129 = arith.constant 0 : i32
      %dma_start3A_130 = tpu.memref_slice %arg3[%arg0, %add3A_125, %dma_start3A_129] : memref<2x327680x64xi32, #tpu.memory_space<hbm>> -> memref<1x40x64xi32, #tpu.memory_space<hbm>>
      %dma_start3A_131 = tpu.memref_squeeze %dma_start3A_130 : memref<1x40x64xi32, #tpu.memory_space<hbm>> -> memref<40x64xi32, #tpu.memory_space<hbm>>
      tpu.enqueue_dma source(%dma_start3A_131 : memref<40x64xi32, #tpu.memory_space<hbm>>) target(%arg18 : memref<40x64xi32, #tpu.memory_space<vmem>>) target_semaphore(%arg43 : memref<!tpu.dma_semaphore, #tpu.memory_space<semaphore_mem>>)
      %add3A_132 = arith.constant 120 : i32
      %add3A_133 = arith.addi %add3A, %add3A_132 : i32
      %dma_wait3A_134 = tpu.memref_slice %arg4[%add3A_133] : memref<320000xi32, #tpu.memory_space<hbm>> -> memref<40xi32, #tpu.memory_space<hbm>>
      %dma_wait3A_135 = tpu.memref_slice %arg4[%add3A_133] : memref<320000xi32, #tpu.memory_space<hbm>> -> memref<40xi32, #tpu.memory_space<hbm>>
      tpu.wait_dma2 semaphore(%arg32 : memref<!tpu.dma_semaphore, #tpu.memory_space<semaphore_mem>>) src(%dma_wait3A_135 : memref<40xi32, #tpu.memory_space<hbm>>) dst(%arg11 : memref<40xi32, #tpu.memory_space<vmem>>)
      %add3A_136 = arith.constant 120 : i32
      %add3A_137 = arith.addi %add3A, %add3A_136 : i32
      %dma_wait3A_138 = tpu.memref_slice %arg5[%add3A_137] : memref<320000xi32, #tpu.memory_space<hbm>> -> memref<40xi32, #tpu.memory_space<hbm>>
      %dma_wait3A_139 = tpu.memref_slice %arg5[%add3A_137] : memref<320000xi32, #tpu.memory_space<hbm>> -> memref<40xi32, #tpu.memory_space<hbm>>
      tpu.wait_dma2 semaphore(%arg36 : memref<!tpu.dma_semaphore, #tpu.memory_space<semaphore_mem>>) src(%dma_wait3A_139 : memref<40xi32, #tpu.memory_space<hbm>>) dst(%arg15 : memref<40xi32, #tpu.memory_space<vmem>>)
      %dma_start3A_140 = arith.constant 0 : i32
      %dma_start3A_141 = arith.constant 0 : i32
      %dma_start3A_142 = tpu.memref_slice %arg2[%dma_start3A_140, %dma_start3A_141] : memref<10000x64xi32, #tpu.memory_space<hbm>> -> memref<10000x64xi32, #tpu.memory_space<hbm>>
      tpu.enqueue_indirect_dma source(%dma_start3A_142 : memref<10000x64xi32, #tpu.memory_space<hbm>>) target(%arg23 : memref<40x64xi32, #tpu.memory_space<vmem>>) offsets(%arg11 : memref<40xi32, #tpu.memory_space<vmem>>) semaphore(%arg40 : memref<!tpu.dma_semaphore, #tpu.memory_space<semaphore_mem>>)
      %add3A_143 = arith.constant 120 : i32
      %add3A_144 = arith.addi %add3A, %add3A_143 : i32
      %dma_start3A_145 = arith.constant 0 : i32
      %dma_start3A_146 = tpu.memref_slice %arg3[%arg0, %add3A_144, %dma_start3A_145] : memref<2x327680x64xi32, #tpu.memory_space<hbm>> -> memref<1x40x64xi32, #tpu.memory_space<hbm>>
      %dma_start3A_147 = tpu.memref_squeeze %dma_start3A_146 : memref<1x40x64xi32, #tpu.memory_space<hbm>> -> memref<40x64xi32, #tpu.memory_space<hbm>>
      %dma_start3A_148 = arith.constant 0 : i32
      %dma_start3A_149 = tpu.memref_slice %arg3[%arg0, %add3A_144, %dma_start3A_148] : memref<2x327680x64xi32, #tpu.memory_space<hbm>> -> memref<1x40x64xi32, #tpu.memory_space<hbm>>
      %dma_start3A_150 = tpu.memref_squeeze %dma_start3A_149 : memref<1x40x64xi32, #tpu.memory_space<hbm>> -> memref<40x64xi32, #tpu.memory_space<hbm>>
      tpu.enqueue_dma source(%dma_start3A_150 : memref<40x64xi32, #tpu.memory_space<hbm>>) target(%arg19 : memref<40x64xi32, #tpu.memory_space<vmem>>) target_semaphore(%arg44 : memref<!tpu.dma_semaphore, #tpu.memory_space<semaphore_mem>>)
      %dma_wait3A_151 = arith.constant 0 : i32
      %dma_wait3A_152 = arith.constant 0 : i32
      %dma_wait3A_153 = tpu.memref_slice %arg2[%dma_wait3A_151, %dma_wait3A_152] : memref<10000x64xi32, #tpu.memory_space<hbm>> -> memref<10000x64xi32, #tpu.memory_space<hbm>>
      tpu.wait_indirect_dma semaphore(%arg37 : memref<!tpu.dma_semaphore, #tpu.memory_space<semaphore_mem>>) src(%dma_wait3A_153 : memref<10000x64xi32, #tpu.memory_space<hbm>>) dst(%arg20 : memref<40x64xi32, #tpu.memory_space<vmem>>)
      %add3A_154 = arith.constant 0 : i32
      %add3A_155 = arith.addi %add3A, %add3A_154 : i32
      %dma_wait3A_156 = arith.constant 0 : i32
      %dma_wait3A_157 = tpu.memref_slice %arg3[%arg0, %add3A_155, %dma_wait3A_156] : memref<2x327680x64xi32, #tpu.memory_space<hbm>> -> memref<1x40x64xi32, #tpu.memory_space<hbm>>
      %dma_wait3A_158 = tpu.memref_squeeze %dma_wait3A_157 : memref<1x40x64xi32, #tpu.memory_space<hbm>> -> memref<40x64xi32, #tpu.memory_space<hbm>>
      %dma_wait3A_159 = arith.constant 0 : i32
      %dma_wait3A_160 = tpu.memref_slice %arg3[%arg0, %add3A_155, %dma_wait3A_159] : memref<2x327680x64xi32, #tpu.memory_space<hbm>> -> memref<1x40x64xi32, #tpu.memory_space<hbm>>
      %dma_wait3A_161 = tpu.memref_squeeze %dma_wait3A_160 : memref<1x40x64xi32, #tpu.memory_space<hbm>> -> memref<40x64xi32, #tpu.memory_space<hbm>>
      tpu.wait_dma2 semaphore(%arg41 : memref<!tpu.dma_semaphore, #tpu.memory_space<semaphore_mem>>) src(%dma_wait3A_161 : memref<40x64xi32, #tpu.memory_space<hbm>>) dst(%arg16 : memref<40x64xi32, #tpu.memory_space<vmem>>)
      %scan3A_162 = arith.constant 0 : i32
      %scan3A_163 = arith.constant 0 : i32
      %scan3A_164 = arith.constant 40 : i32
      %scan3A_165 = arith.addi %scan3A_163, %scan3A_164 : i32
      %scan3A_166 = arith.constant 1 : i32
      scf.for %scan3A_231 = %scan3A_163 to %scan3A_165 step %scan3A_166  : i32 {
        %get3A = arith.index_cast %scan3A_231 : i32 to index
        %get3A_232 = arith.constant 0 : index
        %get3A_233 = tpu.vector_load %arg16[%get3A, %get3A_232] {strides = array<i32>} : memref<40x64xi32, #tpu.memory_space<vmem>>, vector<1x16xi32>,
        %get3A_234 = vector.shape_cast %get3A_233 : vector<1x16xi32> to vector<16xi32>
        %get3A_235 = arith.index_cast %scan3A_231 : i32 to index
        %get3A_236 = arith.constant 16 : index
        %get3A_237 = tpu.vector_load %arg16[%get3A_235, %get3A_236] {strides = array<i32>} : memref<40x64xi32, #tpu.memory_space<vmem>>, vector<1x16xi32>,
        %get3A_238 = vector.shape_cast %get3A_237 : vector<1x16xi32> to vector<16xi32>
        %get3A_239 = arith.index_cast %scan3A_231 : i32 to index
        %get3A_240 = arith.constant 32 : index
        %get3A_241 = tpu.vector_load %arg16[%get3A_239, %get3A_240] {strides = array<i32>} : memref<40x64xi32, #tpu.memory_space<vmem>>, vector<1x16xi32>,
        %get3A_242 = vector.shape_cast %get3A_241 : vector<1x16xi32> to vector<16xi32>
        %get3A_243 = arith.index_cast %scan3A_231 : i32 to index
        %get3A_244 = arith.constant 48 : index
        %get3A_245 = tpu.vector_load %arg16[%get3A_243, %get3A_244] {strides = array<i32>} : memref<40x64xi32, #tpu.memory_space<vmem>>, vector<1x16xi32>,
        %get3A_246 = vector.shape_cast %get3A_245 : vector<1x16xi32> to vector<16xi32>
        %get3A_247 = arith.index_cast %scan3A_231 : i32 to index
        %get3A_248 = arith.constant 0 : index
        %get3A_249 = tpu.vector_load %arg20[%get3A_247, %get3A_248] {strides = array<i32>} : memref<40x64xi32, #tpu.memory_space<vmem>>, vector<1x16xi32>,
        %get3A_250 = vector.shape_cast %get3A_249 : vector<1x16xi32> to vector<16xi32>
        %get3A_251 = arith.index_cast %scan3A_231 : i32 to index
        %get3A_252 = arith.constant 16 : index
        %get3A_253 = tpu.vector_load %arg20[%get3A_251, %get3A_252] {strides = array<i32>} : memref<40x64xi32, #tpu.memory_space<vmem>>, vector<1x16xi32>,
        %get3A_254 = vector.shape_cast %get3A_253 : vector<1x16xi32> to vector<16xi32>
        %get3A_255 = arith.index_cast %scan3A_231 : i32 to index
        %get3A_256 = arith.constant 32 : index
        %get3A_257 = tpu.vector_load %arg20[%get3A_255, %get3A_256] {strides = array<i32>} : memref<40x64xi32, #tpu.memory_space<vmem>>, vector<1x16xi32>,
        %get3A_258 = vector.shape_cast %get3A_257 : vector<1x16xi32> to vector<16xi32>
        %get3A_259 = arith.index_cast %scan3A_231 : i32 to index
        %get3A_260 = arith.constant 48 : index
        %get3A_261 = tpu.vector_load %arg20[%get3A_259, %get3A_260] {strides = array<i32>} : memref<40x64xi32, #tpu.memory_space<vmem>>, vector<1x16xi32>,
        %get3A_262 = vector.shape_cast %get3A_261 : vector<1x16xi32> to vector<16xi32>
        %shift_left3A = arith.constant 16 : i32
        %shift_left3A_263 = vector.broadcast %shift_left3A : i32 to vector<16xi32>
        %shift_left3A_264 = arith.shli %get3A_234, %shift_left3A_263 : vector<16xi32>
        %bitcast_convert_type3A = tpu.bitcast %shift_left3A_264 : vector<16xi32> -> vector<16xf32>
        %shift_left3A_265 = arith.constant 16 : i32
        %shift_left3A_266 = vector.broadcast %shift_left3A_265 : i32 to vector<16xi32>
        %shift_left3A_267 = arith.shli %get3A_250, %shift_left3A_266 : vector<16xi32>
        %bitcast_convert_type3A_268 = tpu.bitcast %shift_left3A_267 : vector<16xi32> -> vector<16xf32>
        %mul3A_269 = arith.mulf %bitcast_convert_type3A, %bitcast_convert_type3A_268 : vector<16xf32>
        %shift_left3A_270 = arith.constant 16 : i32
        %shift_left3A_271 = vector.broadcast %shift_left3A_270 : i32 to vector<16xi32>
        %shift_left3A_272 = arith.shli %get3A_238, %shift_left3A_271 : vector<16xi32>
        %bitcast_convert_type3A_273 = tpu.bitcast %shift_left3A_272 : vector<16xi32> -> vector<16xf32>
        %shift_left3A_274 = arith.constant 16 : i32
        %shift_left3A_275 = vector.broadcast %shift_left3A_274 : i32 to vector<16xi32>
        %shift_left3A_276 = arith.shli %get3A_254, %shift_left3A_275 : vector<16xi32>
        %bitcast_convert_type3A_277 = tpu.bitcast %shift_left3A_276 : vector<16xi32> -> vector<16xf32>
        %mul3A_278 = arith.mulf %bitcast_convert_type3A_273, %bitcast_convert_type3A_277 : vector<16xf32>
        %shift_left3A_279 = arith.constant 16 : i32
        %shift_left3A_280 = vector.broadcast %shift_left3A_279 : i32 to vector<16xi32>
        %shift_left3A_281 = arith.shli %get3A_242, %shift_left3A_280 : vector<16xi32>
        %bitcast_convert_type3A_282 = tpu.bitcast %shift_left3A_281 : vector<16xi32> -> vector<16xf32>
        %shift_left3A_283 = arith.constant 16 : i32
        %shift_left3A_284 = vector.broadcast %shift_left3A_283 : i32 to vector<16xi32>
        %shift_left3A_285 = arith.shli %get3A_258, %shift_left3A_284 : vector<16xi32>
        %bitcast_convert_type3A_286 = tpu.bitcast %shift_left3A_285 : vector<16xi32> -> vector<16xf32>
        %mul3A_287 = arith.mulf %bitcast_convert_type3A_282, %bitcast_convert_type3A_286 : vector<16xf32>
        %shift_left3A_288 = arith.constant 16 : i32
        %shift_left3A_289 = vector.broadcast %shift_left3A_288 : i32 to vector<16xi32>
        %shift_left3A_290 = arith.shli %get3A_246, %shift_left3A_289 : vector<16xi32>
        %bitcast_convert_type3A_291 = tpu.bitcast %shift_left3A_290 : vector<16xi32> -> vector<16xf32>
        %shift_left3A_292 = arith.constant 16 : i32
        %shift_left3A_293 = vector.broadcast %shift_left3A_292 : i32 to vector<16xi32>
        %shift_left3A_294 = arith.shli %get3A_262, %shift_left3A_293 : vector<16xi32>
        %bitcast_convert_type3A_295 = tpu.bitcast %shift_left3A_294 : vector<16xi32> -> vector<16xf32>
        %mul3A_296 = arith.mulf %bitcast_convert_type3A_291, %bitcast_convert_type3A_295 : vector<16xf32>
        %and3A = arith.constant -65536 : i32
        %and3A_297 = vector.broadcast %and3A : i32 to vector<16xi32>
        %and3A_298 = arith.andi %get3A_234, %and3A_297 : vector<16xi32>
        %bitcast_convert_type3A_299 = tpu.bitcast %and3A_298 : vector<16xi32> -> vector<16xf32>
        %and3A_300 = arith.constant -65536 : i32
        %and3A_301 = vector.broadcast %and3A_300 : i32 to vector<16xi32>
        %and3A_302 = arith.andi %get3A_250, %and3A_301 : vector<16xi32>
        %bitcast_convert_type3A_303 = tpu.bitcast %and3A_302 : vector<16xi32> -> vector<16xf32>
        %mul3A_304 = arith.mulf %bitcast_convert_type3A_299, %bitcast_convert_type3A_303 : vector<16xf32>
        %and3A_305 = arith.constant -65536 : i32
        %and3A_306 = vector.broadcast %and3A_305 : i32 to vector<16xi32>
        %and3A_307 = arith.andi %get3A_238, %and3A_306 : vector<16xi32>
        %bitcast_convert_type3A_308 = tpu.bitcast %and3A_307 : vector<16xi32> -> vector<16xf32>
        %and3A_309 = arith.constant -65536 : i32
        %and3A_310 = vector.broadcast %and3A_309 : i32 to vector<16xi32>
        %and3A_311 = arith.andi %get3A_254, %and3A_310 : vector<16xi32>
        %bitcast_convert_type3A_312 = tpu.bitcast %and3A_311 : vector<16xi32> -> vector<16xf32>
        %mul3A_313 = arith.mulf %bitcast_convert_type3A_308, %bitcast_convert_type3A_312 : vector<16xf32>
        %and3A_314 = arith.constant -65536 : i32
        %and3A_315 = vector.broadcast %and3A_314 : i32 to vector<16xi32>
        %and3A_316 = arith.andi %get3A_242, %and3A_315 : vector<16xi32>
        %bitcast_convert_type3A_317 = tpu.bitcast %and3A_316 : vector<16xi32> -> vector<16xf32>
        %and3A_318 = arith.constant -65536 : i32
        %and3A_319 = vector.broadcast %and3A_318 : i32 to vector<16xi32>
        %and3A_320 = arith.andi %get3A_258, %and3A_319 : vector<16xi32>
        %bitcast_convert_type3A_321 = tpu.bitcast %and3A_320 : vector<16xi32> -> vector<16xf32>
        %mul3A_322 = arith.mulf %bitcast_convert_type3A_317, %bitcast_convert_type3A_321 : vector<16xf32>
        %and3A_323 = arith.constant -65536 : i32
        %and3A_324 = vector.broadcast %and3A_323 : i32 to vector<16xi32>
        %and3A_325 = arith.andi %get3A_246, %and3A_324 : vector<16xi32>
        %bitcast_convert_type3A_326 = tpu.bitcast %and3A_325 : vector<16xi32> -> vector<16xf32>
        %and3A_327 = arith.constant -65536 : i32
        %and3A_328 = vector.broadcast %and3A_327 : i32 to vector<16xi32>
        %and3A_329 = arith.andi %get3A_262, %and3A_328 : vector<16xi32>
        %bitcast_convert_type3A_330 = tpu.bitcast %and3A_329 : vector<16xi32> -> vector<16xf32>
        %mul3A_331 = arith.mulf %bitcast_convert_type3A_326, %bitcast_convert_type3A_330 : vector<16xf32>
        %swap3A = arith.index_cast %scan3A_231 : i32 to index
        %swap3A_332 = arith.constant 0 : index
        %swap3A_333 = tpu.vector_load %arg24[%swap3A, %swap3A_332] {strides = array<i32>} : memref<40x128xf32, #tpu.memory_space<vmem>>, vector<1x16xf32>,
        %swap3A_334 = vector.shape_cast %swap3A_333 : vector<1x16xf32> to vector<16xf32>
        %swap3A_335 = vector.shape_cast %mul3A_269 : vector<16xf32> to vector<1x16xf32>
        tpu.vector_store %arg24[%swap3A, %swap3A_332], %swap3A_335 {strides = array<i32>} : memref<40x128xf32, #tpu.memory_space<vmem>>, vector<1x16xf32>,
        %swap3A_336 = arith.index_cast %scan3A_231 : i32 to index
        %swap3A_337 = arith.constant 16 : index
        %swap3A_338 = tpu.vector_load %arg24[%swap3A_336, %swap3A_337] {strides = array<i32>} : memref<40x128xf32, #tpu.memory_space<vmem>>, vector<1x16xf32>,
        %swap3A_339 = vector.shape_cast %swap3A_338 : vector<1x16xf32> to vector<16xf32>
        %swap3A_340 = vector.shape_cast %mul3A_304 : vector<16xf32> to vector<1x16xf32>
        tpu.vector_store %arg24[%swap3A_336, %swap3A_337], %swap3A_340 {strides = array<i32>} : memref<40x128xf32, #tpu.memory_space<vmem>>, vector<1x16xf32>,
        %swap3A_341 = arith.index_cast %scan3A_231 : i32 to index
        %swap3A_342 = arith.constant 32 : index
        %swap3A_343 = tpu.vector_load %arg24[%swap3A_341, %swap3A_342] {strides = array<i32>} : memref<40x128xf32, #tpu.memory_space<vmem>>, vector<1x16xf32>,
        %swap3A_344 = vector.shape_cast %swap3A_343 : vector<1x16xf32> to vector<16xf32>
        %swap3A_345 = vector.shape_cast %mul3A_278 : vector<16xf32> to vector<1x16xf32>
        tpu.vector_store %arg24[%swap3A_341, %swap3A_342], %swap3A_345 {strides = array<i32>} : memref<40x128xf32, #tpu.memory_space<vmem>>, vector<1x16xf32>,
        %swap3A_346 = arith.index_cast %scan3A_231 : i32 to index
        %swap3A_347 = arith.constant 48 : index
        %swap3A_348 = tpu.vector_load %arg24[%swap3A_346, %swap3A_347] {strides = array<i32>} : memref<40x128xf32, #tpu.memory_space<vmem>>, vector<1x16xf32>,
        %swap3A_349 = vector.shape_cast %swap3A_348 : vector<1x16xf32> to vector<16xf32>
        %swap3A_350 = vector.shape_cast %mul3A_313 : vector<16xf32> to vector<1x16xf32>
        tpu.vector_store %arg24[%swap3A_346, %swap3A_347], %swap3A_350 {strides = array<i32>} : memref<40x128xf32, #tpu.memory_space<vmem>>, vector<1x16xf32>,
        %swap3A_351 = arith.index_cast %scan3A_231 : i32 to index
        %swap3A_352 = arith.constant 64 : index
        %swap3A_353 = tpu.vector_load %arg24[%swap3A_351, %swap3A_352] {strides = array<i32>} : memref<40x128xf32, #tpu.memory_space<vmem>>, vector<1x16xf32>,
        %swap3A_354 = vector.shape_cast %swap3A_353 : vector<1x16xf32> to vector<16xf32>
        %swap3A_355 = vector.shape_cast %mul3A_287 : vector<16xf32> to vector<1x16xf32>
        tpu.vector_store %arg24[%swap3A_351, %swap3A_352], %swap3A_355 {strides = array<i32>} : memref<40x128xf32, #tpu.memory_space<vmem>>, vector<1x16xf32>,
        %swap3A_356 = arith.index_cast %scan3A_231 : i32 to index
        %swap3A_357 = arith.constant 80 : index
        %swap3A_358 = tpu.vector_load %arg24[%swap3A_356, %swap3A_357] {strides = array<i32>} : memref<40x128xf32, #tpu.memory_space<vmem>>, vector<1x16xf32>,
        %swap3A_359 = vector.shape_cast %swap3A_358 : vector<1x16xf32> to vector<16xf32>
        %swap3A_360 = vector.shape_cast %mul3A_322 : vector<16xf32> to vector<1x16xf32>
        tpu.vector_store %arg24[%swap3A_356, %swap3A_357], %swap3A_360 {strides = array<i32>} : memref<40x128xf32, #tpu.memory_space<vmem>>, vector<1x16xf32>,
        %swap3A_361 = arith.index_cast %scan3A_231 : i32 to index
        %swap3A_362 = arith.constant 96 : index
        %swap3A_363 = tpu.vector_load %arg24[%swap3A_361, %swap3A_362] {strides = array<i32>} : memref<40x128xf32, #tpu.memory_space<vmem>>, vector<1x16xf32>,
        %swap3A_364 = vector.shape_cast %swap3A_363 : vector<1x16xf32> to vector<16xf32>
        %swap3A_365 = vector.shape_cast %mul3A_296 : vector<16xf32> to vector<1x16xf32>
        tpu.vector_store %arg24[%swap3A_361, %swap3A_362], %swap3A_365 {strides = array<i32>} : memref<40x128xf32, #tpu.memory_space<vmem>>, vector<1x16xf32>,
        %swap3A_366 = arith.index_cast %scan3A_231 : i32 to index
        %swap3A_367 = arith.constant 112 : index
        %swap3A_368 = tpu.vector_load %arg24[%swap3A_366, %swap3A_367] {strides = array<i32>} : memref<40x128xf32, #tpu.memory_space<vmem>>, vector<1x16xf32>,
        %swap3A_369 = vector.shape_cast %swap3A_368 : vector<1x16xf32> to vector<16xf32>
        %swap3A_370 = vector.shape_cast %mul3A_331 : vector<16xf32> to vector<1x16xf32>
        tpu.vector_store %arg24[%swap3A_366, %swap3A_367], %swap3A_370 {strides = array<i32>} : memref<40x128xf32, #tpu.memory_space<vmem>>, vector<1x16xf32>,
      }
      %scan3A_167 = arith.constant 40 : i32
      %dma_start3A_168 = arith.constant 0 : i32
      %dma_start3A_169 = arith.constant 0 : i32
      %dma_start3A_170 = tpu.memref_slice %arg28[%dma_start3A_168, %dma_start3A_169] : memref<10000x128xf32, #tpu.memory_space<vmem_shared>> -> memref<10000x128xf32, #tpu.memory_space<vmem_shared>>
      tpu.enqueue_indirect_dma source(%arg24 : memref<40x128xf32, #tpu.memory_space<vmem>>) target(%dma_start3A_170 : memref<10000x128xf32, #tpu.memory_space<vmem_shared>>) offsets(%arg12 : memref<40xi32, #tpu.memory_space<vmem>>) semaphore(%arg45 : memref<!tpu.dma_semaphore, #tpu.memory_space<semaphore_mem>>) {add = true}
      %dma_wait3A_171 = arith.constant 0 : i32
      %dma_wait3A_172 = arith.constant 0 : i32
      %dma_wait3A_173 = tpu.memref_slice %arg2[%dma_wait3A_171, %dma_wait3A_172] : memref<10000x64xi32, #tpu.memory_space<hbm>> -> memref<10000x64xi32, #tpu.memory_space<hbm>>
      tpu.wait_indirect_dma semaphore(%arg38 : memref<!tpu.dma_semaphore, #tpu.memory_space<semaphore_mem>>) src(%dma_wait3A_173 : memref<10000x64xi32, #tpu.memory_space<hbm>>) dst(%arg21 : memref<40x64xi32, #tpu.memory_space<vmem>>)
      %add3A_174 = arith.constant 40 : i32
      %add3A_175 = arith.addi %add3A, %add3A_174 : i32
      %dma_wait3A_176 = arith.constant 0 : i32
      %dma_wait3A_177 = tpu.memref_slice %arg3[%arg0, %add3A_175, %dma_wait3A_176] : memref<2x327680x64xi32, #tpu.memory_space<hbm>> -> memref<1x40x64xi32, #tpu.memory_space<hbm>>
      %dma_wait3A_178 = tpu.memref_squeeze %dma_wait3A_177 : memref<1x40x64xi32, #tpu.memory_space<hbm>> -> memref<40x64xi32, #tpu.memory_space<hbm>>
      %dma_wait3A_179 = arith.constant 0 : i32
      %dma_wait3A_180 = tpu.memref_slice %arg3[%arg0, %add3A_175, %dma_wait3A_179] : memref<2x327680x64xi32, #tpu.memory_space<hbm>> -> memref<1x40x64xi32, #tpu.memory_space<hbm>>
      %dma_wait3A_181 = tpu.memref_squeeze %dma_wait3A_180 : memref<1x40x64xi32, #tpu.memory_space<hbm>> -> memref<40x64xi32, #tpu.memory_space<hbm>>
      tpu.wait_dma2 semaphore(%arg42 : memref<!tpu.dma_semaphore, #tpu.memory_space<semaphore_mem>>) src(%dma_wait3A_181 : memref<40x64xi32, #tpu.memory_space<hbm>>) dst(%arg17 : memref<40x64xi32, #tpu.memory_space<vmem>>)
      %scan3A_182 = arith.constant 0 : i32
      %scan3A_183 = arith.constant 0 : i32
      %scan3A_184 = arith.constant 40 : i32
      %scan3A_185 = arith.addi %scan3A_183, %scan3A_184 : i32
      %scan3A_186 = arith.constant 1 : i32
      scf.for %scan3A_231 = %scan3A_183 to %scan3A_185 step %scan3A_186  : i32 {
        %get3A = arith.index_cast %scan3A_231 : i32 to index
        %get3A_232 = arith.constant 0 : index
        %get3A_233 = tpu.vector_load %arg17[%get3A, %get3A_232] {strides = array<i32>} : memref<40x64xi32, #tpu.memory_space<vmem>>, vector<1x16xi32>,
        %get3A_234 = vector.shape_cast %get3A_233 : vector<1x16xi32> to vector<16xi32>
        %get3A_235 = arith.index_cast %scan3A_231 : i32 to index
        %get3A_236 = arith.constant 16 : index
        %get3A_237 = tpu.vector_load %arg17[%get3A_235, %get3A_236] {strides = array<i32>} : memref<40x64xi32, #tpu.memory_space<vmem>>, vector<1x16xi32>,
        %get3A_238 = vector.shape_cast %get3A_237 : vector<1x16xi32> to vector<16xi32>
        %get3A_239 = arith.index_cast %scan3A_231 : i32 to index
        %get3A_240 = arith.constant 32 : index
        %get3A_241 = tpu.vector_load %arg17[%get3A_239, %get3A_240] {strides = array<i32>} : memref<40x64xi32, #tpu.memory_space<vmem>>, vector<1x16xi32>,
        %get3A_242 = vector.shape_cast %get3A_241 : vector<1x16xi32> to vector<16xi32>
        %get3A_243 = arith.index_cast %scan3A_231 : i32 to index
        %get3A_244 = arith.constant 48 : index
        %get3A_245 = tpu.vector_load %arg17[%get3A_243, %get3A_244] {strides = array<i32>} : memref<40x64xi32, #tpu.memory_space<vmem>>, vector<1x16xi32>,
        %get3A_246 = vector.shape_cast %get3A_245 : vector<1x16xi32> to vector<16xi32>
        %get3A_247 = arith.index_cast %scan3A_231 : i32 to index
        %get3A_248 = arith.constant 0 : index
        %get3A_249 = tpu.vector_load %arg21[%get3A_247, %get3A_248] {strides = array<i32>} : memref<40x64xi32, #tpu.memory_space<vmem>>, vector<1x16xi32>,
        %get3A_250 = vector.shape_cast %get3A_249 : vector<1x16xi32> to vector<16xi32>
        %get3A_251 = arith.index_cast %scan3A_231 : i32 to index
        %get3A_252 = arith.constant 16 : index
        %get3A_253 = tpu.vector_load %arg21[%get3A_251, %get3A_252] {strides = array<i32>} : memref<40x64xi32, #tpu.memory_space<vmem>>, vector<1x16xi32>,
        %get3A_254 = vector.shape_cast %get3A_253 : vector<1x16xi32> to vector<16xi32>
        %get3A_255 = arith.index_cast %scan3A_231 : i32 to index
        %get3A_256 = arith.constant 32 : index
        %get3A_257 = tpu.vector_load %arg21[%get3A_255, %get3A_256] {strides = array<i32>} : memref<40x64xi32, #tpu.memory_space<vmem>>, vector<1x16xi32>,
        %get3A_258 = vector.shape_cast %get3A_257 : vector<1x16xi32> to vector<16xi32>
        %get3A_259 = arith.index_cast %scan3A_231 : i32 to index
        %get3A_260 = arith.constant 48 : index
        %get3A_261 = tpu.vector_load %arg21[%get3A_259, %get3A_260] {strides = array<i32>} : memref<40x64xi32, #tpu.memory_space<vmem>>, vector<1x16xi32>,
        %get3A_262 = vector.shape_cast %get3A_261 : vector<1x16xi32> to vector<16xi32>
        %shift_left3A = arith.constant 16 : i32
        %shift_left3A_263 = vector.broadcast %shift_left3A : i32 to vector<16xi32>
        %shift_left3A_264 = arith.shli %get3A_234, %shift_left3A_263 : vector<16xi32>
        %bitcast_convert_type3A = tpu.bitcast %shift_left3A_264 : vector<16xi32> -> vector<16xf32>
        %shift_left3A_265 = arith.constant 16 : i32
        %shift_left3A_266 = vector.broadcast %shift_left3A_265 : i32 to vector<16xi32>
        %shift_left3A_267 = arith.shli %get3A_250, %shift_left3A_266 : vector<16xi32>
        %bitcast_convert_type3A_268 = tpu.bitcast %shift_left3A_267 : vector<16xi32> -> vector<16xf32>
        %mul3A_269 = arith.mulf %bitcast_convert_type3A, %bitcast_convert_type3A_268 : vector<16xf32>
        %shift_left3A_270 = arith.constant 16 : i32
        %shift_left3A_271 = vector.broadcast %shift_left3A_270 : i32 to vector<16xi32>
        %shift_left3A_272 = arith.shli %get3A_238, %shift_left3A_271 : vector<16xi32>
        %bitcast_convert_type3A_273 = tpu.bitcast %shift_left3A_272 : vector<16xi32> -> vector<16xf32>
        %shift_left3A_274 = arith.constant 16 : i32
        %shift_left3A_275 = vector.broadcast %shift_left3A_274 : i32 to vector<16xi32>
        %shift_left3A_276 = arith.shli %get3A_254, %shift_left3A_275 : vector<16xi32>
        %bitcast_convert_type3A_277 = tpu.bitcast %shift_left3A_276 : vector<16xi32> -> vector<16xf32>
        %mul3A_278 = arith.mulf %bitcast_convert_type3A_273, %bitcast_convert_type3A_277 : vector<16xf32>
        %shift_left3A_279 = arith.constant 16 : i32
        %shift_left3A_280 = vector.broadcast %shift_left3A_279 : i32 to vector<16xi32>
        %shift_left3A_281 = arith.shli %get3A_242, %shift_left3A_280 : vector<16xi32>
        %bitcast_convert_type3A_282 = tpu.bitcast %shift_left3A_281 : vector<16xi32> -> vector<16xf32>
        %shift_left3A_283 = arith.constant 16 : i32
        %shift_left3A_284 = vector.broadcast %shift_left3A_283 : i32 to vector<16xi32>
        %shift_left3A_285 = arith.shli %get3A_258, %shift_left3A_284 : vector<16xi32>
        %bitcast_convert_type3A_286 = tpu.bitcast %shift_left3A_285 : vector<16xi32> -> vector<16xf32>
        %mul3A_287 = arith.mulf %bitcast_convert_type3A_282, %bitcast_convert_type3A_286 : vector<16xf32>
        %shift_left3A_288 = arith.constant 16 : i32
        %shift_left3A_289 = vector.broadcast %shift_left3A_288 : i32 to vector<16xi32>
        %shift_left3A_290 = arith.shli %get3A_246, %shift_left3A_289 : vector<16xi32>
        %bitcast_convert_type3A_291 = tpu.bitcast %shift_left3A_290 : vector<16xi32> -> vector<16xf32>
        %shift_left3A_292 = arith.constant 16 : i32
        %shift_left3A_293 = vector.broadcast %shift_left3A_292 : i32 to vector<16xi32>
        %shift_left3A_294 = arith.shli %get3A_262, %shift_left3A_293 : vector<16xi32>
        %bitcast_convert_type3A_295 = tpu.bitcast %shift_left3A_294 : vector<16xi32> -> vector<16xf32>
        %mul3A_296 = arith.mulf %bitcast_convert_type3A_291, %bitcast_convert_type3A_295 : vector<16xf32>
        %and3A = arith.constant -65536 : i32
        %and3A_297 = vector.broadcast %and3A : i32 to vector<16xi32>
        %and3A_298 = arith.andi %get3A_234, %and3A_297 : vector<16xi32>
        %bitcast_convert_type3A_299 = tpu.bitcast %and3A_298 : vector<16xi32> -> vector<16xf32>
        %and3A_300 = arith.constant -65536 : i32
        %and3A_301 = vector.broadcast %and3A_300 : i32 to vector<16xi32>
        %and3A_302 = arith.andi %get3A_250, %and3A_301 : vector<16xi32>
        %bitcast_convert_type3A_303 = tpu.bitcast %and3A_302 : vector<16xi32> -> vector<16xf32>
        %mul3A_304 = arith.mulf %bitcast_convert_type3A_299, %bitcast_convert_type3A_303 : vector<16xf32>
        %and3A_305 = arith.constant -65536 : i32
        %and3A_306 = vector.broadcast %and3A_305 : i32 to vector<16xi32>
        %and3A_307 = arith.andi %get3A_238, %and3A_306 : vector<16xi32>
        %bitcast_convert_type3A_308 = tpu.bitcast %and3A_307 : vector<16xi32> -> vector<16xf32>
        %and3A_309 = arith.constant -65536 : i32
        %and3A_310 = vector.broadcast %and3A_309 : i32 to vector<16xi32>
        %and3A_311 = arith.andi %get3A_254, %and3A_310 : vector<16xi32>
        %bitcast_convert_type3A_312 = tpu.bitcast %and3A_311 : vector<16xi32> -> vector<16xf32>
        %mul3A_313 = arith.mulf %bitcast_convert_type3A_308, %bitcast_convert_type3A_312 : vector<16xf32>
        %and3A_314 = arith.constant -65536 : i32
        %and3A_315 = vector.broadcast %and3A_314 : i32 to vector<16xi32>
        %and3A_316 = arith.andi %get3A_242, %and3A_315 : vector<16xi32>
        %bitcast_convert_type3A_317 = tpu.bitcast %and3A_316 : vector<16xi32> -> vector<16xf32>
        %and3A_318 = arith.constant -65536 : i32
        %and3A_319 = vector.broadcast %and3A_318 : i32 to vector<16xi32>
        %and3A_320 = arith.andi %get3A_258, %and3A_319 : vector<16xi32>
        %bitcast_convert_type3A_321 = tpu.bitcast %and3A_320 : vector<16xi32> -> vector<16xf32>
        %mul3A_322 = arith.mulf %bitcast_convert_type3A_317, %bitcast_convert_type3A_321 : vector<16xf32>
        %and3A_323 = arith.constant -65536 : i32
        %and3A_324 = vector.broadcast %and3A_323 : i32 to vector<16xi32>
        %and3A_325 = arith.andi %get3A_246, %and3A_324 : vector<16xi32>
        %bitcast_convert_type3A_326 = tpu.bitcast %and3A_325 : vector<16xi32> -> vector<16xf32>
        %and3A_327 = arith.constant -65536 : i32
        %and3A_328 = vector.broadcast %and3A_327 : i32 to vector<16xi32>
        %and3A_329 = arith.andi %get3A_262, %and3A_328 : vector<16xi32>
        %bitcast_convert_type3A_330 = tpu.bitcast %and3A_329 : vector<16xi32> -> vector<16xf32>
        %mul3A_331 = arith.mulf %bitcast_convert_type3A_326, %bitcast_convert_type3A_330 : vector<16xf32>
        %swap3A = arith.index_cast %scan3A_231 : i32 to index
        %swap3A_332 = arith.constant 0 : index
        %swap3A_333 = tpu.vector_load %arg25[%swap3A, %swap3A_332] {strides = array<i32>} : memref<40x128xf32, #tpu.memory_space<vmem>>, vector<1x16xf32>,
        %swap3A_334 = vector.shape_cast %swap3A_333 : vector<1x16xf32> to vector<16xf32>
        %swap3A_335 = vector.shape_cast %mul3A_269 : vector<16xf32> to vector<1x16xf32>
        tpu.vector_store %arg25[%swap3A, %swap3A_332], %swap3A_335 {strides = array<i32>} : memref<40x128xf32, #tpu.memory_space<vmem>>, vector<1x16xf32>,
        %swap3A_336 = arith.index_cast %scan3A_231 : i32 to index
        %swap3A_337 = arith.constant 16 : index
        %swap3A_338 = tpu.vector_load %arg25[%swap3A_336, %swap3A_337] {strides = array<i32>} : memref<40x128xf32, #tpu.memory_space<vmem>>, vector<1x16xf32>,
        %swap3A_339 = vector.shape_cast %swap3A_338 : vector<1x16xf32> to vector<16xf32>
        %swap3A_340 = vector.shape_cast %mul3A_304 : vector<16xf32> to vector<1x16xf32>
        tpu.vector_store %arg25[%swap3A_336, %swap3A_337], %swap3A_340 {strides = array<i32>} : memref<40x128xf32, #tpu.memory_space<vmem>>, vector<1x16xf32>,
        %swap3A_341 = arith.index_cast %scan3A_231 : i32 to index
        %swap3A_342 = arith.constant 32 : index
        %swap3A_343 = tpu.vector_load %arg25[%swap3A_341, %swap3A_342] {strides = array<i32>} : memref<40x128xf32, #tpu.memory_space<vmem>>, vector<1x16xf32>,
        %swap3A_344 = vector.shape_cast %swap3A_343 : vector<1x16xf32> to vector<16xf32>
        %swap3A_345 = vector.shape_cast %mul3A_278 : vector<16xf32> to vector<1x16xf32>
        tpu.vector_store %arg25[%swap3A_341, %swap3A_342], %swap3A_345 {strides = array<i32>} : memref<40x128xf32, #tpu.memory_space<vmem>>, vector<1x16xf32>,
        %swap3A_346 = arith.index_cast %scan3A_231 : i32 to index
        %swap3A_347 = arith.constant 48 : index
        %swap3A_348 = tpu.vector_load %arg25[%swap3A_346, %swap3A_347] {strides = array<i32>} : memref<40x128xf32, #tpu.memory_space<vmem>>, vector<1x16xf32>,
        %swap3A_349 = vector.shape_cast %swap3A_348 : vector<1x16xf32> to vector<16xf32>
        %swap3A_350 = vector.shape_cast %mul3A_313 : vector<16xf32> to vector<1x16xf32>
        tpu.vector_store %arg25[%swap3A_346, %swap3A_347], %swap3A_350 {strides = array<i32>} : memref<40x128xf32, #tpu.memory_space<vmem>>, vector<1x16xf32>,
        %swap3A_351 = arith.index_cast %scan3A_231 : i32 to index
        %swap3A_352 = arith.constant 64 : index
        %swap3A_353 = tpu.vector_load %arg25[%swap3A_351, %swap3A_352] {strides = array<i32>} : memref<40x128xf32, #tpu.memory_space<vmem>>, vector<1x16xf32>,
        %swap3A_354 = vector.shape_cast %swap3A_353 : vector<1x16xf32> to vector<16xf32>
        %swap3A_355 = vector.shape_cast %mul3A_287 : vector<16xf32> to vector<1x16xf32>
        tpu.vector_store %arg25[%swap3A_351, %swap3A_352], %swap3A_355 {strides = array<i32>} : memref<40x128xf32, #tpu.memory_space<vmem>>, vector<1x16xf32>,
        %swap3A_356 = arith.index_cast %scan3A_231 : i32 to index
        %swap3A_357 = arith.constant 80 : index
        %swap3A_358 = tpu.vector_load %arg25[%swap3A_356, %swap3A_357] {strides = array<i32>} : memref<40x128xf32, #tpu.memory_space<vmem>>, vector<1x16xf32>,
        %swap3A_359 = vector.shape_cast %swap3A_358 : vector<1x16xf32> to vector<16xf32>
        %swap3A_360 = vector.shape_cast %mul3A_322 : vector<16xf32> to vector<1x16xf32>
        tpu.vector_store %arg25[%swap3A_356, %swap3A_357], %swap3A_360 {strides = array<i32>} : memref<40x128xf32, #tpu.memory_space<vmem>>, vector<1x16xf32>,
        %swap3A_361 = arith.index_cast %scan3A_231 : i32 to index
        %swap3A_362 = arith.constant 96 : index
        %swap3A_363 = tpu.vector_load %arg25[%swap3A_361, %swap3A_362] {strides = array<i32>} : memref<40x128xf32, #tpu.memory_space<vmem>>, vector<1x16xf32>,
        %swap3A_364 = vector.shape_cast %swap3A_363 : vector<1x16xf32> to vector<16xf32>
        %swap3A_365 = vector.shape_cast %mul3A_296 : vector<16xf32> to vector<1x16xf32>
        tpu.vector_store %arg25[%swap3A_361, %swap3A_362], %swap3A_365 {strides = array<i32>} : memref<40x128xf32, #tpu.memory_space<vmem>>, vector<1x16xf32>,
        %swap3A_366 = arith.index_cast %scan3A_231 : i32 to index
        %swap3A_367 = arith.constant 112 : index
        %swap3A_368 = tpu.vector_load %arg25[%swap3A_366, %swap3A_367] {strides = array<i32>} : memref<40x128xf32, #tpu.memory_space<vmem>>, vector<1x16xf32>,
        %swap3A_369 = vector.shape_cast %swap3A_368 : vector<1x16xf32> to vector<16xf32>
        %swap3A_370 = vector.shape_cast %mul3A_331 : vector<16xf32> to vector<1x16xf32>
        tpu.vector_store %arg25[%swap3A_366, %swap3A_367], %swap3A_370 {strides = array<i32>} : memref<40x128xf32, #tpu.memory_space<vmem>>, vector<1x16xf32>,
      }
      %scan3A_187 = arith.constant 40 : i32
      %dma_start3A_188 = arith.constant 0 : i32
      %dma_start3A_189 = arith.constant 0 : i32
      %dma_start3A_190 = tpu.memref_slice %arg28[%dma_start3A_188, %dma_start3A_189] : memref<10000x128xf32, #tpu.memory_space<vmem_shared>> -> memref<10000x128xf32, #tpu.memory_space<vmem_shared>>
      tpu.enqueue_indirect_dma source(%arg25 : memref<40x128xf32, #tpu.memory_space<vmem>>) target(%dma_start3A_190 : memref<10000x128xf32, #tpu.memory_space<vmem_shared>>) offsets(%arg13 : memref<40xi32, #tpu.memory_space<vmem>>) semaphore(%arg46 : memref<!tpu.dma_semaphore, #tpu.memory_space<semaphore_mem>>) {add = true}
      %dma_wait3A_191 = arith.constant 0 : i32
      %dma_wait3A_192 = arith.constant 0 : i32
      %dma_wait3A_193 = tpu.memref_slice %arg2[%dma_wait3A_191, %dma_wait3A_192] : memref<10000x64xi32, #tpu.memory_space<hbm>> -> memref<10000x64xi32, #tpu.memory_space<hbm>>
      tpu.wait_indirect_dma semaphore(%arg39 : memref<!tpu.dma_semaphore, #tpu.memory_space<semaphore_mem>>) src(%dma_wait3A_193 : memref<10000x64xi32, #tpu.memory_space<hbm>>) dst(%arg22 : memref<40x64xi32, #tpu.memory_space<vmem>>)
      %add3A_194 = arith.constant 80 : i32
      %add3A_195 = arith.addi %add3A, %add3A_194 : i32
      %dma_wait3A_196 = arith.constant 0 : i32
      %dma_wait3A_197 = tpu.memref_slice %arg3[%arg0, %add3A_195, %dma_wait3A_196] : memref<2x327680x64xi32, #tpu.memory_space<hbm>> -> memref<1x40x64xi32, #tpu.memory_space<hbm>>
      %dma_wait3A_198 = tpu.memref_squeeze %dma_wait3A_197 : memref<1x40x64xi32, #tpu.memory_space<hbm>> -> memref<40x64xi32, #tpu.memory_space<hbm>>
      %dma_wait3A_199 = arith.constant 0 : i32
      %dma_wait3A_200 = tpu.memref_slice %arg3[%arg0, %add3A_195, %dma_wait3A_199] : memref<2x327680x64xi32, #tpu.memory_space<hbm>> -> memref<1x40x64xi32, #tpu.memory_space<hbm>>
      %dma_wait3A_201 = tpu.memref_squeeze %dma_wait3A_200 : memref<1x40x64xi32, #tpu.memory_space<hbm>> -> memref<40x64xi32, #tpu.memory_space<hbm>>
      tpu.wait_dma2 semaphore(%arg43 : memref<!tpu.dma_semaphore, #tpu.memory_space<semaphore_mem>>) src(%dma_wait3A_201 : memref<40x64xi32, #tpu.memory_space<hbm>>) dst(%arg18 : memref<40x64xi32, #tpu.memory_space<vmem>>)
      %scan3A_202 = arith.constant 0 : i32
      %scan3A_203 = arith.constant 0 : i32
      %scan3A_204 = arith.constant 40 : i32
      %scan3A_205 = arith.addi %scan3A_203, %scan3A_204 : i32
      %scan3A_206 = arith.constant 1 : i32
      scf.for %scan3A_231 = %scan3A_203 to %scan3A_205 step %scan3A_206  : i32 {
        %get3A = arith.index_cast %scan3A_231 : i32 to index
        %get3A_232 = arith.constant 0 : index
        %get3A_233 = tpu.vector_load %arg18[%get3A, %get3A_232] {strides = array<i32>} : memref<40x64xi32, #tpu.memory_space<vmem>>, vector<1x16xi32>,
        %get3A_234 = vector.shape_cast %get3A_233 : vector<1x16xi32> to vector<16xi32>
        %get3A_235 = arith.index_cast %scan3A_231 : i32 to index
        %get3A_236 = arith.constant 16 : index
        %get3A_237 = tpu.vector_load %arg18[%get3A_235, %get3A_236] {strides = array<i32>} : memref<40x64xi32, #tpu.memory_space<vmem>>, vector<1x16xi32>,
        %get3A_238 = vector.shape_cast %get3A_237 : vector<1x16xi32> to vector<16xi32>
        %get3A_239 = arith.index_cast %scan3A_231 : i32 to index
        %get3A_240 = arith.constant 32 : index
        %get3A_241 = tpu.vector_load %arg18[%get3A_239, %get3A_240] {strides = array<i32>} : memref<40x64xi32, #tpu.memory_space<vmem>>, vector<1x16xi32>,
        %get3A_242 = vector.shape_cast %get3A_241 : vector<1x16xi32> to vector<16xi32>
        %get3A_243 = arith.index_cast %scan3A_231 : i32 to index
        %get3A_244 = arith.constant 48 : index
        %get3A_245 = tpu.vector_load %arg18[%get3A_243, %get3A_244] {strides = array<i32>} : memref<40x64xi32, #tpu.memory_space<vmem>>, vector<1x16xi32>,
        %get3A_246 = vector.shape_cast %get3A_245 : vector<1x16xi32> to vector<16xi32>
        %get3A_247 = arith.index_cast %scan3A_231 : i32 to index
        %get3A_248 = arith.constant 0 : index
        %get3A_249 = tpu.vector_load %arg22[%get3A_247, %get3A_248] {strides = array<i32>} : memref<40x64xi32, #tpu.memory_space<vmem>>, vector<1x16xi32>,
        %get3A_250 = vector.shape_cast %get3A_249 : vector<1x16xi32> to vector<16xi32>
        %get3A_251 = arith.index_cast %scan3A_231 : i32 to index
        %get3A_252 = arith.constant 16 : index
        %get3A_253 = tpu.vector_load %arg22[%get3A_251, %get3A_252] {strides = array<i32>} : memref<40x64xi32, #tpu.memory_space<vmem>>, vector<1x16xi32>,
        %get3A_254 = vector.shape_cast %get3A_253 : vector<1x16xi32> to vector<16xi32>
        %get3A_255 = arith.index_cast %scan3A_231 : i32 to index
        %get3A_256 = arith.constant 32 : index
        %get3A_257 = tpu.vector_load %arg22[%get3A_255, %get3A_256] {strides = array<i32>} : memref<40x64xi32, #tpu.memory_space<vmem>>, vector<1x16xi32>,
        %get3A_258 = vector.shape_cast %get3A_257 : vector<1x16xi32> to vector<16xi32>
        %get3A_259 = arith.index_cast %scan3A_231 : i32 to index
        %get3A_260 = arith.constant 48 : index
        %get3A_261 = tpu.vector_load %arg22[%get3A_259, %get3A_260] {strides = array<i32>} : memref<40x64xi32, #tpu.memory_space<vmem>>, vector<1x16xi32>,
        %get3A_262 = vector.shape_cast %get3A_261 : vector<1x16xi32> to vector<16xi32>
        %shift_left3A = arith.constant 16 : i32
        %shift_left3A_263 = vector.broadcast %shift_left3A : i32 to vector<16xi32>
        %shift_left3A_264 = arith.shli %get3A_234, %shift_left3A_263 : vector<16xi32>
        %bitcast_convert_type3A = tpu.bitcast %shift_left3A_264 : vector<16xi32> -> vector<16xf32>
        %shift_left3A_265 = arith.constant 16 : i32
        %shift_left3A_266 = vector.broadcast %shift_left3A_265 : i32 to vector<16xi32>
        %shift_left3A_267 = arith.shli %get3A_250, %shift_left3A_266 : vector<16xi32>
        %bitcast_convert_type3A_268 = tpu.bitcast %shift_left3A_267 : vector<16xi32> -> vector<16xf32>
        %mul3A_269 = arith.mulf %bitcast_convert_type3A, %bitcast_convert_type3A_268 : vector<16xf32>
        %shift_left3A_270 = arith.constant 16 : i32
        %shift_left3A_271 = vector.broadcast %shift_left3A_270 : i32 to vector<16xi32>
        %shift_left3A_272 = arith.shli %get3A_238, %shift_left3A_271 : vector<16xi32>
        %bitcast_convert_type3A_273 = tpu.bitcast %shift_left3A_272 : vector<16xi32> -> vector<16xf32>
        %shift_left3A_274 = arith.constant 16 : i32
        %shift_left3A_275 = vector.broadcast %shift_left3A_274 : i32 to vector<16xi32>
        %shift_left3A_276 = arith.shli %get3A_254, %shift_left3A_275 : vector<16xi32>
        %bitcast_convert_type3A_277 = tpu.bitcast %shift_left3A_276 : vector<16xi32> -> vector<16xf32>
        %mul3A_278 = arith.mulf %bitcast_convert_type3A_273, %bitcast_convert_type3A_277 : vector<16xf32>
        %shift_left3A_279 = arith.constant 16 : i32
        %shift_left3A_280 = vector.broadcast %shift_left3A_279 : i32 to vector<16xi32>
        %shift_left3A_281 = arith.shli %get3A_242, %shift_left3A_280 : vector<16xi32>
        %bitcast_convert_type3A_282 = tpu.bitcast %shift_left3A_281 : vector<16xi32> -> vector<16xf32>
        %shift_left3A_283 = arith.constant 16 : i32
        %shift_left3A_284 = vector.broadcast %shift_left3A_283 : i32 to vector<16xi32>
        %shift_left3A_285 = arith.shli %get3A_258, %shift_left3A_284 : vector<16xi32>
        %bitcast_convert_type3A_286 = tpu.bitcast %shift_left3A_285 : vector<16xi32> -> vector<16xf32>
        %mul3A_287 = arith.mulf %bitcast_convert_type3A_282, %bitcast_convert_type3A_286 : vector<16xf32>
        %shift_left3A_288 = arith.constant 16 : i32
        %shift_left3A_289 = vector.broadcast %shift_left3A_288 : i32 to vector<16xi32>
        %shift_left3A_290 = arith.shli %get3A_246, %shift_left3A_289 : vector<16xi32>
        %bitcast_convert_type3A_291 = tpu.bitcast %shift_left3A_290 : vector<16xi32> -> vector<16xf32>
        %shift_left3A_292 = arith.constant 16 : i32
        %shift_left3A_293 = vector.broadcast %shift_left3A_292 : i32 to vector<16xi32>
        %shift_left3A_294 = arith.shli %get3A_262, %shift_left3A_293 : vector<16xi32>
        %bitcast_convert_type3A_295 = tpu.bitcast %shift_left3A_294 : vector<16xi32> -> vector<16xf32>
        %mul3A_296 = arith.mulf %bitcast_convert_type3A_291, %bitcast_convert_type3A_295 : vector<16xf32>
        %and3A = arith.constant -65536 : i32
        %and3A_297 = vector.broadcast %and3A : i32 to vector<16xi32>
        %and3A_298 = arith.andi %get3A_234, %and3A_297 : vector<16xi32>
        %bitcast_convert_type3A_299 = tpu.bitcast %and3A_298 : vector<16xi32> -> vector<16xf32>
        %and3A_300 = arith.constant -65536 : i32
        %and3A_301 = vector.broadcast %and3A_300 : i32 to vector<16xi32>
        %and3A_302 = arith.andi %get3A_250, %and3A_301 : vector<16xi32>
        %bitcast_convert_type3A_303 = tpu.bitcast %and3A_302 : vector<16xi32> -> vector<16xf32>
        %mul3A_304 = arith.mulf %bitcast_convert_type3A_299, %bitcast_convert_type3A_303 : vector<16xf32>
        %and3A_305 = arith.constant -65536 : i32
        %and3A_306 = vector.broadcast %and3A_305 : i32 to vector<16xi32>
        %and3A_307 = arith.andi %get3A_238, %and3A_306 : vector<16xi32>
        %bitcast_convert_type3A_308 = tpu.bitcast %and3A_307 : vector<16xi32> -> vector<16xf32>
        %and3A_309 = arith.constant -65536 : i32
        %and3A_310 = vector.broadcast %and3A_309 : i32 to vector<16xi32>
        %and3A_311 = arith.andi %get3A_254, %and3A_310 : vector<16xi32>
        %bitcast_convert_type3A_312 = tpu.bitcast %and3A_311 : vector<16xi32> -> vector<16xf32>
        %mul3A_313 = arith.mulf %bitcast_convert_type3A_308, %bitcast_convert_type3A_312 : vector<16xf32>
        %and3A_314 = arith.constant -65536 : i32
        %and3A_315 = vector.broadcast %and3A_314 : i32 to vector<16xi32>
        %and3A_316 = arith.andi %get3A_242, %and3A_315 : vector<16xi32>
        %bitcast_convert_type3A_317 = tpu.bitcast %and3A_316 : vector<16xi32> -> vector<16xf32>
        %and3A_318 = arith.constant -65536 : i32
        %and3A_319 = vector.broadcast %and3A_318 : i32 to vector<16xi32>
        %and3A_320 = arith.andi %get3A_258, %and3A_319 : vector<16xi32>
        %bitcast_convert_type3A_321 = tpu.bitcast %and3A_320 : vector<16xi32> -> vector<16xf32>
        %mul3A_322 = arith.mulf %bitcast_convert_type3A_317, %bitcast_convert_type3A_321 : vector<16xf32>
        %and3A_323 = arith.constant -65536 : i32
        %and3A_324 = vector.broadcast %and3A_323 : i32 to vector<16xi32>
        %and3A_325 = arith.andi %get3A_246, %and3A_324 : vector<16xi32>
        %bitcast_convert_type3A_326 = tpu.bitcast %and3A_325 : vector<16xi32> -> vector<16xf32>
        %and3A_327 = arith.constant -65536 : i32
        %and3A_328 = vector.broadcast %and3A_327 : i32 to vector<16xi32>
        %and3A_329 = arith.andi %get3A_262, %and3A_328 : vector<16xi32>
        %bitcast_convert_type3A_330 = tpu.bitcast %and3A_329 : vector<16xi32> -> vector<16xf32>
        %mul3A_331 = arith.mulf %bitcast_convert_type3A_326, %bitcast_convert_type3A_330 : vector<16xf32>
        %swap3A = arith.index_cast %scan3A_231 : i32 to index
        %swap3A_332 = arith.constant 0 : index
        %swap3A_333 = tpu.vector_load %arg26[%swap3A, %swap3A_332] {strides = array<i32>} : memref<40x128xf32, #tpu.memory_space<vmem>>, vector<1x16xf32>,
        %swap3A_334 = vector.shape_cast %swap3A_333 : vector<1x16xf32> to vector<16xf32>
        %swap3A_335 = vector.shape_cast %mul3A_269 : vector<16xf32> to vector<1x16xf32>
        tpu.vector_store %arg26[%swap3A, %swap3A_332], %swap3A_335 {strides = array<i32>} : memref<40x128xf32, #tpu.memory_space<vmem>>, vector<1x16xf32>,
        %swap3A_336 = arith.index_cast %scan3A_231 : i32 to index
        %swap3A_337 = arith.constant 16 : index
        %swap3A_338 = tpu.vector_load %arg26[%swap3A_336, %swap3A_337] {strides = array<i32>} : memref<40x128xf32, #tpu.memory_space<vmem>>, vector<1x16xf32>,
        %swap3A_339 = vector.shape_cast %swap3A_338 : vector<1x16xf32> to vector<16xf32>
        %swap3A_340 = vector.shape_cast %mul3A_304 : vector<16xf32> to vector<1x16xf32>
        tpu.vector_store %arg26[%swap3A_336, %swap3A_337], %swap3A_340 {strides = array<i32>} : memref<40x128xf32, #tpu.memory_space<vmem>>, vector<1x16xf32>,
        %swap3A_341 = arith.index_cast %scan3A_231 : i32 to index
        %swap3A_342 = arith.constant 32 : index
        %swap3A_343 = tpu.vector_load %arg26[%swap3A_341, %swap3A_342] {strides = array<i32>} : memref<40x128xf32, #tpu.memory_space<vmem>>, vector<1x16xf32>,
        %swap3A_344 = vector.shape_cast %swap3A_343 : vector<1x16xf32> to vector<16xf32>
        %swap3A_345 = vector.shape_cast %mul3A_278 : vector<16xf32> to vector<1x16xf32>
        tpu.vector_store %arg26[%swap3A_341, %swap3A_342], %swap3A_345 {strides = array<i32>} : memref<40x128xf32, #tpu.memory_space<vmem>>, vector<1x16xf32>,
        %swap3A_346 = arith.index_cast %scan3A_231 : i32 to index
        %swap3A_347 = arith.constant 48 : index
        %swap3A_348 = tpu.vector_load %arg26[%swap3A_346, %swap3A_347] {strides = array<i32>} : memref<40x128xf32, #tpu.memory_space<vmem>>, vector<1x16xf32>,
        %swap3A_349 = vector.shape_cast %swap3A_348 : vector<1x16xf32> to vector<16xf32>
        %swap3A_350 = vector.shape_cast %mul3A_313 : vector<16xf32> to vector<1x16xf32>
        tpu.vector_store %arg26[%swap3A_346, %swap3A_347], %swap3A_350 {strides = array<i32>} : memref<40x128xf32, #tpu.memory_space<vmem>>, vector<1x16xf32>,
        %swap3A_351 = arith.index_cast %scan3A_231 : i32 to index
        %swap3A_352 = arith.constant 64 : index
        %swap3A_353 = tpu.vector_load %arg26[%swap3A_351, %swap3A_352] {strides = array<i32>} : memref<40x128xf32, #tpu.memory_space<vmem>>, vector<1x16xf32>,
        %swap3A_354 = vector.shape_cast %swap3A_353 : vector<1x16xf32> to vector<16xf32>
        %swap3A_355 = vector.shape_cast %mul3A_287 : vector<16xf32> to vector<1x16xf32>
        tpu.vector_store %arg26[%swap3A_351, %swap3A_352], %swap3A_355 {strides = array<i32>} : memref<40x128xf32, #tpu.memory_space<vmem>>, vector<1x16xf32>,
        %swap3A_356 = arith.index_cast %scan3A_231 : i32 to index
        %swap3A_357 = arith.constant 80 : index
        %swap3A_358 = tpu.vector_load %arg26[%swap3A_356, %swap3A_357] {strides = array<i32>} : memref<40x128xf32, #tpu.memory_space<vmem>>, vector<1x16xf32>,
        %swap3A_359 = vector.shape_cast %swap3A_358 : vector<1x16xf32> to vector<16xf32>
        %swap3A_360 = vector.shape_cast %mul3A_322 : vector<16xf32> to vector<1x16xf32>
        tpu.vector_store %arg26[%swap3A_356, %swap3A_357], %swap3A_360 {strides = array<i32>} : memref<40x128xf32, #tpu.memory_space<vmem>>, vector<1x16xf32>,
        %swap3A_361 = arith.index_cast %scan3A_231 : i32 to index
        %swap3A_362 = arith.constant 96 : index
        %swap3A_363 = tpu.vector_load %arg26[%swap3A_361, %swap3A_362] {strides = array<i32>} : memref<40x128xf32, #tpu.memory_space<vmem>>, vector<1x16xf32>,
        %swap3A_364 = vector.shape_cast %swap3A_363 : vector<1x16xf32> to vector<16xf32>
        %swap3A_365 = vector.shape_cast %mul3A_296 : vector<16xf32> to vector<1x16xf32>
        tpu.vector_store %arg26[%swap3A_361, %swap3A_362], %swap3A_365 {strides = array<i32>} : memref<40x128xf32, #tpu.memory_space<vmem>>, vector<1x16xf32>,
        %swap3A_366 = arith.index_cast %scan3A_231 : i32 to index
        %swap3A_367 = arith.constant 112 : index
        %swap3A_368 = tpu.vector_load %arg26[%swap3A_366, %swap3A_367] {strides = array<i32>} : memref<40x128xf32, #tpu.memory_space<vmem>>, vector<1x16xf32>,
        %swap3A_369 = vector.shape_cast %swap3A_368 : vector<1x16xf32> to vector<16xf32>
        %swap3A_370 = vector.shape_cast %mul3A_331 : vector<16xf32> to vector<1x16xf32>
        tpu.vector_store %arg26[%swap3A_366, %swap3A_367], %swap3A_370 {strides = array<i32>} : memref<40x128xf32, #tpu.memory_space<vmem>>, vector<1x16xf32>,
      }
      %scan3A_207 = arith.constant 40 : i32
      %dma_start3A_208 = arith.constant 0 : i32
      %dma_start3A_209 = arith.constant 0 : i32
      %dma_start3A_210 = tpu.memref_slice %arg28[%dma_start3A_208, %dma_start3A_209] : memref<10000x128xf32, #tpu.memory_space<vmem_shared>> -> memref<10000x128xf32, #tpu.memory_space<vmem_shared>>
      tpu.enqueue_indirect_dma source(%arg26 : memref<40x128xf32, #tpu.memory_space<vmem>>) target(%dma_start3A_210 : memref<10000x128xf32, #tpu.memory_space<vmem_shared>>) offsets(%arg14 : memref<40xi32, #tpu.memory_space<vmem>>) semaphore(%arg47 : memref<!tpu.dma_semaphore, #tpu.memory_space<semaphore_mem>>) {add = true}
      %dma_wait3A_211 = arith.constant 0 : i32
      %dma_wait3A_212 = arith.constant 0 : i32
      %dma_wait3A_213 = tpu.memref_slice %arg2[%dma_wait3A_211, %dma_wait3A_212] : memref<10000x64xi32, #tpu.memory_space<hbm>> -> memref<10000x64xi32, #tpu.memory_space<hbm>>
      tpu.wait_indirect_dma semaphore(%arg40 : memref<!tpu.dma_semaphore, #tpu.memory_space<semaphore_mem>>) src(%dma_wait3A_213 : memref<10000x64xi32, #tpu.memory_space<hbm>>) dst(%arg23 : memref<40x64xi32, #tpu.memory_space<vmem>>)
      %add3A_214 = arith.constant 120 : i32
      %add3A_215 = arith.addi %add3A, %add3A_214 : i32
      %dma_wait3A_216 = arith.constant 0 : i32
      %dma_wait3A_217 = tpu.memref_slice %arg3[%arg0, %add3A_215, %dma_wait3A_216] : memref<2x327680x64xi32, #tpu.memory_space<hbm>> -> memref<1x40x64xi32, #tpu.memory_space<hbm>>
      %dma_wait3A_218 = tpu.memref_squeeze %dma_wait3A_217 : memref<1x40x64xi32, #tpu.memory_space<hbm>> -> memref<40x64xi32, #tpu.memory_space<hbm>>
      %dma_wait3A_219 = arith.constant 0 : i32
      %dma_wait3A_220 = tpu.memref_slice %arg3[%arg0, %add3A_215, %dma_wait3A_219] : memref<2x327680x64xi32, #tpu.memory_space<hbm>> -> memref<1x40x64xi32, #tpu.memory_space<hbm>>
      %dma_wait3A_221 = tpu.memref_squeeze %dma_wait3A_220 : memref<1x40x64xi32, #tpu.memory_space<hbm>> -> memref<40x64xi32, #tpu.memory_space<hbm>>
      tpu.wait_dma2 semaphore(%arg44 : memref<!tpu.dma_semaphore, #tpu.memory_space<semaphore_mem>>) src(%dma_wait3A_221 : memref<40x64xi32, #tpu.memory_space<hbm>>) dst(%arg19 : memref<40x64xi32, #tpu.memory_space<vmem>>)
      %scan3A_222 = arith.constant 0 : i32
      %scan3A_223 = arith.constant 0 : i32
      %scan3A_224 = arith.constant 40 : i32
      %scan3A_225 = arith.addi %scan3A_223, %scan3A_224 : i32
      %scan3A_226 = arith.constant 1 : i32
      scf.for %scan3A_231 = %scan3A_223 to %scan3A_225 step %scan3A_226  : i32 {
        %get3A = arith.index_cast %scan3A_231 : i32 to index
        %get3A_232 = arith.constant 0 : index
        %get3A_233 = tpu.vector_load %arg19[%get3A, %get3A_232] {strides = array<i32>} : memref<40x64xi32, #tpu.memory_space<vmem>>, vector<1x16xi32>,
        %get3A_234 = vector.shape_cast %get3A_233 : vector<1x16xi32> to vector<16xi32>
        %get3A_235 = arith.index_cast %scan3A_231 : i32 to index
        %get3A_236 = arith.constant 16 : index
        %get3A_237 = tpu.vector_load %arg19[%get3A_235, %get3A_236] {strides = array<i32>} : memref<40x64xi32, #tpu.memory_space<vmem>>, vector<1x16xi32>,
        %get3A_238 = vector.shape_cast %get3A_237 : vector<1x16xi32> to vector<16xi32>
        %get3A_239 = arith.index_cast %scan3A_231 : i32 to index
        %get3A_240 = arith.constant 32 : index
        %get3A_241 = tpu.vector_load %arg19[%get3A_239, %get3A_240] {strides = array<i32>} : memref<40x64xi32, #tpu.memory_space<vmem>>, vector<1x16xi32>,
        %get3A_242 = vector.shape_cast %get3A_241 : vector<1x16xi32> to vector<16xi32>
        %get3A_243 = arith.index_cast %scan3A_231 : i32 to index
        %get3A_244 = arith.constant 48 : index
        %get3A_245 = tpu.vector_load %arg19[%get3A_243, %get3A_244] {strides = array<i32>} : memref<40x64xi32, #tpu.memory_space<vmem>>, vector<1x16xi32>,
        %get3A_246 = vector.shape_cast %get3A_245 : vector<1x16xi32> to vector<16xi32>
        %get3A_247 = arith.index_cast %scan3A_231 : i32 to index
        %get3A_248 = arith.constant 0 : index
        %get3A_249 = tpu.vector_load %arg23[%get3A_247, %get3A_248] {strides = array<i32>} : memref<40x64xi32, #tpu.memory_space<vmem>>, vector<1x16xi32>,
        %get3A_250 = vector.shape_cast %get3A_249 : vector<1x16xi32> to vector<16xi32>
        %get3A_251 = arith.index_cast %scan3A_231 : i32 to index
        %get3A_252 = arith.constant 16 : index
        %get3A_253 = tpu.vector_load %arg23[%get3A_251, %get3A_252] {strides = array<i32>} : memref<40x64xi32, #tpu.memory_space<vmem>>, vector<1x16xi32>,
        %get3A_254 = vector.shape_cast %get3A_253 : vector<1x16xi32> to vector<16xi32>
        %get3A_255 = arith.index_cast %scan3A_231 : i32 to index
        %get3A_256 = arith.constant 32 : index
        %get3A_257 = tpu.vector_load %arg23[%get3A_255, %get3A_256] {strides = array<i32>} : memref<40x64xi32, #tpu.memory_space<vmem>>, vector<1x16xi32>,
        %get3A_258 = vector.shape_cast %get3A_257 : vector<1x16xi32> to vector<16xi32>
        %get3A_259 = arith.index_cast %scan3A_231 : i32 to index
        %get3A_260 = arith.constant 48 : index
        %get3A_261 = tpu.vector_load %arg23[%get3A_259, %get3A_260] {strides = array<i32>} : memref<40x64xi32, #tpu.memory_space<vmem>>, vector<1x16xi32>,
        %get3A_262 = vector.shape_cast %get3A_261 : vector<1x16xi32> to vector<16xi32>
        %shift_left3A = arith.constant 16 : i32
        %shift_left3A_263 = vector.broadcast %shift_left3A : i32 to vector<16xi32>
        %shift_left3A_264 = arith.shli %get3A_234, %shift_left3A_263 : vector<16xi32>
        %bitcast_convert_type3A = tpu.bitcast %shift_left3A_264 : vector<16xi32> -> vector<16xf32>
        %shift_left3A_265 = arith.constant 16 : i32
        %shift_left3A_266 = vector.broadcast %shift_left3A_265 : i32 to vector<16xi32>
        %shift_left3A_267 = arith.shli %get3A_250, %shift_left3A_266 : vector<16xi32>
        %bitcast_convert_type3A_268 = tpu.bitcast %shift_left3A_267 : vector<16xi32> -> vector<16xf32>
        %mul3A_269 = arith.mulf %bitcast_convert_type3A, %bitcast_convert_type3A_268 : vector<16xf32>
        %shift_left3A_270 = arith.constant 16 : i32
        %shift_left3A_271 = vector.broadcast %shift_left3A_270 : i32 to vector<16xi32>
        %shift_left3A_272 = arith.shli %get3A_238, %shift_left3A_271 : vector<16xi32>
        %bitcast_convert_type3A_273 = tpu.bitcast %shift_left3A_272 : vector<16xi32> -> vector<16xf32>
        %shift_left3A_274 = arith.constant 16 : i32
        %shift_left3A_275 = vector.broadcast %shift_left3A_274 : i32 to vector<16xi32>
        %shift_left3A_276 = arith.shli %get3A_254, %shift_left3A_275 : vector<16xi32>
        %bitcast_convert_type3A_277 = tpu.bitcast %shift_left3A_276 : vector<16xi32> -> vector<16xf32>
        %mul3A_278 = arith.mulf %bitcast_convert_type3A_273, %bitcast_convert_type3A_277 : vector<16xf32>
        %shift_left3A_279 = arith.constant 16 : i32
        %shift_left3A_280 = vector.broadcast %shift_left3A_279 : i32 to vector<16xi32>
        %shift_left3A_281 = arith.shli %get3A_242, %shift_left3A_280 : vector<16xi32>
        %bitcast_convert_type3A_282 = tpu.bitcast %shift_left3A_281 : vector<16xi32> -> vector<16xf32>
        %shift_left3A_283 = arith.constant 16 : i32
        %shift_left3A_284 = vector.broadcast %shift_left3A_283 : i32 to vector<16xi32>
        %shift_left3A_285 = arith.shli %get3A_258, %shift_left3A_284 : vector<16xi32>
        %bitcast_convert_type3A_286 = tpu.bitcast %shift_left3A_285 : vector<16xi32> -> vector<16xf32>
        %mul3A_287 = arith.mulf %bitcast_convert_type3A_282, %bitcast_convert_type3A_286 : vector<16xf32>
        %shift_left3A_288 = arith.constant 16 : i32
        %shift_left3A_289 = vector.broadcast %shift_left3A_288 : i32 to vector<16xi32>
        %shift_left3A_290 = arith.shli %get3A_246, %shift_left3A_289 : vector<16xi32>
        %bitcast_convert_type3A_291 = tpu.bitcast %shift_left3A_290 : vector<16xi32> -> vector<16xf32>
        %shift_left3A_292 = arith.constant 16 : i32
        %shift_left3A_293 = vector.broadcast %shift_left3A_292 : i32 to vector<16xi32>
        %shift_left3A_294 = arith.shli %get3A_262, %shift_left3A_293 : vector<16xi32>
        %bitcast_convert_type3A_295 = tpu.bitcast %shift_left3A_294 : vector<16xi32> -> vector<16xf32>
        %mul3A_296 = arith.mulf %bitcast_convert_type3A_291, %bitcast_convert_type3A_295 : vector<16xf32>
        %and3A = arith.constant -65536 : i32
        %and3A_297 = vector.broadcast %and3A : i32 to vector<16xi32>
        %and3A_298 = arith.andi %get3A_234, %and3A_297 : vector<16xi32>
        %bitcast_convert_type3A_299 = tpu.bitcast %and3A_298 : vector<16xi32> -> vector<16xf32>
        %and3A_300 = arith.constant -65536 : i32
        %and3A_301 = vector.broadcast %and3A_300 : i32 to vector<16xi32>
        %and3A_302 = arith.andi %get3A_250, %and3A_301 : vector<16xi32>
        %bitcast_convert_type3A_303 = tpu.bitcast %and3A_302 : vector<16xi32> -> vector<16xf32>
        %mul3A_304 = arith.mulf %bitcast_convert_type3A_299, %bitcast_convert_type3A_303 : vector<16xf32>
        %and3A_305 = arith.constant -65536 : i32
        %and3A_306 = vector.broadcast %and3A_305 : i32 to vector<16xi32>
        %and3A_307 = arith.andi %get3A_238, %and3A_306 : vector<16xi32>
        %bitcast_convert_type3A_308 = tpu.bitcast %and3A_307 : vector<16xi32> -> vector<16xf32>
        %and3A_309 = arith.constant -65536 : i32
        %and3A_310 = vector.broadcast %and3A_309 : i32 to vector<16xi32>
        %and3A_311 = arith.andi %get3A_254, %and3A_310 : vector<16xi32>
        %bitcast_convert_type3A_312 = tpu.bitcast %and3A_311 : vector<16xi32> -> vector<16xf32>
        %mul3A_313 = arith.mulf %bitcast_convert_type3A_308, %bitcast_convert_type3A_312 : vector<16xf32>
        %and3A_314 = arith.constant -65536 : i32
        %and3A_315 = vector.broadcast %and3A_314 : i32 to vector<16xi32>
        %and3A_316 = arith.andi %get3A_242, %and3A_315 : vector<16xi32>
        %bitcast_convert_type3A_317 = tpu.bitcast %and3A_316 : vector<16xi32> -> vector<16xf32>
        %and3A_318 = arith.constant -65536 : i32
        %and3A_319 = vector.broadcast %and3A_318 : i32 to vector<16xi32>
        %and3A_320 = arith.andi %get3A_258, %and3A_319 : vector<16xi32>
        %bitcast_convert_type3A_321 = tpu.bitcast %and3A_320 : vector<16xi32> -> vector<16xf32>
        %mul3A_322 = arith.mulf %bitcast_convert_type3A_317, %bitcast_convert_type3A_321 : vector<16xf32>
        %and3A_323 = arith.constant -65536 : i32
        %and3A_324 = vector.broadcast %and3A_323 : i32 to vector<16xi32>
        %and3A_325 = arith.andi %get3A_246, %and3A_324 : vector<16xi32>
        %bitcast_convert_type3A_326 = tpu.bitcast %and3A_325 : vector<16xi32> -> vector<16xf32>
        %and3A_327 = arith.constant -65536 : i32
        %and3A_328 = vector.broadcast %and3A_327 : i32 to vector<16xi32>
        %and3A_329 = arith.andi %get3A_262, %and3A_328 : vector<16xi32>
        %bitcast_convert_type3A_330 = tpu.bitcast %and3A_329 : vector<16xi32> -> vector<16xf32>
        %mul3A_331 = arith.mulf %bitcast_convert_type3A_326, %bitcast_convert_type3A_330 : vector<16xf32>
        %swap3A = arith.index_cast %scan3A_231 : i32 to index
        %swap3A_332 = arith.constant 0 : index
        %swap3A_333 = tpu.vector_load %arg27[%swap3A, %swap3A_332] {strides = array<i32>} : memref<40x128xf32, #tpu.memory_space<vmem>>, vector<1x16xf32>,
        %swap3A_334 = vector.shape_cast %swap3A_333 : vector<1x16xf32> to vector<16xf32>
        %swap3A_335 = vector.shape_cast %mul3A_269 : vector<16xf32> to vector<1x16xf32>
        tpu.vector_store %arg27[%swap3A, %swap3A_332], %swap3A_335 {strides = array<i32>} : memref<40x128xf32, #tpu.memory_space<vmem>>, vector<1x16xf32>,
        %swap3A_336 = arith.index_cast %scan3A_231 : i32 to index
        %swap3A_337 = arith.constant 16 : index
        %swap3A_338 = tpu.vector_load %arg27[%swap3A_336, %swap3A_337] {strides = array<i32>} : memref<40x128xf32, #tpu.memory_space<vmem>>, vector<1x16xf32>,
        %swap3A_339 = vector.shape_cast %swap3A_338 : vector<1x16xf32> to vector<16xf32>
        %swap3A_340 = vector.shape_cast %mul3A_304 : vector<16xf32> to vector<1x16xf32>
        tpu.vector_store %arg27[%swap3A_336, %swap3A_337], %swap3A_340 {strides = array<i32>} : memref<40x128xf32, #tpu.memory_space<vmem>>, vector<1x16xf32>,
        %swap3A_341 = arith.index_cast %scan3A_231 : i32 to index
        %swap3A_342 = arith.constant 32 : index
        %swap3A_343 = tpu.vector_load %arg27[%swap3A_341, %swap3A_342] {strides = array<i32>} : memref<40x128xf32, #tpu.memory_space<vmem>>, vector<1x16xf32>,
        %swap3A_344 = vector.shape_cast %swap3A_343 : vector<1x16xf32> to vector<16xf32>
        %swap3A_345 = vector.shape_cast %mul3A_278 : vector<16xf32> to vector<1x16xf32>
        tpu.vector_store %arg27[%swap3A_341, %swap3A_342], %swap3A_345 {strides = array<i32>} : memref<40x128xf32, #tpu.memory_space<vmem>>, vector<1x16xf32>,
        %swap3A_346 = arith.index_cast %scan3A_231 : i32 to index
        %swap3A_347 = arith.constant 48 : index
        %swap3A_348 = tpu.vector_load %arg27[%swap3A_346, %swap3A_347] {strides = array<i32>} : memref<40x128xf32, #tpu.memory_space<vmem>>, vector<1x16xf32>,
        %swap3A_349 = vector.shape_cast %swap3A_348 : vector<1x16xf32> to vector<16xf32>
        %swap3A_350 = vector.shape_cast %mul3A_313 : vector<16xf32> to vector<1x16xf32>
        tpu.vector_store %arg27[%swap3A_346, %swap3A_347], %swap3A_350 {strides = array<i32>} : memref<40x128xf32, #tpu.memory_space<vmem>>, vector<1x16xf32>,
        %swap3A_351 = arith.index_cast %scan3A_231 : i32 to index
        %swap3A_352 = arith.constant 64 : index
        %swap3A_353 = tpu.vector_load %arg27[%swap3A_351, %swap3A_352] {strides = array<i32>} : memref<40x128xf32, #tpu.memory_space<vmem>>, vector<1x16xf32>,
        %swap3A_354 = vector.shape_cast %swap3A_353 : vector<1x16xf32> to vector<16xf32>
        %swap3A_355 = vector.shape_cast %mul3A_287 : vector<16xf32> to vector<1x16xf32>
        tpu.vector_store %arg27[%swap3A_351, %swap3A_352], %swap3A_355 {strides = array<i32>} : memref<40x128xf32, #tpu.memory_space<vmem>>, vector<1x16xf32>,
        %swap3A_356 = arith.index_cast %scan3A_231 : i32 to index
        %swap3A_357 = arith.constant 80 : index
        %swap3A_358 = tpu.vector_load %arg27[%swap3A_356, %swap3A_357] {strides = array<i32>} : memref<40x128xf32, #tpu.memory_space<vmem>>, vector<1x16xf32>,
        %swap3A_359 = vector.shape_cast %swap3A_358 : vector<1x16xf32> to vector<16xf32>
        %swap3A_360 = vector.shape_cast %mul3A_322 : vector<16xf32> to vector<1x16xf32>
        tpu.vector_store %arg27[%swap3A_356, %swap3A_357], %swap3A_360 {strides = array<i32>} : memref<40x128xf32, #tpu.memory_space<vmem>>, vector<1x16xf32>,
        %swap3A_361 = arith.index_cast %scan3A_231 : i32 to index
        %swap3A_362 = arith.constant 96 : index
        %swap3A_363 = tpu.vector_load %arg27[%swap3A_361, %swap3A_362] {strides = array<i32>} : memref<40x128xf32, #tpu.memory_space<vmem>>, vector<1x16xf32>,
        %swap3A_364 = vector.shape_cast %swap3A_363 : vector<1x16xf32> to vector<16xf32>
        %swap3A_365 = vector.shape_cast %mul3A_296 : vector<16xf32> to vector<1x16xf32>
        tpu.vector_store %arg27[%swap3A_361, %swap3A_362], %swap3A_365 {strides = array<i32>} : memref<40x128xf32, #tpu.memory_space<vmem>>, vector<1x16xf32>,
        %swap3A_366 = arith.index_cast %scan3A_231 : i32 to index
        %swap3A_367 = arith.constant 112 : index
        %swap3A_368 = tpu.vector_load %arg27[%swap3A_366, %swap3A_367] {strides = array<i32>} : memref<40x128xf32, #tpu.memory_space<vmem>>, vector<1x16xf32>,
        %swap3A_369 = vector.shape_cast %swap3A_368 : vector<1x16xf32> to vector<16xf32>
        %swap3A_370 = vector.shape_cast %mul3A_331 : vector<16xf32> to vector<1x16xf32>
        tpu.vector_store %arg27[%swap3A_366, %swap3A_367], %swap3A_370 {strides = array<i32>} : memref<40x128xf32, #tpu.memory_space<vmem>>, vector<1x16xf32>,
      }
      %scan3A_227 = arith.constant 40 : i32
      %dma_start3A_228 = arith.constant 0 : i32
      %dma_start3A_229 = arith.constant 0 : i32
      %dma_start3A_230 = tpu.memref_slice %arg28[%dma_start3A_228, %dma_start3A_229] : memref<10000x128xf32, #tpu.memory_space<vmem_shared>> -> memref<10000x128xf32, #tpu.memory_space<vmem_shared>>
      tpu.enqueue_indirect_dma source(%arg27 : memref<40x128xf32, #tpu.memory_space<vmem>>) target(%dma_start3A_230 : memref<10000x128xf32, #tpu.memory_space<vmem_shared>>) offsets(%arg15 : memref<40xi32, #tpu.memory_space<vmem>>) semaphore(%arg48 : memref<!tpu.dma_semaphore, #tpu.memory_space<semaphore_mem>>) {add = true}
    }
    %scan3A_5 = arith.constant 125 : i32
    %dma_wait3A = arith.constant 0 : i32
    %dma_wait3A_6 = arith.constant 0 : i32
    %dma_wait3A_7 = tpu.memref_slice %arg28[%dma_wait3A, %dma_wait3A_6] : memref<10000x128xf32, #tpu.memory_space<vmem_shared>> -> memref<10000x128xf32, #tpu.memory_space<vmem_shared>>
    tpu.wait_indirect_dma semaphore(%arg45 : memref<!tpu.dma_semaphore, #tpu.memory_space<semaphore_mem>>) src(%arg24 : memref<40x128xf32, #tpu.memory_space<vmem>>) dst(%dma_wait3A_7 : memref<10000x128xf32, #tpu.memory_space<vmem_shared>>)
    %dma_wait3A_8 = arith.constant 0 : i32
    %dma_wait3A_9 = arith.constant 0 : i32
    %dma_wait3A_10 = tpu.memref_slice %arg28[%dma_wait3A_8, %dma_wait3A_9] : memref<10000x128xf32, #tpu.memory_space<vmem_shared>> -> memref<10000x128xf32, #tpu.memory_space<vmem_shared>>
    tpu.wait_indirect_dma semaphore(%arg46 : memref<!tpu.dma_semaphore, #tpu.memory_space<semaphore_mem>>) src(%arg25 : memref<40x128xf32, #tpu.memory_space<vmem>>) dst(%dma_wait3A_10 : memref<10000x128xf32, #tpu.memory_space<vmem_shared>>)
    %dma_wait3A_11 = arith.constant 0 : i32
    %dma_wait3A_12 = arith.constant 0 : i32
    %dma_wait3A_13 = tpu.memref_slice %arg28[%dma_wait3A_11, %dma_wait3A_12] : memref<10000x128xf32, #tpu.memory_space<vmem_shared>> -> memref<10000x128xf32, #tpu.memory_space<vmem_shared>>
    tpu.wait_indirect_dma semaphore(%arg47 : memref<!tpu.dma_semaphore, #tpu.memory_space<semaphore_mem>>) src(%arg26 : memref<40x128xf32, #tpu.memory_space<vmem>>) dst(%dma_wait3A_13 : memref<10000x128xf32, #tpu.memory_space<vmem_shared>>)
    %dma_wait3A_14 = arith.constant 0 : i32
    %dma_wait3A_15 = arith.constant 0 : i32
    %dma_wait3A_16 = tpu.memref_slice %arg28[%dma_wait3A_14, %dma_wait3A_15] : memref<10000x128xf32, #tpu.memory_space<vmem_shared>> -> memref<10000x128xf32, #tpu.memory_space<vmem_shared>>
    tpu.wait_indirect_dma semaphore(%arg48 : memref<!tpu.dma_semaphore, #tpu.memory_space<semaphore_mem>>) src(%arg27 : memref<40x128xf32, #tpu.memory_space<vmem>>) dst(%dma_wait3A_16 : memref<10000x128xf32, #tpu.memory_space<vmem_shared>>)
    %barrier3A_17 = arith.constant 0 : index
    tpu.barrier barrier_id(%barrier3A_17)
    %mul3A_18 = arith.constant 625 : i32
    %mul3A_19 = arith.muli %arg1, %mul3A_18 : i32
    %mul3A_20 = arith.constant 625 : i32
    %mul3A_21 = arith.muli %arg1, %mul3A_20 : i32
    "tpu.region"() ({
      %run_scoped3A = tpu.sem_alloc : memref<!tpu.dma_semaphore, #tpu.memory_space<semaphore_mem>>
      %dma_start3A = arith.constant 0 : i32
      %dma_start3A_22 = tpu.memref_slice %arg7[%arg0, %mul3A_21, %dma_start3A] : memref<2x10000x128xf32, #tpu.memory_space<hbm>> -> memref<1x625x128xf32, #tpu.memory_space<hbm>>
      %dma_start3A_23 = tpu.memref_squeeze %dma_start3A_22 : memref<1x625x128xf32, #tpu.memory_space<hbm>> -> memref<625x128xf32, #tpu.memory_space<hbm>>
      %dma_start3A_24 = arith.constant 0 : i32
      %dma_start3A_25 = tpu.memref_slice %arg28[%mul3A_19, %dma_start3A_24] : memref<10000x128xf32, #tpu.memory_space<vmem_shared>> -> memref<625x128xf32, #tpu.memory_space<vmem_shared>>
      tpu.enqueue_dma source(%dma_start3A_25 : memref<625x128xf32, #tpu.memory_space<vmem_shared>>) target(%dma_start3A_23 : memref<625x128xf32, #tpu.memory_space<hbm>>) target_semaphore(%run_scoped3A : memref<!tpu.dma_semaphore, #tpu.memory_space<semaphore_mem>>)
      %dma_wait3A_26 = arith.constant 0 : i32
      %dma_wait3A_27 = tpu.memref_slice %arg7[%arg0, %mul3A_21, %dma_wait3A_26] : memref<2x10000x128xf32, #tpu.memory_space<hbm>> -> memref<1x625x128xf32, #tpu.memory_space<hbm>>
      %dma_wait3A_28 = tpu.memref_squeeze %dma_wait3A_27 : memref<1x625x128xf32, #tpu.memory_space<hbm>> -> memref<625x128xf32, #tpu.memory_space<hbm>>
      %dma_wait3A_29 = arith.constant 0 : i32
      %dma_wait3A_30 = tpu.memref_slice %arg28[%mul3A_19, %dma_wait3A_29] : memref<10000x128xf32, #tpu.memory_space<vmem_shared>> -> memref<625x128xf32, #tpu.memory_space<vmem_shared>>
      tpu.wait_dma2 semaphore(%run_scoped3A : memref<!tpu.dma_semaphore, #tpu.memory_space<semaphore_mem>>) src(%dma_wait3A_30 : memref<625x128xf32, #tpu.memory_space<vmem_shared>>) dst(%dma_wait3A_28 : memref<625x128xf32, #tpu.memory_space<hbm>>)
      tpu.yield
    }) : () -> ()
    return
  }
}

#map = affine_map<(d0, d1) -> (0, 0)>
#map1 = affine_map<(d0, d1) -> (0, 0, 0)>
#map2 = affine_map<(d0, d1) -> (0)>
module attributes {stable_mosaic.version = 14 : i64} {
  func.func @_msg_body(%arg0: i32, %arg1: i32, %arg2: memref<10000x64xi32, #tpu.memory_space<hbm>>, %arg3: memref<2x327680x64xi32, #tpu.memory_space<hbm>>, %arg4: memref<320000xi32, #tpu.memory_space<hbm>>, %arg5: memref<320000xi32, #tpu.memory_space<hbm>>, %arg6: memref<625x128xf32, #tpu.memory_space<hbm>>, %arg7: memref<2x10000x128xf32, #tpu.memory_space<hbm>>, %arg8: memref<40xi32, #tpu.memory_space<vmem>>, %arg9: memref<40xi32, #tpu.memory_space<vmem>>, %arg10: memref<40xi32, #tpu.memory_space<vmem>>, %arg11: memref<40xi32, #tpu.memory_space<vmem>>, %arg12: memref<40xi32, #tpu.memory_space<vmem>>, %arg13: memref<40xi32, #tpu.memory_space<vmem>>, %arg14: memref<40xi32, #tpu.memory_space<vmem>>, %arg15: memref<40xi32, #tpu.memory_space<vmem>>, %arg16: memref<40x64xi32, #tpu.memory_space<vmem>>, %arg17: memref<40x64xi32, #tpu.memory_space<vmem>>, %arg18: memref<40x64xi32, #tpu.memory_space<vmem>>, %arg19: memref<40x64xi32, #tpu.memory_space<vmem>>, %arg20: memref<40x64xi32, #tpu.memory_space<vmem>>, %arg21: memref<40x64xi32, #tpu.memory_space<vmem>>, %arg22: memref<40x64xi32, #tpu.memory_space<vmem>>, %arg23: memref<40x64xi32, #tpu.memory_space<vmem>>, %arg24: memref<40x128xf32, #tpu.memory_space<vmem>>, %arg25: memref<40x128xf32, #tpu.memory_space<vmem>>, %arg26: memref<40x128xf32, #tpu.memory_space<vmem>>, %arg27: memref<40x128xf32, #tpu.memory_space<vmem>>, %arg28: memref<10000x128xf32, #tpu.memory_space<vmem_shared>>, %arg29: memref<!tpu.dma_semaphore, #tpu.memory_space<semaphore_mem>>, %arg30: memref<!tpu.dma_semaphore, #tpu.memory_space<semaphore_mem>>, %arg31: memref<!tpu.dma_semaphore, #tpu.memory_space<semaphore_mem>>, %arg32: memref<!tpu.dma_semaphore, #tpu.memory_space<semaphore_mem>>, %arg33: memref<!tpu.dma_semaphore, #tpu.memory_space<semaphore_mem>>, %arg34: memref<!tpu.dma_semaphore, #tpu.memory_space<semaphore_mem>>, %arg35: memref<!tpu.dma_semaphore, #tpu.memory_space<semaphore_mem>>, %arg36: memref<!tpu.dma_semaphore, #tpu.memory_space<semaphore_mem>>, %arg37: memref<!tpu.dma_semaphore, #tpu.memory_space<semaphore_mem>>, %arg38: memref<!tpu.dma_semaphore, #tpu.memory_space<semaphore_mem>>, %arg39: memref<!tpu.dma_semaphore, #tpu.memory_space<semaphore_mem>>, %arg40: memref<!tpu.dma_semaphore, #tpu.memory_space<semaphore_mem>>, %arg41: memref<!tpu.dma_semaphore, #tpu.memory_space<semaphore_mem>>, %arg42: memref<!tpu.dma_semaphore, #tpu.memory_space<semaphore_mem>>, %arg43: memref<!tpu.dma_semaphore, #tpu.memory_space<semaphore_mem>>, %arg44: memref<!tpu.dma_semaphore, #tpu.memory_space<semaphore_mem>>, %arg45: memref<!tpu.dma_semaphore, #tpu.memory_space<semaphore_mem>>, %arg46: memref<!tpu.dma_semaphore, #tpu.memory_space<semaphore_mem>>, %arg47: memref<!tpu.dma_semaphore, #tpu.memory_space<semaphore_mem>>, %arg48: memref<!tpu.dma_semaphore, #tpu.memory_space<semaphore_mem>>) attributes {dimension_semantics = [#tpu.dimension_semantics<core_parallel>, #tpu.dimension_semantics<subcore_parallel>], iteration_bounds = array<i64: 2, 16>, scalar_prefetch = 0 : i64, scratch_operands = 41 : i64, tpu.core_type = #tpu.core_type<sc_vector_subcore>, window_params = [{transform_indices = #map}, {transform_indices = #map1}, {transform_indices = #map2}, {transform_indices = #map2}, {transform_indices = #map}, {transform_indices = #map1}]} {
    %mul3A = arith.constant 625 : i32
    %mul3A_0 = arith.muli %arg1, %mul3A : i32
    "tpu.region"() ({
      %run_scoped3A = tpu.sem_alloc : memref<!tpu.dma_semaphore, #tpu.memory_space<semaphore_mem>>
      %dma_start3A = arith.constant 0 : i32
      %dma_start3A_22 = tpu.memref_slice %arg28[%mul3A_0, %dma_start3A] : memref<10000x128xf32, #tpu.memory_space<vmem_shared>> -> memref<625x128xf32, #tpu.memory_space<vmem_shared>>
      tpu.enqueue_dma source(%arg6 : memref<625x128xf32, #tpu.memory_space<hbm>>) target(%dma_start3A_22 : memref<625x128xf32, #tpu.memory_space<vmem_shared>>) target_semaphore(%run_scoped3A : memref<!tpu.dma_semaphore, #tpu.memory_space<semaphore_mem>>)
      %dma_wait3A_23 = arith.constant 0 : i32
      %dma_wait3A_24 = tpu.memref_slice %arg28[%mul3A_0, %dma_wait3A_23] : memref<10000x128xf32, #tpu.memory_space<vmem_shared>> -> memref<625x128xf32, #tpu.memory_space<vmem_shared>>
      tpu.wait_dma2 semaphore(%run_scoped3A : memref<!tpu.dma_semaphore, #tpu.memory_space<semaphore_mem>>) src(%arg6 : memref<625x128xf32, #tpu.memory_space<hbm>>) dst(%dma_wait3A_24 : memref<625x128xf32, #tpu.memory_space<vmem_shared>>)
      tpu.yield
    }) : () -> ()
    %barrier3A = arith.constant 0 : index
    tpu.barrier barrier_id(%barrier3A)
    %scan3A = arith.constant 0 : i32
    %scan3A_1 = arith.constant 0 : i32
    %scan3A_2 = arith.constant 125 : i32
    %scan3A_3 = arith.addi %scan3A_1, %scan3A_2 : i32
    %scan3A_4 = arith.constant 1 : i32
    scf.for %scan3A_22 = %scan3A_1 to %scan3A_3 step %scan3A_4  : i32 {
      %mul3A_23 = arith.constant 20000 : i32
      %mul3A_24 = arith.muli %arg1, %mul3A_23 : i32
      %mul3A_25 = arith.constant 160 : i32
      %mul3A_26 = arith.muli %scan3A_22, %mul3A_25 : i32
      %add3A = arith.addi %mul3A_24, %mul3A_26 : i32
      %gt3A = arith.constant 0 : i32
      %gt3A_27 = arith.cmpi sgt, %scan3A_22, %gt3A : i32
      %convert_element_type3A = arith.extui %gt3A_27 : i1 to i32
      %cond3A = arith.constant 0 : i32
      %cond3A_28 = arith.cmpi ne, %convert_element_type3A, %cond3A : i32
      scf.if %cond3A_28 {
        %dma_wait3A_231 = arith.constant 0 : i32
        %dma_wait3A_232 = arith.constant 0 : i32
        %dma_wait3A_233 = tpu.memref_slice %arg28[%dma_wait3A_231, %dma_wait3A_232] : memref<10000x128xf32, #tpu.memory_space<vmem_shared>> -> memref<10000x128xf32, #tpu.memory_space<vmem_shared>>
        tpu.wait_indirect_dma semaphore(%arg45 : memref<!tpu.dma_semaphore, #tpu.memory_space<semaphore_mem>>) src(%arg24 : memref<40x128xf32, #tpu.memory_space<vmem>>) dst(%dma_wait3A_233 : memref<10000x128xf32, #tpu.memory_space<vmem_shared>>)
      } else {
      }
      %add3A_29 = arith.constant 0 : i32
      %add3A_30 = arith.addi %add3A, %add3A_29 : i32
      %dma_start3A = tpu.memref_slice %arg4[%add3A_30] : memref<320000xi32, #tpu.memory_space<hbm>> -> memref<40xi32, #tpu.memory_space<hbm>>
      %dma_start3A_31 = tpu.memref_slice %arg4[%add3A_30] : memref<320000xi32, #tpu.memory_space<hbm>> -> memref<40xi32, #tpu.memory_space<hbm>>
      tpu.enqueue_dma source(%dma_start3A_31 : memref<40xi32, #tpu.memory_space<hbm>>) target(%arg8 : memref<40xi32, #tpu.memory_space<vmem>>) target_semaphore(%arg29 : memref<!tpu.dma_semaphore, #tpu.memory_space<semaphore_mem>>)
      %add3A_32 = arith.constant 0 : i32
      %add3A_33 = arith.addi %add3A, %add3A_32 : i32
      %dma_start3A_34 = tpu.memref_slice %arg5[%add3A_33] : memref<320000xi32, #tpu.memory_space<hbm>> -> memref<40xi32, #tpu.memory_space<hbm>>
      %dma_start3A_35 = tpu.memref_slice %arg5[%add3A_33] : memref<320000xi32, #tpu.memory_space<hbm>> -> memref<40xi32, #tpu.memory_space<hbm>>
      tpu.enqueue_dma source(%dma_start3A_35 : memref<40xi32, #tpu.memory_space<hbm>>) target(%arg12 : memref<40xi32, #tpu.memory_space<vmem>>) target_semaphore(%arg33 : memref<!tpu.dma_semaphore, #tpu.memory_space<semaphore_mem>>)
      %gt3A_36 = arith.constant 0 : i32
      %gt3A_37 = arith.cmpi sgt, %scan3A_22, %gt3A_36 : i32
      %convert_element_type3A_38 = arith.extui %gt3A_37 : i1 to i32
      %cond3A_39 = arith.constant 0 : i32
      %cond3A_40 = arith.cmpi ne, %convert_element_type3A_38, %cond3A_39 : i32
      scf.if %cond3A_40 {
        %dma_wait3A_231 = arith.constant 0 : i32
        %dma_wait3A_232 = arith.constant 0 : i32
        %dma_wait3A_233 = tpu.memref_slice %arg28[%dma_wait3A_231, %dma_wait3A_232] : memref<10000x128xf32, #tpu.memory_space<vmem_shared>> -> memref<10000x128xf32, #tpu.memory_space<vmem_shared>>
        tpu.wait_indirect_dma semaphore(%arg46 : memref<!tpu.dma_semaphore, #tpu.memory_space<semaphore_mem>>) src(%arg25 : memref<40x128xf32, #tpu.memory_space<vmem>>) dst(%dma_wait3A_233 : memref<10000x128xf32, #tpu.memory_space<vmem_shared>>)
      } else {
      }
      %add3A_41 = arith.constant 40 : i32
      %add3A_42 = arith.addi %add3A, %add3A_41 : i32
      %dma_start3A_43 = tpu.memref_slice %arg4[%add3A_42] : memref<320000xi32, #tpu.memory_space<hbm>> -> memref<40xi32, #tpu.memory_space<hbm>>
      %dma_start3A_44 = tpu.memref_slice %arg4[%add3A_42] : memref<320000xi32, #tpu.memory_space<hbm>> -> memref<40xi32, #tpu.memory_space<hbm>>
      tpu.enqueue_dma source(%dma_start3A_44 : memref<40xi32, #tpu.memory_space<hbm>>) target(%arg9 : memref<40xi32, #tpu.memory_space<vmem>>) target_semaphore(%arg30 : memref<!tpu.dma_semaphore, #tpu.memory_space<semaphore_mem>>)
      %add3A_45 = arith.constant 40 : i32
      %add3A_46 = arith.addi %add3A, %add3A_45 : i32
      %dma_start3A_47 = tpu.memref_slice %arg5[%add3A_46] : memref<320000xi32, #tpu.memory_space<hbm>> -> memref<40xi32, #tpu.memory_space<hbm>>
      %dma_start3A_48 = tpu.memref_slice %arg5[%add3A_46] : memref<320000xi32, #tpu.memory_space<hbm>> -> memref<40xi32, #tpu.memory_space<hbm>>
      tpu.enqueue_dma source(%dma_start3A_48 : memref<40xi32, #tpu.memory_space<hbm>>) target(%arg13 : memref<40xi32, #tpu.memory_space<vmem>>) target_semaphore(%arg34 : memref<!tpu.dma_semaphore, #tpu.memory_space<semaphore_mem>>)
      %gt3A_49 = arith.constant 0 : i32
      %gt3A_50 = arith.cmpi sgt, %scan3A_22, %gt3A_49 : i32
      %convert_element_type3A_51 = arith.extui %gt3A_50 : i1 to i32
      %cond3A_52 = arith.constant 0 : i32
      %cond3A_53 = arith.cmpi ne, %convert_element_type3A_51, %cond3A_52 : i32
      scf.if %cond3A_53 {
        %dma_wait3A_231 = arith.constant 0 : i32
        %dma_wait3A_232 = arith.constant 0 : i32
        %dma_wait3A_233 = tpu.memref_slice %arg28[%dma_wait3A_231, %dma_wait3A_232] : memref<10000x128xf32, #tpu.memory_space<vmem_shared>> -> memref<10000x128xf32, #tpu.memory_space<vmem_shared>>
        tpu.wait_indirect_dma semaphore(%arg47 : memref<!tpu.dma_semaphore, #tpu.memory_space<semaphore_mem>>) src(%arg26 : memref<40x128xf32, #tpu.memory_space<vmem>>) dst(%dma_wait3A_233 : memref<10000x128xf32, #tpu.memory_space<vmem_shared>>)
      } else {
      }
      %add3A_54 = arith.constant 80 : i32
      %add3A_55 = arith.addi %add3A, %add3A_54 : i32
      %dma_start3A_56 = tpu.memref_slice %arg4[%add3A_55] : memref<320000xi32, #tpu.memory_space<hbm>> -> memref<40xi32, #tpu.memory_space<hbm>>
      %dma_start3A_57 = tpu.memref_slice %arg4[%add3A_55] : memref<320000xi32, #tpu.memory_space<hbm>> -> memref<40xi32, #tpu.memory_space<hbm>>
      tpu.enqueue_dma source(%dma_start3A_57 : memref<40xi32, #tpu.memory_space<hbm>>) target(%arg10 : memref<40xi32, #tpu.memory_space<vmem>>) target_semaphore(%arg31 : memref<!tpu.dma_semaphore, #tpu.memory_space<semaphore_mem>>)
      %add3A_58 = arith.constant 80 : i32
      %add3A_59 = arith.addi %add3A, %add3A_58 : i32
      %dma_start3A_60 = tpu.memref_slice %arg5[%add3A_59] : memref<320000xi32, #tpu.memory_space<hbm>> -> memref<40xi32, #tpu.memory_space<hbm>>
      %dma_start3A_61 = tpu.memref_slice %arg5[%add3A_59] : memref<320000xi32, #tpu.memory_space<hbm>> -> memref<40xi32, #tpu.memory_space<hbm>>
      tpu.enqueue_dma source(%dma_start3A_61 : memref<40xi32, #tpu.memory_space<hbm>>) target(%arg14 : memref<40xi32, #tpu.memory_space<vmem>>) target_semaphore(%arg35 : memref<!tpu.dma_semaphore, #tpu.memory_space<semaphore_mem>>)
      %gt3A_62 = arith.constant 0 : i32
      %gt3A_63 = arith.cmpi sgt, %scan3A_22, %gt3A_62 : i32
      %convert_element_type3A_64 = arith.extui %gt3A_63 : i1 to i32
      %cond3A_65 = arith.constant 0 : i32
      %cond3A_66 = arith.cmpi ne, %convert_element_type3A_64, %cond3A_65 : i32
      scf.if %cond3A_66 {
        %dma_wait3A_231 = arith.constant 0 : i32
        %dma_wait3A_232 = arith.constant 0 : i32
        %dma_wait3A_233 = tpu.memref_slice %arg28[%dma_wait3A_231, %dma_wait3A_232] : memref<10000x128xf32, #tpu.memory_space<vmem_shared>> -> memref<10000x128xf32, #tpu.memory_space<vmem_shared>>
        tpu.wait_indirect_dma semaphore(%arg48 : memref<!tpu.dma_semaphore, #tpu.memory_space<semaphore_mem>>) src(%arg27 : memref<40x128xf32, #tpu.memory_space<vmem>>) dst(%dma_wait3A_233 : memref<10000x128xf32, #tpu.memory_space<vmem_shared>>)
      } else {
      }
      %add3A_67 = arith.constant 120 : i32
      %add3A_68 = arith.addi %add3A, %add3A_67 : i32
      %dma_start3A_69 = tpu.memref_slice %arg4[%add3A_68] : memref<320000xi32, #tpu.memory_space<hbm>> -> memref<40xi32, #tpu.memory_space<hbm>>
      %dma_start3A_70 = tpu.memref_slice %arg4[%add3A_68] : memref<320000xi32, #tpu.memory_space<hbm>> -> memref<40xi32, #tpu.memory_space<hbm>>
      tpu.enqueue_dma source(%dma_start3A_70 : memref<40xi32, #tpu.memory_space<hbm>>) target(%arg11 : memref<40xi32, #tpu.memory_space<vmem>>) target_semaphore(%arg32 : memref<!tpu.dma_semaphore, #tpu.memory_space<semaphore_mem>>)
      %add3A_71 = arith.constant 120 : i32
      %add3A_72 = arith.addi %add3A, %add3A_71 : i32
      %dma_start3A_73 = tpu.memref_slice %arg5[%add3A_72] : memref<320000xi32, #tpu.memory_space<hbm>> -> memref<40xi32, #tpu.memory_space<hbm>>
      %dma_start3A_74 = tpu.memref_slice %arg5[%add3A_72] : memref<320000xi32, #tpu.memory_space<hbm>> -> memref<40xi32, #tpu.memory_space<hbm>>
      tpu.enqueue_dma source(%dma_start3A_74 : memref<40xi32, #tpu.memory_space<hbm>>) target(%arg15 : memref<40xi32, #tpu.memory_space<vmem>>) target_semaphore(%arg36 : memref<!tpu.dma_semaphore, #tpu.memory_space<semaphore_mem>>)
      %add3A_75 = arith.constant 0 : i32
      %add3A_76 = arith.addi %add3A, %add3A_75 : i32
      %dma_wait3A_77 = tpu.memref_slice %arg4[%add3A_76] : memref<320000xi32, #tpu.memory_space<hbm>> -> memref<40xi32, #tpu.memory_space<hbm>>
      %dma_wait3A_78 = tpu.memref_slice %arg4[%add3A_76] : memref<320000xi32, #tpu.memory_space<hbm>> -> memref<40xi32, #tpu.memory_space<hbm>>
      tpu.wait_dma2 semaphore(%arg29 : memref<!tpu.dma_semaphore, #tpu.memory_space<semaphore_mem>>) src(%dma_wait3A_78 : memref<40xi32, #tpu.memory_space<hbm>>) dst(%arg8 : memref<40xi32, #tpu.memory_space<vmem>>)
      %add3A_79 = arith.constant 0 : i32
      %add3A_80 = arith.addi %add3A, %add3A_79 : i32
      %dma_wait3A_81 = tpu.memref_slice %arg5[%add3A_80] : memref<320000xi32, #tpu.memory_space<hbm>> -> memref<40xi32, #tpu.memory_space<hbm>>
      %dma_wait3A_82 = tpu.memref_slice %arg5[%add3A_80] : memref<320000xi32, #tpu.memory_space<hbm>> -> memref<40xi32, #tpu.memory_space<hbm>>
      tpu.wait_dma2 semaphore(%arg33 : memref<!tpu.dma_semaphore, #tpu.memory_space<semaphore_mem>>) src(%dma_wait3A_82 : memref<40xi32, #tpu.memory_space<hbm>>) dst(%arg12 : memref<40xi32, #tpu.memory_space<vmem>>)
      %dma_start3A_83 = arith.constant 0 : i32
      %dma_start3A_84 = arith.constant 0 : i32
      %dma_start3A_85 = tpu.memref_slice %arg2[%dma_start3A_83, %dma_start3A_84] : memref<10000x64xi32, #tpu.memory_space<hbm>> -> memref<10000x64xi32, #tpu.memory_space<hbm>>
      tpu.enqueue_indirect_dma source(%dma_start3A_85 : memref<10000x64xi32, #tpu.memory_space<hbm>>) target(%arg20 : memref<40x64xi32, #tpu.memory_space<vmem>>) offsets(%arg8 : memref<40xi32, #tpu.memory_space<vmem>>) semaphore(%arg37 : memref<!tpu.dma_semaphore, #tpu.memory_space<semaphore_mem>>)
      %add3A_86 = arith.constant 0 : i32
      %add3A_87 = arith.addi %add3A, %add3A_86 : i32
      %dma_start3A_88 = arith.constant 0 : i32
      %dma_start3A_89 = tpu.memref_slice %arg3[%arg0, %add3A_87, %dma_start3A_88] : memref<2x327680x64xi32, #tpu.memory_space<hbm>> -> memref<1x40x64xi32, #tpu.memory_space<hbm>>
      %dma_start3A_90 = tpu.memref_squeeze %dma_start3A_89 : memref<1x40x64xi32, #tpu.memory_space<hbm>> -> memref<40x64xi32, #tpu.memory_space<hbm>>
      %dma_start3A_91 = arith.constant 0 : i32
      %dma_start3A_92 = tpu.memref_slice %arg3[%arg0, %add3A_87, %dma_start3A_91] : memref<2x327680x64xi32, #tpu.memory_space<hbm>> -> memref<1x40x64xi32, #tpu.memory_space<hbm>>
      %dma_start3A_93 = tpu.memref_squeeze %dma_start3A_92 : memref<1x40x64xi32, #tpu.memory_space<hbm>> -> memref<40x64xi32, #tpu.memory_space<hbm>>
      tpu.enqueue_dma source(%dma_start3A_93 : memref<40x64xi32, #tpu.memory_space<hbm>>) target(%arg16 : memref<40x64xi32, #tpu.memory_space<vmem>>) target_semaphore(%arg41 : memref<!tpu.dma_semaphore, #tpu.memory_space<semaphore_mem>>)
      %add3A_94 = arith.constant 40 : i32
      %add3A_95 = arith.addi %add3A, %add3A_94 : i32
      %dma_wait3A_96 = tpu.memref_slice %arg4[%add3A_95] : memref<320000xi32, #tpu.memory_space<hbm>> -> memref<40xi32, #tpu.memory_space<hbm>>
      %dma_wait3A_97 = tpu.memref_slice %arg4[%add3A_95] : memref<320000xi32, #tpu.memory_space<hbm>> -> memref<40xi32, #tpu.memory_space<hbm>>
      tpu.wait_dma2 semaphore(%arg30 : memref<!tpu.dma_semaphore, #tpu.memory_space<semaphore_mem>>) src(%dma_wait3A_97 : memref<40xi32, #tpu.memory_space<hbm>>) dst(%arg9 : memref<40xi32, #tpu.memory_space<vmem>>)
      %add3A_98 = arith.constant 40 : i32
      %add3A_99 = arith.addi %add3A, %add3A_98 : i32
      %dma_wait3A_100 = tpu.memref_slice %arg5[%add3A_99] : memref<320000xi32, #tpu.memory_space<hbm>> -> memref<40xi32, #tpu.memory_space<hbm>>
      %dma_wait3A_101 = tpu.memref_slice %arg5[%add3A_99] : memref<320000xi32, #tpu.memory_space<hbm>> -> memref<40xi32, #tpu.memory_space<hbm>>
      tpu.wait_dma2 semaphore(%arg34 : memref<!tpu.dma_semaphore, #tpu.memory_space<semaphore_mem>>) src(%dma_wait3A_101 : memref<40xi32, #tpu.memory_space<hbm>>) dst(%arg13 : memref<40xi32, #tpu.memory_space<vmem>>)
      %dma_start3A_102 = arith.constant 0 : i32
      %dma_start3A_103 = arith.constant 0 : i32
      %dma_start3A_104 = tpu.memref_slice %arg2[%dma_start3A_102, %dma_start3A_103] : memref<10000x64xi32, #tpu.memory_space<hbm>> -> memref<10000x64xi32, #tpu.memory_space<hbm>>
      tpu.enqueue_indirect_dma source(%dma_start3A_104 : memref<10000x64xi32, #tpu.memory_space<hbm>>) target(%arg21 : memref<40x64xi32, #tpu.memory_space<vmem>>) offsets(%arg9 : memref<40xi32, #tpu.memory_space<vmem>>) semaphore(%arg38 : memref<!tpu.dma_semaphore, #tpu.memory_space<semaphore_mem>>)
      %add3A_105 = arith.constant 40 : i32
      %add3A_106 = arith.addi %add3A, %add3A_105 : i32
      %dma_start3A_107 = arith.constant 0 : i32
      %dma_start3A_108 = tpu.memref_slice %arg3[%arg0, %add3A_106, %dma_start3A_107] : memref<2x327680x64xi32, #tpu.memory_space<hbm>> -> memref<1x40x64xi32, #tpu.memory_space<hbm>>
      %dma_start3A_109 = tpu.memref_squeeze %dma_start3A_108 : memref<1x40x64xi32, #tpu.memory_space<hbm>> -> memref<40x64xi32, #tpu.memory_space<hbm>>
      %dma_start3A_110 = arith.constant 0 : i32
      %dma_start3A_111 = tpu.memref_slice %arg3[%arg0, %add3A_106, %dma_start3A_110] : memref<2x327680x64xi32, #tpu.memory_space<hbm>> -> memref<1x40x64xi32, #tpu.memory_space<hbm>>
      %dma_start3A_112 = tpu.memref_squeeze %dma_start3A_111 : memref<1x40x64xi32, #tpu.memory_space<hbm>> -> memref<40x64xi32, #tpu.memory_space<hbm>>
      tpu.enqueue_dma source(%dma_start3A_112 : memref<40x64xi32, #tpu.memory_space<hbm>>) target(%arg17 : memref<40x64xi32, #tpu.memory_space<vmem>>) target_semaphore(%arg42 : memref<!tpu.dma_semaphore, #tpu.memory_space<semaphore_mem>>)
      %add3A_113 = arith.constant 80 : i32
      %add3A_114 = arith.addi %add3A, %add3A_113 : i32
      %dma_wait3A_115 = tpu.memref_slice %arg4[%add3A_114] : memref<320000xi32, #tpu.memory_space<hbm>> -> memref<40xi32, #tpu.memory_space<hbm>>
      %dma_wait3A_116 = tpu.memref_slice %arg4[%add3A_114] : memref<320000xi32, #tpu.memory_space<hbm>> -> memref<40xi32, #tpu.memory_space<hbm>>
      tpu.wait_dma2 semaphore(%arg31 : memref<!tpu.dma_semaphore, #tpu.memory_space<semaphore_mem>>) src(%dma_wait3A_116 : memref<40xi32, #tpu.memory_space<hbm>>) dst(%arg10 : memref<40xi32, #tpu.memory_space<vmem>>)
      %add3A_117 = arith.constant 80 : i32
      %add3A_118 = arith.addi %add3A, %add3A_117 : i32
      %dma_wait3A_119 = tpu.memref_slice %arg5[%add3A_118] : memref<320000xi32, #tpu.memory_space<hbm>> -> memref<40xi32, #tpu.memory_space<hbm>>
      %dma_wait3A_120 = tpu.memref_slice %arg5[%add3A_118] : memref<320000xi32, #tpu.memory_space<hbm>> -> memref<40xi32, #tpu.memory_space<hbm>>
      tpu.wait_dma2 semaphore(%arg35 : memref<!tpu.dma_semaphore, #tpu.memory_space<semaphore_mem>>) src(%dma_wait3A_120 : memref<40xi32, #tpu.memory_space<hbm>>) dst(%arg14 : memref<40xi32, #tpu.memory_space<vmem>>)
      %dma_start3A_121 = arith.constant 0 : i32
      %dma_start3A_122 = arith.constant 0 : i32
      %dma_start3A_123 = tpu.memref_slice %arg2[%dma_start3A_121, %dma_start3A_122] : memref<10000x64xi32, #tpu.memory_space<hbm>> -> memref<10000x64xi32, #tpu.memory_space<hbm>>
      tpu.enqueue_indirect_dma source(%dma_start3A_123 : memref<10000x64xi32, #tpu.memory_space<hbm>>) target(%arg22 : memref<40x64xi32, #tpu.memory_space<vmem>>) offsets(%arg10 : memref<40xi32, #tpu.memory_space<vmem>>) semaphore(%arg39 : memref<!tpu.dma_semaphore, #tpu.memory_space<semaphore_mem>>)
      %add3A_124 = arith.constant 80 : i32
      %add3A_125 = arith.addi %add3A, %add3A_124 : i32
      %dma_start3A_126 = arith.constant 0 : i32
      %dma_start3A_127 = tpu.memref_slice %arg3[%arg0, %add3A_125, %dma_start3A_126] : memref<2x327680x64xi32, #tpu.memory_space<hbm>> -> memref<1x40x64xi32, #tpu.memory_space<hbm>>
      %dma_start3A_128 = tpu.memref_squeeze %dma_start3A_127 : memref<1x40x64xi32, #tpu.memory_space<hbm>> -> memref<40x64xi32, #tpu.memory_space<hbm>>
      %dma_start3A_129 = arith.constant 0 : i32
      %dma_start3A_130 = tpu.memref_slice %arg3[%arg0, %add3A_125, %dma_start3A_129] : memref<2x327680x64xi32, #tpu.memory_space<hbm>> -> memref<1x40x64xi32, #tpu.memory_space<hbm>>
      %dma_start3A_131 = tpu.memref_squeeze %dma_start3A_130 : memref<1x40x64xi32, #tpu.memory_space<hbm>> -> memref<40x64xi32, #tpu.memory_space<hbm>>
      tpu.enqueue_dma source(%dma_start3A_131 : memref<40x64xi32, #tpu.memory_space<hbm>>) target(%arg18 : memref<40x64xi32, #tpu.memory_space<vmem>>) target_semaphore(%arg43 : memref<!tpu.dma_semaphore, #tpu.memory_space<semaphore_mem>>)
      %add3A_132 = arith.constant 120 : i32
      %add3A_133 = arith.addi %add3A, %add3A_132 : i32
      %dma_wait3A_134 = tpu.memref_slice %arg4[%add3A_133] : memref<320000xi32, #tpu.memory_space<hbm>> -> memref<40xi32, #tpu.memory_space<hbm>>
      %dma_wait3A_135 = tpu.memref_slice %arg4[%add3A_133] : memref<320000xi32, #tpu.memory_space<hbm>> -> memref<40xi32, #tpu.memory_space<hbm>>
      tpu.wait_dma2 semaphore(%arg32 : memref<!tpu.dma_semaphore, #tpu.memory_space<semaphore_mem>>) src(%dma_wait3A_135 : memref<40xi32, #tpu.memory_space<hbm>>) dst(%arg11 : memref<40xi32, #tpu.memory_space<vmem>>)
      %add3A_136 = arith.constant 120 : i32
      %add3A_137 = arith.addi %add3A, %add3A_136 : i32
      %dma_wait3A_138 = tpu.memref_slice %arg5[%add3A_137] : memref<320000xi32, #tpu.memory_space<hbm>> -> memref<40xi32, #tpu.memory_space<hbm>>
      %dma_wait3A_139 = tpu.memref_slice %arg5[%add3A_137] : memref<320000xi32, #tpu.memory_space<hbm>> -> memref<40xi32, #tpu.memory_space<hbm>>
      tpu.wait_dma2 semaphore(%arg36 : memref<!tpu.dma_semaphore, #tpu.memory_space<semaphore_mem>>) src(%dma_wait3A_139 : memref<40xi32, #tpu.memory_space<hbm>>) dst(%arg15 : memref<40xi32, #tpu.memory_space<vmem>>)
      %dma_start3A_140 = arith.constant 0 : i32
      %dma_start3A_141 = arith.constant 0 : i32
      %dma_start3A_142 = tpu.memref_slice %arg2[%dma_start3A_140, %dma_start3A_141] : memref<10000x64xi32, #tpu.memory_space<hbm>> -> memref<10000x64xi32, #tpu.memory_space<hbm>>
      tpu.enqueue_indirect_dma source(%dma_start3A_142 : memref<10000x64xi32, #tpu.memory_space<hbm>>) target(%arg23 : memref<40x64xi32, #tpu.memory_space<vmem>>) offsets(%arg11 : memref<40xi32, #tpu.memory_space<vmem>>) semaphore(%arg40 : memref<!tpu.dma_semaphore, #tpu.memory_space<semaphore_mem>>)
      %add3A_143 = arith.constant 120 : i32
      %add3A_144 = arith.addi %add3A, %add3A_143 : i32
      %dma_start3A_145 = arith.constant 0 : i32
      %dma_start3A_146 = tpu.memref_slice %arg3[%arg0, %add3A_144, %dma_start3A_145] : memref<2x327680x64xi32, #tpu.memory_space<hbm>> -> memref<1x40x64xi32, #tpu.memory_space<hbm>>
      %dma_start3A_147 = tpu.memref_squeeze %dma_start3A_146 : memref<1x40x64xi32, #tpu.memory_space<hbm>> -> memref<40x64xi32, #tpu.memory_space<hbm>>
      %dma_start3A_148 = arith.constant 0 : i32
      %dma_start3A_149 = tpu.memref_slice %arg3[%arg0, %add3A_144, %dma_start3A_148] : memref<2x327680x64xi32, #tpu.memory_space<hbm>> -> memref<1x40x64xi32, #tpu.memory_space<hbm>>
      %dma_start3A_150 = tpu.memref_squeeze %dma_start3A_149 : memref<1x40x64xi32, #tpu.memory_space<hbm>> -> memref<40x64xi32, #tpu.memory_space<hbm>>
      tpu.enqueue_dma source(%dma_start3A_150 : memref<40x64xi32, #tpu.memory_space<hbm>>) target(%arg19 : memref<40x64xi32, #tpu.memory_space<vmem>>) target_semaphore(%arg44 : memref<!tpu.dma_semaphore, #tpu.memory_space<semaphore_mem>>)
      %dma_wait3A_151 = arith.constant 0 : i32
      %dma_wait3A_152 = arith.constant 0 : i32
      %dma_wait3A_153 = tpu.memref_slice %arg2[%dma_wait3A_151, %dma_wait3A_152] : memref<10000x64xi32, #tpu.memory_space<hbm>> -> memref<10000x64xi32, #tpu.memory_space<hbm>>
      tpu.wait_indirect_dma semaphore(%arg37 : memref<!tpu.dma_semaphore, #tpu.memory_space<semaphore_mem>>) src(%dma_wait3A_153 : memref<10000x64xi32, #tpu.memory_space<hbm>>) dst(%arg20 : memref<40x64xi32, #tpu.memory_space<vmem>>)
      %add3A_154 = arith.constant 0 : i32
      %add3A_155 = arith.addi %add3A, %add3A_154 : i32
      %dma_wait3A_156 = arith.constant 0 : i32
      %dma_wait3A_157 = tpu.memref_slice %arg3[%arg0, %add3A_155, %dma_wait3A_156] : memref<2x327680x64xi32, #tpu.memory_space<hbm>> -> memref<1x40x64xi32, #tpu.memory_space<hbm>>
      %dma_wait3A_158 = tpu.memref_squeeze %dma_wait3A_157 : memref<1x40x64xi32, #tpu.memory_space<hbm>> -> memref<40x64xi32, #tpu.memory_space<hbm>>
      %dma_wait3A_159 = arith.constant 0 : i32
      %dma_wait3A_160 = tpu.memref_slice %arg3[%arg0, %add3A_155, %dma_wait3A_159] : memref<2x327680x64xi32, #tpu.memory_space<hbm>> -> memref<1x40x64xi32, #tpu.memory_space<hbm>>
      %dma_wait3A_161 = tpu.memref_squeeze %dma_wait3A_160 : memref<1x40x64xi32, #tpu.memory_space<hbm>> -> memref<40x64xi32, #tpu.memory_space<hbm>>
      tpu.wait_dma2 semaphore(%arg41 : memref<!tpu.dma_semaphore, #tpu.memory_space<semaphore_mem>>) src(%dma_wait3A_161 : memref<40x64xi32, #tpu.memory_space<hbm>>) dst(%arg16 : memref<40x64xi32, #tpu.memory_space<vmem>>)
      %scan3A_162 = arith.constant 0 : i32
      %scan3A_163 = arith.constant 0 : i32
      %scan3A_164 = arith.constant 40 : i32
      %scan3A_165 = arith.addi %scan3A_163, %scan3A_164 : i32
      %scan3A_166 = arith.constant 1 : i32
      scf.for %scan3A_231 = %scan3A_163 to %scan3A_165 step %scan3A_166  : i32 {
        %get3A = arith.index_cast %scan3A_231 : i32 to index
        %get3A_232 = arith.constant 0 : index
        %get3A_233 = tpu.vector_load %arg16[%get3A, %get3A_232] {strides = array<i32>} : memref<40x64xi32, #tpu.memory_space<vmem>>, vector<1x16xi32>,
        %get3A_234 = vector.shape_cast %get3A_233 : vector<1x16xi32> to vector<16xi32>
        %get3A_235 = arith.index_cast %scan3A_231 : i32 to index
        %get3A_236 = arith.constant 16 : index
        %get3A_237 = tpu.vector_load %arg16[%get3A_235, %get3A_236] {strides = array<i32>} : memref<40x64xi32, #tpu.memory_space<vmem>>, vector<1x16xi32>,
        %get3A_238 = vector.shape_cast %get3A_237 : vector<1x16xi32> to vector<16xi32>
        %get3A_239 = arith.index_cast %scan3A_231 : i32 to index
        %get3A_240 = arith.constant 32 : index
        %get3A_241 = tpu.vector_load %arg16[%get3A_239, %get3A_240] {strides = array<i32>} : memref<40x64xi32, #tpu.memory_space<vmem>>, vector<1x16xi32>,
        %get3A_242 = vector.shape_cast %get3A_241 : vector<1x16xi32> to vector<16xi32>
        %get3A_243 = arith.index_cast %scan3A_231 : i32 to index
        %get3A_244 = arith.constant 48 : index
        %get3A_245 = tpu.vector_load %arg16[%get3A_243, %get3A_244] {strides = array<i32>} : memref<40x64xi32, #tpu.memory_space<vmem>>, vector<1x16xi32>,
        %get3A_246 = vector.shape_cast %get3A_245 : vector<1x16xi32> to vector<16xi32>
        %get3A_247 = arith.index_cast %scan3A_231 : i32 to index
        %get3A_248 = arith.constant 0 : index
        %get3A_249 = tpu.vector_load %arg20[%get3A_247, %get3A_248] {strides = array<i32>} : memref<40x64xi32, #tpu.memory_space<vmem>>, vector<1x16xi32>,
        %get3A_250 = vector.shape_cast %get3A_249 : vector<1x16xi32> to vector<16xi32>
        %get3A_251 = arith.index_cast %scan3A_231 : i32 to index
        %get3A_252 = arith.constant 16 : index
        %get3A_253 = tpu.vector_load %arg20[%get3A_251, %get3A_252] {strides = array<i32>} : memref<40x64xi32, #tpu.memory_space<vmem>>, vector<1x16xi32>,
        %get3A_254 = vector.shape_cast %get3A_253 : vector<1x16xi32> to vector<16xi32>
        %get3A_255 = arith.index_cast %scan3A_231 : i32 to index
        %get3A_256 = arith.constant 32 : index
        %get3A_257 = tpu.vector_load %arg20[%get3A_255, %get3A_256] {strides = array<i32>} : memref<40x64xi32, #tpu.memory_space<vmem>>, vector<1x16xi32>,
        %get3A_258 = vector.shape_cast %get3A_257 : vector<1x16xi32> to vector<16xi32>
        %get3A_259 = arith.index_cast %scan3A_231 : i32 to index
        %get3A_260 = arith.constant 48 : index
        %get3A_261 = tpu.vector_load %arg20[%get3A_259, %get3A_260] {strides = array<i32>} : memref<40x64xi32, #tpu.memory_space<vmem>>, vector<1x16xi32>,
        %get3A_262 = vector.shape_cast %get3A_261 : vector<1x16xi32> to vector<16xi32>
        %shift_left3A = arith.constant 16 : i32
        %shift_left3A_263 = vector.broadcast %shift_left3A : i32 to vector<16xi32>
        %shift_left3A_264 = arith.shli %get3A_234, %shift_left3A_263 : vector<16xi32>
        %bitcast_convert_type3A = tpu.bitcast %shift_left3A_264 : vector<16xi32> -> vector<16xf32>
        %shift_left3A_265 = arith.constant 16 : i32
        %shift_left3A_266 = vector.broadcast %shift_left3A_265 : i32 to vector<16xi32>
        %shift_left3A_267 = arith.shli %get3A_250, %shift_left3A_266 : vector<16xi32>
        %bitcast_convert_type3A_268 = tpu.bitcast %shift_left3A_267 : vector<16xi32> -> vector<16xf32>
        %mul3A_269 = arith.mulf %bitcast_convert_type3A, %bitcast_convert_type3A_268 : vector<16xf32>
        %shift_left3A_270 = arith.constant 16 : i32
        %shift_left3A_271 = vector.broadcast %shift_left3A_270 : i32 to vector<16xi32>
        %shift_left3A_272 = arith.shli %get3A_238, %shift_left3A_271 : vector<16xi32>
        %bitcast_convert_type3A_273 = tpu.bitcast %shift_left3A_272 : vector<16xi32> -> vector<16xf32>
        %shift_left3A_274 = arith.constant 16 : i32
        %shift_left3A_275 = vector.broadcast %shift_left3A_274 : i32 to vector<16xi32>
        %shift_left3A_276 = arith.shli %get3A_254, %shift_left3A_275 : vector<16xi32>
        %bitcast_convert_type3A_277 = tpu.bitcast %shift_left3A_276 : vector<16xi32> -> vector<16xf32>
        %mul3A_278 = arith.mulf %bitcast_convert_type3A_273, %bitcast_convert_type3A_277 : vector<16xf32>
        %shift_left3A_279 = arith.constant 16 : i32
        %shift_left3A_280 = vector.broadcast %shift_left3A_279 : i32 to vector<16xi32>
        %shift_left3A_281 = arith.shli %get3A_242, %shift_left3A_280 : vector<16xi32>
        %bitcast_convert_type3A_282 = tpu.bitcast %shift_left3A_281 : vector<16xi32> -> vector<16xf32>
        %shift_left3A_283 = arith.constant 16 : i32
        %shift_left3A_284 = vector.broadcast %shift_left3A_283 : i32 to vector<16xi32>
        %shift_left3A_285 = arith.shli %get3A_258, %shift_left3A_284 : vector<16xi32>
        %bitcast_convert_type3A_286 = tpu.bitcast %shift_left3A_285 : vector<16xi32> -> vector<16xf32>
        %mul3A_287 = arith.mulf %bitcast_convert_type3A_282, %bitcast_convert_type3A_286 : vector<16xf32>
        %shift_left3A_288 = arith.constant 16 : i32
        %shift_left3A_289 = vector.broadcast %shift_left3A_288 : i32 to vector<16xi32>
        %shift_left3A_290 = arith.shli %get3A_246, %shift_left3A_289 : vector<16xi32>
        %bitcast_convert_type3A_291 = tpu.bitcast %shift_left3A_290 : vector<16xi32> -> vector<16xf32>
        %shift_left3A_292 = arith.constant 16 : i32
        %shift_left3A_293 = vector.broadcast %shift_left3A_292 : i32 to vector<16xi32>
        %shift_left3A_294 = arith.shli %get3A_262, %shift_left3A_293 : vector<16xi32>
        %bitcast_convert_type3A_295 = tpu.bitcast %shift_left3A_294 : vector<16xi32> -> vector<16xf32>
        %mul3A_296 = arith.mulf %bitcast_convert_type3A_291, %bitcast_convert_type3A_295 : vector<16xf32>
        %and3A = arith.constant -65536 : i32
        %and3A_297 = vector.broadcast %and3A : i32 to vector<16xi32>
        %and3A_298 = arith.andi %get3A_234, %and3A_297 : vector<16xi32>
        %bitcast_convert_type3A_299 = tpu.bitcast %and3A_298 : vector<16xi32> -> vector<16xf32>
        %and3A_300 = arith.constant -65536 : i32
        %and3A_301 = vector.broadcast %and3A_300 : i32 to vector<16xi32>
        %and3A_302 = arith.andi %get3A_250, %and3A_301 : vector<16xi32>
        %bitcast_convert_type3A_303 = tpu.bitcast %and3A_302 : vector<16xi32> -> vector<16xf32>
        %mul3A_304 = arith.mulf %bitcast_convert_type3A_299, %bitcast_convert_type3A_303 : vector<16xf32>
        %and3A_305 = arith.constant -65536 : i32
        %and3A_306 = vector.broadcast %and3A_305 : i32 to vector<16xi32>
        %and3A_307 = arith.andi %get3A_238, %and3A_306 : vector<16xi32>
        %bitcast_convert_type3A_308 = tpu.bitcast %and3A_307 : vector<16xi32> -> vector<16xf32>
        %and3A_309 = arith.constant -65536 : i32
        %and3A_310 = vector.broadcast %and3A_309 : i32 to vector<16xi32>
        %and3A_311 = arith.andi %get3A_254, %and3A_310 : vector<16xi32>
        %bitcast_convert_type3A_312 = tpu.bitcast %and3A_311 : vector<16xi32> -> vector<16xf32>
        %mul3A_313 = arith.mulf %bitcast_convert_type3A_308, %bitcast_convert_type3A_312 : vector<16xf32>
        %and3A_314 = arith.constant -65536 : i32
        %and3A_315 = vector.broadcast %and3A_314 : i32 to vector<16xi32>
        %and3A_316 = arith.andi %get3A_242, %and3A_315 : vector<16xi32>
        %bitcast_convert_type3A_317 = tpu.bitcast %and3A_316 : vector<16xi32> -> vector<16xf32>
        %and3A_318 = arith.constant -65536 : i32
        %and3A_319 = vector.broadcast %and3A_318 : i32 to vector<16xi32>
        %and3A_320 = arith.andi %get3A_258, %and3A_319 : vector<16xi32>
        %bitcast_convert_type3A_321 = tpu.bitcast %and3A_320 : vector<16xi32> -> vector<16xf32>
        %mul3A_322 = arith.mulf %bitcast_convert_type3A_317, %bitcast_convert_type3A_321 : vector<16xf32>
        %and3A_323 = arith.constant -65536 : i32
        %and3A_324 = vector.broadcast %and3A_323 : i32 to vector<16xi32>
        %and3A_325 = arith.andi %get3A_246, %and3A_324 : vector<16xi32>
        %bitcast_convert_type3A_326 = tpu.bitcast %and3A_325 : vector<16xi32> -> vector<16xf32>
        %and3A_327 = arith.constant -65536 : i32
        %and3A_328 = vector.broadcast %and3A_327 : i32 to vector<16xi32>
        %and3A_329 = arith.andi %get3A_262, %and3A_328 : vector<16xi32>
        %bitcast_convert_type3A_330 = tpu.bitcast %and3A_329 : vector<16xi32> -> vector<16xf32>
        %mul3A_331 = arith.mulf %bitcast_convert_type3A_326, %bitcast_convert_type3A_330 : vector<16xf32>
        %swap3A = arith.index_cast %scan3A_231 : i32 to index
        %swap3A_332 = arith.constant 0 : index
        %swap3A_333 = tpu.vector_load %arg24[%swap3A, %swap3A_332] {strides = array<i32>} : memref<40x128xf32, #tpu.memory_space<vmem>>, vector<1x16xf32>,
        %swap3A_334 = vector.shape_cast %swap3A_333 : vector<1x16xf32> to vector<16xf32>
        %swap3A_335 = vector.shape_cast %mul3A_269 : vector<16xf32> to vector<1x16xf32>
        tpu.vector_store %arg24[%swap3A, %swap3A_332], %swap3A_335 {strides = array<i32>} : memref<40x128xf32, #tpu.memory_space<vmem>>, vector<1x16xf32>,
        %swap3A_336 = arith.index_cast %scan3A_231 : i32 to index
        %swap3A_337 = arith.constant 16 : index
        %swap3A_338 = tpu.vector_load %arg24[%swap3A_336, %swap3A_337] {strides = array<i32>} : memref<40x128xf32, #tpu.memory_space<vmem>>, vector<1x16xf32>,
        %swap3A_339 = vector.shape_cast %swap3A_338 : vector<1x16xf32> to vector<16xf32>
        %swap3A_340 = vector.shape_cast %mul3A_304 : vector<16xf32> to vector<1x16xf32>
        tpu.vector_store %arg24[%swap3A_336, %swap3A_337], %swap3A_340 {strides = array<i32>} : memref<40x128xf32, #tpu.memory_space<vmem>>, vector<1x16xf32>,
        %swap3A_341 = arith.index_cast %scan3A_231 : i32 to index
        %swap3A_342 = arith.constant 32 : index
        %swap3A_343 = tpu.vector_load %arg24[%swap3A_341, %swap3A_342] {strides = array<i32>} : memref<40x128xf32, #tpu.memory_space<vmem>>, vector<1x16xf32>,
        %swap3A_344 = vector.shape_cast %swap3A_343 : vector<1x16xf32> to vector<16xf32>
        %swap3A_345 = vector.shape_cast %mul3A_278 : vector<16xf32> to vector<1x16xf32>
        tpu.vector_store %arg24[%swap3A_341, %swap3A_342], %swap3A_345 {strides = array<i32>} : memref<40x128xf32, #tpu.memory_space<vmem>>, vector<1x16xf32>,
        %swap3A_346 = arith.index_cast %scan3A_231 : i32 to index
        %swap3A_347 = arith.constant 48 : index
        %swap3A_348 = tpu.vector_load %arg24[%swap3A_346, %swap3A_347] {strides = array<i32>} : memref<40x128xf32, #tpu.memory_space<vmem>>, vector<1x16xf32>,
        %swap3A_349 = vector.shape_cast %swap3A_348 : vector<1x16xf32> to vector<16xf32>
        %swap3A_350 = vector.shape_cast %mul3A_313 : vector<16xf32> to vector<1x16xf32>
        tpu.vector_store %arg24[%swap3A_346, %swap3A_347], %swap3A_350 {strides = array<i32>} : memref<40x128xf32, #tpu.memory_space<vmem>>, vector<1x16xf32>,
        %swap3A_351 = arith.index_cast %scan3A_231 : i32 to index
        %swap3A_352 = arith.constant 64 : index
        %swap3A_353 = tpu.vector_load %arg24[%swap3A_351, %swap3A_352] {strides = array<i32>} : memref<40x128xf32, #tpu.memory_space<vmem>>, vector<1x16xf32>,
        %swap3A_354 = vector.shape_cast %swap3A_353 : vector<1x16xf32> to vector<16xf32>
        %swap3A_355 = vector.shape_cast %mul3A_287 : vector<16xf32> to vector<1x16xf32>
        tpu.vector_store %arg24[%swap3A_351, %swap3A_352], %swap3A_355 {strides = array<i32>} : memref<40x128xf32, #tpu.memory_space<vmem>>, vector<1x16xf32>,
        %swap3A_356 = arith.index_cast %scan3A_231 : i32 to index
        %swap3A_357 = arith.constant 80 : index
        %swap3A_358 = tpu.vector_load %arg24[%swap3A_356, %swap3A_357] {strides = array<i32>} : memref<40x128xf32, #tpu.memory_space<vmem>>, vector<1x16xf32>,
        %swap3A_359 = vector.shape_cast %swap3A_358 : vector<1x16xf32> to vector<16xf32>
        %swap3A_360 = vector.shape_cast %mul3A_322 : vector<16xf32> to vector<1x16xf32>
        tpu.vector_store %arg24[%swap3A_356, %swap3A_357], %swap3A_360 {strides = array<i32>} : memref<40x128xf32, #tpu.memory_space<vmem>>, vector<1x16xf32>,
        %swap3A_361 = arith.index_cast %scan3A_231 : i32 to index
        %swap3A_362 = arith.constant 96 : index
        %swap3A_363 = tpu.vector_load %arg24[%swap3A_361, %swap3A_362] {strides = array<i32>} : memref<40x128xf32, #tpu.memory_space<vmem>>, vector<1x16xf32>,
        %swap3A_364 = vector.shape_cast %swap3A_363 : vector<1x16xf32> to vector<16xf32>
        %swap3A_365 = vector.shape_cast %mul3A_296 : vector<16xf32> to vector<1x16xf32>
        tpu.vector_store %arg24[%swap3A_361, %swap3A_362], %swap3A_365 {strides = array<i32>} : memref<40x128xf32, #tpu.memory_space<vmem>>, vector<1x16xf32>,
        %swap3A_366 = arith.index_cast %scan3A_231 : i32 to index
        %swap3A_367 = arith.constant 112 : index
        %swap3A_368 = tpu.vector_load %arg24[%swap3A_366, %swap3A_367] {strides = array<i32>} : memref<40x128xf32, #tpu.memory_space<vmem>>, vector<1x16xf32>,
        %swap3A_369 = vector.shape_cast %swap3A_368 : vector<1x16xf32> to vector<16xf32>
        %swap3A_370 = vector.shape_cast %mul3A_331 : vector<16xf32> to vector<1x16xf32>
        tpu.vector_store %arg24[%swap3A_366, %swap3A_367], %swap3A_370 {strides = array<i32>} : memref<40x128xf32, #tpu.memory_space<vmem>>, vector<1x16xf32>,
      }
      %scan3A_167 = arith.constant 40 : i32
      %dma_start3A_168 = arith.constant 0 : i32
      %dma_start3A_169 = arith.constant 0 : i32
      %dma_start3A_170 = tpu.memref_slice %arg28[%dma_start3A_168, %dma_start3A_169] : memref<10000x128xf32, #tpu.memory_space<vmem_shared>> -> memref<10000x128xf32, #tpu.memory_space<vmem_shared>>
      tpu.enqueue_indirect_dma source(%arg24 : memref<40x128xf32, #tpu.memory_space<vmem>>) target(%dma_start3A_170 : memref<10000x128xf32, #tpu.memory_space<vmem_shared>>) offsets(%arg12 : memref<40xi32, #tpu.memory_space<vmem>>) semaphore(%arg45 : memref<!tpu.dma_semaphore, #tpu.memory_space<semaphore_mem>>) {add = true}
      %dma_wait3A_171 = arith.constant 0 : i32
      %dma_wait3A_172 = arith.constant 0 : i32
      %dma_wait3A_173 = tpu.memref_slice %arg2[%dma_wait3A_171, %dma_wait3A_172] : memref<10000x64xi32, #tpu.memory_space<hbm>> -> memref<10000x64xi32, #tpu.memory_space<hbm>>
      tpu.wait_indirect_dma semaphore(%arg38 : memref<!tpu.dma_semaphore, #tpu.memory_space<semaphore_mem>>) src(%dma_wait3A_173 : memref<10000x64xi32, #tpu.memory_space<hbm>>) dst(%arg21 : memref<40x64xi32, #tpu.memory_space<vmem>>)
      %add3A_174 = arith.constant 40 : i32
      %add3A_175 = arith.addi %add3A, %add3A_174 : i32
      %dma_wait3A_176 = arith.constant 0 : i32
      %dma_wait3A_177 = tpu.memref_slice %arg3[%arg0, %add3A_175, %dma_wait3A_176] : memref<2x327680x64xi32, #tpu.memory_space<hbm>> -> memref<1x40x64xi32, #tpu.memory_space<hbm>>
      %dma_wait3A_178 = tpu.memref_squeeze %dma_wait3A_177 : memref<1x40x64xi32, #tpu.memory_space<hbm>> -> memref<40x64xi32, #tpu.memory_space<hbm>>
      %dma_wait3A_179 = arith.constant 0 : i32
      %dma_wait3A_180 = tpu.memref_slice %arg3[%arg0, %add3A_175, %dma_wait3A_179] : memref<2x327680x64xi32, #tpu.memory_space<hbm>> -> memref<1x40x64xi32, #tpu.memory_space<hbm>>
      %dma_wait3A_181 = tpu.memref_squeeze %dma_wait3A_180 : memref<1x40x64xi32, #tpu.memory_space<hbm>> -> memref<40x64xi32, #tpu.memory_space<hbm>>
      tpu.wait_dma2 semaphore(%arg42 : memref<!tpu.dma_semaphore, #tpu.memory_space<semaphore_mem>>) src(%dma_wait3A_181 : memref<40x64xi32, #tpu.memory_space<hbm>>) dst(%arg17 : memref<40x64xi32, #tpu.memory_space<vmem>>)
      %scan3A_182 = arith.constant 0 : i32
      %scan3A_183 = arith.constant 0 : i32
      %scan3A_184 = arith.constant 40 : i32
      %scan3A_185 = arith.addi %scan3A_183, %scan3A_184 : i32
      %scan3A_186 = arith.constant 1 : i32
      scf.for %scan3A_231 = %scan3A_183 to %scan3A_185 step %scan3A_186  : i32 {
        %get3A = arith.index_cast %scan3A_231 : i32 to index
        %get3A_232 = arith.constant 0 : index
        %get3A_233 = tpu.vector_load %arg17[%get3A, %get3A_232] {strides = array<i32>} : memref<40x64xi32, #tpu.memory_space<vmem>>, vector<1x16xi32>,
        %get3A_234 = vector.shape_cast %get3A_233 : vector<1x16xi32> to vector<16xi32>
        %get3A_235 = arith.index_cast %scan3A_231 : i32 to index
        %get3A_236 = arith.constant 16 : index
        %get3A_237 = tpu.vector_load %arg17[%get3A_235, %get3A_236] {strides = array<i32>} : memref<40x64xi32, #tpu.memory_space<vmem>>, vector<1x16xi32>,
        %get3A_238 = vector.shape_cast %get3A_237 : vector<1x16xi32> to vector<16xi32>
        %get3A_239 = arith.index_cast %scan3A_231 : i32 to index
        %get3A_240 = arith.constant 32 : index
        %get3A_241 = tpu.vector_load %arg17[%get3A_239, %get3A_240] {strides = array<i32>} : memref<40x64xi32, #tpu.memory_space<vmem>>, vector<1x16xi32>,
        %get3A_242 = vector.shape_cast %get3A_241 : vector<1x16xi32> to vector<16xi32>
        %get3A_243 = arith.index_cast %scan3A_231 : i32 to index
        %get3A_244 = arith.constant 48 : index
        %get3A_245 = tpu.vector_load %arg17[%get3A_243, %get3A_244] {strides = array<i32>} : memref<40x64xi32, #tpu.memory_space<vmem>>, vector<1x16xi32>,
        %get3A_246 = vector.shape_cast %get3A_245 : vector<1x16xi32> to vector<16xi32>
        %get3A_247 = arith.index_cast %scan3A_231 : i32 to index
        %get3A_248 = arith.constant 0 : index
        %get3A_249 = tpu.vector_load %arg21[%get3A_247, %get3A_248] {strides = array<i32>} : memref<40x64xi32, #tpu.memory_space<vmem>>, vector<1x16xi32>,
        %get3A_250 = vector.shape_cast %get3A_249 : vector<1x16xi32> to vector<16xi32>
        %get3A_251 = arith.index_cast %scan3A_231 : i32 to index
        %get3A_252 = arith.constant 16 : index
        %get3A_253 = tpu.vector_load %arg21[%get3A_251, %get3A_252] {strides = array<i32>} : memref<40x64xi32, #tpu.memory_space<vmem>>, vector<1x16xi32>,
        %get3A_254 = vector.shape_cast %get3A_253 : vector<1x16xi32> to vector<16xi32>
        %get3A_255 = arith.index_cast %scan3A_231 : i32 to index
        %get3A_256 = arith.constant 32 : index
        %get3A_257 = tpu.vector_load %arg21[%get3A_255, %get3A_256] {strides = array<i32>} : memref<40x64xi32, #tpu.memory_space<vmem>>, vector<1x16xi32>,
        %get3A_258 = vector.shape_cast %get3A_257 : vector<1x16xi32> to vector<16xi32>
        %get3A_259 = arith.index_cast %scan3A_231 : i32 to index
        %get3A_260 = arith.constant 48 : index
        %get3A_261 = tpu.vector_load %arg21[%get3A_259, %get3A_260] {strides = array<i32>} : memref<40x64xi32, #tpu.memory_space<vmem>>, vector<1x16xi32>,
        %get3A_262 = vector.shape_cast %get3A_261 : vector<1x16xi32> to vector<16xi32>
        %shift_left3A = arith.constant 16 : i32
        %shift_left3A_263 = vector.broadcast %shift_left3A : i32 to vector<16xi32>
        %shift_left3A_264 = arith.shli %get3A_234, %shift_left3A_263 : vector<16xi32>
        %bitcast_convert_type3A = tpu.bitcast %shift_left3A_264 : vector<16xi32> -> vector<16xf32>
        %shift_left3A_265 = arith.constant 16 : i32
        %shift_left3A_266 = vector.broadcast %shift_left3A_265 : i32 to vector<16xi32>
        %shift_left3A_267 = arith.shli %get3A_250, %shift_left3A_266 : vector<16xi32>
        %bitcast_convert_type3A_268 = tpu.bitcast %shift_left3A_267 : vector<16xi32> -> vector<16xf32>
        %mul3A_269 = arith.mulf %bitcast_convert_type3A, %bitcast_convert_type3A_268 : vector<16xf32>
        %shift_left3A_270 = arith.constant 16 : i32
        %shift_left3A_271 = vector.broadcast %shift_left3A_270 : i32 to vector<16xi32>
        %shift_left3A_272 = arith.shli %get3A_238, %shift_left3A_271 : vector<16xi32>
        %bitcast_convert_type3A_273 = tpu.bitcast %shift_left3A_272 : vector<16xi32> -> vector<16xf32>
        %shift_left3A_274 = arith.constant 16 : i32
        %shift_left3A_275 = vector.broadcast %shift_left3A_274 : i32 to vector<16xi32>
        %shift_left3A_276 = arith.shli %get3A_254, %shift_left3A_275 : vector<16xi32>
        %bitcast_convert_type3A_277 = tpu.bitcast %shift_left3A_276 : vector<16xi32> -> vector<16xf32>
        %mul3A_278 = arith.mulf %bitcast_convert_type3A_273, %bitcast_convert_type3A_277 : vector<16xf32>
        %shift_left3A_279 = arith.constant 16 : i32
        %shift_left3A_280 = vector.broadcast %shift_left3A_279 : i32 to vector<16xi32>
        %shift_left3A_281 = arith.shli %get3A_242, %shift_left3A_280 : vector<16xi32>
        %bitcast_convert_type3A_282 = tpu.bitcast %shift_left3A_281 : vector<16xi32> -> vector<16xf32>
        %shift_left3A_283 = arith.constant 16 : i32
        %shift_left3A_284 = vector.broadcast %shift_left3A_283 : i32 to vector<16xi32>
        %shift_left3A_285 = arith.shli %get3A_258, %shift_left3A_284 : vector<16xi32>
        %bitcast_convert_type3A_286 = tpu.bitcast %shift_left3A_285 : vector<16xi32> -> vector<16xf32>
        %mul3A_287 = arith.mulf %bitcast_convert_type3A_282, %bitcast_convert_type3A_286 : vector<16xf32>
        %shift_left3A_288 = arith.constant 16 : i32
        %shift_left3A_289 = vector.broadcast %shift_left3A_288 : i32 to vector<16xi32>
        %shift_left3A_290 = arith.shli %get3A_246, %shift_left3A_289 : vector<16xi32>
        %bitcast_convert_type3A_291 = tpu.bitcast %shift_left3A_290 : vector<16xi32> -> vector<16xf32>
        %shift_left3A_292 = arith.constant 16 : i32
        %shift_left3A_293 = vector.broadcast %shift_left3A_292 : i32 to vector<16xi32>
        %shift_left3A_294 = arith.shli %get3A_262, %shift_left3A_293 : vector<16xi32>
        %bitcast_convert_type3A_295 = tpu.bitcast %shift_left3A_294 : vector<16xi32> -> vector<16xf32>
        %mul3A_296 = arith.mulf %bitcast_convert_type3A_291, %bitcast_convert_type3A_295 : vector<16xf32>
        %and3A = arith.constant -65536 : i32
        %and3A_297 = vector.broadcast %and3A : i32 to vector<16xi32>
        %and3A_298 = arith.andi %get3A_234, %and3A_297 : vector<16xi32>
        %bitcast_convert_type3A_299 = tpu.bitcast %and3A_298 : vector<16xi32> -> vector<16xf32>
        %and3A_300 = arith.constant -65536 : i32
        %and3A_301 = vector.broadcast %and3A_300 : i32 to vector<16xi32>
        %and3A_302 = arith.andi %get3A_250, %and3A_301 : vector<16xi32>
        %bitcast_convert_type3A_303 = tpu.bitcast %and3A_302 : vector<16xi32> -> vector<16xf32>
        %mul3A_304 = arith.mulf %bitcast_convert_type3A_299, %bitcast_convert_type3A_303 : vector<16xf32>
        %and3A_305 = arith.constant -65536 : i32
        %and3A_306 = vector.broadcast %and3A_305 : i32 to vector<16xi32>
        %and3A_307 = arith.andi %get3A_238, %and3A_306 : vector<16xi32>
        %bitcast_convert_type3A_308 = tpu.bitcast %and3A_307 : vector<16xi32> -> vector<16xf32>
        %and3A_309 = arith.constant -65536 : i32
        %and3A_310 = vector.broadcast %and3A_309 : i32 to vector<16xi32>
        %and3A_311 = arith.andi %get3A_254, %and3A_310 : vector<16xi32>
        %bitcast_convert_type3A_312 = tpu.bitcast %and3A_311 : vector<16xi32> -> vector<16xf32>
        %mul3A_313 = arith.mulf %bitcast_convert_type3A_308, %bitcast_convert_type3A_312 : vector<16xf32>
        %and3A_314 = arith.constant -65536 : i32
        %and3A_315 = vector.broadcast %and3A_314 : i32 to vector<16xi32>
        %and3A_316 = arith.andi %get3A_242, %and3A_315 : vector<16xi32>
        %bitcast_convert_type3A_317 = tpu.bitcast %and3A_316 : vector<16xi32> -> vector<16xf32>
        %and3A_318 = arith.constant -65536 : i32
        %and3A_319 = vector.broadcast %and3A_318 : i32 to vector<16xi32>
        %and3A_320 = arith.andi %get3A_258, %and3A_319 : vector<16xi32>
        %bitcast_convert_type3A_321 = tpu.bitcast %and3A_320 : vector<16xi32> -> vector<16xf32>
        %mul3A_322 = arith.mulf %bitcast_convert_type3A_317, %bitcast_convert_type3A_321 : vector<16xf32>
        %and3A_323 = arith.constant -65536 : i32
        %and3A_324 = vector.broadcast %and3A_323 : i32 to vector<16xi32>
        %and3A_325 = arith.andi %get3A_246, %and3A_324 : vector<16xi32>
        %bitcast_convert_type3A_326 = tpu.bitcast %and3A_325 : vector<16xi32> -> vector<16xf32>
        %and3A_327 = arith.constant -65536 : i32
        %and3A_328 = vector.broadcast %and3A_327 : i32 to vector<16xi32>
        %and3A_329 = arith.andi %get3A_262, %and3A_328 : vector<16xi32>
        %bitcast_convert_type3A_330 = tpu.bitcast %and3A_329 : vector<16xi32> -> vector<16xf32>
        %mul3A_331 = arith.mulf %bitcast_convert_type3A_326, %bitcast_convert_type3A_330 : vector<16xf32>
        %swap3A = arith.index_cast %scan3A_231 : i32 to index
        %swap3A_332 = arith.constant 0 : index
        %swap3A_333 = tpu.vector_load %arg25[%swap3A, %swap3A_332] {strides = array<i32>} : memref<40x128xf32, #tpu.memory_space<vmem>>, vector<1x16xf32>,
        %swap3A_334 = vector.shape_cast %swap3A_333 : vector<1x16xf32> to vector<16xf32>
        %swap3A_335 = vector.shape_cast %mul3A_269 : vector<16xf32> to vector<1x16xf32>
        tpu.vector_store %arg25[%swap3A, %swap3A_332], %swap3A_335 {strides = array<i32>} : memref<40x128xf32, #tpu.memory_space<vmem>>, vector<1x16xf32>,
        %swap3A_336 = arith.index_cast %scan3A_231 : i32 to index
        %swap3A_337 = arith.constant 16 : index
        %swap3A_338 = tpu.vector_load %arg25[%swap3A_336, %swap3A_337] {strides = array<i32>} : memref<40x128xf32, #tpu.memory_space<vmem>>, vector<1x16xf32>,
        %swap3A_339 = vector.shape_cast %swap3A_338 : vector<1x16xf32> to vector<16xf32>
        %swap3A_340 = vector.shape_cast %mul3A_304 : vector<16xf32> to vector<1x16xf32>
        tpu.vector_store %arg25[%swap3A_336, %swap3A_337], %swap3A_340 {strides = array<i32>} : memref<40x128xf32, #tpu.memory_space<vmem>>, vector<1x16xf32>,
        %swap3A_341 = arith.index_cast %scan3A_231 : i32 to index
        %swap3A_342 = arith.constant 32 : index
        %swap3A_343 = tpu.vector_load %arg25[%swap3A_341, %swap3A_342] {strides = array<i32>} : memref<40x128xf32, #tpu.memory_space<vmem>>, vector<1x16xf32>,
        %swap3A_344 = vector.shape_cast %swap3A_343 : vector<1x16xf32> to vector<16xf32>
        %swap3A_345 = vector.shape_cast %mul3A_278 : vector<16xf32> to vector<1x16xf32>
        tpu.vector_store %arg25[%swap3A_341, %swap3A_342], %swap3A_345 {strides = array<i32>} : memref<40x128xf32, #tpu.memory_space<vmem>>, vector<1x16xf32>,
        %swap3A_346 = arith.index_cast %scan3A_231 : i32 to index
        %swap3A_347 = arith.constant 48 : index
        %swap3A_348 = tpu.vector_load %arg25[%swap3A_346, %swap3A_347] {strides = array<i32>} : memref<40x128xf32, #tpu.memory_space<vmem>>, vector<1x16xf32>,
        %swap3A_349 = vector.shape_cast %swap3A_348 : vector<1x16xf32> to vector<16xf32>
        %swap3A_350 = vector.shape_cast %mul3A_313 : vector<16xf32> to vector<1x16xf32>
        tpu.vector_store %arg25[%swap3A_346, %swap3A_347], %swap3A_350 {strides = array<i32>} : memref<40x128xf32, #tpu.memory_space<vmem>>, vector<1x16xf32>,
        %swap3A_351 = arith.index_cast %scan3A_231 : i32 to index
        %swap3A_352 = arith.constant 64 : index
        %swap3A_353 = tpu.vector_load %arg25[%swap3A_351, %swap3A_352] {strides = array<i32>} : memref<40x128xf32, #tpu.memory_space<vmem>>, vector<1x16xf32>,
        %swap3A_354 = vector.shape_cast %swap3A_353 : vector<1x16xf32> to vector<16xf32>
        %swap3A_355 = vector.shape_cast %mul3A_287 : vector<16xf32> to vector<1x16xf32>
        tpu.vector_store %arg25[%swap3A_351, %swap3A_352], %swap3A_355 {strides = array<i32>} : memref<40x128xf32, #tpu.memory_space<vmem>>, vector<1x16xf32>,
        %swap3A_356 = arith.index_cast %scan3A_231 : i32 to index
        %swap3A_357 = arith.constant 80 : index
        %swap3A_358 = tpu.vector_load %arg25[%swap3A_356, %swap3A_357] {strides = array<i32>} : memref<40x128xf32, #tpu.memory_space<vmem>>, vector<1x16xf32>,
        %swap3A_359 = vector.shape_cast %swap3A_358 : vector<1x16xf32> to vector<16xf32>
        %swap3A_360 = vector.shape_cast %mul3A_322 : vector<16xf32> to vector<1x16xf32>
        tpu.vector_store %arg25[%swap3A_356, %swap3A_357], %swap3A_360 {strides = array<i32>} : memref<40x128xf32, #tpu.memory_space<vmem>>, vector<1x16xf32>,
        %swap3A_361 = arith.index_cast %scan3A_231 : i32 to index
        %swap3A_362 = arith.constant 96 : index
        %swap3A_363 = tpu.vector_load %arg25[%swap3A_361, %swap3A_362] {strides = array<i32>} : memref<40x128xf32, #tpu.memory_space<vmem>>, vector<1x16xf32>,
        %swap3A_364 = vector.shape_cast %swap3A_363 : vector<1x16xf32> to vector<16xf32>
        %swap3A_365 = vector.shape_cast %mul3A_296 : vector<16xf32> to vector<1x16xf32>
        tpu.vector_store %arg25[%swap3A_361, %swap3A_362], %swap3A_365 {strides = array<i32>} : memref<40x128xf32, #tpu.memory_space<vmem>>, vector<1x16xf32>,
        %swap3A_366 = arith.index_cast %scan3A_231 : i32 to index
        %swap3A_367 = arith.constant 112 : index
        %swap3A_368 = tpu.vector_load %arg25[%swap3A_366, %swap3A_367] {strides = array<i32>} : memref<40x128xf32, #tpu.memory_space<vmem>>, vector<1x16xf32>,
        %swap3A_369 = vector.shape_cast %swap3A_368 : vector<1x16xf32> to vector<16xf32>
        %swap3A_370 = vector.shape_cast %mul3A_331 : vector<16xf32> to vector<1x16xf32>
        tpu.vector_store %arg25[%swap3A_366, %swap3A_367], %swap3A_370 {strides = array<i32>} : memref<40x128xf32, #tpu.memory_space<vmem>>, vector<1x16xf32>,
      }
      %scan3A_187 = arith.constant 40 : i32
      %dma_start3A_188 = arith.constant 0 : i32
      %dma_start3A_189 = arith.constant 0 : i32
      %dma_start3A_190 = tpu.memref_slice %arg28[%dma_start3A_188, %dma_start3A_189] : memref<10000x128xf32, #tpu.memory_space<vmem_shared>> -> memref<10000x128xf32, #tpu.memory_space<vmem_shared>>
      tpu.enqueue_indirect_dma source(%arg25 : memref<40x128xf32, #tpu.memory_space<vmem>>) target(%dma_start3A_190 : memref<10000x128xf32, #tpu.memory_space<vmem_shared>>) offsets(%arg13 : memref<40xi32, #tpu.memory_space<vmem>>) semaphore(%arg46 : memref<!tpu.dma_semaphore, #tpu.memory_space<semaphore_mem>>) {add = true}
      %dma_wait3A_191 = arith.constant 0 : i32
      %dma_wait3A_192 = arith.constant 0 : i32
      %dma_wait3A_193 = tpu.memref_slice %arg2[%dma_wait3A_191, %dma_wait3A_192] : memref<10000x64xi32, #tpu.memory_space<hbm>> -> memref<10000x64xi32, #tpu.memory_space<hbm>>
      tpu.wait_indirect_dma semaphore(%arg39 : memref<!tpu.dma_semaphore, #tpu.memory_space<semaphore_mem>>) src(%dma_wait3A_193 : memref<10000x64xi32, #tpu.memory_space<hbm>>) dst(%arg22 : memref<40x64xi32, #tpu.memory_space<vmem>>)
      %add3A_194 = arith.constant 80 : i32
      %add3A_195 = arith.addi %add3A, %add3A_194 : i32
      %dma_wait3A_196 = arith.constant 0 : i32
      %dma_wait3A_197 = tpu.memref_slice %arg3[%arg0, %add3A_195, %dma_wait3A_196] : memref<2x327680x64xi32, #tpu.memory_space<hbm>> -> memref<1x40x64xi32, #tpu.memory_space<hbm>>
      %dma_wait3A_198 = tpu.memref_squeeze %dma_wait3A_197 : memref<1x40x64xi32, #tpu.memory_space<hbm>> -> memref<40x64xi32, #tpu.memory_space<hbm>>
      %dma_wait3A_199 = arith.constant 0 : i32
      %dma_wait3A_200 = tpu.memref_slice %arg3[%arg0, %add3A_195, %dma_wait3A_199] : memref<2x327680x64xi32, #tpu.memory_space<hbm>> -> memref<1x40x64xi32, #tpu.memory_space<hbm>>
      %dma_wait3A_201 = tpu.memref_squeeze %dma_wait3A_200 : memref<1x40x64xi32, #tpu.memory_space<hbm>> -> memref<40x64xi32, #tpu.memory_space<hbm>>
      tpu.wait_dma2 semaphore(%arg43 : memref<!tpu.dma_semaphore, #tpu.memory_space<semaphore_mem>>) src(%dma_wait3A_201 : memref<40x64xi32, #tpu.memory_space<hbm>>) dst(%arg18 : memref<40x64xi32, #tpu.memory_space<vmem>>)
      %scan3A_202 = arith.constant 0 : i32
      %scan3A_203 = arith.constant 0 : i32
      %scan3A_204 = arith.constant 40 : i32
      %scan3A_205 = arith.addi %scan3A_203, %scan3A_204 : i32
      %scan3A_206 = arith.constant 1 : i32
      scf.for %scan3A_231 = %scan3A_203 to %scan3A_205 step %scan3A_206  : i32 {
        %get3A = arith.index_cast %scan3A_231 : i32 to index
        %get3A_232 = arith.constant 0 : index
        %get3A_233 = tpu.vector_load %arg18[%get3A, %get3A_232] {strides = array<i32>} : memref<40x64xi32, #tpu.memory_space<vmem>>, vector<1x16xi32>,
        %get3A_234 = vector.shape_cast %get3A_233 : vector<1x16xi32> to vector<16xi32>
        %get3A_235 = arith.index_cast %scan3A_231 : i32 to index
        %get3A_236 = arith.constant 16 : index
        %get3A_237 = tpu.vector_load %arg18[%get3A_235, %get3A_236] {strides = array<i32>} : memref<40x64xi32, #tpu.memory_space<vmem>>, vector<1x16xi32>,
        %get3A_238 = vector.shape_cast %get3A_237 : vector<1x16xi32> to vector<16xi32>
        %get3A_239 = arith.index_cast %scan3A_231 : i32 to index
        %get3A_240 = arith.constant 32 : index
        %get3A_241 = tpu.vector_load %arg18[%get3A_239, %get3A_240] {strides = array<i32>} : memref<40x64xi32, #tpu.memory_space<vmem>>, vector<1x16xi32>,
        %get3A_242 = vector.shape_cast %get3A_241 : vector<1x16xi32> to vector<16xi32>
        %get3A_243 = arith.index_cast %scan3A_231 : i32 to index
        %get3A_244 = arith.constant 48 : index
        %get3A_245 = tpu.vector_load %arg18[%get3A_243, %get3A_244] {strides = array<i32>} : memref<40x64xi32, #tpu.memory_space<vmem>>, vector<1x16xi32>,
        %get3A_246 = vector.shape_cast %get3A_245 : vector<1x16xi32> to vector<16xi32>
        %get3A_247 = arith.index_cast %scan3A_231 : i32 to index
        %get3A_248 = arith.constant 0 : index
        %get3A_249 = tpu.vector_load %arg22[%get3A_247, %get3A_248] {strides = array<i32>} : memref<40x64xi32, #tpu.memory_space<vmem>>, vector<1x16xi32>,
        %get3A_250 = vector.shape_cast %get3A_249 : vector<1x16xi32> to vector<16xi32>
        %get3A_251 = arith.index_cast %scan3A_231 : i32 to index
        %get3A_252 = arith.constant 16 : index
        %get3A_253 = tpu.vector_load %arg22[%get3A_251, %get3A_252] {strides = array<i32>} : memref<40x64xi32, #tpu.memory_space<vmem>>, vector<1x16xi32>,
        %get3A_254 = vector.shape_cast %get3A_253 : vector<1x16xi32> to vector<16xi32>
        %get3A_255 = arith.index_cast %scan3A_231 : i32 to index
        %get3A_256 = arith.constant 32 : index
        %get3A_257 = tpu.vector_load %arg22[%get3A_255, %get3A_256] {strides = array<i32>} : memref<40x64xi32, #tpu.memory_space<vmem>>, vector<1x16xi32>,
        %get3A_258 = vector.shape_cast %get3A_257 : vector<1x16xi32> to vector<16xi32>
        %get3A_259 = arith.index_cast %scan3A_231 : i32 to index
        %get3A_260 = arith.constant 48 : index
        %get3A_261 = tpu.vector_load %arg22[%get3A_259, %get3A_260] {strides = array<i32>} : memref<40x64xi32, #tpu.memory_space<vmem>>, vector<1x16xi32>,
        %get3A_262 = vector.shape_cast %get3A_261 : vector<1x16xi32> to vector<16xi32>
        %shift_left3A = arith.constant 16 : i32
        %shift_left3A_263 = vector.broadcast %shift_left3A : i32 to vector<16xi32>
        %shift_left3A_264 = arith.shli %get3A_234, %shift_left3A_263 : vector<16xi32>
        %bitcast_convert_type3A = tpu.bitcast %shift_left3A_264 : vector<16xi32> -> vector<16xf32>
        %shift_left3A_265 = arith.constant 16 : i32
        %shift_left3A_266 = vector.broadcast %shift_left3A_265 : i32 to vector<16xi32>
        %shift_left3A_267 = arith.shli %get3A_250, %shift_left3A_266 : vector<16xi32>
        %bitcast_convert_type3A_268 = tpu.bitcast %shift_left3A_267 : vector<16xi32> -> vector<16xf32>
        %mul3A_269 = arith.mulf %bitcast_convert_type3A, %bitcast_convert_type3A_268 : vector<16xf32>
        %shift_left3A_270 = arith.constant 16 : i32
        %shift_left3A_271 = vector.broadcast %shift_left3A_270 : i32 to vector<16xi32>
        %shift_left3A_272 = arith.shli %get3A_238, %shift_left3A_271 : vector<16xi32>
        %bitcast_convert_type3A_273 = tpu.bitcast %shift_left3A_272 : vector<16xi32> -> vector<16xf32>
        %shift_left3A_274 = arith.constant 16 : i32
        %shift_left3A_275 = vector.broadcast %shift_left3A_274 : i32 to vector<16xi32>
        %shift_left3A_276 = arith.shli %get3A_254, %shift_left3A_275 : vector<16xi32>
        %bitcast_convert_type3A_277 = tpu.bitcast %shift_left3A_276 : vector<16xi32> -> vector<16xf32>
        %mul3A_278 = arith.mulf %bitcast_convert_type3A_273, %bitcast_convert_type3A_277 : vector<16xf32>
        %shift_left3A_279 = arith.constant 16 : i32
        %shift_left3A_280 = vector.broadcast %shift_left3A_279 : i32 to vector<16xi32>
        %shift_left3A_281 = arith.shli %get3A_242, %shift_left3A_280 : vector<16xi32>
        %bitcast_convert_type3A_282 = tpu.bitcast %shift_left3A_281 : vector<16xi32> -> vector<16xf32>
        %shift_left3A_283 = arith.constant 16 : i32
        %shift_left3A_284 = vector.broadcast %shift_left3A_283 : i32 to vector<16xi32>
        %shift_left3A_285 = arith.shli %get3A_258, %shift_left3A_284 : vector<16xi32>
        %bitcast_convert_type3A_286 = tpu.bitcast %shift_left3A_285 : vector<16xi32> -> vector<16xf32>
        %mul3A_287 = arith.mulf %bitcast_convert_type3A_282, %bitcast_convert_type3A_286 : vector<16xf32>
        %shift_left3A_288 = arith.constant 16 : i32
        %shift_left3A_289 = vector.broadcast %shift_left3A_288 : i32 to vector<16xi32>
        %shift_left3A_290 = arith.shli %get3A_246, %shift_left3A_289 : vector<16xi32>
        %bitcast_convert_type3A_291 = tpu.bitcast %shift_left3A_290 : vector<16xi32> -> vector<16xf32>
        %shift_left3A_292 = arith.constant 16 : i32
        %shift_left3A_293 = vector.broadcast %shift_left3A_292 : i32 to vector<16xi32>
        %shift_left3A_294 = arith.shli %get3A_262, %shift_left3A_293 : vector<16xi32>
        %bitcast_convert_type3A_295 = tpu.bitcast %shift_left3A_294 : vector<16xi32> -> vector<16xf32>
        %mul3A_296 = arith.mulf %bitcast_convert_type3A_291, %bitcast_convert_type3A_295 : vector<16xf32>
        %and3A = arith.constant -65536 : i32
        %and3A_297 = vector.broadcast %and3A : i32 to vector<16xi32>
        %and3A_298 = arith.andi %get3A_234, %and3A_297 : vector<16xi32>
        %bitcast_convert_type3A_299 = tpu.bitcast %and3A_298 : vector<16xi32> -> vector<16xf32>
        %and3A_300 = arith.constant -65536 : i32
        %and3A_301 = vector.broadcast %and3A_300 : i32 to vector<16xi32>
        %and3A_302 = arith.andi %get3A_250, %and3A_301 : vector<16xi32>
        %bitcast_convert_type3A_303 = tpu.bitcast %and3A_302 : vector<16xi32> -> vector<16xf32>
        %mul3A_304 = arith.mulf %bitcast_convert_type3A_299, %bitcast_convert_type3A_303 : vector<16xf32>
        %and3A_305 = arith.constant -65536 : i32
        %and3A_306 = vector.broadcast %and3A_305 : i32 to vector<16xi32>
        %and3A_307 = arith.andi %get3A_238, %and3A_306 : vector<16xi32>
        %bitcast_convert_type3A_308 = tpu.bitcast %and3A_307 : vector<16xi32> -> vector<16xf32>
        %and3A_309 = arith.constant -65536 : i32
        %and3A_310 = vector.broadcast %and3A_309 : i32 to vector<16xi32>
        %and3A_311 = arith.andi %get3A_254, %and3A_310 : vector<16xi32>
        %bitcast_convert_type3A_312 = tpu.bitcast %and3A_311 : vector<16xi32> -> vector<16xf32>
        %mul3A_313 = arith.mulf %bitcast_convert_type3A_308, %bitcast_convert_type3A_312 : vector<16xf32>
        %and3A_314 = arith.constant -65536 : i32
        %and3A_315 = vector.broadcast %and3A_314 : i32 to vector<16xi32>
        %and3A_316 = arith.andi %get3A_242, %and3A_315 : vector<16xi32>
        %bitcast_convert_type3A_317 = tpu.bitcast %and3A_316 : vector<16xi32> -> vector<16xf32>
        %and3A_318 = arith.constant -65536 : i32
        %and3A_319 = vector.broadcast %and3A_318 : i32 to vector<16xi32>
        %and3A_320 = arith.andi %get3A_258, %and3A_319 : vector<16xi32>
        %bitcast_convert_type3A_321 = tpu.bitcast %and3A_320 : vector<16xi32> -> vector<16xf32>
        %mul3A_322 = arith.mulf %bitcast_convert_type3A_317, %bitcast_convert_type3A_321 : vector<16xf32>
        %and3A_323 = arith.constant -65536 : i32
        %and3A_324 = vector.broadcast %and3A_323 : i32 to vector<16xi32>
        %and3A_325 = arith.andi %get3A_246, %and3A_324 : vector<16xi32>
        %bitcast_convert_type3A_326 = tpu.bitcast %and3A_325 : vector<16xi32> -> vector<16xf32>
        %and3A_327 = arith.constant -65536 : i32
        %and3A_328 = vector.broadcast %and3A_327 : i32 to vector<16xi32>
        %and3A_329 = arith.andi %get3A_262, %and3A_328 : vector<16xi32>
        %bitcast_convert_type3A_330 = tpu.bitcast %and3A_329 : vector<16xi32> -> vector<16xf32>
        %mul3A_331 = arith.mulf %bitcast_convert_type3A_326, %bitcast_convert_type3A_330 : vector<16xf32>
        %swap3A = arith.index_cast %scan3A_231 : i32 to index
        %swap3A_332 = arith.constant 0 : index
        %swap3A_333 = tpu.vector_load %arg26[%swap3A, %swap3A_332] {strides = array<i32>} : memref<40x128xf32, #tpu.memory_space<vmem>>, vector<1x16xf32>,
        %swap3A_334 = vector.shape_cast %swap3A_333 : vector<1x16xf32> to vector<16xf32>
        %swap3A_335 = vector.shape_cast %mul3A_269 : vector<16xf32> to vector<1x16xf32>
        tpu.vector_store %arg26[%swap3A, %swap3A_332], %swap3A_335 {strides = array<i32>} : memref<40x128xf32, #tpu.memory_space<vmem>>, vector<1x16xf32>,
        %swap3A_336 = arith.index_cast %scan3A_231 : i32 to index
        %swap3A_337 = arith.constant 16 : index
        %swap3A_338 = tpu.vector_load %arg26[%swap3A_336, %swap3A_337] {strides = array<i32>} : memref<40x128xf32, #tpu.memory_space<vmem>>, vector<1x16xf32>,
        %swap3A_339 = vector.shape_cast %swap3A_338 : vector<1x16xf32> to vector<16xf32>
        %swap3A_340 = vector.shape_cast %mul3A_304 : vector<16xf32> to vector<1x16xf32>
        tpu.vector_store %arg26[%swap3A_336, %swap3A_337], %swap3A_340 {strides = array<i32>} : memref<40x128xf32, #tpu.memory_space<vmem>>, vector<1x16xf32>,
        %swap3A_341 = arith.index_cast %scan3A_231 : i32 to index
        %swap3A_342 = arith.constant 32 : index
        %swap3A_343 = tpu.vector_load %arg26[%swap3A_341, %swap3A_342] {strides = array<i32>} : memref<40x128xf32, #tpu.memory_space<vmem>>, vector<1x16xf32>,
        %swap3A_344 = vector.shape_cast %swap3A_343 : vector<1x16xf32> to vector<16xf32>
        %swap3A_345 = vector.shape_cast %mul3A_278 : vector<16xf32> to vector<1x16xf32>
        tpu.vector_store %arg26[%swap3A_341, %swap3A_342], %swap3A_345 {strides = array<i32>} : memref<40x128xf32, #tpu.memory_space<vmem>>, vector<1x16xf32>,
        %swap3A_346 = arith.index_cast %scan3A_231 : i32 to index
        %swap3A_347 = arith.constant 48 : index
        %swap3A_348 = tpu.vector_load %arg26[%swap3A_346, %swap3A_347] {strides = array<i32>} : memref<40x128xf32, #tpu.memory_space<vmem>>, vector<1x16xf32>,
        %swap3A_349 = vector.shape_cast %swap3A_348 : vector<1x16xf32> to vector<16xf32>
        %swap3A_350 = vector.shape_cast %mul3A_313 : vector<16xf32> to vector<1x16xf32>
        tpu.vector_store %arg26[%swap3A_346, %swap3A_347], %swap3A_350 {strides = array<i32>} : memref<40x128xf32, #tpu.memory_space<vmem>>, vector<1x16xf32>,
        %swap3A_351 = arith.index_cast %scan3A_231 : i32 to index
        %swap3A_352 = arith.constant 64 : index
        %swap3A_353 = tpu.vector_load %arg26[%swap3A_351, %swap3A_352] {strides = array<i32>} : memref<40x128xf32, #tpu.memory_space<vmem>>, vector<1x16xf32>,
        %swap3A_354 = vector.shape_cast %swap3A_353 : vector<1x16xf32> to vector<16xf32>
        %swap3A_355 = vector.shape_cast %mul3A_287 : vector<16xf32> to vector<1x16xf32>
        tpu.vector_store %arg26[%swap3A_351, %swap3A_352], %swap3A_355 {strides = array<i32>} : memref<40x128xf32, #tpu.memory_space<vmem>>, vector<1x16xf32>,
        %swap3A_356 = arith.index_cast %scan3A_231 : i32 to index
        %swap3A_357 = arith.constant 80 : index
        %swap3A_358 = tpu.vector_load %arg26[%swap3A_356, %swap3A_357] {strides = array<i32>} : memref<40x128xf32, #tpu.memory_space<vmem>>, vector<1x16xf32>,
        %swap3A_359 = vector.shape_cast %swap3A_358 : vector<1x16xf32> to vector<16xf32>
        %swap3A_360 = vector.shape_cast %mul3A_322 : vector<16xf32> to vector<1x16xf32>
        tpu.vector_store %arg26[%swap3A_356, %swap3A_357], %swap3A_360 {strides = array<i32>} : memref<40x128xf32, #tpu.memory_space<vmem>>, vector<1x16xf32>,
        %swap3A_361 = arith.index_cast %scan3A_231 : i32 to index
        %swap3A_362 = arith.constant 96 : index
        %swap3A_363 = tpu.vector_load %arg26[%swap3A_361, %swap3A_362] {strides = array<i32>} : memref<40x128xf32, #tpu.memory_space<vmem>>, vector<1x16xf32>,
        %swap3A_364 = vector.shape_cast %swap3A_363 : vector<1x16xf32> to vector<16xf32>
        %swap3A_365 = vector.shape_cast %mul3A_296 : vector<16xf32> to vector<1x16xf32>
        tpu.vector_store %arg26[%swap3A_361, %swap3A_362], %swap3A_365 {strides = array<i32>} : memref<40x128xf32, #tpu.memory_space<vmem>>, vector<1x16xf32>,
        %swap3A_366 = arith.index_cast %scan3A_231 : i32 to index
        %swap3A_367 = arith.constant 112 : index
        %swap3A_368 = tpu.vector_load %arg26[%swap3A_366, %swap3A_367] {strides = array<i32>} : memref<40x128xf32, #tpu.memory_space<vmem>>, vector<1x16xf32>,
        %swap3A_369 = vector.shape_cast %swap3A_368 : vector<1x16xf32> to vector<16xf32>
        %swap3A_370 = vector.shape_cast %mul3A_331 : vector<16xf32> to vector<1x16xf32>
        tpu.vector_store %arg26[%swap3A_366, %swap3A_367], %swap3A_370 {strides = array<i32>} : memref<40x128xf32, #tpu.memory_space<vmem>>, vector<1x16xf32>,
      }
      %scan3A_207 = arith.constant 40 : i32
      %dma_start3A_208 = arith.constant 0 : i32
      %dma_start3A_209 = arith.constant 0 : i32
      %dma_start3A_210 = tpu.memref_slice %arg28[%dma_start3A_208, %dma_start3A_209] : memref<10000x128xf32, #tpu.memory_space<vmem_shared>> -> memref<10000x128xf32, #tpu.memory_space<vmem_shared>>
      tpu.enqueue_indirect_dma source(%arg26 : memref<40x128xf32, #tpu.memory_space<vmem>>) target(%dma_start3A_210 : memref<10000x128xf32, #tpu.memory_space<vmem_shared>>) offsets(%arg14 : memref<40xi32, #tpu.memory_space<vmem>>) semaphore(%arg47 : memref<!tpu.dma_semaphore, #tpu.memory_space<semaphore_mem>>) {add = true}
      %dma_wait3A_211 = arith.constant 0 : i32
      %dma_wait3A_212 = arith.constant 0 : i32
      %dma_wait3A_213 = tpu.memref_slice %arg2[%dma_wait3A_211, %dma_wait3A_212] : memref<10000x64xi32, #tpu.memory_space<hbm>> -> memref<10000x64xi32, #tpu.memory_space<hbm>>
      tpu.wait_indirect_dma semaphore(%arg40 : memref<!tpu.dma_semaphore, #tpu.memory_space<semaphore_mem>>) src(%dma_wait3A_213 : memref<10000x64xi32, #tpu.memory_space<hbm>>) dst(%arg23 : memref<40x64xi32, #tpu.memory_space<vmem>>)
      %add3A_214 = arith.constant 120 : i32
      %add3A_215 = arith.addi %add3A, %add3A_214 : i32
      %dma_wait3A_216 = arith.constant 0 : i32
      %dma_wait3A_217 = tpu.memref_slice %arg3[%arg0, %add3A_215, %dma_wait3A_216] : memref<2x327680x64xi32, #tpu.memory_space<hbm>> -> memref<1x40x64xi32, #tpu.memory_space<hbm>>
      %dma_wait3A_218 = tpu.memref_squeeze %dma_wait3A_217 : memref<1x40x64xi32, #tpu.memory_space<hbm>> -> memref<40x64xi32, #tpu.memory_space<hbm>>
      %dma_wait3A_219 = arith.constant 0 : i32
      %dma_wait3A_220 = tpu.memref_slice %arg3[%arg0, %add3A_215, %dma_wait3A_219] : memref<2x327680x64xi32, #tpu.memory_space<hbm>> -> memref<1x40x64xi32, #tpu.memory_space<hbm>>
      %dma_wait3A_221 = tpu.memref_squeeze %dma_wait3A_220 : memref<1x40x64xi32, #tpu.memory_space<hbm>> -> memref<40x64xi32, #tpu.memory_space<hbm>>
      tpu.wait_dma2 semaphore(%arg44 : memref<!tpu.dma_semaphore, #tpu.memory_space<semaphore_mem>>) src(%dma_wait3A_221 : memref<40x64xi32, #tpu.memory_space<hbm>>) dst(%arg19 : memref<40x64xi32, #tpu.memory_space<vmem>>)
      %scan3A_222 = arith.constant 0 : i32
      %scan3A_223 = arith.constant 0 : i32
      %scan3A_224 = arith.constant 40 : i32
      %scan3A_225 = arith.addi %scan3A_223, %scan3A_224 : i32
      %scan3A_226 = arith.constant 1 : i32
      scf.for %scan3A_231 = %scan3A_223 to %scan3A_225 step %scan3A_226  : i32 {
        %get3A = arith.index_cast %scan3A_231 : i32 to index
        %get3A_232 = arith.constant 0 : index
        %get3A_233 = tpu.vector_load %arg19[%get3A, %get3A_232] {strides = array<i32>} : memref<40x64xi32, #tpu.memory_space<vmem>>, vector<1x16xi32>,
        %get3A_234 = vector.shape_cast %get3A_233 : vector<1x16xi32> to vector<16xi32>
        %get3A_235 = arith.index_cast %scan3A_231 : i32 to index
        %get3A_236 = arith.constant 16 : index
        %get3A_237 = tpu.vector_load %arg19[%get3A_235, %get3A_236] {strides = array<i32>} : memref<40x64xi32, #tpu.memory_space<vmem>>, vector<1x16xi32>,
        %get3A_238 = vector.shape_cast %get3A_237 : vector<1x16xi32> to vector<16xi32>
        %get3A_239 = arith.index_cast %scan3A_231 : i32 to index
        %get3A_240 = arith.constant 32 : index
        %get3A_241 = tpu.vector_load %arg19[%get3A_239, %get3A_240] {strides = array<i32>} : memref<40x64xi32, #tpu.memory_space<vmem>>, vector<1x16xi32>,
        %get3A_242 = vector.shape_cast %get3A_241 : vector<1x16xi32> to vector<16xi32>
        %get3A_243 = arith.index_cast %scan3A_231 : i32 to index
        %get3A_244 = arith.constant 48 : index
        %get3A_245 = tpu.vector_load %arg19[%get3A_243, %get3A_244] {strides = array<i32>} : memref<40x64xi32, #tpu.memory_space<vmem>>, vector<1x16xi32>,
        %get3A_246 = vector.shape_cast %get3A_245 : vector<1x16xi32> to vector<16xi32>
        %get3A_247 = arith.index_cast %scan3A_231 : i32 to index
        %get3A_248 = arith.constant 0 : index
        %get3A_249 = tpu.vector_load %arg23[%get3A_247, %get3A_248] {strides = array<i32>} : memref<40x64xi32, #tpu.memory_space<vmem>>, vector<1x16xi32>,
        %get3A_250 = vector.shape_cast %get3A_249 : vector<1x16xi32> to vector<16xi32>
        %get3A_251 = arith.index_cast %scan3A_231 : i32 to index
        %get3A_252 = arith.constant 16 : index
        %get3A_253 = tpu.vector_load %arg23[%get3A_251, %get3A_252] {strides = array<i32>} : memref<40x64xi32, #tpu.memory_space<vmem>>, vector<1x16xi32>,
        %get3A_254 = vector.shape_cast %get3A_253 : vector<1x16xi32> to vector<16xi32>
        %get3A_255 = arith.index_cast %scan3A_231 : i32 to index
        %get3A_256 = arith.constant 32 : index
        %get3A_257 = tpu.vector_load %arg23[%get3A_255, %get3A_256] {strides = array<i32>} : memref<40x64xi32, #tpu.memory_space<vmem>>, vector<1x16xi32>,
        %get3A_258 = vector.shape_cast %get3A_257 : vector<1x16xi32> to vector<16xi32>
        %get3A_259 = arith.index_cast %scan3A_231 : i32 to index
        %get3A_260 = arith.constant 48 : index
        %get3A_261 = tpu.vector_load %arg23[%get3A_259, %get3A_260] {strides = array<i32>} : memref<40x64xi32, #tpu.memory_space<vmem>>, vector<1x16xi32>,
        %get3A_262 = vector.shape_cast %get3A_261 : vector<1x16xi32> to vector<16xi32>
        %shift_left3A = arith.constant 16 : i32
        %shift_left3A_263 = vector.broadcast %shift_left3A : i32 to vector<16xi32>
        %shift_left3A_264 = arith.shli %get3A_234, %shift_left3A_263 : vector<16xi32>
        %bitcast_convert_type3A = tpu.bitcast %shift_left3A_264 : vector<16xi32> -> vector<16xf32>
        %shift_left3A_265 = arith.constant 16 : i32
        %shift_left3A_266 = vector.broadcast %shift_left3A_265 : i32 to vector<16xi32>
        %shift_left3A_267 = arith.shli %get3A_250, %shift_left3A_266 : vector<16xi32>
        %bitcast_convert_type3A_268 = tpu.bitcast %shift_left3A_267 : vector<16xi32> -> vector<16xf32>
        %mul3A_269 = arith.mulf %bitcast_convert_type3A, %bitcast_convert_type3A_268 : vector<16xf32>
        %shift_left3A_270 = arith.constant 16 : i32
        %shift_left3A_271 = vector.broadcast %shift_left3A_270 : i32 to vector<16xi32>
        %shift_left3A_272 = arith.shli %get3A_238, %shift_left3A_271 : vector<16xi32>
        %bitcast_convert_type3A_273 = tpu.bitcast %shift_left3A_272 : vector<16xi32> -> vector<16xf32>
        %shift_left3A_274 = arith.constant 16 : i32
        %shift_left3A_275 = vector.broadcast %shift_left3A_274 : i32 to vector<16xi32>
        %shift_left3A_276 = arith.shli %get3A_254, %shift_left3A_275 : vector<16xi32>
        %bitcast_convert_type3A_277 = tpu.bitcast %shift_left3A_276 : vector<16xi32> -> vector<16xf32>
        %mul3A_278 = arith.mulf %bitcast_convert_type3A_273, %bitcast_convert_type3A_277 : vector<16xf32>
        %shift_left3A_279 = arith.constant 16 : i32
        %shift_left3A_280 = vector.broadcast %shift_left3A_279 : i32 to vector<16xi32>
        %shift_left3A_281 = arith.shli %get3A_242, %shift_left3A_280 : vector<16xi32>
        %bitcast_convert_type3A_282 = tpu.bitcast %shift_left3A_281 : vector<16xi32> -> vector<16xf32>
        %shift_left3A_283 = arith.constant 16 : i32
        %shift_left3A_284 = vector.broadcast %shift_left3A_283 : i32 to vector<16xi32>
        %shift_left3A_285 = arith.shli %get3A_258, %shift_left3A_284 : vector<16xi32>
        %bitcast_convert_type3A_286 = tpu.bitcast %shift_left3A_285 : vector<16xi32> -> vector<16xf32>
        %mul3A_287 = arith.mulf %bitcast_convert_type3A_282, %bitcast_convert_type3A_286 : vector<16xf32>
        %shift_left3A_288 = arith.constant 16 : i32
        %shift_left3A_289 = vector.broadcast %shift_left3A_288 : i32 to vector<16xi32>
        %shift_left3A_290 = arith.shli %get3A_246, %shift_left3A_289 : vector<16xi32>
        %bitcast_convert_type3A_291 = tpu.bitcast %shift_left3A_290 : vector<16xi32> -> vector<16xf32>
        %shift_left3A_292 = arith.constant 16 : i32
        %shift_left3A_293 = vector.broadcast %shift_left3A_292 : i32 to vector<16xi32>
        %shift_left3A_294 = arith.shli %get3A_262, %shift_left3A_293 : vector<16xi32>
        %bitcast_convert_type3A_295 = tpu.bitcast %shift_left3A_294 : vector<16xi32> -> vector<16xf32>
        %mul3A_296 = arith.mulf %bitcast_convert_type3A_291, %bitcast_convert_type3A_295 : vector<16xf32>
        %and3A = arith.constant -65536 : i32
        %and3A_297 = vector.broadcast %and3A : i32 to vector<16xi32>
        %and3A_298 = arith.andi %get3A_234, %and3A_297 : vector<16xi32>
        %bitcast_convert_type3A_299 = tpu.bitcast %and3A_298 : vector<16xi32> -> vector<16xf32>
        %and3A_300 = arith.constant -65536 : i32
        %and3A_301 = vector.broadcast %and3A_300 : i32 to vector<16xi32>
        %and3A_302 = arith.andi %get3A_250, %and3A_301 : vector<16xi32>
        %bitcast_convert_type3A_303 = tpu.bitcast %and3A_302 : vector<16xi32> -> vector<16xf32>
        %mul3A_304 = arith.mulf %bitcast_convert_type3A_299, %bitcast_convert_type3A_303 : vector<16xf32>
        %and3A_305 = arith.constant -65536 : i32
        %and3A_306 = vector.broadcast %and3A_305 : i32 to vector<16xi32>
        %and3A_307 = arith.andi %get3A_238, %and3A_306 : vector<16xi32>
        %bitcast_convert_type3A_308 = tpu.bitcast %and3A_307 : vector<16xi32> -> vector<16xf32>
        %and3A_309 = arith.constant -65536 : i32
        %and3A_310 = vector.broadcast %and3A_309 : i32 to vector<16xi32>
        %and3A_311 = arith.andi %get3A_254, %and3A_310 : vector<16xi32>
        %bitcast_convert_type3A_312 = tpu.bitcast %and3A_311 : vector<16xi32> -> vector<16xf32>
        %mul3A_313 = arith.mulf %bitcast_convert_type3A_308, %bitcast_convert_type3A_312 : vector<16xf32>
        %and3A_314 = arith.constant -65536 : i32
        %and3A_315 = vector.broadcast %and3A_314 : i32 to vector<16xi32>
        %and3A_316 = arith.andi %get3A_242, %and3A_315 : vector<16xi32>
        %bitcast_convert_type3A_317 = tpu.bitcast %and3A_316 : vector<16xi32> -> vector<16xf32>
        %and3A_318 = arith.constant -65536 : i32
        %and3A_319 = vector.broadcast %and3A_318 : i32 to vector<16xi32>
        %and3A_320 = arith.andi %get3A_258, %and3A_319 : vector<16xi32>
        %bitcast_convert_type3A_321 = tpu.bitcast %and3A_320 : vector<16xi32> -> vector<16xf32>
        %mul3A_322 = arith.mulf %bitcast_convert_type3A_317, %bitcast_convert_type3A_321 : vector<16xf32>
        %and3A_323 = arith.constant -65536 : i32
        %and3A_324 = vector.broadcast %and3A_323 : i32 to vector<16xi32>
        %and3A_325 = arith.andi %get3A_246, %and3A_324 : vector<16xi32>
        %bitcast_convert_type3A_326 = tpu.bitcast %and3A_325 : vector<16xi32> -> vector<16xf32>
        %and3A_327 = arith.constant -65536 : i32
        %and3A_328 = vector.broadcast %and3A_327 : i32 to vector<16xi32>
        %and3A_329 = arith.andi %get3A_262, %and3A_328 : vector<16xi32>
        %bitcast_convert_type3A_330 = tpu.bitcast %and3A_329 : vector<16xi32> -> vector<16xf32>
        %mul3A_331 = arith.mulf %bitcast_convert_type3A_326, %bitcast_convert_type3A_330 : vector<16xf32>
        %swap3A = arith.index_cast %scan3A_231 : i32 to index
        %swap3A_332 = arith.constant 0 : index
        %swap3A_333 = tpu.vector_load %arg27[%swap3A, %swap3A_332] {strides = array<i32>} : memref<40x128xf32, #tpu.memory_space<vmem>>, vector<1x16xf32>,
        %swap3A_334 = vector.shape_cast %swap3A_333 : vector<1x16xf32> to vector<16xf32>
        %swap3A_335 = vector.shape_cast %mul3A_269 : vector<16xf32> to vector<1x16xf32>
        tpu.vector_store %arg27[%swap3A, %swap3A_332], %swap3A_335 {strides = array<i32>} : memref<40x128xf32, #tpu.memory_space<vmem>>, vector<1x16xf32>,
        %swap3A_336 = arith.index_cast %scan3A_231 : i32 to index
        %swap3A_337 = arith.constant 16 : index
        %swap3A_338 = tpu.vector_load %arg27[%swap3A_336, %swap3A_337] {strides = array<i32>} : memref<40x128xf32, #tpu.memory_space<vmem>>, vector<1x16xf32>,
        %swap3A_339 = vector.shape_cast %swap3A_338 : vector<1x16xf32> to vector<16xf32>
        %swap3A_340 = vector.shape_cast %mul3A_304 : vector<16xf32> to vector<1x16xf32>
        tpu.vector_store %arg27[%swap3A_336, %swap3A_337], %swap3A_340 {strides = array<i32>} : memref<40x128xf32, #tpu.memory_space<vmem>>, vector<1x16xf32>,
        %swap3A_341 = arith.index_cast %scan3A_231 : i32 to index
        %swap3A_342 = arith.constant 32 : index
        %swap3A_343 = tpu.vector_load %arg27[%swap3A_341, %swap3A_342] {strides = array<i32>} : memref<40x128xf32, #tpu.memory_space<vmem>>, vector<1x16xf32>,
        %swap3A_344 = vector.shape_cast %swap3A_343 : vector<1x16xf32> to vector<16xf32>
        %swap3A_345 = vector.shape_cast %mul3A_278 : vector<16xf32> to vector<1x16xf32>
        tpu.vector_store %arg27[%swap3A_341, %swap3A_342], %swap3A_345 {strides = array<i32>} : memref<40x128xf32, #tpu.memory_space<vmem>>, vector<1x16xf32>,
        %swap3A_346 = arith.index_cast %scan3A_231 : i32 to index
        %swap3A_347 = arith.constant 48 : index
        %swap3A_348 = tpu.vector_load %arg27[%swap3A_346, %swap3A_347] {strides = array<i32>} : memref<40x128xf32, #tpu.memory_space<vmem>>, vector<1x16xf32>,
        %swap3A_349 = vector.shape_cast %swap3A_348 : vector<1x16xf32> to vector<16xf32>
        %swap3A_350 = vector.shape_cast %mul3A_313 : vector<16xf32> to vector<1x16xf32>
        tpu.vector_store %arg27[%swap3A_346, %swap3A_347], %swap3A_350 {strides = array<i32>} : memref<40x128xf32, #tpu.memory_space<vmem>>, vector<1x16xf32>,
        %swap3A_351 = arith.index_cast %scan3A_231 : i32 to index
        %swap3A_352 = arith.constant 64 : index
        %swap3A_353 = tpu.vector_load %arg27[%swap3A_351, %swap3A_352] {strides = array<i32>} : memref<40x128xf32, #tpu.memory_space<vmem>>, vector<1x16xf32>,
        %swap3A_354 = vector.shape_cast %swap3A_353 : vector<1x16xf32> to vector<16xf32>
        %swap3A_355 = vector.shape_cast %mul3A_287 : vector<16xf32> to vector<1x16xf32>
        tpu.vector_store %arg27[%swap3A_351, %swap3A_352], %swap3A_355 {strides = array<i32>} : memref<40x128xf32, #tpu.memory_space<vmem>>, vector<1x16xf32>,
        %swap3A_356 = arith.index_cast %scan3A_231 : i32 to index
        %swap3A_357 = arith.constant 80 : index
        %swap3A_358 = tpu.vector_load %arg27[%swap3A_356, %swap3A_357] {strides = array<i32>} : memref<40x128xf32, #tpu.memory_space<vmem>>, vector<1x16xf32>,
        %swap3A_359 = vector.shape_cast %swap3A_358 : vector<1x16xf32> to vector<16xf32>
        %swap3A_360 = vector.shape_cast %mul3A_322 : vector<16xf32> to vector<1x16xf32>
        tpu.vector_store %arg27[%swap3A_356, %swap3A_357], %swap3A_360 {strides = array<i32>} : memref<40x128xf32, #tpu.memory_space<vmem>>, vector<1x16xf32>,
        %swap3A_361 = arith.index_cast %scan3A_231 : i32 to index
        %swap3A_362 = arith.constant 96 : index
        %swap3A_363 = tpu.vector_load %arg27[%swap3A_361, %swap3A_362] {strides = array<i32>} : memref<40x128xf32, #tpu.memory_space<vmem>>, vector<1x16xf32>,
        %swap3A_364 = vector.shape_cast %swap3A_363 : vector<1x16xf32> to vector<16xf32>
        %swap3A_365 = vector.shape_cast %mul3A_296 : vector<16xf32> to vector<1x16xf32>
        tpu.vector_store %arg27[%swap3A_361, %swap3A_362], %swap3A_365 {strides = array<i32>} : memref<40x128xf32, #tpu.memory_space<vmem>>, vector<1x16xf32>,
        %swap3A_366 = arith.index_cast %scan3A_231 : i32 to index
        %swap3A_367 = arith.constant 112 : index
        %swap3A_368 = tpu.vector_load %arg27[%swap3A_366, %swap3A_367] {strides = array<i32>} : memref<40x128xf32, #tpu.memory_space<vmem>>, vector<1x16xf32>,
        %swap3A_369 = vector.shape_cast %swap3A_368 : vector<1x16xf32> to vector<16xf32>
        %swap3A_370 = vector.shape_cast %mul3A_331 : vector<16xf32> to vector<1x16xf32>
        tpu.vector_store %arg27[%swap3A_366, %swap3A_367], %swap3A_370 {strides = array<i32>} : memref<40x128xf32, #tpu.memory_space<vmem>>, vector<1x16xf32>,
      }
      %scan3A_227 = arith.constant 40 : i32
      %dma_start3A_228 = arith.constant 0 : i32
      %dma_start3A_229 = arith.constant 0 : i32
      %dma_start3A_230 = tpu.memref_slice %arg28[%dma_start3A_228, %dma_start3A_229] : memref<10000x128xf32, #tpu.memory_space<vmem_shared>> -> memref<10000x128xf32, #tpu.memory_space<vmem_shared>>
      tpu.enqueue_indirect_dma source(%arg27 : memref<40x128xf32, #tpu.memory_space<vmem>>) target(%dma_start3A_230 : memref<10000x128xf32, #tpu.memory_space<vmem_shared>>) offsets(%arg15 : memref<40xi32, #tpu.memory_space<vmem>>) semaphore(%arg48 : memref<!tpu.dma_semaphore, #tpu.memory_space<semaphore_mem>>) {add = true}
    }
    %scan3A_5 = arith.constant 125 : i32
    %dma_wait3A = arith.constant 0 : i32
    %dma_wait3A_6 = arith.constant 0 : i32
    %dma_wait3A_7 = tpu.memref_slice %arg28[%dma_wait3A, %dma_wait3A_6] : memref<10000x128xf32, #tpu.memory_space<vmem_shared>> -> memref<10000x128xf32, #tpu.memory_space<vmem_shared>>
    tpu.wait_indirect_dma semaphore(%arg45 : memref<!tpu.dma_semaphore, #tpu.memory_space<semaphore_mem>>) src(%arg24 : memref<40x128xf32, #tpu.memory_space<vmem>>) dst(%dma_wait3A_7 : memref<10000x128xf32, #tpu.memory_space<vmem_shared>>)
    %dma_wait3A_8 = arith.constant 0 : i32
    %dma_wait3A_9 = arith.constant 0 : i32
    %dma_wait3A_10 = tpu.memref_slice %arg28[%dma_wait3A_8, %dma_wait3A_9] : memref<10000x128xf32, #tpu.memory_space<vmem_shared>> -> memref<10000x128xf32, #tpu.memory_space<vmem_shared>>
    tpu.wait_indirect_dma semaphore(%arg46 : memref<!tpu.dma_semaphore, #tpu.memory_space<semaphore_mem>>) src(%arg25 : memref<40x128xf32, #tpu.memory_space<vmem>>) dst(%dma_wait3A_10 : memref<10000x128xf32, #tpu.memory_space<vmem_shared>>)
    %dma_wait3A_11 = arith.constant 0 : i32
    %dma_wait3A_12 = arith.constant 0 : i32
    %dma_wait3A_13 = tpu.memref_slice %arg28[%dma_wait3A_11, %dma_wait3A_12] : memref<10000x128xf32, #tpu.memory_space<vmem_shared>> -> memref<10000x128xf32, #tpu.memory_space<vmem_shared>>
    tpu.wait_indirect_dma semaphore(%arg47 : memref<!tpu.dma_semaphore, #tpu.memory_space<semaphore_mem>>) src(%arg26 : memref<40x128xf32, #tpu.memory_space<vmem>>) dst(%dma_wait3A_13 : memref<10000x128xf32, #tpu.memory_space<vmem_shared>>)
    %dma_wait3A_14 = arith.constant 0 : i32
    %dma_wait3A_15 = arith.constant 0 : i32
    %dma_wait3A_16 = tpu.memref_slice %arg28[%dma_wait3A_14, %dma_wait3A_15] : memref<10000x128xf32, #tpu.memory_space<vmem_shared>> -> memref<10000x128xf32, #tpu.memory_space<vmem_shared>>
    tpu.wait_indirect_dma semaphore(%arg48 : memref<!tpu.dma_semaphore, #tpu.memory_space<semaphore_mem>>) src(%arg27 : memref<40x128xf32, #tpu.memory_space<vmem>>) dst(%dma_wait3A_16 : memref<10000x128xf32, #tpu.memory_space<vmem_shared>>)
    %barrier3A_17 = arith.constant 0 : index
    tpu.barrier barrier_id(%barrier3A_17)
    %mul3A_18 = arith.constant 625 : i32
    %mul3A_19 = arith.muli %arg1, %mul3A_18 : i32
    %mul3A_20 = arith.constant 625 : i32
    %mul3A_21 = arith.muli %arg1, %mul3A_20 : i32
    "tpu.region"() ({
      %run_scoped3A = tpu.sem_alloc : memref<!tpu.dma_semaphore, #tpu.memory_space<semaphore_mem>>
      %dma_start3A = arith.constant 0 : i32
      %dma_start3A_22 = tpu.memref_slice %arg7[%arg0, %mul3A_21, %dma_start3A] : memref<2x10000x128xf32, #tpu.memory_space<hbm>> -> memref<1x625x128xf32, #tpu.memory_space<hbm>>
      %dma_start3A_23 = tpu.memref_squeeze %dma_start3A_22 : memref<1x625x128xf32, #tpu.memory_space<hbm>> -> memref<625x128xf32, #tpu.memory_space<hbm>>
      %dma_start3A_24 = arith.constant 0 : i32
      %dma_start3A_25 = tpu.memref_slice %arg28[%mul3A_19, %dma_start3A_24] : memref<10000x128xf32, #tpu.memory_space<vmem_shared>> -> memref<625x128xf32, #tpu.memory_space<vmem_shared>>
      tpu.enqueue_dma source(%dma_start3A_25 : memref<625x128xf32, #tpu.memory_space<vmem_shared>>) target(%dma_start3A_23 : memref<625x128xf32, #tpu.memory_space<hbm>>) target_semaphore(%run_scoped3A : memref<!tpu.dma_semaphore, #tpu.memory_space<semaphore_mem>>)
      %dma_wait3A_26 = arith.constant 0 : i32
      %dma_wait3A_27 = tpu.memref_slice %arg7[%arg0, %mul3A_21, %dma_wait3A_26] : memref<2x10000x128xf32, #tpu.memory_space<hbm>> -> memref<1x625x128xf32, #tpu.memory_space<hbm>>
      %dma_wait3A_28 = tpu.memref_squeeze %dma_wait3A_27 : memref<1x625x128xf32, #tpu.memory_space<hbm>> -> memref<625x128xf32, #tpu.memory_space<hbm>>
      %dma_wait3A_29 = arith.constant 0 : i32
      %dma_wait3A_30 = tpu.memref_slice %arg28[%mul3A_19, %dma_wait3A_29] : memref<10000x128xf32, #tpu.memory_space<vmem_shared>> -> memref<625x128xf32, #tpu.memory_space<vmem_shared>>
      tpu.wait_dma2 semaphore(%run_scoped3A : memref<!tpu.dma_semaphore, #tpu.memory_space<semaphore_mem>>) src(%dma_wait3A_30 : memref<625x128xf32, #tpu.memory_space<vmem_shared>>) dst(%dma_wait3A_28 : memref<625x128xf32, #tpu.memory_space<hbm>>)
      tpu.yield
    }) : () -> ()
    return
  }
}

module attributes {stable_mosaic.version = 14 : i64} {
  func.func @_node_body(%arg0: i32, %arg1: memref<2000x128xf32, #tpu.memory_space<vmem>>, %arg2: memref<128x256xf32, #tpu.memory_space<vmem>>, %arg3: memref<2000x128xf32, #tpu.memory_space<vmem>>, %arg4: memref<2000x64xi32, #tpu.memory_space<vmem>>) attributes {dimension_semantics = [#tpu.dimension_semantics<arbitrary>], iteration_bounds = array<i64: 5>, scalar_prefetch = 0 : i64, scratch_operands = 0 : i64, tpu.core_type = #tpu.core_type<tc>, window_params = [{transform_indices = @transform_0, window_bounds = array<i64: 2000, 128>}, {pipeline_mode = #tpu.pipeline_mode<synchronous>, transform_indices = @transform_1, window_bounds = array<i64: 128, 256>}, {transform_indices = @transform_2, window_bounds = array<i64: 2000, 128>}, {transform_indices = @transform_3, window_bounds = array<i64: 2000, 64>}]} {
    %get3A = arith.constant 0 : index
    %get3A_0 = arith.constant 0 : index
    %get3A_1 = vector.load %arg1[%get3A, %get3A_0] : memref<2000x128xf32, #tpu.memory_space<vmem>>, vector<2000x128xf32>
    %get3A_2 = arith.constant 0 : index
    %get3A_3 = arith.constant 0 : index
    %get3A_4 = vector.load %arg2[%get3A_2, %get3A_3] : memref<128x256xf32, #tpu.memory_space<vmem>>, vector<128x256xf32>
    %dot_general3A = arith.constant dense<0.000000e+00> : vector<2000x256xf32>
    %dot_general3A_5 = tpu.matmul %get3A_1, %get3A_4, %dot_general3A {dimension_numbers = #tpu.dot_dimension_numbers<[1], [0], [0], [1], [0, 0, 1, 1], [], []>, transpose_lhs_hint = false} : vector<2000x128xf32>, vector<128x256xf32>, vector<2000x256xf32> -> vector<2000x256xf32>
    %slice3A = vector.extract_strided_slice %dot_general3A_5 {offsets = [0, 0], sizes = [2000, 128], strides = [1, 1]} : vector<2000x256xf32> to vector<2000x128xf32>
    %swap3A = arith.constant 0 : index
    %swap3A_6 = arith.constant 0 : index
    %swap3A_7 = vector.load %arg3[%swap3A, %swap3A_6] : memref<2000x128xf32, #tpu.memory_space<vmem>>, vector<2000x128xf32>
    tpu.vector_store %arg3[%swap3A, %swap3A_6], %slice3A {strides = array<i32>} : memref<2000x128xf32, #tpu.memory_space<vmem>>, vector<2000x128xf32>,
    %slice3A_8 = vector.extract_strided_slice %dot_general3A_5 {offsets = [0, 128], sizes = [2000, 128], strides = [1, 1]} : vector<2000x256xf32> to vector<2000x128xf32>
    %slice3A_9 = vector.extract_strided_slice %slice3A_8 {offsets = [0, 0], sizes = [2000, 64], strides = [1, 1]} : vector<2000x128xf32> to vector<2000x64xf32>
    %convert_element_type3A = arith.truncf %slice3A_9 : vector<2000x64xf32> to vector<2000x64xbf16>
    %convert_element_type3A_10 = arith.extf %convert_element_type3A : vector<2000x64xbf16> to vector<2000x64xf32>
    %bitcast_convert_type3A = tpu.bitcast %convert_element_type3A_10 : vector<2000x64xf32> -> vector<2000x64xi32>
    %slice3A_11 = vector.extract_strided_slice %slice3A_8 {offsets = [0, 64], sizes = [2000, 64], strides = [1, 1]} : vector<2000x128xf32> to vector<2000x64xf32>
    %convert_element_type3A_12 = arith.truncf %slice3A_11 : vector<2000x64xf32> to vector<2000x64xbf16>
    %convert_element_type3A_13 = arith.extf %convert_element_type3A_12 : vector<2000x64xbf16> to vector<2000x64xf32>
    %bitcast_convert_type3A_14 = tpu.bitcast %convert_element_type3A_13 : vector<2000x64xf32> -> vector<2000x64xi32>
    %shift_right_logical3A = arith.constant 16 : i32
    %shift_right_logical3A_15 = vector.broadcast %shift_right_logical3A : i32 to vector<2000x64xi32>
    %shift_right_logical3A_16 = arith.shrui %bitcast_convert_type3A, %shift_right_logical3A_15 : vector<2000x64xi32>
    %or3A = arith.ori %shift_right_logical3A_16, %bitcast_convert_type3A_14 : vector<2000x64xi32>
    %swap3A_17 = arith.constant 0 : index
    %swap3A_18 = arith.constant 0 : index
    %swap3A_19 = vector.load %arg4[%swap3A_17, %swap3A_18] : memref<2000x64xi32, #tpu.memory_space<vmem>>, vector<2000x64xi32>
    tpu.vector_store %arg4[%swap3A_17, %swap3A_18], %or3A {strides = array<i32>} : memref<2000x64xi32, #tpu.memory_space<vmem>>, vector<2000x64xi32>,
    return
  }
  func.func @transform_0(%arg0: i32) -> (i32, i32) {
    %c0_i32 = arith.constant 0 : i32
    %c0_i32_0 = arith.constant 0 : i32
    return %arg0, %c0_i32 : i32, i32
  }
  func.func @transform_1(%arg0: i32) -> (i32, i32) {
    %c0_i32 = arith.constant 0 : i32
    %c0_i32_0 = arith.constant 0 : i32
    %c0_i32_1 = arith.constant 0 : i32
    return %c0_i32, %c0_i32_0 : i32, i32
  }
  func.func @transform_2(%arg0: i32) -> (i32, i32) {
    %c0_i32 = arith.constant 0 : i32
    %c0_i32_0 = arith.constant 0 : i32
    return %arg0, %c0_i32 : i32, i32
  }
  func.func @transform_3(%arg0: i32) -> (i32, i32) {
    %c0_i32 = arith.constant 0 : i32
    %c0_i32_0 = arith.constant 0 : i32
    return %arg0, %c0_i32 : i32, i32
  }
}

module attributes {stable_mosaic.version = 14 : i64} {
  func.func @_vtr_body(%arg0: i32, %arg1: memref<512x16xf32, #tpu.memory_space<vmem>>, %arg2: memref<512x512xf32, #tpu.memory_space<vmem>>, %arg3: memref<16x512xf32, #tpu.memory_space<vmem>>) attributes {dimension_semantics = [#tpu.dimension_semantics<arbitrary>], iteration_bounds = array<i64: 625>, scalar_prefetch = 0 : i64, scratch_operands = 0 : i64, tpu.core_type = #tpu.core_type<tc>, window_params = [{transform_indices = @transform_0, window_bounds = array<i64: 512, 16>}, {pipeline_mode = #tpu.pipeline_mode<synchronous>, transform_indices = @transform_1, window_bounds = array<i64: 512, 512>}, {transform_indices = @transform_2, window_bounds = array<i64: 16, 512>}]} {
    %get3A = arith.constant 0 : index
    %get3A_0 = arith.constant 0 : index
    %get3A_1 = vector.load %arg1[%get3A, %get3A_0] : memref<512x16xf32, #tpu.memory_space<vmem>>, vector<512x16xf32>
    %get3A_2 = arith.constant 0 : index
    %get3A_3 = arith.constant 0 : index
    %get3A_4 = vector.load %arg2[%get3A_2, %get3A_3] : memref<512x512xf32, #tpu.memory_space<vmem>>, vector<512x512xf32>
    %dot_general3A = arith.constant dense<0.000000e+00> : vector<16x512xf32>
    %dot_general3A_5 = tpu.matmul %get3A_1, %get3A_4, %dot_general3A {dimension_numbers = #tpu.dot_dimension_numbers<[0], [0], [1], [1], [0, 1, 1, 1], [], []>, precision = #tpu.contract_precision<fp32>, transpose_lhs_hint = false} : vector<512x16xf32>, vector<512x512xf32>, vector<16x512xf32> -> vector<16x512xf32>
    %swap3A = arith.constant 0 : index
    %swap3A_6 = arith.constant 0 : index
    %swap3A_7 = vector.load %arg3[%swap3A, %swap3A_6] : memref<16x512xf32, #tpu.memory_space<vmem>>, vector<16x512xf32>
    tpu.vector_store %arg3[%swap3A, %swap3A_6], %dot_general3A_5 {strides = array<i32>} : memref<16x512xf32, #tpu.memory_space<vmem>>, vector<16x512xf32>,
    return
  }
  func.func @transform_0(%arg0: i32) -> (i32, i32) {
    %c0_i32 = arith.constant 0 : i32
    %c0_i32_0 = arith.constant 0 : i32
    return %arg0, %c0_i32 : i32, i32
  }
  func.func @transform_1(%arg0: i32) -> (i32, i32) {
    %c0_i32 = arith.constant 0 : i32
    %c0_i32_0 = arith.constant 0 : i32
    %c0_i32_1 = arith.constant 0 : i32
    return %c0_i32, %c0_i32_0 : i32, i32
  }
  func.func @transform_2(%arg0: i32) -> (i32, i32) {
    %c0_i32 = arith.constant 0 : i32
    %c0_i32_0 = arith.constant 0 : i32
    return %c0_i32, %arg0 : i32, i32
  }
}

module attributes {stable_mosaic.version = 14 : i64} {
  func.func @_geom_body(%arg0: i32, %arg1: memref<1x32x128xf32, #tpu.memory_space<vmem>>, %arg2: memref<1x32x128xf32, #tpu.memory_space<vmem>>, %arg3: memref<1x32x128xf32, #tpu.memory_space<vmem>>, %arg4: memref<8x32x128xf32, #tpu.memory_space<vmem>>, %arg5: memref<15x32x128xf32, #tpu.memory_space<vmem>>) attributes {dimension_semantics = [#tpu.dimension_semantics<arbitrary>], iteration_bounds = array<i64: 80>, scalar_prefetch = 0 : i64, scratch_operands = 0 : i64, tpu.core_type = #tpu.core_type<tc>, window_params = [{transform_indices = @transform_0, window_bounds = array<i64: 1, 32, 128>}, {transform_indices = @transform_1, window_bounds = array<i64: 1, 32, 128>}, {transform_indices = @transform_2, window_bounds = array<i64: 1, 32, 128>}, {transform_indices = @transform_3, window_bounds = array<i64: 8, 32, 128>}, {transform_indices = @transform_4, window_bounds = array<i64: 15, 32, 128>}]} {
    %get3A = arith.constant 0 : index
    %get3A_0 = arith.constant 0 : index
    %get3A_1 = arith.constant 0 : index
    %get3A_2 = vector.load %arg1[%get3A, %get3A_0, %get3A_1] : memref<1x32x128xf32, #tpu.memory_space<vmem>>, vector<1x32x128xf32>
    %get3A_3 = vector.shape_cast %get3A_2 : vector<1x32x128xf32> to vector<32x128xf32>
    %get3A_4 = arith.constant 0 : index
    %get3A_5 = arith.constant 0 : index
    %get3A_6 = arith.constant 0 : index
    %get3A_7 = vector.load %arg2[%get3A_4, %get3A_5, %get3A_6] : memref<1x32x128xf32, #tpu.memory_space<vmem>>, vector<1x32x128xf32>
    %get3A_8 = vector.shape_cast %get3A_7 : vector<1x32x128xf32> to vector<32x128xf32>
    %get3A_9 = arith.constant 0 : index
    %get3A_10 = arith.constant 0 : index
    %get3A_11 = arith.constant 0 : index
    %get3A_12 = vector.load %arg3[%get3A_9, %get3A_10, %get3A_11] : memref<1x32x128xf32, #tpu.memory_space<vmem>>, vector<1x32x128xf32>
    %get3A_13 = vector.shape_cast %get3A_12 : vector<1x32x128xf32> to vector<32x128xf32>
    %mul3A = arith.mulf %get3A_3, %get3A_3 : vector<32x128xf32>
    %mul3A_14 = arith.mulf %get3A_8, %get3A_8 : vector<32x128xf32>
    %add3A = arith.addf %mul3A, %mul3A_14 : vector<32x128xf32>
    %mul3A_15 = arith.mulf %get3A_13, %get3A_13 : vector<32x128xf32>
    %add3A_16 = arith.addf %add3A, %mul3A_15 : vector<32x128xf32>
    %eq3A = arith.constant 0.000000e+00 : f32
    %eq3A_17 = vector.broadcast %eq3A : f32 to vector<32x128xf32>
    %eq3A_18 = arith.cmpf oeq, %add3A_16, %eq3A_17 : vector<32x128xf32>
    %jit3A = arith.constant 1.000000e+00 : f32
    %broadcast_in_dim3A = vector.broadcast %jit3A : f32 to vector<32x128xf32>
    %select_n3A = arith.select %eq3A_18, %broadcast_in_dim3A, %add3A_16 : vector<32x128xi1>, vector<32x128xf32>
    %sqrt3A = math.sqrt %select_n3A : vector<32x128xf32>
    %jit3A_19 = arith.constant 0.000000e+00 : f32
    %broadcast_in_dim3A_20 = vector.broadcast %jit3A_19 : f32 to vector<32x128xf32>
    %select_n3A_21 = arith.select %eq3A_18, %broadcast_in_dim3A_20, %sqrt3A : vector<32x128xi1>, vector<32x128xf32>
    %jit3A_22 = arith.constant 1.000000e+00 : f32
    %broadcast_in_dim3A_23 = vector.broadcast %jit3A_22 : f32 to vector<32x128xf32>
    %select_n3A_24 = arith.select %eq3A_18, %broadcast_in_dim3A_23, %select_n3A_21 : vector<32x128xi1>, vector<32x128xf32>
    %div3A = arith.constant 1.000000e+00 : f32
    %div3A_25 = vector.broadcast %div3A : f32 to vector<32x128xf32>
    %div3A_26 = arith.divf %div3A_25, %select_n3A_24 : vector<32x128xf32>
    %mul3A_27 = arith.mulf %get3A_3, %div3A_26 : vector<32x128xf32>
    %mul3A_28 = arith.mulf %get3A_8, %div3A_26 : vector<32x128xf32>
    %mul3A_29 = arith.mulf %get3A_13, %div3A_26 : vector<32x128xf32>
    %mul3A_30 = arith.constant 1.73205078 : f32
    %mul3A_31 = vector.broadcast %mul3A_30 : f32 to vector<32x128xf32>
    %mul3A_32 = arith.mulf %mul3A_31, %mul3A_27 : vector<32x128xf32>
    %swap3A = arith.constant 0 : index
    %swap3A_33 = arith.constant 0 : index
    %swap3A_34 = arith.constant 0 : index
    %swap3A_35 = vector.load %arg5[%swap3A, %swap3A_33, %swap3A_34] : memref<15x32x128xf32, #tpu.memory_space<vmem>>, vector<1x32x128xf32>
    %swap3A_36 = vector.shape_cast %swap3A_35 : vector<1x32x128xf32> to vector<32x128xf32>
    %swap3A_37 = vector.shape_cast %mul3A_32 : vector<32x128xf32> to vector<1x32x128xf32>
    tpu.vector_store %arg5[%swap3A, %swap3A_33, %swap3A_34], %swap3A_37 {strides = array<i32>} : memref<15x32x128xf32, #tpu.memory_space<vmem>>, vector<1x32x128xf32>,
    %mul3A_38 = arith.constant 1.73205078 : f32
    %mul3A_39 = vector.broadcast %mul3A_38 : f32 to vector<32x128xf32>
    %mul3A_40 = arith.mulf %mul3A_39, %mul3A_28 : vector<32x128xf32>
    %swap3A_41 = arith.constant 1 : index
    %swap3A_42 = arith.constant 0 : index
    %swap3A_43 = arith.constant 0 : index
    %swap3A_44 = vector.load %arg5[%swap3A_41, %swap3A_42, %swap3A_43] : memref<15x32x128xf32, #tpu.memory_space<vmem>>, vector<1x32x128xf32>
    %swap3A_45 = vector.shape_cast %swap3A_44 : vector<1x32x128xf32> to vector<32x128xf32>
    %swap3A_46 = vector.shape_cast %mul3A_40 : vector<32x128xf32> to vector<1x32x128xf32>
    tpu.vector_store %arg5[%swap3A_41, %swap3A_42, %swap3A_43], %swap3A_46 {strides = array<i32>} : memref<15x32x128xf32, #tpu.memory_space<vmem>>, vector<1x32x128xf32>,
    %mul3A_47 = arith.constant 1.73205078 : f32
    %mul3A_48 = vector.broadcast %mul3A_47 : f32 to vector<32x128xf32>
    %mul3A_49 = arith.mulf %mul3A_48, %mul3A_29 : vector<32x128xf32>
    %swap3A_50 = arith.constant 2 : index
    %swap3A_51 = arith.constant 0 : index
    %swap3A_52 = arith.constant 0 : index
    %swap3A_53 = vector.load %arg5[%swap3A_50, %swap3A_51, %swap3A_52] : memref<15x32x128xf32, #tpu.memory_space<vmem>>, vector<1x32x128xf32>
    %swap3A_54 = vector.shape_cast %swap3A_53 : vector<1x32x128xf32> to vector<32x128xf32>
    %swap3A_55 = vector.shape_cast %mul3A_49 : vector<32x128xf32> to vector<1x32x128xf32>
    tpu.vector_store %arg5[%swap3A_50, %swap3A_51, %swap3A_52], %swap3A_55 {strides = array<i32>} : memref<15x32x128xf32, #tpu.memory_space<vmem>>, vector<1x32x128xf32>,
    %mul3A_56 = arith.constant 3.87298346 : f32
    %mul3A_57 = vector.broadcast %mul3A_56 : f32 to vector<32x128xf32>
    %mul3A_58 = arith.mulf %mul3A_57, %mul3A_27 : vector<32x128xf32>
    %mul3A_59 = arith.mulf %mul3A_58, %mul3A_28 : vector<32x128xf32>
    %swap3A_60 = arith.constant 3 : index
    %swap3A_61 = arith.constant 0 : index
    %swap3A_62 = arith.constant 0 : index
    %swap3A_63 = vector.load %arg5[%swap3A_60, %swap3A_61, %swap3A_62] : memref<15x32x128xf32, #tpu.memory_space<vmem>>, vector<1x32x128xf32>
    %swap3A_64 = vector.shape_cast %swap3A_63 : vector<1x32x128xf32> to vector<32x128xf32>
    %swap3A_65 = vector.shape_cast %mul3A_59 : vector<32x128xf32> to vector<1x32x128xf32>
    tpu.vector_store %arg5[%swap3A_60, %swap3A_61, %swap3A_62], %swap3A_65 {strides = array<i32>} : memref<15x32x128xf32, #tpu.memory_space<vmem>>, vector<1x32x128xf32>,
    %mul3A_66 = arith.constant 3.87298346 : f32
    %mul3A_67 = vector.broadcast %mul3A_66 : f32 to vector<32x128xf32>
    %mul3A_68 = arith.mulf %mul3A_67, %mul3A_28 : vector<32x128xf32>
    %mul3A_69 = arith.mulf %mul3A_68, %mul3A_29 : vector<32x128xf32>
    %swap3A_70 = arith.constant 4 : index
    %swap3A_71 = arith.constant 0 : index
    %swap3A_72 = arith.constant 0 : index
    %swap3A_73 = vector.load %arg5[%swap3A_70, %swap3A_71, %swap3A_72] : memref<15x32x128xf32, #tpu.memory_space<vmem>>, vector<1x32x128xf32>
    %swap3A_74 = vector.shape_cast %swap3A_73 : vector<1x32x128xf32> to vector<32x128xf32>
    %swap3A_75 = vector.shape_cast %mul3A_69 : vector<32x128xf32> to vector<1x32x128xf32>
    tpu.vector_store %arg5[%swap3A_70, %swap3A_71, %swap3A_72], %swap3A_75 {strides = array<i32>} : memref<15x32x128xf32, #tpu.memory_space<vmem>>, vector<1x32x128xf32>,
    %mul3A_76 = arith.constant 3.000000e+00 : f32
    %mul3A_77 = vector.broadcast %mul3A_76 : f32 to vector<32x128xf32>
    %mul3A_78 = arith.mulf %mul3A_77, %mul3A_29 : vector<32x128xf32>
    %mul3A_79 = arith.mulf %mul3A_78, %mul3A_29 : vector<32x128xf32>
    %sub3A = arith.constant 1.000000e+00 : f32
    %sub3A_80 = vector.broadcast %sub3A : f32 to vector<32x128xf32>
    %sub3A_81 = arith.subf %mul3A_79, %sub3A_80 : vector<32x128xf32>
    %mul3A_82 = arith.constant 1.11803401 : f32
    %mul3A_83 = vector.broadcast %mul3A_82 : f32 to vector<32x128xf32>
    %mul3A_84 = arith.mulf %mul3A_83, %sub3A_81 : vector<32x128xf32>
    %swap3A_85 = arith.constant 5 : index
    %swap3A_86 = arith.constant 0 : index
    %swap3A_87 = arith.constant 0 : index
    %swap3A_88 = vector.load %arg5[%swap3A_85, %swap3A_86, %swap3A_87] : memref<15x32x128xf32, #tpu.memory_space<vmem>>, vector<1x32x128xf32>
    %swap3A_89 = vector.shape_cast %swap3A_88 : vector<1x32x128xf32> to vector<32x128xf32>
    %swap3A_90 = vector.shape_cast %mul3A_84 : vector<32x128xf32> to vector<1x32x128xf32>
    tpu.vector_store %arg5[%swap3A_85, %swap3A_86, %swap3A_87], %swap3A_90 {strides = array<i32>} : memref<15x32x128xf32, #tpu.memory_space<vmem>>, vector<1x32x128xf32>,
    %mul3A_91 = arith.constant 3.87298346 : f32
    %mul3A_92 = vector.broadcast %mul3A_91 : f32 to vector<32x128xf32>
    %mul3A_93 = arith.mulf %mul3A_92, %mul3A_27 : vector<32x128xf32>
    %mul3A_94 = arith.mulf %mul3A_93, %mul3A_29 : vector<32x128xf32>
    %swap3A_95 = arith.constant 6 : index
    %swap3A_96 = arith.constant 0 : index
    %swap3A_97 = arith.constant 0 : index
    %swap3A_98 = vector.load %arg5[%swap3A_95, %swap3A_96, %swap3A_97] : memref<15x32x128xf32, #tpu.memory_space<vmem>>, vector<1x32x128xf32>
    %swap3A_99 = vector.shape_cast %swap3A_98 : vector<1x32x128xf32> to vector<32x128xf32>
    %swap3A_100 = vector.shape_cast %mul3A_94 : vector<32x128xf32> to vector<1x32x128xf32>
    tpu.vector_store %arg5[%swap3A_95, %swap3A_96, %swap3A_97], %swap3A_100 {strides = array<i32>} : memref<15x32x128xf32, #tpu.memory_space<vmem>>, vector<1x32x128xf32>,
    %mul3A_101 = arith.mulf %mul3A_27, %mul3A_27 : vector<32x128xf32>
    %mul3A_102 = arith.mulf %mul3A_28, %mul3A_28 : vector<32x128xf32>
    %sub3A_103 = arith.subf %mul3A_101, %mul3A_102 : vector<32x128xf32>
    %mul3A_104 = arith.constant 1.93649173 : f32
    %mul3A_105 = vector.broadcast %mul3A_104 : f32 to vector<32x128xf32>
    %mul3A_106 = arith.mulf %mul3A_105, %sub3A_103 : vector<32x128xf32>
    %swap3A_107 = arith.constant 7 : index
    %swap3A_108 = arith.constant 0 : index
    %swap3A_109 = arith.constant 0 : index
    %swap3A_110 = vector.load %arg5[%swap3A_107, %swap3A_108, %swap3A_109] : memref<15x32x128xf32, #tpu.memory_space<vmem>>, vector<1x32x128xf32>
    %swap3A_111 = vector.shape_cast %swap3A_110 : vector<1x32x128xf32> to vector<32x128xf32>
    %swap3A_112 = vector.shape_cast %mul3A_106 : vector<32x128xf32> to vector<1x32x128xf32>
    tpu.vector_store %arg5[%swap3A_107, %swap3A_108, %swap3A_109], %swap3A_112 {strides = array<i32>} : memref<15x32x128xf32, #tpu.memory_space<vmem>>, vector<1x32x128xf32>,
    %mul3A_113 = arith.constant 2.091650e+00 : f32
    %mul3A_114 = vector.broadcast %mul3A_113 : f32 to vector<32x128xf32>
    %mul3A_115 = arith.mulf %mul3A_114, %mul3A_28 : vector<32x128xf32>
    %mul3A_116 = arith.constant 3.000000e+00 : f32
    %mul3A_117 = vector.broadcast %mul3A_116 : f32 to vector<32x128xf32>
    %mul3A_118 = arith.mulf %mul3A_117, %mul3A_27 : vector<32x128xf32>
    %mul3A_119 = arith.mulf %mul3A_118, %mul3A_27 : vector<32x128xf32>
    %mul3A_120 = arith.mulf %mul3A_28, %mul3A_28 : vector<32x128xf32>
    %sub3A_121 = arith.subf %mul3A_119, %mul3A_120 : vector<32x128xf32>
    %mul3A_122 = arith.mulf %mul3A_115, %sub3A_121 : vector<32x128xf32>
    %swap3A_123 = arith.constant 8 : index
    %swap3A_124 = arith.constant 0 : index
    %swap3A_125 = arith.constant 0 : index
    %swap3A_126 = vector.load %arg5[%swap3A_123, %swap3A_124, %swap3A_125] : memref<15x32x128xf32, #tpu.memory_space<vmem>>, vector<1x32x128xf32>
    %swap3A_127 = vector.shape_cast %swap3A_126 : vector<1x32x128xf32> to vector<32x128xf32>
    %swap3A_128 = vector.shape_cast %mul3A_122 : vector<32x128xf32> to vector<1x32x128xf32>
    tpu.vector_store %arg5[%swap3A_123, %swap3A_124, %swap3A_125], %swap3A_128 {strides = array<i32>} : memref<15x32x128xf32, #tpu.memory_space<vmem>>, vector<1x32x128xf32>,
    %mul3A_129 = arith.constant 10.2469511 : f32
    %mul3A_130 = vector.broadcast %mul3A_129 : f32 to vector<32x128xf32>
    %mul3A_131 = arith.mulf %mul3A_130, %mul3A_27 : vector<32x128xf32>
    %mul3A_132 = arith.mulf %mul3A_131, %mul3A_28 : vector<32x128xf32>
    %mul3A_133 = arith.mulf %mul3A_132, %mul3A_29 : vector<32x128xf32>
    %swap3A_134 = arith.constant 9 : index
    %swap3A_135 = arith.constant 0 : index
    %swap3A_136 = arith.constant 0 : index
    %swap3A_137 = vector.load %arg5[%swap3A_134, %swap3A_135, %swap3A_136] : memref<15x32x128xf32, #tpu.memory_space<vmem>>, vector<1x32x128xf32>
    %swap3A_138 = vector.shape_cast %swap3A_137 : vector<1x32x128xf32> to vector<32x128xf32>
    %swap3A_139 = vector.shape_cast %mul3A_133 : vector<32x128xf32> to vector<1x32x128xf32>
    tpu.vector_store %arg5[%swap3A_134, %swap3A_135, %swap3A_136], %swap3A_139 {strides = array<i32>} : memref<15x32x128xf32, #tpu.memory_space<vmem>>, vector<1x32x128xf32>,
    %mul3A_140 = arith.constant 1.62018514 : f32
    %mul3A_141 = vector.broadcast %mul3A_140 : f32 to vector<32x128xf32>
    %mul3A_142 = arith.mulf %mul3A_141, %mul3A_28 : vector<32x128xf32>
    %mul3A_143 = arith.constant 5.000000e+00 : f32
    %mul3A_144 = vector.broadcast %mul3A_143 : f32 to vector<32x128xf32>
    %mul3A_145 = arith.mulf %mul3A_144, %mul3A_29 : vector<32x128xf32>
    %mul3A_146 = arith.mulf %mul3A_145, %mul3A_29 : vector<32x128xf32>
    %sub3A_147 = arith.constant 1.000000e+00 : f32
    %sub3A_148 = vector.broadcast %sub3A_147 : f32 to vector<32x128xf32>
    %sub3A_149 = arith.subf %mul3A_146, %sub3A_148 : vector<32x128xf32>
    %mul3A_150 = arith.mulf %mul3A_142, %sub3A_149 : vector<32x128xf32>
    %swap3A_151 = arith.constant 10 : index
    %swap3A_152 = arith.constant 0 : index
    %swap3A_153 = arith.constant 0 : index
    %swap3A_154 = vector.load %arg5[%swap3A_151, %swap3A_152, %swap3A_153] : memref<15x32x128xf32, #tpu.memory_space<vmem>>, vector<1x32x128xf32>
    %swap3A_155 = vector.shape_cast %swap3A_154 : vector<1x32x128xf32> to vector<32x128xf32>
    %swap3A_156 = vector.shape_cast %mul3A_150 : vector<32x128xf32> to vector<1x32x128xf32>
    tpu.vector_store %arg5[%swap3A_151, %swap3A_152, %swap3A_153], %swap3A_156 {strides = array<i32>} : memref<15x32x128xf32, #tpu.memory_space<vmem>>, vector<1x32x128xf32>,
    %mul3A_157 = arith.constant 1.32287562 : f32
    %mul3A_158 = vector.broadcast %mul3A_157 : f32 to vector<32x128xf32>
    %mul3A_159 = arith.mulf %mul3A_158, %mul3A_29 : vector<32x128xf32>
    %mul3A_160 = arith.constant 5.000000e+00 : f32
    %mul3A_161 = vector.broadcast %mul3A_160 : f32 to vector<32x128xf32>
    %mul3A_162 = arith.mulf %mul3A_161, %mul3A_29 : vector<32x128xf32>
    %mul3A_163 = arith.mulf %mul3A_162, %mul3A_29 : vector<32x128xf32>
    %sub3A_164 = arith.constant 3.000000e+00 : f32
    %sub3A_165 = vector.broadcast %sub3A_164 : f32 to vector<32x128xf32>
    %sub3A_166 = arith.subf %mul3A_163, %sub3A_165 : vector<32x128xf32>
    %mul3A_167 = arith.mulf %mul3A_159, %sub3A_166 : vector<32x128xf32>
    %swap3A_168 = arith.constant 11 : index
    %swap3A_169 = arith.constant 0 : index
    %swap3A_170 = arith.constant 0 : index
    %swap3A_171 = vector.load %arg5[%swap3A_168, %swap3A_169, %swap3A_170] : memref<15x32x128xf32, #tpu.memory_space<vmem>>, vector<1x32x128xf32>
    %swap3A_172 = vector.shape_cast %swap3A_171 : vector<1x32x128xf32> to vector<32x128xf32>
    %swap3A_173 = vector.shape_cast %mul3A_167 : vector<32x128xf32> to vector<1x32x128xf32>
    tpu.vector_store %arg5[%swap3A_168, %swap3A_169, %swap3A_170], %swap3A_173 {strides = array<i32>} : memref<15x32x128xf32, #tpu.memory_space<vmem>>, vector<1x32x128xf32>,
    %mul3A_174 = arith.constant 1.62018514 : f32
    %mul3A_175 = vector.broadcast %mul3A_174 : f32 to vector<32x128xf32>
    %mul3A_176 = arith.mulf %mul3A_175, %mul3A_27 : vector<32x128xf32>
    %mul3A_177 = arith.constant 5.000000e+00 : f32
    %mul3A_178 = vector.broadcast %mul3A_177 : f32 to vector<32x128xf32>
    %mul3A_179 = arith.mulf %mul3A_178, %mul3A_29 : vector<32x128xf32>
    %mul3A_180 = arith.mulf %mul3A_179, %mul3A_29 : vector<32x128xf32>
    %sub3A_181 = arith.constant 1.000000e+00 : f32
    %sub3A_182 = vector.broadcast %sub3A_181 : f32 to vector<32x128xf32>
    %sub3A_183 = arith.subf %mul3A_180, %sub3A_182 : vector<32x128xf32>
    %mul3A_184 = arith.mulf %mul3A_176, %sub3A_183 : vector<32x128xf32>
    %swap3A_185 = arith.constant 12 : index
    %swap3A_186 = arith.constant 0 : index
    %swap3A_187 = arith.constant 0 : index
    %swap3A_188 = vector.load %arg5[%swap3A_185, %swap3A_186, %swap3A_187] : memref<15x32x128xf32, #tpu.memory_space<vmem>>, vector<1x32x128xf32>
    %swap3A_189 = vector.shape_cast %swap3A_188 : vector<1x32x128xf32> to vector<32x128xf32>
    %swap3A_190 = vector.shape_cast %mul3A_184 : vector<32x128xf32> to vector<1x32x128xf32>
    tpu.vector_store %arg5[%swap3A_185, %swap3A_186, %swap3A_187], %swap3A_190 {strides = array<i32>} : memref<15x32x128xf32, #tpu.memory_space<vmem>>, vector<1x32x128xf32>,
    %mul3A_191 = arith.constant 5.12347555 : f32
    %mul3A_192 = vector.broadcast %mul3A_191 : f32 to vector<32x128xf32>
    %mul3A_193 = arith.mulf %mul3A_192, %mul3A_29 : vector<32x128xf32>
    %mul3A_194 = arith.mulf %mul3A_27, %mul3A_27 : vector<32x128xf32>
    %mul3A_195 = arith.mulf %mul3A_28, %mul3A_28 : vector<32x128xf32>
    %sub3A_196 = arith.subf %mul3A_194, %mul3A_195 : vector<32x128xf32>
    %mul3A_197 = arith.mulf %mul3A_193, %sub3A_196 : vector<32x128xf32>
    %swap3A_198 = arith.constant 13 : index
    %swap3A_199 = arith.constant 0 : index
    %swap3A_200 = arith.constant 0 : index
    %swap3A_201 = vector.load %arg5[%swap3A_198, %swap3A_199, %swap3A_200] : memref<15x32x128xf32, #tpu.memory_space<vmem>>, vector<1x32x128xf32>
    %swap3A_202 = vector.shape_cast %swap3A_201 : vector<1x32x128xf32> to vector<32x128xf32>
    %swap3A_203 = vector.shape_cast %mul3A_197 : vector<32x128xf32> to vector<1x32x128xf32>
    tpu.vector_store %arg5[%swap3A_198, %swap3A_199, %swap3A_200], %swap3A_203 {strides = array<i32>} : memref<15x32x128xf32, #tpu.memory_space<vmem>>, vector<1x32x128xf32>,
    %mul3A_204 = arith.constant 2.091650e+00 : f32
    %mul3A_205 = vector.broadcast %mul3A_204 : f32 to vector<32x128xf32>
    %mul3A_206 = arith.mulf %mul3A_205, %mul3A_27 : vector<32x128xf32>
    %mul3A_207 = arith.mulf %mul3A_27, %mul3A_27 : vector<32x128xf32>
    %mul3A_208 = arith.constant 3.000000e+00 : f32
    %mul3A_209 = vector.broadcast %mul3A_208 : f32 to vector<32x128xf32>
    %mul3A_210 = arith.mulf %mul3A_209, %mul3A_28 : vector<32x128xf32>
    %mul3A_211 = arith.mulf %mul3A_210, %mul3A_28 : vector<32x128xf32>
    %sub3A_212 = arith.subf %mul3A_207, %mul3A_211 : vector<32x128xf32>
    %mul3A_213 = arith.mulf %mul3A_206, %sub3A_212 : vector<32x128xf32>
    %swap3A_214 = arith.constant 14 : index
    %swap3A_215 = arith.constant 0 : index
    %swap3A_216 = arith.constant 0 : index
    %swap3A_217 = vector.load %arg5[%swap3A_214, %swap3A_215, %swap3A_216] : memref<15x32x128xf32, #tpu.memory_space<vmem>>, vector<1x32x128xf32>
    %swap3A_218 = vector.shape_cast %swap3A_217 : vector<1x32x128xf32> to vector<32x128xf32>
    %swap3A_219 = vector.shape_cast %mul3A_213 : vector<32x128xf32> to vector<1x32x128xf32>
    tpu.vector_store %arg5[%swap3A_214, %swap3A_215, %swap3A_216], %swap3A_219 {strides = array<i32>} : memref<15x32x128xf32, #tpu.memory_space<vmem>>, vector<1x32x128xf32>,
    %mul3A_220 = arith.mulf %select_n3A_21, %select_n3A_21 : vector<32x128xf32>
    %mul3A_221 = arith.mulf %mul3A_220, %mul3A_220 : vector<32x128xf32>
    %mul3A_222 = arith.mulf %mul3A_221, %select_n3A_21 : vector<32x128xf32>
    %mul3A_223 = arith.constant 2.100000e+01 : f32
    %mul3A_224 = vector.broadcast %mul3A_223 : f32 to vector<32x128xf32>
    %mul3A_225 = arith.mulf %mul3A_224, %mul3A_222 : vector<32x128xf32>
    %sub3A_226 = arith.constant 1.000000e+00 : f32
    %sub3A_227 = vector.broadcast %sub3A_226 : f32 to vector<32x128xf32>
    %sub3A_228 = arith.subf %sub3A_227, %mul3A_225 : vector<32x128xf32>
    %mul3A_229 = arith.constant 3.500000e+01 : f32
    %mul3A_230 = vector.broadcast %mul3A_229 : f32 to vector<32x128xf32>
    %mul3A_231 = arith.mulf %mul3A_230, %mul3A_222 : vector<32x128xf32>
    %mul3A_232 = arith.mulf %mul3A_231, %select_n3A_21 : vector<32x128xf32>
    %add3A_233 = arith.addf %sub3A_228, %mul3A_232 : vector<32x128xf32>
    %mul3A_234 = arith.constant 1.500000e+01 : f32
    %mul3A_235 = vector.broadcast %mul3A_234 : f32 to vector<32x128xf32>
    %mul3A_236 = arith.mulf %mul3A_235, %mul3A_222 : vector<32x128xf32>
    %mul3A_237 = arith.mulf %mul3A_236, %mul3A_220 : vector<32x128xf32>
    %sub3A_238 = arith.subf %add3A_233, %mul3A_237 : vector<32x128xf32>
    %lt3A = arith.constant 1.000000e+00 : f32
    %lt3A_239 = vector.broadcast %lt3A : f32 to vector<32x128xf32>
    %lt3A_240 = arith.cmpf olt, %select_n3A_21, %lt3A_239 : vector<32x128xf32>
    %jit3A_241 = arith.constant 0.000000e+00 : f32
    %broadcast_in_dim3A_242 = vector.broadcast %jit3A_241 : f32 to vector<32x128xf32>
    %select_n3A_243 = arith.select %lt3A_240, %sub3A_238, %broadcast_in_dim3A_242 : vector<32x128xi1>, vector<32x128xf32>
    %mul3A_244 = arith.mulf %select_n3A_243, %div3A_26 : vector<32x128xf32>
    %jit3A_245 = arith.constant 0.000000e+00 : f32
    %broadcast_in_dim3A_246 = vector.broadcast %jit3A_245 : f32 to vector<32x128xf32>
    %select_n3A_247 = arith.select %eq3A_18, %broadcast_in_dim3A_246, %mul3A_244 : vector<32x128xi1>, vector<32x128xf32>
    %mul3A_248 = arith.constant 1.41421354 : f32
    %mul3A_249 = vector.broadcast %mul3A_248 : f32 to vector<32x128xf32>
    %mul3A_250 = arith.mulf %mul3A_249, %select_n3A_247 : vector<32x128xf32>
    %mul3A_251 = arith.constant 3.14159274 : f32
    %mul3A_252 = vector.broadcast %mul3A_251 : f32 to vector<32x128xf32>
    %mul3A_253 = arith.mulf %mul3A_252, %select_n3A_21 : vector<32x128xf32>
    %sin3A = math.sin %mul3A_253 : vector<32x128xf32>
    %mul3A_254 = arith.mulf %sin3A, %mul3A_250 : vector<32x128xf32>
    %swap3A_255 = arith.constant 0 : index
    %swap3A_256 = arith.constant 0 : index
    %swap3A_257 = arith.constant 0 : index
    %swap3A_258 = vector.load %arg4[%swap3A_255, %swap3A_256, %swap3A_257] : memref<8x32x128xf32, #tpu.memory_space<vmem>>, vector<1x32x128xf32>
    %swap3A_259 = vector.shape_cast %swap3A_258 : vector<1x32x128xf32> to vector<32x128xf32>
    %swap3A_260 = vector.shape_cast %mul3A_254 : vector<32x128xf32> to vector<1x32x128xf32>
    tpu.vector_store %arg4[%swap3A_255, %swap3A_256, %swap3A_257], %swap3A_260 {strides = array<i32>} : memref<8x32x128xf32, #tpu.memory_space<vmem>>, vector<1x32x128xf32>,
    %mul3A_261 = arith.constant 6.28318548 : f32
    %mul3A_262 = vector.broadcast %mul3A_261 : f32 to vector<32x128xf32>
    %mul3A_263 = arith.mulf %mul3A_262, %select_n3A_21 : vector<32x128xf32>
    %sin3A_264 = math.sin %mul3A_263 : vector<32x128xf32>
    %mul3A_265 = arith.mulf %sin3A_264, %mul3A_250 : vector<32x128xf32>
    %swap3A_266 = arith.constant 1 : index
    %swap3A_267 = arith.constant 0 : index
    %swap3A_268 = arith.constant 0 : index
    %swap3A_269 = vector.load %arg4[%swap3A_266, %swap3A_267, %swap3A_268] : memref<8x32x128xf32, #tpu.memory_space<vmem>>, vector<1x32x128xf32>
    %swap3A_270 = vector.shape_cast %swap3A_269 : vector<1x32x128xf32> to vector<32x128xf32>
    %swap3A_271 = vector.shape_cast %mul3A_265 : vector<32x128xf32> to vector<1x32x128xf32>
    tpu.vector_store %arg4[%swap3A_266, %swap3A_267, %swap3A_268], %swap3A_271 {strides = array<i32>} : memref<8x32x128xf32, #tpu.memory_space<vmem>>, vector<1x32x128xf32>,
    %mul3A_272 = arith.constant 9.42477798 : f32
    %mul3A_273 = vector.broadcast %mul3A_272 : f32 to vector<32x128xf32>
    %mul3A_274 = arith.mulf %mul3A_273, %select_n3A_21 : vector<32x128xf32>
    %sin3A_275 = math.sin %mul3A_274 : vector<32x128xf32>
    %mul3A_276 = arith.mulf %sin3A_275, %mul3A_250 : vector<32x128xf32>
    %swap3A_277 = arith.constant 2 : index
    %swap3A_278 = arith.constant 0 : index
    %swap3A_279 = arith.constant 0 : index
    %swap3A_280 = vector.load %arg4[%swap3A_277, %swap3A_278, %swap3A_279] : memref<8x32x128xf32, #tpu.memory_space<vmem>>, vector<1x32x128xf32>
    %swap3A_281 = vector.shape_cast %swap3A_280 : vector<1x32x128xf32> to vector<32x128xf32>
    %swap3A_282 = vector.shape_cast %mul3A_276 : vector<32x128xf32> to vector<1x32x128xf32>
    tpu.vector_store %arg4[%swap3A_277, %swap3A_278, %swap3A_279], %swap3A_282 {strides = array<i32>} : memref<8x32x128xf32, #tpu.memory_space<vmem>>, vector<1x32x128xf32>,
    %mul3A_283 = arith.constant 12.566371 : f32
    %mul3A_284 = vector.broadcast %mul3A_283 : f32 to vector<32x128xf32>
    %mul3A_285 = arith.mulf %mul3A_284, %select_n3A_21 : vector<32x128xf32>
    %sin3A_286 = math.sin %mul3A_285 : vector<32x128xf32>
    %mul3A_287 = arith.mulf %sin3A_286, %mul3A_250 : vector<32x128xf32>
    %swap3A_288 = arith.constant 3 : index
    %swap3A_289 = arith.constant 0 : index
    %swap3A_290 = arith.constant 0 : index
    %swap3A_291 = vector.load %arg4[%swap3A_288, %swap3A_289, %swap3A_290] : memref<8x32x128xf32, #tpu.memory_space<vmem>>, vector<1x32x128xf32>
    %swap3A_292 = vector.shape_cast %swap3A_291 : vector<1x32x128xf32> to vector<32x128xf32>
    %swap3A_293 = vector.shape_cast %mul3A_287 : vector<32x128xf32> to vector<1x32x128xf32>
    tpu.vector_store %arg4[%swap3A_288, %swap3A_289, %swap3A_290], %swap3A_293 {strides = array<i32>} : memref<8x32x128xf32, #tpu.memory_space<vmem>>, vector<1x32x128xf32>,
    %mul3A_294 = arith.constant 15.707963 : f32
    %mul3A_295 = vector.broadcast %mul3A_294 : f32 to vector<32x128xf32>
    %mul3A_296 = arith.mulf %mul3A_295, %select_n3A_21 : vector<32x128xf32>
    %sin3A_297 = math.sin %mul3A_296 : vector<32x128xf32>
    %mul3A_298 = arith.mulf %sin3A_297, %mul3A_250 : vector<32x128xf32>
    %swap3A_299 = arith.constant 4 : index
    %swap3A_300 = arith.constant 0 : index
    %swap3A_301 = arith.constant 0 : index
    %swap3A_302 = vector.load %arg4[%swap3A_299, %swap3A_300, %swap3A_301] : memref<8x32x128xf32, #tpu.memory_space<vmem>>, vector<1x32x128xf32>
    %swap3A_303 = vector.shape_cast %swap3A_302 : vector<1x32x128xf32> to vector<32x128xf32>
    %swap3A_304 = vector.shape_cast %mul3A_298 : vector<32x128xf32> to vector<1x32x128xf32>
    tpu.vector_store %arg4[%swap3A_299, %swap3A_300, %swap3A_301], %swap3A_304 {strides = array<i32>} : memref<8x32x128xf32, #tpu.memory_space<vmem>>, vector<1x32x128xf32>,
    %mul3A_305 = arith.constant 18.849556 : f32
    %mul3A_306 = vector.broadcast %mul3A_305 : f32 to vector<32x128xf32>
    %mul3A_307 = arith.mulf %mul3A_306, %select_n3A_21 : vector<32x128xf32>
    %sin3A_308 = math.sin %mul3A_307 : vector<32x128xf32>
    %mul3A_309 = arith.mulf %sin3A_308, %mul3A_250 : vector<32x128xf32>
    %swap3A_310 = arith.constant 5 : index
    %swap3A_311 = arith.constant 0 : index
    %swap3A_312 = arith.constant 0 : index
    %swap3A_313 = vector.load %arg4[%swap3A_310, %swap3A_311, %swap3A_312] : memref<8x32x128xf32, #tpu.memory_space<vmem>>, vector<1x32x128xf32>
    %swap3A_314 = vector.shape_cast %swap3A_313 : vector<1x32x128xf32> to vector<32x128xf32>
    %swap3A_315 = vector.shape_cast %mul3A_309 : vector<32x128xf32> to vector<1x32x128xf32>
    tpu.vector_store %arg4[%swap3A_310, %swap3A_311, %swap3A_312], %swap3A_315 {strides = array<i32>} : memref<8x32x128xf32, #tpu.memory_space<vmem>>, vector<1x32x128xf32>,
    %mul3A_316 = arith.constant 21.991148 : f32
    %mul3A_317 = vector.broadcast %mul3A_316 : f32 to vector<32x128xf32>
    %mul3A_318 = arith.mulf %mul3A_317, %select_n3A_21 : vector<32x128xf32>
    %sin3A_319 = math.sin %mul3A_318 : vector<32x128xf32>
    %mul3A_320 = arith.mulf %sin3A_319, %mul3A_250 : vector<32x128xf32>
    %swap3A_321 = arith.constant 6 : index
    %swap3A_322 = arith.constant 0 : index
    %swap3A_323 = arith.constant 0 : index
    %swap3A_324 = vector.load %arg4[%swap3A_321, %swap3A_322, %swap3A_323] : memref<8x32x128xf32, #tpu.memory_space<vmem>>, vector<1x32x128xf32>
    %swap3A_325 = vector.shape_cast %swap3A_324 : vector<1x32x128xf32> to vector<32x128xf32>
    %swap3A_326 = vector.shape_cast %mul3A_320 : vector<32x128xf32> to vector<1x32x128xf32>
    tpu.vector_store %arg4[%swap3A_321, %swap3A_322, %swap3A_323], %swap3A_326 {strides = array<i32>} : memref<8x32x128xf32, #tpu.memory_space<vmem>>, vector<1x32x128xf32>,
    %mul3A_327 = arith.constant 25.1327419 : f32
    %mul3A_328 = vector.broadcast %mul3A_327 : f32 to vector<32x128xf32>
    %mul3A_329 = arith.mulf %mul3A_328, %select_n3A_21 : vector<32x128xf32>
    %sin3A_330 = math.sin %mul3A_329 : vector<32x128xf32>
    %mul3A_331 = arith.mulf %sin3A_330, %mul3A_250 : vector<32x128xf32>
    %swap3A_332 = arith.constant 7 : index
    %swap3A_333 = arith.constant 0 : index
    %swap3A_334 = arith.constant 0 : index
    %swap3A_335 = vector.load %arg4[%swap3A_332, %swap3A_333, %swap3A_334] : memref<8x32x128xf32, #tpu.memory_space<vmem>>, vector<1x32x128xf32>
    %swap3A_336 = vector.shape_cast %swap3A_335 : vector<1x32x128xf32> to vector<32x128xf32>
    %swap3A_337 = vector.shape_cast %mul3A_331 : vector<32x128xf32> to vector<1x32x128xf32>
    tpu.vector_store %arg4[%swap3A_332, %swap3A_333, %swap3A_334], %swap3A_337 {strides = array<i32>} : memref<8x32x128xf32, #tpu.memory_space<vmem>>, vector<1x32x128xf32>,
    return
  }
  func.func @transform_0(%arg0: i32) -> (i32, i32, i32) {
    %c0_i32 = arith.constant 0 : i32
    %c0_i32_0 = arith.constant 0 : i32
    %c0_i32_1 = arith.constant 0 : i32
    return %c0_i32, %arg0, %c0_i32_0 : i32, i32, i32
  }
  func.func @transform_1(%arg0: i32) -> (i32, i32, i32) {
    %c1_i32 = arith.constant 1 : i32
    %c0_i32 = arith.constant 0 : i32
    %c0_i32_0 = arith.constant 0 : i32
    return %c1_i32, %arg0, %c0_i32 : i32, i32, i32
  }
  func.func @transform_2(%arg0: i32) -> (i32, i32, i32) {
    %c2_i32 = arith.constant 2 : i32
    %c0_i32 = arith.constant 0 : i32
    %c0_i32_0 = arith.constant 0 : i32
    return %c2_i32, %arg0, %c0_i32 : i32, i32, i32
  }
  func.func @transform_3(%arg0: i32) -> (i32, i32, i32) {
    %c0_i32 = arith.constant 0 : i32
    %c0_i32_0 = arith.constant 0 : i32
    %c0_i32_1 = arith.constant 0 : i32
    return %c0_i32, %arg0, %c0_i32_0 : i32, i32, i32
  }
  func.func @transform_4(%arg0: i32) -> (i32, i32, i32) {
    %c0_i32 = arith.constant 0 : i32
    %c0_i32_0 = arith.constant 0 : i32
    %c0_i32_1 = arith.constant 0 : i32
    return %c0_i32, %arg0, %c0_i32_0 : i32, i32, i32
  }
}

module attributes {stable_mosaic.version = 14 : i64} {
  func.func @_coeff_body(%arg0: i32, %arg1: memref<8x4096xf32, #tpu.memory_space<vmem>>, %arg2: memref<15x4096xf32, #tpu.memory_space<vmem>>, %arg3: memref<64x8xf32, #tpu.memory_space<vmem>>, %arg4: memref<64x64xf32, #tpu.memory_space<vmem>>, %arg5: memref<64x256xf32, #tpu.memory_space<vmem>>, %arg6: memref<15x128xf32, #tpu.memory_space<vmem>>, %arg7: memref<2x4096x64xi32, #tpu.memory_space<vmem>>) attributes {dimension_semantics = [#tpu.dimension_semantics<arbitrary>], iteration_bounds = array<i64: 80>, scalar_prefetch = 0 : i64, scratch_operands = 0 : i64, tpu.core_type = #tpu.core_type<tc>, window_params = [{transform_indices = @transform_0, window_bounds = array<i64: 8, 4096>}, {transform_indices = @transform_1, window_bounds = array<i64: 15, 4096>}, {pipeline_mode = #tpu.pipeline_mode<synchronous>, transform_indices = @transform_2, window_bounds = array<i64: 64, 8>}, {pipeline_mode = #tpu.pipeline_mode<synchronous>, transform_indices = @transform_3, window_bounds = array<i64: 64, 64>}, {pipeline_mode = #tpu.pipeline_mode<synchronous>, transform_indices = @transform_4, window_bounds = array<i64: 64, 256>}, {pipeline_mode = #tpu.pipeline_mode<synchronous>, transform_indices = @transform_5, window_bounds = array<i64: 15, 128>}, {transform_indices = @transform_6, window_bounds = array<i64: 2, 4096, 64>}]} {
    %get3A = arith.constant 0 : index
    %get3A_0 = arith.constant 0 : index
    %get3A_1 = vector.load %arg3[%get3A, %get3A_0] : memref<64x8xf32, #tpu.memory_space<vmem>>, vector<64x8xf32>
    %get3A_2 = arith.constant 0 : index
    %get3A_3 = arith.constant 0 : index
    %get3A_4 = vector.load %arg1[%get3A_2, %get3A_3] : memref<8x4096xf32, #tpu.memory_space<vmem>>, vector<8x4096xf32>
    %dot_general3A = arith.constant dense<0.000000e+00> : vector<64x4096xf32>
    %dot_general3A_5 = tpu.matmul %get3A_1, %get3A_4, %dot_general3A {dimension_numbers = #tpu.dot_dimension_numbers<[1], [0], [0], [1], [0, 0, 1, 1], [], []>, transpose_lhs_hint = false} : vector<64x8xf32>, vector<8x4096xf32>, vector<64x4096xf32> -> vector<64x4096xf32>
    %neg3A = arith.constant 0.000000e+00 : f32
    %neg3A_6 = vector.broadcast %neg3A : f32 to vector<64x4096xf32>
    %neg3A_7 = arith.subf %neg3A_6, %dot_general3A_5 : vector<64x4096xf32>
    %exp3A = math.exp %neg3A_7 : vector<64x4096xf32>
    %add3A = arith.constant 1.000000e+00 : f32
    %add3A_8 = vector.broadcast %add3A : f32 to vector<64x4096xf32>
    %add3A_9 = arith.addf %add3A_8, %exp3A : vector<64x4096xf32>
    %div3A = arith.divf %dot_general3A_5, %add3A_9 : vector<64x4096xf32>
    %get3A_10 = arith.constant 0 : index
    %get3A_11 = arith.constant 0 : index
    %get3A_12 = vector.load %arg4[%get3A_10, %get3A_11] : memref<64x64xf32, #tpu.memory_space<vmem>>, vector<64x64xf32>
    %dot_general3A_13 = arith.constant dense<0.000000e+00> : vector<64x4096xf32>
    %dot_general3A_14 = tpu.matmul %get3A_12, %div3A, %dot_general3A_13 {dimension_numbers = #tpu.dot_dimension_numbers<[1], [0], [0], [1], [0, 0, 1, 1], [], []>, transpose_lhs_hint = false} : vector<64x64xf32>, vector<64x4096xf32>, vector<64x4096xf32> -> vector<64x4096xf32>
    %neg3A_15 = arith.constant 0.000000e+00 : f32
    %neg3A_16 = vector.broadcast %neg3A_15 : f32 to vector<64x4096xf32>
    %neg3A_17 = arith.subf %neg3A_16, %dot_general3A_14 : vector<64x4096xf32>
    %exp3A_18 = math.exp %neg3A_17 : vector<64x4096xf32>
    %add3A_19 = arith.constant 1.000000e+00 : f32
    %add3A_20 = vector.broadcast %add3A_19 : f32 to vector<64x4096xf32>
    %add3A_21 = arith.addf %add3A_20, %exp3A_18 : vector<64x4096xf32>
    %div3A_22 = arith.divf %dot_general3A_14, %add3A_21 : vector<64x4096xf32>
    %get3A_23 = arith.constant 0 : index
    %get3A_24 = arith.constant 0 : index
    %get3A_25 = vector.load %arg5[%get3A_23, %get3A_24] : memref<64x256xf32, #tpu.memory_space<vmem>>, vector<64x256xf32>
    %dot_general3A_26 = arith.constant dense<0.000000e+00> : vector<4096x256xf32>
    %dot_general3A_27 = tpu.matmul %div3A_22, %get3A_25, %dot_general3A_26 {dimension_numbers = #tpu.dot_dimension_numbers<[0], [0], [1], [1], [0, 1, 1, 1], [], []>, transpose_lhs_hint = false} : vector<64x4096xf32>, vector<64x256xf32>, vector<4096x256xf32> -> vector<4096x256xf32>
    %get3A_28 = arith.constant 0 : index
    %get3A_29 = arith.constant 0 : index
    %get3A_30 = vector.load %arg2[%get3A_28, %get3A_29] : memref<15x4096xf32, #tpu.memory_space<vmem>>, vector<15x4096xf32>
    %get3A_31 = arith.constant 0 : index
    %get3A_32 = arith.constant 0 : index
    %get3A_33 = vector.load %arg6[%get3A_31, %get3A_32] : memref<15x128xf32, #tpu.memory_space<vmem>>, vector<15x128xf32>
    %dot_general3A_34 = arith.constant dense<0.000000e+00> : vector<4096x128xf32>
    %dot_general3A_35 = tpu.matmul %get3A_30, %get3A_33, %dot_general3A_34 {dimension_numbers = #tpu.dot_dimension_numbers<[0], [0], [1], [1], [0, 1, 1, 1], [], []>, transpose_lhs_hint = false} : vector<15x4096xf32>, vector<15x128xf32>, vector<4096x128xf32> -> vector<4096x128xf32>
    %slice3A = vector.extract_strided_slice %dot_general3A_27 {offsets = [0, 0], sizes = [4096, 128], strides = [1, 1]} : vector<4096x256xf32> to vector<4096x128xf32>
    %slice3A_36 = vector.extract_strided_slice %slice3A {offsets = [0, 0], sizes = [4096, 64], strides = [1, 1]} : vector<4096x128xf32> to vector<4096x64xf32>
    %convert_element_type3A = arith.truncf %slice3A_36 : vector<4096x64xf32> to vector<4096x64xbf16>
    %convert_element_type3A_37 = arith.extf %convert_element_type3A : vector<4096x64xbf16> to vector<4096x64xf32>
    %bitcast_convert_type3A = tpu.bitcast %convert_element_type3A_37 : vector<4096x64xf32> -> vector<4096x64xi32>
    %slice3A_38 = vector.extract_strided_slice %slice3A {offsets = [0, 64], sizes = [4096, 64], strides = [1, 1]} : vector<4096x128xf32> to vector<4096x64xf32>
    %convert_element_type3A_39 = arith.truncf %slice3A_38 : vector<4096x64xf32> to vector<4096x64xbf16>
    %convert_element_type3A_40 = arith.extf %convert_element_type3A_39 : vector<4096x64xbf16> to vector<4096x64xf32>
    %bitcast_convert_type3A_41 = tpu.bitcast %convert_element_type3A_40 : vector<4096x64xf32> -> vector<4096x64xi32>
    %shift_right_logical3A = arith.constant 16 : i32
    %shift_right_logical3A_42 = vector.broadcast %shift_right_logical3A : i32 to vector<4096x64xi32>
    %shift_right_logical3A_43 = arith.shrui %bitcast_convert_type3A, %shift_right_logical3A_42 : vector<4096x64xi32>
    %or3A = arith.ori %shift_right_logical3A_43, %bitcast_convert_type3A_41 : vector<4096x64xi32>
    %swap3A = arith.constant 0 : index
    %swap3A_44 = arith.constant 0 : index
    %swap3A_45 = arith.constant 0 : index
    %swap3A_46 = vector.load %arg7[%swap3A, %swap3A_44, %swap3A_45] : memref<2x4096x64xi32, #tpu.memory_space<vmem>>, vector<1x4096x64xi32>
    %swap3A_47 = vector.shape_cast %swap3A_46 : vector<1x4096x64xi32> to vector<4096x64xi32>
    %swap3A_48 = vector.shape_cast %or3A : vector<4096x64xi32> to vector<1x4096x64xi32>
    tpu.vector_store %arg7[%swap3A, %swap3A_44, %swap3A_45], %swap3A_48 {strides = array<i32>} : memref<2x4096x64xi32, #tpu.memory_space<vmem>>, vector<1x4096x64xi32>,
    %slice3A_49 = vector.extract_strided_slice %dot_general3A_27 {offsets = [0, 128], sizes = [4096, 128], strides = [1, 1]} : vector<4096x256xf32> to vector<4096x128xf32>
    %mul3A = arith.mulf %dot_general3A_35, %slice3A_49 : vector<4096x128xf32>
    %slice3A_50 = vector.extract_strided_slice %mul3A {offsets = [0, 0], sizes = [4096, 64], strides = [1, 1]} : vector<4096x128xf32> to vector<4096x64xf32>
    %convert_element_type3A_51 = arith.truncf %slice3A_50 : vector<4096x64xf32> to vector<4096x64xbf16>
    %convert_element_type3A_52 = arith.extf %convert_element_type3A_51 : vector<4096x64xbf16> to vector<4096x64xf32>
    %bitcast_convert_type3A_53 = tpu.bitcast %convert_element_type3A_52 : vector<4096x64xf32> -> vector<4096x64xi32>
    %slice3A_54 = vector.extract_strided_slice %mul3A {offsets = [0, 64], sizes = [4096, 64], strides = [1, 1]} : vector<4096x128xf32> to vector<4096x64xf32>
    %convert_element_type3A_55 = arith.truncf %slice3A_54 : vector<4096x64xf32> to vector<4096x64xbf16>
    %convert_element_type3A_56 = arith.extf %convert_element_type3A_55 : vector<4096x64xbf16> to vector<4096x64xf32>
    %bitcast_convert_type3A_57 = tpu.bitcast %convert_element_type3A_56 : vector<4096x64xf32> -> vector<4096x64xi32>
    %shift_right_logical3A_58 = arith.constant 16 : i32
    %shift_right_logical3A_59 = vector.broadcast %shift_right_logical3A_58 : i32 to vector<4096x64xi32>
    %shift_right_logical3A_60 = arith.shrui %bitcast_convert_type3A_53, %shift_right_logical3A_59 : vector<4096x64xi32>
    %or3A_61 = arith.ori %shift_right_logical3A_60, %bitcast_convert_type3A_57 : vector<4096x64xi32>
    %swap3A_62 = arith.constant 1 : index
    %swap3A_63 = arith.constant 0 : index
    %swap3A_64 = arith.constant 0 : index
    %swap3A_65 = vector.load %arg7[%swap3A_62, %swap3A_63, %swap3A_64] : memref<2x4096x64xi32, #tpu.memory_space<vmem>>, vector<1x4096x64xi32>
    %swap3A_66 = vector.shape_cast %swap3A_65 : vector<1x4096x64xi32> to vector<4096x64xi32>
    %swap3A_67 = vector.shape_cast %or3A_61 : vector<4096x64xi32> to vector<1x4096x64xi32>
    tpu.vector_store %arg7[%swap3A_62, %swap3A_63, %swap3A_64], %swap3A_67 {strides = array<i32>} : memref<2x4096x64xi32, #tpu.memory_space<vmem>>, vector<1x4096x64xi32>,
    return
  }
  func.func @transform_0(%arg0: i32) -> (i32, i32) {
    %c0_i32 = arith.constant 0 : i32
    %c0_i32_0 = arith.constant 0 : i32
    return %c0_i32, %arg0 : i32, i32
  }
  func.func @transform_1(%arg0: i32) -> (i32, i32) {
    %c0_i32 = arith.constant 0 : i32
    %c0_i32_0 = arith.constant 0 : i32
    return %c0_i32, %arg0 : i32, i32
  }
  func.func @transform_2(%arg0: i32) -> (i32, i32) {
    %c0_i32 = arith.constant 0 : i32
    %c0_i32_0 = arith.constant 0 : i32
    %c0_i32_1 = arith.constant 0 : i32
    return %c0_i32, %c0_i32_0 : i32, i32
  }
  func.func @transform_3(%arg0: i32) -> (i32, i32) {
    %c0_i32 = arith.constant 0 : i32
    %c0_i32_0 = arith.constant 0 : i32
    %c0_i32_1 = arith.constant 0 : i32
    return %c0_i32, %c0_i32_0 : i32, i32
  }
  func.func @transform_4(%arg0: i32) -> (i32, i32) {
    %c0_i32 = arith.constant 0 : i32
    %c0_i32_0 = arith.constant 0 : i32
    %c0_i32_1 = arith.constant 0 : i32
    return %c0_i32, %c0_i32_0 : i32, i32
  }
  func.func @transform_5(%arg0: i32) -> (i32, i32) {
    %c0_i32 = arith.constant 0 : i32
    %c0_i32_0 = arith.constant 0 : i32
    %c0_i32_1 = arith.constant 0 : i32
    return %c0_i32, %c0_i32_0 : i32, i32
  }
  func.func @transform_6(%arg0: i32) -> (i32, i32, i32) {
    %c0_i32 = arith.constant 0 : i32
    %c0_i32_0 = arith.constant 0 : i32
    %c0_i32_1 = arith.constant 0 : i32
    return %c0_i32, %arg0, %c0_i32_0 : i32, i32, i32
  }
}

module attributes {stable_mosaic.version = 14 : i64} {
  func.func @_down_body(%arg0: i32, %arg1: memref<1x2000x128xf32, #tpu.memory_space<vmem>>, %arg2: memref<1x2000x128xf32, #tpu.memory_space<vmem>>, %arg3: memref<2000x128xf32, #tpu.memory_space<vmem>>, %arg4: memref<128x128xf32, #tpu.memory_space<vmem>>, %arg5: memref<128x128xf32, #tpu.memory_space<vmem>>, %arg6: memref<2000x128xf32, #tpu.memory_space<vmem>>) attributes {dimension_semantics = [#tpu.dimension_semantics<arbitrary>], iteration_bounds = array<i64: 5>, scalar_prefetch = 0 : i64, scratch_operands = 0 : i64, tpu.core_type = #tpu.core_type<tc>, window_params = [{transform_indices = @transform_0, window_bounds = array<i64: 1, 2000, 128>}, {transform_indices = @transform_1, window_bounds = array<i64: 1, 2000, 128>}, {transform_indices = @transform_2, window_bounds = array<i64: 2000, 128>}, {pipeline_mode = #tpu.pipeline_mode<synchronous>, transform_indices = @transform_3, window_bounds = array<i64: 128, 128>}, {pipeline_mode = #tpu.pipeline_mode<synchronous>, transform_indices = @transform_4, window_bounds = array<i64: 128, 128>}, {transform_indices = @transform_5, window_bounds = array<i64: 2000, 128>}]} {
    %get3A = arith.constant 0 : index
    %get3A_0 = arith.constant 0 : index
    %get3A_1 = arith.constant 0 : index
    %get3A_2 = vector.load %arg1[%get3A, %get3A_0, %get3A_1] : memref<1x2000x128xf32, #tpu.memory_space<vmem>>, vector<1x2000x128xf32>
    %get3A_3 = vector.shape_cast %get3A_2 : vector<1x2000x128xf32> to vector<2000x128xf32>
    %get3A_4 = arith.constant 0 : index
    %get3A_5 = arith.constant 0 : index
    %get3A_6 = vector.load %arg4[%get3A_4, %get3A_5] : memref<128x128xf32, #tpu.memory_space<vmem>>, vector<128x128xf32>
    %dot_general3A = arith.constant dense<0.000000e+00> : vector<2000x128xf32>
    %dot_general3A_7 = tpu.matmul %get3A_3, %get3A_6, %dot_general3A {dimension_numbers = #tpu.dot_dimension_numbers<[1], [0], [0], [1], [0, 0, 1, 1], [], []>, transpose_lhs_hint = false} : vector<2000x128xf32>, vector<128x128xf32>, vector<2000x128xf32> -> vector<2000x128xf32>
    %get3A_8 = arith.constant 0 : index
    %get3A_9 = arith.constant 0 : index
    %get3A_10 = arith.constant 0 : index
    %get3A_11 = vector.load %arg2[%get3A_8, %get3A_9, %get3A_10] : memref<1x2000x128xf32, #tpu.memory_space<vmem>>, vector<1x2000x128xf32>
    %get3A_12 = vector.shape_cast %get3A_11 : vector<1x2000x128xf32> to vector<2000x128xf32>
    %get3A_13 = arith.constant 0 : index
    %get3A_14 = arith.constant 0 : index
    %get3A_15 = vector.load %arg5[%get3A_13, %get3A_14] : memref<128x128xf32, #tpu.memory_space<vmem>>, vector<128x128xf32>
    %dot_general3A_16 = arith.constant dense<0.000000e+00> : vector<2000x128xf32>
    %dot_general3A_17 = tpu.matmul %get3A_12, %get3A_15, %dot_general3A_16 {dimension_numbers = #tpu.dot_dimension_numbers<[1], [0], [0], [1], [0, 0, 1, 1], [], []>, transpose_lhs_hint = false} : vector<2000x128xf32>, vector<128x128xf32>, vector<2000x128xf32> -> vector<2000x128xf32>
    %add3A = arith.addf %dot_general3A_7, %dot_general3A_17 : vector<2000x128xf32>
    %get3A_18 = arith.constant 0 : index
    %get3A_19 = arith.constant 0 : index
    %get3A_20 = vector.load %arg3[%get3A_18, %get3A_19] : memref<2000x128xf32, #tpu.memory_space<vmem>>, vector<2000x128xf32>
    %add3A_21 = arith.addf %add3A, %get3A_20 : vector<2000x128xf32>
    %neg3A = arith.constant 0.000000e+00 : f32
    %neg3A_22 = vector.broadcast %neg3A : f32 to vector<2000x128xf32>
    %neg3A_23 = arith.subf %neg3A_22, %add3A_21 : vector<2000x128xf32>
    %exp3A = math.exp %neg3A_23 : vector<2000x128xf32>
    %add3A_24 = arith.constant 1.000000e+00 : f32
    %add3A_25 = vector.broadcast %add3A_24 : f32 to vector<2000x128xf32>
    %add3A_26 = arith.addf %add3A_25, %exp3A : vector<2000x128xf32>
    %div3A = arith.divf %add3A_21, %add3A_26 : vector<2000x128xf32>
    %swap3A = arith.constant 0 : index
    %swap3A_27 = arith.constant 0 : index
    %swap3A_28 = vector.load %arg6[%swap3A, %swap3A_27] : memref<2000x128xf32, #tpu.memory_space<vmem>>, vector<2000x128xf32>
    tpu.vector_store %arg6[%swap3A, %swap3A_27], %div3A {strides = array<i32>} : memref<2000x128xf32, #tpu.memory_space<vmem>>, vector<2000x128xf32>,
    return
  }
  func.func @transform_0(%arg0: i32) -> (i32, i32, i32) {
    %c0_i32 = arith.constant 0 : i32
    %c0_i32_0 = arith.constant 0 : i32
    %c0_i32_1 = arith.constant 0 : i32
    return %c0_i32, %arg0, %c0_i32_0 : i32, i32, i32
  }
  func.func @transform_1(%arg0: i32) -> (i32, i32, i32) {
    %c1_i32 = arith.constant 1 : i32
    %c0_i32 = arith.constant 0 : i32
    %c0_i32_0 = arith.constant 0 : i32
    return %c1_i32, %arg0, %c0_i32 : i32, i32, i32
  }
  func.func @transform_2(%arg0: i32) -> (i32, i32) {
    %c0_i32 = arith.constant 0 : i32
    %c0_i32_0 = arith.constant 0 : i32
    return %arg0, %c0_i32 : i32, i32
  }
  func.func @transform_3(%arg0: i32) -> (i32, i32) {
    %c0_i32 = arith.constant 0 : i32
    %c0_i32_0 = arith.constant 0 : i32
    %c0_i32_1 = arith.constant 0 : i32
    return %c0_i32, %c0_i32_0 : i32, i32
  }
  func.func @transform_4(%arg0: i32) -> (i32, i32) {
    %c0_i32 = arith.constant 0 : i32
    %c0_i32_0 = arith.constant 0 : i32
    %c0_i32_1 = arith.constant 0 : i32
    return %c0_i32, %c0_i32_0 : i32, i32
  }
  func.func @transform_5(%arg0: i32) -> (i32, i32) {
    %c0_i32 = arith.constant 0 : i32
    %c0_i32_0 = arith.constant 0 : i32
    return %arg0, %c0_i32 : i32, i32
  }
}

</mosaic_0001>

<sc_bundles>
// kernel: kernel.17.cloned.1.call-start
scs
__scs_entry_jumppad:
0x0: {  	(pc) =	sbr.rel $0x88, $3  }
0x1: {  	(tag) =	ssettag $0x0;
	lr =	simm.s32 $0x1  }
0x2: {  	[smem:$0x3F96] =	sst lr;
	_ =	strace $0xD0000000  }
0x3: {  	_ = 	snop  }
0x4: {  	_ = 	snop  }
0x5: {  	_ = 	snop  }
0x6: {  	_ = 	snop  }
0x7: {  	_ = 	snop  }
__scs_overlays_trampoline_lowered:
0x8: {  	[smem:$0x3FA5] =	sst s0  }
0x9: {  	[smem:$0x3FA6] =	sst s1  }
0xa: {  	[smem:$0x3FA7] =	sst s2  }
0xb: {  	[smem:$0x3FA8] =	sst s3  }
0xc: {  	[smem:$0x3FA9] =	sst s4  }
0xd: {  	[smem:$0x3FAA] =	sst s5  }
0xe: {  	[smem:$0x3FAB] =	sst s6  }
0xf: {  	[smem:$0x3FAC] =	sst s7  }
0x10: {  	[smem:$0x3FAD] =	sst s8  }
0x11: {  	[smem:$0x3FAE] =	sst s9;
	s0 =	simm.s32 @!p0 $0x0  }
0x12: {  	s1 =	sld [smem:$0x3F94];
	s0 =	simm.s32 @p0 $0x1  }
0x13: {  	[smem:$0x3FAF] =	sst s0;
	s0 =	simm.s32 @!p1 $0x0  }
0x14: {  	s2 =	sld [smem:$0x3F93];
	s0 =	simm.s32 @p1 $0x1  }
0x15: {  	[smem:$0x3FB0] =	sst s0;
	s0 =	simm.s32 @!p2 $0x0  }
0x16: {  	s3 =	sld [smem:$0x3FDB];
	s0 =	simm.s32 @p2 $0x1  }
0x17: {  	s4 =	simm.s32 $0x1BF5;
	[smem:$0x3FB2] =	sst s0  }
0x18: {  	s0 =	sld [smem:$0x3F95];
	_ =	swait.ge [sflag:s4], $0x0  }
0x19: {  	s7 =	sld [smem:$0x3F96]  }
0x1a: {  	s8 =	sadd.s32 $0xFFFFE003, lr  }
0x1b: {  	s9 =	sadd.s32 $0xFFFFFEF7, lr;
	s5 =	simm.s32 $0xFFFFFFFF;
	p2 =	slt.u32 s8, $0xFFFFF086  }
0x1c: {  	p1 =	slt.u32 s9, $0xF7A;
	s5 =	simm.s32 @!p2 $0x0  }
0x1d: {  	s5 =	simm.s32 @p1 $0x1;
	p0 =	seq.s32 s7, s2  }
0x1e: {  	s7 =	smul.u32 @!p0 $0xF7A, s2;
	p2 =	seq.s32 @!p0 s5, $0x0  }
0x1f: {  	s9 =	smul.u32 $0xF7A, s1;
	s8 =	simm.s32 @!p0 $0x1BF5;
	p2 =	por !p2, p0  }
0x20: {  	[sflag:s8] =	ssyncset.s32 @!p0 $0xFFFFF086;
	s6 =	sadd.s32 @!p0 s3, s7;
	s7 =	simm.s32 @!p0 $0x108  }
0x21: {  	s3 =	sadd.s32 s3, s9;
	s6 =	sadd.s32 @!p0 $0x88, s6;
	s7 =	simm.s32 @p2 $0x1082  }
0x22: {  	[simem:s7], [sflag:s8] =	dma.local @!p0 [hbm:s6], $0xF7A  }
0x23: {  	s9 =	sor.u32 $0xD0000000, s2;
	s6 =	simm.s32 $0x108;
	_ =	swait.ge @!p0 [sflag:s8], $0x0  }
0x24: {  	s3 =	sadd.s32 $0x88, s3;
	s6 =	simm.s32 @!p1 $0x1082;
	[sflag:s4] =	ssyncset.s32 $0xFFFFF086  }
0x25: {  	[simem:s6], [sflag:s4] =	dma.local [hbm:s3], $0xF7A  }
0x26: {  	[smem:$0x3F96] =	sst s1;
	(tag) =	ssettag s2;
	_ =	strace s9  }
0x27: {  	s1 =	sld [smem:$0x3FA6]  }
0x28: {  	s2 =	sld [smem:$0x3FA7]  }
0x29: {  	s4 =	sld [smem:$0x3FA9]  }
0x2a: {  	p0 =	seq.s32 s5, $0x0;
	s5 =	sld [smem:$0x3FAA]  }
0x2b: {  	s6 =	sld [smem:$0x3FAB]  }
0x2c: {  	s7 =	sld [smem:$0x3FAC]  }
0x2d: {  	s3 =	simm.s32 $0x108;
	s8 =	sld [smem:$0x3FAD]  }
0x2e: {  	s3 =	simm.s32 @!p0 $0x1082;
	s9 =	sld [smem:$0x3FAE]  }
0x2f: {  	lr =	sadd.s32 s0, s3;
	s0 =	sld [smem:$0x3FA5]  }
0x30: {  	s3 =	sld [smem:$0x3FA8]  }
0x31: {  	[smem:$0x3FB1] =	sst s10  }
0x32: {  	s10 =	sld [smem:$0x3FAF];
	_ =	sdelay $0x3  }
0x33: {  	p0 =	seq.s32 s10, $0x1;
	s10 =	sld [smem:$0x3FB1];
	_ =	sdelay $0x3  }
0x34: {  	[smem:$0x3FB1] =	sst s10  }
0x35: {  	s10 =	sld [smem:$0x3FB0];
	_ =	sdelay $0x3  }
0x36: {  	p1 =	seq.s32 s10, $0x1;
	s10 =	sld [smem:$0x3FB1];
	_ =	sdelay $0x3  }
0x37: {  	[smem:$0x3FB1] =	sst s10  }
0x38: {  	s10 =	sld [smem:$0x3FB2]  }
0x39: {  	_ = 	snop;
	(pc) =	sbr.ind lr, $3  }
0x3a: {  	_ = 	snop  }
0x3b: {  	_ = 	snop  }
0x3c: {  	p2 =	seq.s32 s10, $0x1;
	s10 =	sld [smem:$0x3FB1]  }
0x3d: {  	_ =	shalt  }
0x3e: {  	_ =	shalt  }
0x3f: {  	_ =	shalt  }
0x40: {  	_ =	shalt  }
0x41: {  	_ =	shalt  }
0x42: {  	_ =	shalt  }
0x43: {  	_ =	shalt  }
0x44: {  	_ =	shalt  }
0x45: {  	_ =	shalt  }
0x46: {  	_ =	shalt  }
0x47: {  	_ =	shalt  }
0x48: {  	_ =	shalt  }
0x49: {  	_ =	shalt  }
0x4a: {  	_ =	shalt  }
0x4b: {  	_ =	shalt  }
0x4c: {  	_ =	shalt  }
0x4d: {  	_ =	shalt  }
0x4e: {  	_ =	shalt  }
0x4f: {  	_ =	shalt  }
0x50: {  	_ =	shalt  }
0x51: {  	_ =	shalt  }
0x52: {  	_ =	shalt  }
0x53: {  	_ =	shalt  }
0x54: {  	_ =	shalt  }
0x55: {  	_ =	shalt  }
0x56: {  	_ =	shalt  }
0x57: {  	_ =	shalt  }
0x58: {  	_ =	shalt  }
0x59: {  	_ =	shalt  }
0x5a: {  	_ =	shalt  }
0x5b: {  	_ =	shalt  }
0x5c: {  	_ =	shalt  }
0x5d: {  	_ =	shalt  }
0x5e: {  	_ =	shalt  }
0x5f: {  	_ =	shalt  }
0x60: {  	_ =	shalt  }
0x61: {  	_ =	shalt  }
0x62: {  	_ =	shalt  }
0x63: {  	_ =	shalt  }
0x64: {  	_ =	shalt  }
0x65: {  	_ =	shalt  }
0x66: {  	_ =	shalt  }
0x67: {  	_ =	shalt  }
0x68: {  	_ =	shalt  }
0x69: {  	_ =	shalt  }
0x6a: {  	_ =	shalt  }
0x6b: {  	_ =	shalt  }
0x6c: {  	_ =	shalt  }
0x6d: {  	_ =	shalt  }
0x6e: {  	_ =	shalt  }
0x6f: {  	_ =	shalt  }
0x70: {  	_ =	shalt  }
0x71: {  	_ =	shalt  }
0x72: {  	_ =	shalt  }
0x73: {  	_ =	shalt  }
0x74: {  	_ =	shalt  }
0x75: {  	_ =	shalt  }
0x76: {  	_ =	shalt  }
0x77: {  	_ =	shalt  }
0x78: {  	_ =	shalt  }
0x79: {  	_ =	shalt  }
0x7a: {  	_ =	shalt  }
0x7b: {  	_ =	shalt  }
0x7c: {  	_ =	shalt  }
0x7d: {  	_ =	shalt  }
0x7e: {  	_ =	shalt  }
0x7f: {  	_ =	shalt  }
0x80: {  	_ =	shalt  }
0x81: {  	_ =	shalt  }
0x82: {  	_ =	shalt  }
0x83: {  	_ =	shalt  }
0x84: {  	_ =	shalt  }
0x85: {  	_ =	shalt  }
0x86: {  	_ =	shalt  }
0x87: {  	_ =	shalt  }
.Lfunc_end0:
.L_simem_size_0:
called_computation_lowered:
.L_overlay_start_0:
0x88: {  	s2 =	sld [smem:$0x3FD9]  }
0x89: {  	s3 =	sld [smem:$0x3FFE];
	_ =	sdelay $0x1  }
0x8a: {  	s1 =	srdreg.scid  }
0x8b: {  	s0 =	sand.u32 $0x1, s1  }
0x8c: {  	s17 =	sshll.u32 s0, $0xA;
	s2 =	sadd.s32 s3, s2  }
0x8d: {  	s2 =	sadd.s32 s2, s17  }
0x8e: {  	[smem:$0x3FBD] =	sst s2  }
0x8f: {  	_ = 	snop  }
0x90: {  	s2 =	sld [smem:$0x3FC7]  }
0x91: {  	s18 =	sld [smem:$0x3FC6];
	(tm) =	ssettm $0x1  }
0x92: {  	s4 =	sld [smem:$0x3FFB];
	_ =	sdelay $0x3  }
0x93: {  	_ =	strace s4  }
0x94: {  	s4 =	sld [smem:$0x3FFC];
	_ =	sdelay $0x3  }
0x95: {  	_ =	strace s4  }
0x96: {  	s4 =	sld [smem:$0x3FFD];
	_ =	sdelay $0x3  }
0x97: {  	_ =	strace s4  }
0x98: {  	_ =	strace $0x8FFFFFFF  }
0x99: {  	s19 =	sld [smem:$0x3FDB];
	_ =	sdelay $0x1  }
0x9a: {  	s5 =	simm.s32 $_scs_section_size  }
0x9b: {  	s6 =	simm.s32 $_size__tile_overlayer_lowered;
	s7 =	simm.s32 $_tile_overlayer_lowered  }
0x9c: {  	s22 =	simm.s32 $0x1BFF;
	s21 =	sshll.u32 s7, $0x1;
	s4 =	sadd.s32 s5, s19  }
0x9d: {  	s8 =	simm.s32 $0x0;
	s20 =	sshll.u32 s6, $0x1;
	s6 =	sadd.s32 s21, s4  }
0x9e: {  	[timem:s8], [sflag:s22] =	dma.local [hbm:s6], s20  }
0x9f: {  	_ =	swait.ge [sflag:s22], s20  }
0xa0: {  	s5 =	ssub.s32 $0x0, s20;
	[sflag:s22] =	ssyncset.done $0x0  }
0xa1: {  	[sflag:s22] =	ssyncadd.s32 s5;
	_ =	sdelay $0x1  }
0xa2: {  	s23 =	simm.s32 $0x1B8B  }
0xa3: {  	_ =	swait.ge [sflag:s23], $0x1  }
0xa4: {  	[sflag:s23] =	ssyncset.done $0x0  }
0xa5: {  	s25 =	simm.s32 $0x1B8E;
	s24 =	sld [smem:$0x3FFE];
	[sflag:s23] =	ssyncadd.s32 $0xFFFFFFFF  }
0xa6: {  	s26 =	simm.s32 $execute0_lowered;
	[smem:$0x3FD2] =	sst s25  }
0xa7: {  	s6 =	sshll.u32 s26, $0x1;
	_ =	strace $0x80000046;
	[dreg:$0x1] =	wrdreg $0xFFFFFFFF  }
0xa8: {  	s28 =	simm.s32 $_size_execute0_lowered;
	s4 =	sadd.s32 s4, s6;
	[dreg:$0x0] =	wrdreg $0x0  }
0xa9: {  	s6 =	sshll.u32 s28, $0x1;
	[dreg:$0x2] =	wrdreg s4  }
0xaa: {  	[dreg:$0x3] =	wrdreg s6  }
0xab: {  	[dreg:$0x4] =	wrdreg $0xC0  }
0xac: {  	_ =	task [dreg:s8], $0x5FFFF  }
0xad: {  	[dreg:$0x1] =	wrdreg $0xFFFFFFFF  }
0xae: {  	[dreg:$0x0] =	wrdreg $0x60  }
0xaf: {  	[dreg:$0x2] =	wrdreg s24  }
0xb0: {  	[dreg:$0x3] =	wrdreg s2  }
0xb1: {  	[dreg:$0x4] =	wrdreg s18  }
0xb2: {  	[dreg:$0x5] =	wrdreg $0x9  }
0xb3: {  	_ =	task.clear_ibuf [dreg:s8], $0x6FFFF;
	_ =	strace $0x90000046  }
0xb4: {  	s29 =	simm.s32 $0x9;
	_ =	strace $0x80000048  }
0xb5: {  	_ =	swait.ge [sflag:s29], $0x1  }
0xb6: {  	[sflag:s29] =	ssyncadd.s32 $0xFFFFFFFF  }
0xb7: {  	_ =	strace $0x90000048  }
0xb8: {  	_ =	sfence  }
0xb9: {  	s30 =	sld [smem:$0x0];
	_ =	sdelay $0x2  }
0xba: {  	s31 =	sshll.u32 s1, $0xD;
	s1 =	sshrl.u32 s1, $0x2  }
0xbb: {  	s3 =	sand.u32 $0x4000, s31;
	s1 =	sadd.s32 s1, s30  }
0xbc: {  	s0 =	sor.u32 s3, s0;
	s1 =	sshll.u32 s1, $0x11  }
0xbd: {  	s0 =	sor.u32 s1, s0  }
0xbe: {  	s0 =	sadd.s32 $0x8F2B, s0  }
0xbf: {  	[sflag:s0] =	ssyncadd.remote.s32 $0x1  }
0xc0: {  	_ =	sfence.sel $0xFFFF  }
0xc1: {  	[dreg:$0x0] =	wrdreg $0xFFFFFFFF;
	(pc) =	sbr.abs _section_cstart, $3  }
0xc2: {  	[dreg:$0x1] =	wrdreg $0xFFFFFFFF  }
0xc3: {  	_ =	task.clear_ibuf [dreg:s8], $0x2FFFF;
	_ =	strace $0x9FFFFFFF  }
0xc4: {  	(tm) =	ssettm $0x7FFFFFFF  }
0xc5: {  	_ =	shalt  }
tec
execute0_lowered:
.L_overlay_start_1:
0x0: {  	(tag) =	ssettag $0x1  }
0x1: {  	s0 =	rddreg [dreg:$0x0]  }
0x2: {  	s1 =	rddreg [dreg:$0x1]  }
0x3: {  	s2 =	rddreg [dreg:$0x2]  }
0x4: {  	s3 =	srdreg.scid;
	s4 =	simm.s32 $0x0;
	s5 =	stileid.u32  }
0x5: {  	s10 =	simm.s32 $0x28;
	s9 =	simm.s32 $0xC;
	s11 =	simm.s32 $0x11  }
0x6: {  	s12 =	simm.s32 $0xD;
	s13 =	simm.s32 $0x12;
	s14 =	simm.s32 $0xE  }
0x7: {  	s15 =	simm.s32 $0x13;
	s16 =	simm.s32 $0xF;
	s17 =	simm.s32 $0x14  }
0x8: {  	s28 =	simm.s32 $0xF0;
	s31 =	simm.s32 $0x50;
	s24 =	simm.s32 $0x140  }
0x9: {  	s29 =	simm.s32 $0xA0;
	s3 =	sand.u32 $0x1, s3;
	s8 =	sshll.u32 s5, $0x1  }
0xa: {  	[smem:$0x7FF] =	sst s4;
	s6 =	ssub.s32 $0x2, s3;
	s3 =	sor.u32 s3, s8  }
0xb: {  	s5 =	sadd.s32 $0x8A00, s0;
	s7 =	sshrl.u32 s6, $0x1;
	s26 =	smul.u32 $0x2710, s3  }
0xc: {  	_ =	strace $0x80000047;
	s8 =	simm.s32 $0x0;
	s7 =	ssub.s32 s6, s7  }
0xd: {  	s6 =	sadd.s32 $0xDA00, s0;
	[dreg:$0x4] =	wrdreg s26;
	s30 =	smax.u32 s7, $0x1  }
0xe: {  	s7 =	simm.s32 $0x10;
	s26 =	simm.s32 $0xC8;
	[dreg:$0x5] =	wrdreg s30  }
.LBB2_1:
0xf: {  	[dreg:$0x6] =	wrdreg s8;
	s21 =	simm.s32 $0x0  }
.LBB2_2:
0x10: {  	s3 =	smul.u32 $0xC8, s21;
	p0 =	seq.s32 s21, $0x0  }
0x11: {  	s18 =	rddreg [dreg:$0x4];
	s8 =	simm.s32 @!p0 $0x15  }
0x12: {  	s18 =	sadd.s32 s18, s3;
	_ =	swait.ge @!p0 [sflag:s8], $0x280  }
0x13: {  	[sflag:s8] =	ssyncset.done @!p0 $0x0;
	s3 =	sshrl.u32 s18, $0x3  }
0x14: {  	[sflag:s8] =	ssyncadd.s32 @!p0 $0xFFFFFD80;
	s25 =	sadd.s32 s1, s3  }
0x15: {  	[tilespmem:s4], [sflag:$0x1] =	stream.linear.gather [hbm4b:s25+s4], $0x28, $0x38;
	[tilespmem:$0x1A90] =	vst v63  }
0x16: {  	s3 =	sadd.s32 s2, s3;
	s8 =	simm.s32 @!p0 $0x16  }
0x17: {  	[tilespmem:s26], [sflag:$0x6] =	stream.linear.gather [hbm4b:s3+s4], $0x28, $0x38;
	[tilespmem:$0x1A90] =	vst v63  }
0x18: {  	s3 =	sadd.s32 $0x28, s18;
	_ =	swait.ge @!p0 [sflag:s8], $0x280  }
0x19: {  	s19 =	sshrl.u32 s3, $0x3;
	[sflag:s8] =	ssyncset.done @!p0 $0x0  }
0x1a: {  	s0 =	sadd.s32 s1, s19;
	[sflag:s8] =	ssyncadd.s32 @!p0 $0xFFFFFD80  }
0x1b: {  	[tilespmem:s10], [sflag:$0x2] =	stream.linear.gather [hbm4b:s0+s4], $0x28, $0x38;
	[tilespmem:$0x1A90] =	vst v63  }
0x1c: {  	s19 =	sadd.s32 s2, s19  }
0x1d: {  	[tilespmem:s28], [sflag:$0x7] =	stream.linear.gather [hbm4b:s19+s4], $0x28, $0x38;
	[tilespmem:$0x1A90] =	vst v63  }
0x1e: {  	s19 =	simm.s32 @!p0 $0x17  }
0x1f: {  	s8 =	sadd.s32 $0x50, s18;
	_ =	swait.ge @!p0 [sflag:s19], $0x280  }
0x20: {  	s22 =	sshrl.u32 s8, $0x3;
	[sflag:s19] =	ssyncset.done @!p0 $0x0  }
0x21: {  	s20 =	sadd.s32 s1, s22;
	[sflag:s19] =	ssyncadd.s32 @!p0 $0xFFFFFD80  }
0x22: {  	[tilespmem:s31], [sflag:$0x3] =	stream.linear.gather [hbm4b:s20+s4], $0x28, $0x38;
	[tilespmem:$0x1A90] =	vst v63  }
0x23: {  	s0 =	simm.s32 $0x118;
	s22 =	sadd.s32 s2, s22;
	s19 =	simm.s32 @!p0 $0x18  }
0x24: {  	[tilespmem:s0], [sflag:$0x8] =	stream.linear.gather [hbm4b:s22+s4], $0x28, $0x38;
	[tilespmem:$0x1A90] =	vst v63  }
0x25: {  	s30 =	sadd.s32 $0x78, s18;
	_ =	swait.ge @!p0 [sflag:s19], $0x280  }
0x26: {  	s23 =	sshrl.u32 s30, $0x3;
	[sflag:s19] =	ssyncset.done @!p0 $0x0  }
0x27: {  	s25 =	sadd.s32 s1, s23;
	s20 =	simm.s32 $0x78;
	[sflag:s19] =	ssyncadd.s32 @!p0 $0xFFFFFD80  }
0x28: {  	[tilespmem:s20], [sflag:$0x4] =	stream.linear.gather [hbm4b:s25+s4], $0x28, $0x38;
	[tilespmem:$0x1A90] =	vst v63  }
0x29: {  	s22 =	sadd.s32 s2, s23;
	s19 =	simm.s32 @!p0 $0x19  }
0x2a: {  	[tilespmem:s24], [sflag:$0x9] =	stream.linear.gather [hbm4b:s22+s4], $0x28, $0x38;
	[tilespmem:$0x1A90] =	vst v63  }
0x2b: {  	s25 =	sadd.s32 $0xA0, s18;
	_ =	swait.ge @!p0 [sflag:s19], $0x280  }
0x2c: {  	s22 =	sshrl.u32 s25, $0x3;
	[sflag:s19] =	ssyncset.done @!p0 $0x0  }
0x2d: {  	s23 =	simm.s32 $0x0;
	[sflag:s19] =	ssyncadd.s32 @!p0 $0xFFFFFD80;
	s19 =	sadd.s32 s1, s22  }
0x2e: {  	[tilespmem:s29], [sflag:$0x5] =	stream.linear.gather [hbm4b:s19+s23], $0x28, $0x38;
	[tilespmem:$0x1A90] =	vst v63  }
0x2f: {  	s19 =	sadd.s32 s2, s22;
	s22 =	simm.s32 $0x168  }
0x30: {  	[tilespmem:s22], [sflag:$0xA] =	stream.linear.gather [hbm4b:s19+s23], $0x28, $0x38;
	[tilespmem:$0x1A90] =	vst v63  }
0x31: {  	s19 =	simm.s32 $0x1  }
0x32: {  	_ =	swait.ge [sflag:s19], $0x28  }
0x33: {  	[sflag:s19] =	ssyncset.done $0x0  }
0x34: {  	[sflag:s19] =	ssyncadd.s32 $0xFFFFFFD8;
	s19 =	simm.s32 $0x6  }
0x35: {  	_ =	swait.ge [sflag:s19], $0x28  }
0x36: {  	[sflag:s19] =	ssyncset.done $0x0  }
0x37: {  	[sflag:s19] =	ssyncadd.s32 $0xFFFFFFD8;
	s19 =	simm.s32 $0x190  }
0x38: {  	[tilespmem:s19], [sflag:$0xB] =	stream.indirect.gather [hbm4b:s5+s10], $0x10, s23, s10, $0xb8;
	[tilespmem:$0x1A90] =	vst v63  }
0x39: {  	s23 =	simm.s32 $0xE10  }
0x3a: {  	[tilespmem:s23], [sflag:$0x10] =	stream.indirect.gather [hbm4b:s5+s10], $0x10, s26, s10, $0xb8;
	[tilespmem:$0x1A90] =	vst v63  }
0x3b: {  	s23 =	simm.s32 $0x2  }
0x3c: {  	_ =	swait.ge [sflag:s23], $0x28  }
0x3d: {  	[sflag:s23] =	ssyncset.done $0x0  }
0x3e: {  	[sflag:s23] =	ssyncadd.s32 $0xFFFFFFD8;
	s23 =	simm.s32 $0x7  }
0x3f: {  	_ =	swait.ge [sflag:s23], $0x28  }
0x40: {  	[sflag:s23] =	ssyncset.done $0x0  }
0x41: {  	[sflag:s23] =	ssyncadd.s32 $0xFFFFFFD8;
	s23 =	simm.s32 $0x410  }
0x42: {  	[tilespmem:s23], [sflag:$0xC] =	stream.indirect.gather [hbm4b:s5+s10], $0x10, s10, s10, $0xb8;
	[tilespmem:$0x1A90] =	vst v63  }
0x43: {  	s23 =	simm.s32 $0x1090  }
0x44: {  	[tilespmem:s23], [sflag:$0x11] =	stream.indirect.gather [hbm4b:s5+s10], $0x10, s28, s10, $0xb8;
	[tilespmem:$0x1A90] =	vst v63  }
0x45: {  	s23 =	simm.s32 $0x3  }
0x46: {  	_ =	swait.ge [sflag:s23], $0x28  }
0x47: {  	[sflag:s23] =	ssyncset.done $0x0  }
0x48: {  	[sflag:s23] =	ssyncadd.s32 $0xFFFFFFD8;
	s23 =	simm.s32 $0x8  }
0x49: {  	_ =	swait.ge [sflag:s23], $0x28  }
0x4a: {  	[sflag:s23] =	ssyncset.done $0x0  }
0x4b: {  	[sflag:s23] =	ssyncadd.s32 $0xFFFFFFD8;
	s23 =	simm.s32 $0x690  }
0x4c: {  	[tilespmem:s23], [sflag:$0xD] =	stream.indirect.gather [hbm4b:s5+s10], $0x10, s31, s10, $0xb8;
	[tilespmem:$0x1A90] =	vst v63  }
0x4d: {  	s19 =	simm.s32 $0x4;
	s23 =	simm.s32 $0x1310  }
0x4e: {  	[tilespmem:s23], [sflag:$0x12] =	stream.indirect.gather [hbm4b:s5+s10], $0x10, s0, s10, $0xb8;
	[tilespmem:$0x1A90] =	vst v63  }
0x4f: {  	_ =	swait.ge [sflag:s19], $0x28  }
0x50: {  	[sflag:s19] =	ssyncset.done $0x0  }
0x51: {  	s23 =	simm.s32 $0x9;
	[sflag:s19] =	ssyncadd.s32 $0xFFFFFFD8  }
0x52: {  	_ =	swait.ge [sflag:s23], $0x28  }
0x53: {  	[sflag:s23] =	ssyncset.done $0x0  }
0x54: {  	s19 =	simm.s32 $0x910;
	[sflag:s23] =	ssyncadd.s32 $0xFFFFFFD8  }
0x55: {  	[tilespmem:s19], [sflag:$0xE] =	stream.indirect.gather [hbm4b:s5+s10], $0x10, s20, s10, $0xb8;
	[tilespmem:$0x1A90] =	vst v63  }
0x56: {  	s23 =	simm.s32 $0x1590;
	s19 =	simm.s32 $0x5  }
0x57: {  	[tilespmem:s23], [sflag:$0x13] =	stream.indirect.gather [hbm4b:s5+s10], $0x10, s24, s10, $0xb8;
	[tilespmem:$0x1A90] =	vst v63  }
0x58: {  	_ =	swait.ge [sflag:s19], $0x28  }
0x59: {  	[sflag:s19] =	ssyncset.done $0x0  }
0x5a: {  	s23 =	simm.s32 $0xA;
	[sflag:s19] =	ssyncadd.s32 $0xFFFFFFD8  }
0x5b: {  	_ =	swait.ge [sflag:s23], $0x28  }
0x5c: {  	[sflag:s23] =	ssyncset.done $0x0  }
0x5d: {  	s19 =	simm.s32 $0xB90;
	[sflag:s23] =	ssyncadd.s32 $0xFFFFFFD8  }
0x5e: {  	[tilespmem:s19], [sflag:$0xF] =	stream.indirect.gather [hbm4b:s5+s10], $0x10, s29, s10, $0xb8;
	[tilespmem:$0x1A90] =	vst v63  }
0x5f: {  	s20 =	simm.s32 $0x1810;
	s23 =	simm.s32 $0xB  }
0x60: {  	[tilespmem:s20], [sflag:$0x14] =	stream.indirect.gather [hbm4b:s5+s10], $0x10, s22, s10, $0xb8;
	[tilespmem:$0x1A90] =	vst v63  }
0x61: {  	_ =	swait.ge [sflag:s23], $0x280  }
0x62: {  	[sflag:s23] =	ssyncset.done $0x0  }
0x63: {  	[sflag:s23] =	ssyncadd.s32 $0xFFFFFD80  }
0x64: {  	_ =	swait.ge [sflag:s7], $0x280  }
0x65: {  	[sflag:s7] =	ssyncset.done $0x0  }
0x66: {  	s19 =	simm.s32 $0x0;
	[sflag:s7] =	ssyncadd.s32 $0xFFFFFD80  }
0x67: {  	s22 =	simm.s32 $0x40;
	v0 =	vld [tilespmem:s19+$0x190]  }
.LBB2_3:
0x68: {  	p0 =	sne.s32 s22, $0x9C0;
	v1 =	vld [tilespmem:s19+$0xE10];
	_ =	sdelay $0x2  }
.Ltmp0:
0x69: {  	(pc) =	sbr.rel @p0 .LBB2_3-.Ltmp0, $4  }
0x6a: {  	_ = 	snop  }
0x6b: {  	v1 =	vsub.f32 v1, v0  }
0x6c: {  	s23 =	sshra.s32 s22, $0x2  }
0x6d: {  	s22 =	sadd.s32 $0x40, s22;
	v0 =	vld [tilespmem:s23+$0x190];
	[tilespmem:s19+$0xE10] =	vst v1;
	s19 =	smov.u32 s23  }
0x6e: {  	v1 =	vld [tilespmem:s19+$0xE10];
	_ =	sdelay $0x4  }
0x6f: {  	v0 =	vsub.f32 v1, v0  }
0x70: {  	s18 =	sshll.u32 s18, $0x1  }
0x71: {  	s23 =	simm.s32 $0x0;
	s0 =	simm.s32 $0xE10;
	s18 =	sadd.s32 s6, s18;
	[tilespmem:s19+$0xE10] =	vst v0  }
0x72: {  	[hbm4b:s18+s23] =	stream.linear.scatter [tilespmem:s0], [sflag:$0x15], $0x280, $0x38;
	[tilespmem:$0x1A90] =	vst v63  }
0x73: {  	_ =	swait.ge [sflag:s9], $0x280  }
0x74: {  	[sflag:s9] =	ssyncset.done $0x0  }
0x75: {  	[sflag:s9] =	ssyncadd.s32 $0xFFFFFD80  }
0x76: {  	_ =	swait.ge [sflag:s11], $0x280  }
0x77: {  	[sflag:s11] =	ssyncset.done $0x0  }
0x78: {  	s18 =	simm.s32 $0x0;
	[sflag:s11] =	ssyncadd.s32 $0xFFFFFD80  }
0x79: {  	s19 =	simm.s32 $0x40;
	v0 =	vld [tilespmem:s18+$0x410]  }
.LBB2_5:
0x7a: {  	p0 =	sne.s32 s19, $0x9C0;
	v1 =	vld [tilespmem:s18+$0x1090];
	_ =	sdelay $0x2  }
.Ltmp1:
0x7b: {  	(pc) =	sbr.rel @p0 .LBB2_5-.Ltmp1, $4  }
0x7c: {  	_ = 	snop  }
0x7d: {  	v1 =	vsub.f32 v1, v0  }
0x7e: {  	s22 =	sshra.s32 s19, $0x2  }
0x7f: {  	s19 =	sadd.s32 $0x40, s19;
	v0 =	vld [tilespmem:s22+$0x410];
	[tilespmem:s18+$0x1090] =	vst v1;
	s18 =	smov.u32 s22  }
0x80: {  	v1 =	vld [tilespmem:s18+$0x1090];
	_ =	sdelay $0x4  }
0x81: {  	s3 =	sshll.u32 s3, $0x1;
	v0 =	vsub.f32 v1, v0  }
0x82: {  	s3 =	sand.u32 $0x1FFFFFF0, s3  }
0x83: {  	s23 =	simm.s32 $0x0;
	s0 =	simm.s32 $0x1090;
	s3 =	sadd.s32 s6, s3;
	[tilespmem:s18+$0x1090] =	vst v0  }
0x84: {  	[hbm4b:s3+s23] =	stream.linear.scatter [tilespmem:s0], [sflag:$0x16], $0x280, $0x38;
	[tilespmem:$0x1A90] =	vst v63  }
0x85: {  	_ =	swait.ge [sflag:s12], $0x280  }
0x86: {  	[sflag:s12] =	ssyncset.done $0x0  }
0x87: {  	[sflag:s12] =	ssyncadd.s32 $0xFFFFFD80  }
0x88: {  	_ =	swait.ge [sflag:s13], $0x280  }
0x89: {  	[sflag:s13] =	ssyncset.done $0x0  }
0x8a: {  	s3 =	simm.s32 $0x0;
	[sflag:s13] =	ssyncadd.s32 $0xFFFFFD80  }
0x8b: {  	s18 =	simm.s32 $0x40;
	v0 =	vld [tilespmem:s3+$0x690]  }
.LBB2_7:
0x8c: {  	p0 =	sne.s32 s18, $0x9C0;
	v1 =	vld [tilespmem:s3+$0x1310];
	_ =	sdelay $0x2  }
.Ltmp2:
0x8d: {  	(pc) =	sbr.rel @p0 .LBB2_7-.Ltmp2, $4  }
0x8e: {  	_ = 	snop  }
0x8f: {  	v1 =	vsub.f32 v1, v0  }
0x90: {  	s19 =	sshra.s32 s18, $0x2  }
0x91: {  	s18 =	sadd.s32 $0x40, s18;
	v0 =	vld [tilespmem:s19+$0x690];
	[tilespmem:s3+$0x1310] =	vst v1;
	s3 =	smov.u32 s19  }
0x92: {  	v1 =	vld [tilespmem:s3+$0x1310];
	_ =	sdelay $0x4  }
0x93: {  	v0 =	vsub.f32 v1, v0  }
0x94: {  	s8 =	sshll.u32 s8, $0x1  }
0x95: {  	s23 =	simm.s32 $0x0;
	s0 =	simm.s32 $0x1310;
	s22 =	sadd.s32 s6, s8;
	[tilespmem:s3+$0x1310] =	vst v0  }
0x96: {  	[hbm4b:s22+s23] =	stream.linear.scatter [tilespmem:s0], [sflag:$0x17], $0x280, $0x38;
	[tilespmem:$0x1A90] =	vst v63  }
0x97: {  	_ =	swait.ge [sflag:s14], $0x280  }
0x98: {  	[sflag:s14] =	ssyncset.done $0x0  }
0x99: {  	[sflag:s14] =	ssyncadd.s32 $0xFFFFFD80  }
0x9a: {  	_ =	swait.ge [sflag:s15], $0x280  }
0x9b: {  	[sflag:s15] =	ssyncset.done $0x0  }
0x9c: {  	s3 =	simm.s32 $0x0;
	[sflag:s15] =	ssyncadd.s32 $0xFFFFFD80  }
0x9d: {  	s8 =	simm.s32 $0x40;
	v0 =	vld [tilespmem:s3+$0x910]  }
.LBB2_9:
0x9e: {  	p0 =	sne.s32 s8, $0x9C0;
	v1 =	vld [tilespmem:s3+$0x1590];
	_ =	sdelay $0x2  }
.Ltmp3:
0x9f: {  	(pc) =	sbr.rel @p0 .LBB2_9-.Ltmp3, $4  }
0xa0: {  	_ = 	snop  }
0xa1: {  	v1 =	vsub.f32 v1, v0  }
0xa2: {  	s18 =	sshra.s32 s8, $0x2  }
0xa3: {  	s8 =	sadd.s32 $0x40, s8;
	v0 =	vld [tilespmem:s18+$0x910];
	[tilespmem:s3+$0x1590] =	vst v1;
	s3 =	smov.u32 s18  }
0xa4: {  	v1 =	vld [tilespmem:s3+$0x1590];
	_ =	sdelay $0x4  }
0xa5: {  	s8 =	sshll.u32 s30, $0x1;
	v0 =	vsub.f32 v1, v0  }
0xa6: {  	s8 =	sand.u32 $0x1FFFFFF0, s8  }
0xa7: {  	s30 =	simm.s32 $0x0;
	s0 =	simm.s32 $0x1590;
	s23 =	sadd.s32 s6, s8;
	[tilespmem:s3+$0x1590] =	vst v0  }
0xa8: {  	[hbm4b:s23+s30] =	stream.linear.scatter [tilespmem:s0], [sflag:$0x18], $0x280, $0x38;
	[tilespmem:$0x1A90] =	vst v63  }
0xa9: {  	_ =	swait.ge [sflag:s16], $0x280  }
0xaa: {  	[sflag:s16] =	ssyncset.done $0x0  }
0xab: {  	[sflag:s16] =	ssyncadd.s32 $0xFFFFFD80  }
0xac: {  	_ =	swait.ge [sflag:s17], $0x280  }
0xad: {  	[sflag:s17] =	ssyncset.done $0x0  }
0xae: {  	s3 =	simm.s32 $0x0;
	[sflag:s17] =	ssyncadd.s32 $0xFFFFFD80  }
0xaf: {  	s8 =	simm.s32 $0x40;
	v0 =	vld [tilespmem:s3+$0xB90]  }
.LBB2_11:
0xb0: {  	p0 =	sne.s32 s8, $0x9C0;
	v1 =	vld [tilespmem:s3+$0x1810];
	_ =	sdelay $0x2  }
.Ltmp4:
0xb1: {  	(pc) =	sbr.rel @p0 .LBB2_11-.Ltmp4, $4  }
0xb2: {  	_ = 	snop  }
0xb3: {  	v1 =	vsub.f32 v1, v0  }
0xb4: {  	s18 =	sshra.s32 s8, $0x2  }
0xb5: {  	s8 =	sadd.s32 $0x40, s8;
	v0 =	vld [tilespmem:s18+$0xB90];
	[tilespmem:s3+$0x1810] =	vst v1;
	s3 =	smov.u32 s18  }
0xb6: {  	v1 =	vld [tilespmem:s3+$0x1810];
	_ =	sdelay $0x1  }
0xb7: {  	s21 =	sadd.s32 $0x1, s21  }
0xb8: {  	p0 =	sne.s32 s21, $0x32  }
.Ltmp5:
0xb9: {  	_ = 	snop;
	(pc) =	sbr.rel @p0 .LBB2_2-.Ltmp5, $4  }
0xba: {  	v0 =	vsub.f32 v1, v0  }
0xbb: {  	s8 =	sshll.u32 s25, $0x1  }
0xbc: {  	s30 =	sadd.s32 s6, s8;
	[tilespmem:s3+$0x1810] =	vst v0  }
0xbd: {  	[hbm4b:s30+s4] =	stream.linear.scatter [tilespmem:s20], [sflag:$0x19], $0x280, $0x38;
	[tilespmem:$0x1A90] =	vst v63  }
0xbe: {  	s0 =	simm.s32 $0x15  }
0xbf: {  	_ =	swait.ge [sflag:s0], $0x280  }
0xc0: {  	[sflag:s0] =	ssyncset.done $0x0  }
0xc1: {  	s22 =	simm.s32 $0x16;
	[sflag:s0] =	ssyncadd.s32 $0xFFFFFD80  }
0xc2: {  	_ =	swait.ge [sflag:s22], $0x280  }
0xc3: {  	[sflag:s22] =	ssyncset.done $0x0  }
0xc4: {  	s23 =	simm.s32 $0x17;
	[sflag:s22] =	ssyncadd.s32 $0xFFFFFD80  }
0xc5: {  	_ =	swait.ge [sflag:s23], $0x280  }
0xc6: {  	[sflag:s23] =	ssyncset.done $0x0  }
0xc7: {  	s25 =	simm.s32 $0x18;
	[sflag:s23] =	ssyncadd.s32 $0xFFFFFD80  }
0xc8: {  	_ =	swait.ge [sflag:s25], $0x280  }
0xc9: {  	[sflag:s25] =	ssyncset.done $0x0  }
0xca: {  	s30 =	simm.s32 $0x19;
	[sflag:s25] =	ssyncadd.s32 $0xFFFFFD80  }
0xcb: {  	_ =	swait.ge [sflag:s30], $0x280  }
0xcc: {  	s8 =	rddreg [dreg:$0x6]  }
0xcd: {  	s3 =	rddreg [dreg:$0x5];
	s8 =	sadd.s32 $0x1, s8  }
0xce: {  	p0 =	sne.s32 s8, s3  }
.Ltmp6:
0xcf: {  	_ = 	snop;
	(pc) =	sbr.rel @p0 .LBB2_1-.Ltmp6, $3  }
0xd0: {  	_ =	sdelay $0x1  }
0xd1: {  	[sflag:s30] =	ssyncset.done $0x0  }
0xd2: {  	[sflag:s30] =	ssyncadd.s32 $0xFFFFFD80  }
0xd3: {  	_ =	sfence.sel $0x180000  }
0xd4: {  	[bflag:$0x0] =	sbarrier.arrive $0xFFFF  }
0xd5: {  	_ =	strace $0x90000047  }
0xd6: {  	s0 =	stileid.u32;
	[bflag:$0x2] =	sbarrier.arrive $0xFFFF  }
0xd7: {  	p0 =	sne.s32 s0, $0x0;
	s0 =	rddreg [dreg:$0x3]  }
0xd8: {  	s0 =	sadd.s32 @!p0 $0x100000, s0  }
0xd9: {  	[sflag:s0] =	ssyncadd.tile.s32 @!p0 $0x1;
	_ =	shalt  }
.Lfunc_end2:
_tile_overlayer_lowered:
.L_overlay_start_2:
0xda: {  	(tag) =	ssettag $0x2  }
0xdb: {  	s0 =	rddreg [dreg:$0x0];
	s2 =	stileid.u32  }
0xdc: {  	s1 =	rddreg [dreg:$0x1];
	p0 =	sne.s32 s2, $0x0  }
0xdd: {  	s3 =	rddreg [dreg:$0x2];
	[bflag:$0x3] =	sbarrier.arrive $0xFFFF;
	s2 =	simm.s32 @!p0 $0x1C1A  }
0xde: {  	[timem:s3], [sflag:s2] =	dma.local @!p0 [hbm:s0], s1  }
0xdf: {  	s0 =	simm.s32 @!p0 $0x1A  }
0xe0: {  	_ =	swait.ge @!p0 [sflag:s0], s1  }
0xe1: {  	s1 =	ssub.s32 @!p0 $0x0, s1;
	[sflag:s0] =	ssyncset.done @!p0 $0x0  }
0xe2: {  	[sflag:s0] =	ssyncadd.s32 @!p0 s1  }
0xe3: {  	[bflag:$0x3] =	sbarrier.arrive $0xFFFF  }
0xe4: {  	_ =	shalt  }

// kernel: kernel.20.cloned.1.call-start
scs
__scs_entry_jumppad:
0x0: {  	(pc) =	sbr.rel $0x88, $3  }
0x1: {  	(tag) =	ssettag $0x0;
	lr =	simm.s32 $0x1  }
0x2: {  	[smem:$0x3F96] =	sst lr;
	_ =	strace $0xD0000000  }
0x3: {  	_ = 	snop  }
0x4: {  	_ = 	snop  }
0x5: {  	_ = 	snop  }
0x6: {  	_ = 	snop  }
0x7: {  	_ = 	snop  }
__scs_overlays_trampoline_lowered:
0x8: {  	[smem:$0x3FA5] =	sst s0  }
0x9: {  	[smem:$0x3FA6] =	sst s1  }
0xa: {  	[smem:$0x3FA7] =	sst s2  }
0xb: {  	[smem:$0x3FA8] =	sst s3  }
0xc: {  	[smem:$0x3FA9] =	sst s4  }
0xd: {  	[smem:$0x3FAA] =	sst s5  }
0xe: {  	[smem:$0x3FAB] =	sst s6  }
0xf: {  	[smem:$0x3FAC] =	sst s7  }
0x10: {  	[smem:$0x3FAD] =	sst s8  }
0x11: {  	[smem:$0x3FAE] =	sst s9;
	s0 =	simm.s32 @!p0 $0x0  }
0x12: {  	s1 =	sld [smem:$0x3F94];
	s0 =	simm.s32 @p0 $0x1  }
0x13: {  	[smem:$0x3FAF] =	sst s0;
	s0 =	simm.s32 @!p1 $0x0  }
0x14: {  	s2 =	sld [smem:$0x3F93];
	s0 =	simm.s32 @p1 $0x1  }
0x15: {  	[smem:$0x3FB0] =	sst s0;
	s0 =	simm.s32 @!p2 $0x0  }
0x16: {  	s3 =	sld [smem:$0x3FDB];
	s0 =	simm.s32 @p2 $0x1  }
0x17: {  	s4 =	simm.s32 $0x1BF5;
	[smem:$0x3FB2] =	sst s0  }
0x18: {  	s0 =	sld [smem:$0x3F95];
	_ =	swait.ge [sflag:s4], $0x0  }
0x19: {  	s7 =	sld [smem:$0x3F96]  }
0x1a: {  	s8 =	sadd.s32 $0xFFFFE003, lr  }
0x1b: {  	s9 =	sadd.s32 $0xFFFFFEF7, lr;
	s5 =	simm.s32 $0xFFFFFFFF;
	p2 =	slt.u32 s8, $0xFFFFF086  }
0x1c: {  	p1 =	slt.u32 s9, $0xF7A;
	s5 =	simm.s32 @!p2 $0x0  }
0x1d: {  	s5 =	simm.s32 @p1 $0x1;
	p0 =	seq.s32 s7, s2  }
0x1e: {  	s7 =	smul.u32 @!p0 $0xF7A, s2;
	p2 =	seq.s32 @!p0 s5, $0x0  }
0x1f: {  	s9 =	smul.u32 $0xF7A, s1;
	s8 =	simm.s32 @!p0 $0x1BF5;
	p2 =	por !p2, p0  }
0x20: {  	[sflag:s8] =	ssyncset.s32 @!p0 $0xFFFFF086;
	s6 =	sadd.s32 @!p0 s3, s7;
	s7 =	simm.s32 @!p0 $0x108  }
0x21: {  	s3 =	sadd.s32 s3, s9;
	s6 =	sadd.s32 @!p0 $0x88, s6;
	s7 =	simm.s32 @p2 $0x1082  }
0x22: {  	[simem:s7], [sflag:s8] =	dma.local @!p0 [hbm:s6], $0xF7A  }
0x23: {  	s9 =	sor.u32 $0xD0000000, s2;
	s6 =	simm.s32 $0x108;
	_ =	swait.ge @!p0 [sflag:s8], $0x0  }
0x24: {  	s3 =	sadd.s32 $0x88, s3;
	s6 =	simm.s32 @!p1 $0x1082;
	[sflag:s4] =	ssyncset.s32 $0xFFFFF086  }
0x25: {  	[simem:s6], [sflag:s4] =	dma.local [hbm:s3], $0xF7A  }
0x26: {  	[smem:$0x3F96] =	sst s1;
	(tag) =	ssettag s2;
	_ =	strace s9  }
0x27: {  	s1 =	sld [smem:$0x3FA6]  }
0x28: {  	s2 =	sld [smem:$0x3FA7]  }
0x29: {  	s4 =	sld [smem:$0x3FA9]  }
0x2a: {  	p0 =	seq.s32 s5, $0x0;
	s5 =	sld [smem:$0x3FAA]  }
0x2b: {  	s6 =	sld [smem:$0x3FAB]  }
0x2c: {  	s7 =	sld [smem:$0x3FAC]  }
0x2d: {  	s3 =	simm.s32 $0x108;
	s8 =	sld [smem:$0x3FAD]  }
0x2e: {  	s3 =	simm.s32 @!p0 $0x1082;
	s9 =	sld [smem:$0x3FAE]  }
0x2f: {  	lr =	sadd.s32 s0, s3;
	s0 =	sld [smem:$0x3FA5]  }
0x30: {  	s3 =	sld [smem:$0x3FA8]  }
0x31: {  	[smem:$0x3FB1] =	sst s10  }
0x32: {  	s10 =	sld [smem:$0x3FAF];
	_ =	sdelay $0x3  }
0x33: {  	p0 =	seq.s32 s10, $0x1;
	s10 =	sld [smem:$0x3FB1];
	_ =	sdelay $0x3  }
0x34: {  	[smem:$0x3FB1] =	sst s10  }
0x35: {  	s10 =	sld [smem:$0x3FB0];
	_ =	sdelay $0x3  }
0x36: {  	p1 =	seq.s32 s10, $0x1;
	s10 =	sld [smem:$0x3FB1];
	_ =	sdelay $0x3  }
0x37: {  	[smem:$0x3FB1] =	sst s10  }
0x38: {  	s10 =	sld [smem:$0x3FB2]  }
0x39: {  	_ = 	snop;
	(pc) =	sbr.ind lr, $3  }
0x3a: {  	_ = 	snop  }
0x3b: {  	_ = 	snop  }
0x3c: {  	p2 =	seq.s32 s10, $0x1;
	s10 =	sld [smem:$0x3FB1]  }
0x3d: {  	_ =	shalt  }
0x3e: {  	_ =	shalt  }
0x3f: {  	_ =	shalt  }
0x40: {  	_ =	shalt  }
0x41: {  	_ =	shalt  }
0x42: {  	_ =	shalt  }
0x43: {  	_ =	shalt  }
0x44: {  	_ =	shalt  }
0x45: {  	_ =	shalt  }
0x46: {  	_ =	shalt  }
0x47: {  	_ =	shalt  }
0x48: {  	_ =	shalt  }
0x49: {  	_ =	shalt  }
0x4a: {  	_ =	shalt  }
0x4b: {  	_ =	shalt  }
0x4c: {  	_ =	shalt  }
0x4d: {  	_ =	shalt  }
0x4e: {  	_ =	shalt  }
0x4f: {  	_ =	shalt  }
0x50: {  	_ =	shalt  }
0x51: {  	_ =	shalt  }
0x52: {  	_ =	shalt  }
0x53: {  	_ =	shalt  }
0x54: {  	_ =	shalt  }
0x55: {  	_ =	shalt  }
0x56: {  	_ =	shalt  }
0x57: {  	_ =	shalt  }
0x58: {  	_ =	shalt  }
0x59: {  	_ =	shalt  }
0x5a: {  	_ =	shalt  }
0x5b: {  	_ =	shalt  }
0x5c: {  	_ =	shalt  }
0x5d: {  	_ =	shalt  }
0x5e: {  	_ =	shalt  }
0x5f: {  	_ =	shalt  }
0x60: {  	_ =	shalt  }
0x61: {  	_ =	shalt  }
0x62: {  	_ =	shalt  }
0x63: {  	_ =	shalt  }
0x64: {  	_ =	shalt  }
0x65: {  	_ =	shalt  }
0x66: {  	_ =	shalt  }
0x67: {  	_ =	shalt  }
0x68: {  	_ =	shalt  }
0x69: {  	_ =	shalt  }
0x6a: {  	_ =	shalt  }
0x6b: {  	_ =	shalt  }
0x6c: {  	_ =	shalt  }
0x6d: {  	_ =	shalt  }
0x6e: {  	_ =	shalt  }
0x6f: {  	_ =	shalt  }
0x70: {  	_ =	shalt  }
0x71: {  	_ =	shalt  }
0x72: {  	_ =	shalt  }
0x73: {  	_ =	shalt  }
0x74: {  	_ =	shalt  }
0x75: {  	_ =	shalt  }
0x76: {  	_ =	shalt  }
0x77: {  	_ =	shalt  }
0x78: {  	_ =	shalt  }
0x79: {  	_ =	shalt  }
0x7a: {  	_ =	shalt  }
0x7b: {  	_ =	shalt  }
0x7c: {  	_ =	shalt  }
0x7d: {  	_ =	shalt  }
0x7e: {  	_ =	shalt  }
0x7f: {  	_ =	shalt  }
0x80: {  	_ =	shalt  }
0x81: {  	_ =	shalt  }
0x82: {  	_ =	shalt  }
0x83: {  	_ =	shalt  }
0x84: {  	_ =	shalt  }
0x85: {  	_ =	shalt  }
0x86: {  	_ =	shalt  }
0x87: {  	_ =	shalt  }
.Lfunc_end0:
.L_simem_size_0:
called_computation.1_lowered:
.L_overlay_start_0:
0x88: {  	s2 =	sld [smem:$0x3FD9]  }
0x89: {  	s3 =	sld [smem:$0x3FFE];
	_ =	sdelay $0x1  }
0x8a: {  	s1 =	srdreg.scid  }
0x8b: {  	s0 =	sand.u32 $0x1, s1  }
0x8c: {  	s17 =	sshll.u32 s0, $0xA;
	s2 =	sadd.s32 s3, s2  }
0x8d: {  	s2 =	sadd.s32 s2, s17  }
0x8e: {  	[smem:$0x3FBD] =	sst s2  }
0x8f: {  	_ = 	snop  }
0x90: {  	s2 =	sld [smem:$0x3FC7]  }
0x91: {  	s18 =	sld [smem:$0x3FC6];
	(tm) =	ssettm $0x1  }
0x92: {  	s4 =	sld [smem:$0x3FFB];
	_ =	sdelay $0x3  }
0x93: {  	_ =	strace s4  }
0x94: {  	s4 =	sld [smem:$0x3FFC];
	_ =	sdelay $0x3  }
0x95: {  	_ =	strace s4  }
0x96: {  	s4 =	sld [smem:$0x3FFD];
	_ =	sdelay $0x3  }
0x97: {  	_ =	strace s4  }
0x98: {  	_ =	strace $0x8FFFFFFF  }
0x99: {  	s19 =	sld [smem:$0x3FDB];
	_ =	sdelay $0x1  }
0x9a: {  	s5 =	simm.s32 $_scs_section_size  }
0x9b: {  	s6 =	simm.s32 $_size__tile_overlayer_lowered;
	s7 =	simm.s32 $_tile_overlayer_lowered  }
0x9c: {  	s22 =	simm.s32 $0x1BFF;
	s21 =	sshll.u32 s7, $0x1;
	s4 =	sadd.s32 s5, s19  }
0x9d: {  	s8 =	simm.s32 $0x0;
	s20 =	sshll.u32 s6, $0x1;
	s6 =	sadd.s32 s21, s4  }
0x9e: {  	[timem:s8], [sflag:s22] =	dma.local [hbm:s6], s20  }
0x9f: {  	_ =	swait.ge [sflag:s22], s20  }
0xa0: {  	s5 =	ssub.s32 $0x0, s20;
	[sflag:s22] =	ssyncset.done $0x0  }
0xa1: {  	[sflag:s22] =	ssyncadd.s32 s5;
	_ =	sdelay $0x1  }
0xa2: {  	s23 =	simm.s32 $0x1B8B  }
0xa3: {  	_ =	swait.ge [sflag:s23], $0x1  }
0xa4: {  	[sflag:s23] =	ssyncset.done $0x0  }
0xa5: {  	s25 =	simm.s32 $0x1B8E;
	s24 =	sld [smem:$0x3FFE];
	[sflag:s23] =	ssyncadd.s32 $0xFFFFFFFF  }
0xa6: {  	s26 =	simm.s32 $execute0_lowered;
	[smem:$0x3FD2] =	sst s25  }
0xa7: {  	s6 =	sshll.u32 s26, $0x1;
	_ =	strace $0x80000049;
	[dreg:$0x1] =	wrdreg $0xFFFFFFFF  }
0xa8: {  	s28 =	simm.s32 $_size_execute0_lowered;
	s4 =	sadd.s32 s4, s6;
	[dreg:$0x0] =	wrdreg $0x0  }
0xa9: {  	s6 =	sshll.u32 s28, $0x1;
	[dreg:$0x2] =	wrdreg s4  }
0xaa: {  	[dreg:$0x3] =	wrdreg s6  }
0xab: {  	[dreg:$0x4] =	wrdreg $0xC0  }
0xac: {  	_ =	task [dreg:s8], $0x5FFFF  }
0xad: {  	[dreg:$0x1] =	wrdreg $0xFFFFFFFF  }
0xae: {  	[dreg:$0x0] =	wrdreg $0x60  }
0xaf: {  	[dreg:$0x2] =	wrdreg s24  }
0xb0: {  	[dreg:$0x3] =	wrdreg s2  }
0xb1: {  	[dreg:$0x4] =	wrdreg s18  }
0xb2: {  	[dreg:$0x5] =	wrdreg $0xA1400  }
0xb3: {  	[dreg:$0x6] =	wrdreg $0x9  }
0xb4: {  	_ =	task.clear_ibuf [dreg:s8], $0x7FFFF;
	_ =	strace $0x90000049  }
0xb5: {  	s29 =	simm.s32 $0x9;
	_ =	strace $0x8000004B  }
0xb6: {  	_ =	swait.ge [sflag:s29], $0x1  }
0xb7: {  	[sflag:s29] =	ssyncadd.s32 $0xFFFFFFFF  }
0xb8: {  	_ =	strace $0x9000004B  }
0xb9: {  	_ =	sfence  }
0xba: {  	s30 =	sld [smem:$0x0];
	_ =	sdelay $0x2  }
0xbb: {  	s31 =	sshll.u32 s1, $0xD;
	s1 =	sshrl.u32 s1, $0x2  }
0xbc: {  	s3 =	sand.u32 $0x4000, s31;
	s1 =	sadd.s32 s1, s30  }
0xbd: {  	s0 =	sor.u32 s3, s0;
	s1 =	sshll.u32 s1, $0x11  }
0xbe: {  	s0 =	sor.u32 s1, s0  }
0xbf: {  	s0 =	sadd.s32 $0x8F2B, s0  }
0xc0: {  	[sflag:s0] =	ssyncadd.remote.s32 $0x1  }
0xc1: {  	_ =	sfence.sel $0xFFFF  }
0xc2: {  	[dreg:$0x0] =	wrdreg $0xFFFFFFFF;
	(pc) =	sbr.abs _section_cstart, $3  }
0xc3: {  	[dreg:$0x1] =	wrdreg $0xFFFFFFFF  }
0xc4: {  	_ =	task.clear_ibuf [dreg:s8], $0x2FFFF;
	_ =	strace $0x9FFFFFFF  }
0xc5: {  	(tm) =	ssettm $0x7FFFFFFF  }
tec
execute0_lowered:
.L_overlay_start_1:
0x0: {  	(tag) =	ssettag $0x1  }
0x1: {  	s0 =	rddreg [dreg:$0x0]  }
0x2: {  	s1 =	rddreg [dreg:$0x1]  }
0x3: {  	s3 =	rddreg [dreg:$0x2]  }
0x4: {  	s4 =	rddreg [dreg:$0x3]  }
0x5: {  	s2 =	srdreg.scid;
	s12 =	stileid.u32;
	s5 =	simm.s32 $0x0  }
0x6: {  	s19 =	simm.s32 $0x15;
	s17 =	simm.s32 $0x28;
	s13 =	simm.s32 $0x4  }
0x7: {  	s31 =	simm.s32 $0xA;
	s14 =	simm.s32 $0xB;
	s15 =	simm.s32 $0xF  }
0x8: {  	s30 =	simm.s32 $0x10;
	s29 =	simm.s32 $0x118;
	s28 =	simm.s32 $0x78  }
0x9: {  	s8 =	smul.u32 $0x13880, s12;
	[smem:$0x7FF] =	sst s5;
	s6 =	sadd.s32 $0xD3400, s0  }
0xa: {  	s2 =	sand.u32 $0x1, s2;
	s7 =	sadd.s32 $0xB38C00, s0;
	s11 =	sadd.s32 $0x138C00, s0  }
0xb: {  	s24 =	sshll.u32 s12, $0x6;
	s25 =	smul.u32 $0x4E20, s12;
	s12 =	simm.s32 $0xC  }
0xc: {  	s20 =	simm.s32 $0x0;
	s9 =	smul.u32 $0x138800, s2;
	_ =	strace $0x8000004A  }
0xd: {  	s10 =	ssub.s32 $0x2, s2;
	[dreg:$0x5] =	wrdreg s11;
	s16 =	sor.u32 $0x1C15, s24  }
0xe: {  	s11 =	smul.u32 $0x1400000, s2;
	s2 =	simm.s32 $0x7;
	s24 =	simm.s32 $0x50  }
0xf: {  	s22 =	sshrl.u32 s10, $0x1;
	[dreg:$0x7] =	wrdreg s25;
	s25 =	simm.s32 $0x9  }
0x10: {  	[dreg:$0x6] =	wrdreg s16;
	s9 =	sadd.s32 s8, s9;
	s23 =	ssub.s32 s10, s22  }
0x11: {  	s8 =	sadd.s32 s8, s4;
	s22 =	simm.s32 $0xA0;
	s9 =	sshrl.u32 s9, $0x3  }
0x12: {  	s26 =	smax.u32 s23, $0x1;
	s18 =	sshrl.u32 s8, $0x3;
	s23 =	simm.s32 $0xC8  }
0x13: {  	s8 =	simm.s32 $0xE;
	s0 =	sadd.s32 s9, s0;
	[dreg:$0x9] =	wrdreg s26  }
0x14: {  	s9 =	simm.s32 $0x8;
	[dreg:$0xa] =	wrdreg s18;
	s0 =	sadd.s32 $0x13B400, s0  }
0x15: {  	s26 =	simm.s32 $0xD;
	[dreg:$0x8] =	wrdreg s0;
	s0 =	simm.s32 $0x3  }
.LBB2_1:
0x16: {  	[dreg:$0xb] =	wrdreg s20  }
0x17: {  	s10 =	rddreg [dreg:$0x5]  }
0x18: {  	[spmem:s18], [sflag:s16] =	dma.local [hbm:s10], $0x2710  }
0x19: {  	_ =	swait.ge [sflag:s19], $0x2710  }
0x1a: {  	[sflag:s19] =	ssyncset.done $0x0  }
0x1b: {  	[sflag:s19] =	ssyncadd.s32 $0xFFFFD8F0  }
0x1c: {  	s10 =	simm.s32 $0x0;
	[bflag:$0x0] =	sbarrier.arrive $0xFFFF  }
.LBB2_2:
0x1d: {  	s16 =	smul.u32 $0xA0, s10;
	p0 =	seq.s32 s10, $0x0  }
0x1e: {  	s19 =	rddreg [dreg:$0x7];
	s18 =	simm.s32 @!p0 $0x11  }
0x1f: {  	s16 =	sadd.s32 s19, s16;
	_ =	swait.ge @!p0 [sflag:s18], $0x1400  }
0x20: {  	[sflag:s18] =	ssyncset.done @!p0 $0x0;
	s19 =	sshrl.u32 s16, $0x3  }
0x21: {  	[sflag:s18] =	ssyncadd.s32 @!p0 $0xFFFFEC00;
	s21 =	sadd.s32 s1, s19  }
0x22: {  	[tilespmem:s5], [sflag:$0x1] =	stream.linear.gather [hbm4b:s21+s5], $0x28, $0x38;
	[tilespmem:$0x1D9C0] =	vst v63  }
0x23: {  	s20 =	sadd.s32 s3, s19;
	s18 =	simm.s32 @!p0 $0x12  }
0x24: {  	[tilespmem:s22], [sflag:$0x5] =	stream.linear.gather [hbm4b:s20+s5], $0x28, $0x38;
	[tilespmem:$0x1D9C0] =	vst v63  }
0x25: {  	s19 =	sadd.s32 $0x28, s16;
	_ =	swait.ge @!p0 [sflag:s18], $0x1400  }
0x26: {  	s20 =	sshrl.u32 s19, $0x3;
	[sflag:s18] =	ssyncset.done @!p0 $0x0  }
0x27: {  	s21 =	sadd.s32 s1, s20;
	[sflag:s18] =	ssyncadd.s32 @!p0 $0xFFFFEC00  }
0x28: {  	[tilespmem:s17], [sflag:$0x2] =	stream.linear.gather [hbm4b:s21+s5], $0x28, $0x38;
	[tilespmem:$0x1D9C0] =	vst v63  }
0x29: {  	s22 =	sadd.s32 s3, s20;
	s18 =	simm.s32 @!p0 $0x13  }
0x2a: {  	[tilespmem:s23], [sflag:$0x6] =	stream.linear.gather [hbm4b:s22+s5], $0x28, $0x38;
	[tilespmem:$0x1D9C0] =	vst v63  }
0x2b: {  	s20 =	sadd.s32 $0x50, s16;
	_ =	swait.ge @!p0 [sflag:s18], $0x1400  }
0x2c: {  	s21 =	sshrl.u32 s20, $0x3;
	[sflag:s18] =	ssyncset.done @!p0 $0x0  }
0x2d: {  	s23 =	sadd.s32 s1, s21;
	[sflag:s18] =	ssyncadd.s32 @!p0 $0xFFFFEC00  }
0x2e: {  	[tilespmem:s24], [sflag:$0x3] =	stream.linear.gather [hbm4b:s23+s5], $0x28, $0x38;
	[tilespmem:$0x1D9C0] =	vst v63  }
0x2f: {  	s22 =	sadd.s32 s3, s21;
	s18 =	simm.s32 @!p0 $0x14;
	s23 =	simm.s32 $0xF0  }
0x30: {  	[tilespmem:s23], [sflag:$0x7] =	stream.linear.gather [hbm4b:s22+s5], $0x28, $0x38;
	[tilespmem:$0x1D9C0] =	vst v63  }
0x31: {  	s21 =	sadd.s32 $0x78, s16;
	_ =	swait.ge @!p0 [sflag:s18], $0x1400  }
0x32: {  	s22 =	sshrl.u32 s21, $0x3;
	[sflag:s18] =	ssyncset.done @!p0 $0x0  }
0x33: {  	s23 =	simm.s32 $0x0;
	[sflag:s18] =	ssyncadd.s32 @!p0 $0xFFFFEC00;
	s18 =	sadd.s32 s1, s22  }
0x34: {  	[tilespmem:s28], [sflag:$0x4] =	stream.linear.gather [hbm4b:s18+s23], $0x28, $0x38;
	[tilespmem:$0x1D9C0] =	vst v63  }
0x35: {  	s22 =	sadd.s32 s3, s22  }
0x36: {  	[tilespmem:s29], [sflag:$0x8] =	stream.linear.gather [hbm4b:s22+s23], $0x28, $0x38;
	[tilespmem:$0x1D9C0] =	vst v63  }
0x37: {  	s22 =	simm.s32 $0x1  }
0x38: {  	_ =	swait.ge [sflag:s22], $0x28  }
0x39: {  	[sflag:s22] =	ssyncset.done $0x0  }
0x3a: {  	[sflag:s22] =	ssyncadd.s32 $0xFFFFFFD8;
	s22 =	simm.s32 $0x5  }
0x3b: {  	s16 =	sshll.u32 s16, $0x6;
	_ =	swait.ge [sflag:s22], $0x28  }
0x3c: {  	s16 =	sadd.s32 s11, s16;
	[sflag:s22] =	ssyncset.done $0x0  }
0x3d: {  	s16 =	sshrl.u32 s16, $0x3;
	[sflag:s22] =	ssyncadd.s32 $0xFFFFFFD8;
	s22 =	simm.s32 $0x2940  }
0x3e: {  	[tilespmem:s22], [sflag:$0x9] =	stream.indirect.gather [hbm4b:s6+s17], $0x40, s23, s17, $0xb8;
	[tilespmem:$0x1D9C0] =	vst v63  }
0x3f: {  	s16 =	sadd.s32 s7, s16;
	s22 =	simm.s32 $0x140  }
0x40: {  	[tilespmem:s22], [sflag:$0xD] =	stream.linear.gather [hbm4b:s16+s23], $0xA00, $0x38;
	[tilespmem:$0x1D9C0] =	vst v63  }
0x41: {  	s22 =	simm.s32 $0x2  }
0x42: {  	_ =	swait.ge [sflag:s22], $0x28  }
0x43: {  	[sflag:s22] =	ssyncset.done $0x0  }
0x44: {  	s18 =	simm.s32 $0x6;
	[sflag:s22] =	ssyncadd.s32 $0xFFFFFFD8  }
0x45: {  	_ =	swait.ge [sflag:s18], $0x28  }
0x46: {  	[sflag:s18] =	ssyncset.done $0x0  }
0x47: {  	s22 =	simm.s32 $0x3340;
	[sflag:s18] =	ssyncadd.s32 $0xFFFFFFD8;
	s18 =	sshll.u32 s19, $0x6  }
0x48: {  	[tilespmem:s22], [sflag:$0xA] =	stream.indirect.gather [hbm4b:s6+s17], $0x40, s17, s17, $0xb8;
	[tilespmem:$0x1D9C0] =	vst v63  }
0x49: {  	s16 =	sadd.s32 s11, s18  }
0x4a: {  	s16 =	sshrl.u32 s16, $0x3  }
0x4b: {  	s19 =	simm.s32 $0xB40;
	s16 =	sadd.s32 s7, s16  }
0x4c: {  	[tilespmem:s19], [sflag:$0xE] =	stream.linear.gather [hbm4b:s16+s23], $0xA00, $0x38;
	[tilespmem:$0x1D9C0] =	vst v63  }
0x4d: {  	_ =	swait.ge [sflag:s0], $0x28  }
0x4e: {  	[sflag:s0] =	ssyncset.done $0x0  }
0x4f: {  	[sflag:s0] =	ssyncadd.s32 $0xFFFFFFD8  }
0x50: {  	s18 =	sshll.u32 s20, $0x6;
	_ =	swait.ge [sflag:s2], $0x28  }
0x51: {  	s16 =	sadd.s32 s11, s18;
	[sflag:s2] =	ssyncset.done $0x0  }
0x52: {  	s22 =	simm.s32 $0x3D40;
	s16 =	sshrl.u32 s16, $0x3;
	[sflag:s2] =	ssyncadd.s32 $0xFFFFFFD8  }
0x53: {  	[tilespmem:s22], [sflag:$0xB] =	stream.indirect.gather [hbm4b:s6+s17], $0x40, s24, s17, $0xb8;
	[tilespmem:$0x1D9C0] =	vst v63  }
0x54: {  	s19 =	simm.s32 $0x1540;
	s16 =	sadd.s32 s7, s16  }
0x55: {  	[tilespmem:s19], [sflag:$0xF] =	stream.linear.gather [hbm4b:s16+s23], $0xA00, $0x38;
	[tilespmem:$0x1D9C0] =	vst v63  }
0x56: {  	_ =	swait.ge [sflag:s13], $0x28  }
0x57: {  	[sflag:s13] =	ssyncset.done $0x0  }
0x58: {  	[sflag:s13] =	ssyncadd.s32 $0xFFFFFFD8  }
0x59: {  	s21 =	sshll.u32 s21, $0x6;
	_ =	swait.ge [sflag:s9], $0x28  }
0x5a: {  	s16 =	sadd.s32 s11, s21;
	[sflag:s9] =	ssyncset.done $0x0  }
0x5b: {  	s20 =	simm.s32 $0x4740;
	s16 =	sshrl.u32 s16, $0x3;
	[sflag:s9] =	ssyncadd.s32 $0xFFFFFFD8  }
0x5c: {  	[tilespmem:s20], [sflag:$0xC] =	stream.indirect.gather [hbm4b:s6+s17], $0x40, s28, s17, $0xb8;
	[tilespmem:$0x1D9C0] =	vst v63  }
0x5d: {  	s22 =	simm.s32 $0x1F40;
	s16 =	sadd.s32 s7, s16  }
0x5e: {  	[tilespmem:s22], [sflag:$0x10] =	stream.linear.gather [hbm4b:s16+s23], $0xA00, $0x38;
	[tilespmem:$0x1D9C0] =	vst v63  }
0x5f: {  	_ =	swait.ge [sflag:s25], $0xA00  }
0x60: {  	[sflag:s25] =	ssyncset.done $0x0  }
0x61: {  	[sflag:s25] =	ssyncadd.s32 $0xFFFFF600  }
0x62: {  	_ =	swait.ge [sflag:s26], $0xA00  }
0x63: {  	[sflag:s26] =	ssyncset.done $0x0  }
0x64: {  	s20 =	simm.s32 $0x0;
	[sflag:s26] =	ssyncadd.s32 $0xFFFFF600  }
0x65: {  	s18 =	simm.s32 $0x5180;
	s19 =	simm.s32 $0x100;
	s16 =	simm.s32 $0x5180;
	v0 =	vld [tilespmem:s20+$0x2970]  }
.LBB2_3:
0x66: {  	p0 =	sne.s32 s19, $0x2700  }
0x67: {  	v1 =	vld [tilespmem:s20+$0x140];
	s18 =	sadd.s32 $0x80, s18;
	s21 =	smov.u32 s19;
	s19 =	sadd.s32 $0x100, s19  }
0x68: {  	v2 =	vld [tilespmem:s20+$0x170]  }
0x69: {  	v3 =	vld [tilespmem:s20+$0x160]  }
0x6a: {  	v4 =	vld [tilespmem:s20+$0x2940]  }
0x6b: {  	v5 =	vld [tilespmem:s20+$0x150]  }
0x6c: {  	v6 =	vld [tilespmem:s20+$0x2960];
	v7 =	vand.u32 $0xFFFF0000, v1  }
0x6d: {  	v9 =	vand.u32 $0xFFFF0000, v0;
	v1 =	vshll.u32 v1, $0x10;
	v8 =	vld [tilespmem:s20+$0x2950]  }
0x6e: {  	v0 =	vshll.u32 v0, $0x10;
	v10 =	vshll.u32 v2, $0x10;
	v11 =	vand.u32 $0xFFFF0000, v3  }
0x6f: {  	v2 =	vand.u32 $0xFFFF0000, v2;
	v0 =	vmul.f32 v0, v10;
	v10 =	vand.u32 $0xFFFF0000, v4  }
0x70: {  	v2 =	vmul.f32 v9, v2;
	v12 =	vshll.u32 v5, $0x10;
	v5 =	vand.u32 $0xFFFF0000, v5  }
0x71: {  	s20 =	sshra.s32 s21, $0x2;
	v4 =	vshll.u32 v4, $0x10;
	v7 =	vmul.f32 v10, v7;
	v9 =	vand.u32 $0xFFFF0000, v6;
	[tilespmem:s16+$0x20] =	vst v0  }
0x72: {  	v0 =	vshll.u32 v3, $0x10;
	v3 =	vshll.u32 v6, $0x10;
	v6 =	vmul.f32 v9, v11;
	[tilespmem:s16+$0x30] =	vst v2  }
0x73: {  	v1 =	vmul.f32 v4, v1;
	v2 =	vshll.u32 v8, $0x10;
	v4 =	vand.u32 $0xFFFF0000, v8;
	[tilespmem:s16+$0xFFFFFFD0] =	vst v7  }
0x74: {  	v0 =	vmul.f32 v3, v0;
	v2 =	vmul.f32 v2, v12;
	[tilespmem:s16+$0x10] =	vst v6  }
.Ltmp0:
0x75: {  	v3 =	vmul.f32 v4, v5;
	[tilespmem:s16+$0xFFFFFFC0] =	vst v1;
	(pc) =	sbr.rel @p0 .LBB2_3-.Ltmp0, $4  }
0x76: {  	[tilespmem:s16+$0x0] =	vst v0  }
0x77: {  	[tilespmem:s16+$0xFFFFFFF0] =	vst v3  }
0x78: {  	[tilespmem:s16+$0xFFFFFFE0] =	vst v2;
	s16 =	smov.u32 s18  }
0x79: {  	v0 =	vld [tilespmem:s20+$0x2970]  }
0x7a: {  	v1 =	vld [tilespmem:s20+$0x140]  }
0x7b: {  	v2 =	vld [tilespmem:s20+$0x170]  }
0x7c: {  	v3 =	vld [tilespmem:s20+$0x160]  }
0x7d: {  	v4 =	vld [tilespmem:s20+$0x2940]  }
0x7e: {  	v5 =	vld [tilespmem:s20+$0x2960]  }
0x7f: {  	v6 =	vld [tilespmem:s20+$0x150]  }
0x80: {  	v9 =	vld [tilespmem:s20+$0x2950];
	v8 =	vshll.u32 v0, $0x10;
	v7 =	vshll.u32 v2, $0x10  }
0x81: {  	v0 =	vand.u32 $0xFFFF0000, v0;
	v2 =	vand.u32 $0xFFFF0000, v2;
	v7 =	vmul.f32 v8, v7  }
0x82: {  	v60 =	vand.u32 $0xFFFF0000, v1;
	v10 =	vand.u32 $0xFFFF0000, v4;
	v0 =	vmul.f32 v0, v2  }
0x83: {  	v1 =	vshll.u32 v1, $0x10;
	v4 =	vshll.u32 v4, $0x10;
	v8 =	vmul.f32 v10, v60;
	[tilespmem:s16+$0x20] =	vst v7  }
0x84: {  	v61 =	vand.u32 $0xFFFF0000, v5;
	v2 =	vand.u32 $0xFFFF0000, v3;
	v1 =	vmul.f32 v4, v1;
	[tilespmem:s16+$0x30] =	vst v0  }
0x85: {  	v62 =	vand.u32 $0xFFFF0000, v6;
	v63 =	vand.u32 $0xFFFF0000, v9;
	v2 =	vmul.f32 v61, v2;
	[tilespmem:s16+$0xFFFFFFD0] =	vst v8  }
0x86: {  	v4 =	vmul.f32 v63, v62;
	v0 =	vshll.u32 v3, $0x10;
	v3 =	vshll.u32 v5, $0x10;
	[tilespmem:s16+$0xFFFFFFC0] =	vst v1  }
0x87: {  	v0 =	vmul.f32 v3, v0;
	[tilespmem:s16+$0x10] =	vst v2;
	v2 =	vshll.u32 v6, $0x10;
	v3 =	vshll.u32 v9, $0x10  }
0x88: {  	[tilespmem:s16+$0xFFFFFFF0] =	vst v4;
	v1 =	vmul.f32 v3, v2  }
0x89: {  	[tilespmem:s16+$0x0] =	vst v0  }
0x8a: {  	s22 =	simm.s32 $0xA0;
	s23 =	simm.s32 $0x5140;
	[tilespmem:s16+$0xFFFFFFE0] =	vst v1  }
0x8b: {  	[spmem:s4] =	stream.indirect.scatter.add.f32 [tilespmem:s23], [sflag:$0x11], $0x80, s22, s17, $0xb8;
	[tilespmem:$0x1D9C0] =	vst v63  }
0x8c: {  	_ =	swait.ge [sflag:s31], $0xA00  }
0x8d: {  	[sflag:s31] =	ssyncset.done $0x0  }
0x8e: {  	[sflag:s31] =	ssyncadd.s32 $0xFFFFF600  }
0x8f: {  	_ =	swait.ge [sflag:s8], $0xA00  }
0x90: {  	[sflag:s8] =	ssyncset.done $0x0  }
0x91: {  	s20 =	simm.s32 $0x0;
	[sflag:s8] =	ssyncadd.s32 $0xFFFFF600  }
0x92: {  	s18 =	simm.s32 $0x6580;
	s19 =	simm.s32 $0x100;
	s16 =	simm.s32 $0x6580;
	v0 =	vld [tilespmem:s20+$0x3370]  }
.LBB2_5:
0x93: {  	p0 =	sne.s32 s19, $0x2700  }
0x94: {  	v1 =	vld [tilespmem:s20+$0xB40];
	s18 =	sadd.s32 $0x80, s18;
	s21 =	smov.u32 s19;
	s19 =	sadd.s32 $0x100, s19  }
0x95: {  	v2 =	vld [tilespmem:s20+$0xB70]  }
0x96: {  	v3 =	vld [tilespmem:s20+$0xB60]  }
0x97: {  	v4 =	vld [tilespmem:s20+$0x3340]  }
0x98: {  	v5 =	vld [tilespmem:s20+$0xB50]  }
0x99: {  	v6 =	vld [tilespmem:s20+$0x3360];
	v7 =	vand.u32 $0xFFFF0000, v1  }
0x9a: {  	v9 =	vand.u32 $0xFFFF0000, v0;
	v1 =	vshll.u32 v1, $0x10;
	v8 =	vld [tilespmem:s20+$0x3350]  }
0x9b: {  	v0 =	vshll.u32 v0, $0x10;
	v10 =	vshll.u32 v2, $0x10;
	v11 =	vand.u32 $0xFFFF0000, v3  }
0x9c: {  	v2 =	vand.u32 $0xFFFF0000, v2;
	v0 =	vmul.f32 v0, v10;
	v10 =	vand.u32 $0xFFFF0000, v4  }
0x9d: {  	v2 =	vmul.f32 v9, v2;
	v12 =	vshll.u32 v5, $0x10;
	v5 =	vand.u32 $0xFFFF0000, v5  }
0x9e: {  	s20 =	sshra.s32 s21, $0x2;
	v4 =	vshll.u32 v4, $0x10;
	v7 =	vmul.f32 v10, v7;
	v9 =	vand.u32 $0xFFFF0000, v6;
	[tilespmem:s16+$0x20] =	vst v0  }
0x9f: {  	v0 =	vshll.u32 v3, $0x10;
	v3 =	vshll.u32 v6, $0x10;
	v6 =	vmul.f32 v9, v11;
	[tilespmem:s16+$0x30] =	vst v2  }
0xa0: {  	v1 =	vmul.f32 v4, v1;
	v2 =	vshll.u32 v8, $0x10;
	v4 =	vand.u32 $0xFFFF0000, v8;
	[tilespmem:s16+$0xFFFFFFD0] =	vst v7  }
0xa1: {  	v0 =	vmul.f32 v3, v0;
	v2 =	vmul.f32 v2, v12;
	[tilespmem:s16+$0x10] =	vst v6  }
.Ltmp1:
0xa2: {  	v3 =	vmul.f32 v4, v5;
	[tilespmem:s16+$0xFFFFFFC0] =	vst v1;
	(pc) =	sbr.rel @p0 .LBB2_5-.Ltmp1, $4  }
0xa3: {  	[tilespmem:s16+$0x0] =	vst v0  }
0xa4: {  	[tilespmem:s16+$0xFFFFFFF0] =	vst v3  }
0xa5: {  	[tilespmem:s16+$0xFFFFFFE0] =	vst v2;
	s16 =	smov.u32 s18  }
0xa6: {  	v0 =	vld [tilespmem:s20+$0x3370]  }
0xa7: {  	v1 =	vld [tilespmem:s20+$0xB40]  }
0xa8: {  	v2 =	vld [tilespmem:s20+$0xB70]  }
0xa9: {  	v3 =	vld [tilespmem:s20+$0xB60]  }
0xaa: {  	v4 =	vld [tilespmem:s20+$0x3340]  }
0xab: {  	v5 =	vld [tilespmem:s20+$0x3360]  }
0xac: {  	v6 =	vld [tilespmem:s20+$0xB50]  }
0xad: {  	v9 =	vld [tilespmem:s20+$0x3350];
	v8 =	vshll.u32 v0, $0x10;
	v7 =	vshll.u32 v2, $0x10  }
0xae: {  	v0 =	vand.u32 $0xFFFF0000, v0;
	v2 =	vand.u32 $0xFFFF0000, v2;
	v7 =	vmul.f32 v8, v7  }
0xaf: {  	v60 =	vand.u32 $0xFFFF0000, v1;
	v10 =	vand.u32 $0xFFFF0000, v4;
	v0 =	vmul.f32 v0, v2  }
0xb0: {  	v1 =	vshll.u32 v1, $0x10;
	v4 =	vshll.u32 v4, $0x10;
	v8 =	vmul.f32 v10, v60;
	[tilespmem:s16+$0x20] =	vst v7  }
0xb1: {  	v61 =	vand.u32 $0xFFFF0000, v5;
	v2 =	vand.u32 $0xFFFF0000, v3;
	v1 =	vmul.f32 v4, v1;
	[tilespmem:s16+$0x30] =	vst v0  }
0xb2: {  	v62 =	vand.u32 $0xFFFF0000, v6;
	v63 =	vand.u32 $0xFFFF0000, v9;
	v2 =	vmul.f32 v61, v2;
	[tilespmem:s16+$0xFFFFFFD0] =	vst v8  }
0xb3: {  	v4 =	vmul.f32 v63, v62;
	v0 =	vshll.u32 v3, $0x10;
	v3 =	vshll.u32 v5, $0x10;
	[tilespmem:s16+$0xFFFFFFC0] =	vst v1  }
0xb4: {  	v0 =	vmul.f32 v3, v0;
	[tilespmem:s16+$0x10] =	vst v2;
	v2 =	vshll.u32 v6, $0x10;
	v3 =	vshll.u32 v9, $0x10  }
0xb5: {  	[tilespmem:s16+$0xFFFFFFF0] =	vst v4;
	v1 =	vmul.f32 v3, v2  }
0xb6: {  	[tilespmem:s16+$0x0] =	vst v0  }
0xb7: {  	s23 =	simm.s32 $0xC8;
	s21 =	simm.s32 $0x6540;
	[tilespmem:s16+$0xFFFFFFE0] =	vst v1  }
0xb8: {  	[spmem:s4] =	stream.indirect.scatter.add.f32 [tilespmem:s21], [sflag:$0x12], $0x80, s23, s17, $0xb8;
	[tilespmem:$0x1D9C0] =	vst v63  }
0xb9: {  	_ =	swait.ge [sflag:s14], $0xA00  }
0xba: {  	[sflag:s14] =	ssyncset.done $0x0  }
0xbb: {  	[sflag:s14] =	ssyncadd.s32 $0xFFFFF600  }
0xbc: {  	_ =	swait.ge [sflag:s15], $0xA00  }
0xbd: {  	[sflag:s15] =	ssyncset.done $0x0  }
0xbe: {  	s20 =	simm.s32 $0x0;
	[sflag:s15] =	ssyncadd.s32 $0xFFFFF600  }
0xbf: {  	s18 =	simm.s32 $0x7980;
	s19 =	simm.s32 $0x100;
	s16 =	simm.s32 $0x7980;
	v0 =	vld [tilespmem:s20+$0x3D70]  }
.LBB2_7:
0xc0: {  	p0 =	sne.s32 s19, $0x2700  }
0xc1: {  	v1 =	vld [tilespmem:s20+$0x1540];
	s18 =	sadd.s32 $0x80, s18;
	s21 =	smov.u32 s19;
	s19 =	sadd.s32 $0x100, s19  }
0xc2: {  	v2 =	vld [tilespmem:s20+$0x1570]  }
0xc3: {  	v3 =	vld [tilespmem:s20+$0x1560]  }
0xc4: {  	v4 =	vld [tilespmem:s20+$0x3D40]  }
0xc5: {  	v5 =	vld [tilespmem:s20+$0x1550]  }
0xc6: {  	v6 =	vld [tilespmem:s20+$0x3D60];
	v7 =	vand.u32 $0xFFFF0000, v1  }
0xc7: {  	v9 =	vand.u32 $0xFFFF0000, v0;
	v1 =	vshll.u32 v1, $0x10;
	v8 =	vld [tilespmem:s20+$0x3D50]  }
0xc8: {  	v0 =	vshll.u32 v0, $0x10;
	v10 =	vshll.u32 v2, $0x10;
	v11 =	vand.u32 $0xFFFF0000, v3  }
0xc9: {  	v2 =	vand.u32 $0xFFFF0000, v2;
	v0 =	vmul.f32 v0, v10;
	v10 =	vand.u32 $0xFFFF0000, v4  }
0xca: {  	v2 =	vmul.f32 v9, v2;
	v12 =	vshll.u32 v5, $0x10;
	v5 =	vand.u32 $0xFFFF0000, v5  }
0xcb: {  	s20 =	sshra.s32 s21, $0x2;
	v4 =	vshll.u32 v4, $0x10;
	v7 =	vmul.f32 v10, v7;
	v9 =	vand.u32 $0xFFFF0000, v6;
	[tilespmem:s16+$0x20] =	vst v0  }
0xcc: {  	v0 =	vshll.u32 v3, $0x10;
	v3 =	vshll.u32 v6, $0x10;
	v6 =	vmul.f32 v9, v11;
	[tilespmem:s16+$0x30] =	vst v2  }
0xcd: {  	v1 =	vmul.f32 v4, v1;
	v2 =	vshll.u32 v8, $0x10;
	v4 =	vand.u32 $0xFFFF0000, v8;
	[tilespmem:s16+$0xFFFFFFD0] =	vst v7  }
0xce: {  	v0 =	vmul.f32 v3, v0;
	v2 =	vmul.f32 v2, v12;
	[tilespmem:s16+$0x10] =	vst v6  }
.Ltmp2:
0xcf: {  	v3 =	vmul.f32 v4, v5;
	[tilespmem:s16+$0xFFFFFFC0] =	vst v1;
	(pc) =	sbr.rel @p0 .LBB2_7-.Ltmp2, $4  }
0xd0: {  	[tilespmem:s16+$0x0] =	vst v0  }
0xd1: {  	[tilespmem:s16+$0xFFFFFFF0] =	vst v3  }
0xd2: {  	[tilespmem:s16+$0xFFFFFFE0] =	vst v2;
	s16 =	smov.u32 s18  }
0xd3: {  	v0 =	vld [tilespmem:s20+$0x3D70]  }
0xd4: {  	v1 =	vld [tilespmem:s20+$0x1540]  }
0xd5: {  	v2 =	vld [tilespmem:s20+$0x1570]  }
0xd6: {  	v3 =	vld [tilespmem:s20+$0x1560]  }
0xd7: {  	v4 =	vld [tilespmem:s20+$0x3D40]  }
0xd8: {  	v5 =	vld [tilespmem:s20+$0x3D60]  }
0xd9: {  	v6 =	vld [tilespmem:s20+$0x1550]  }
0xda: {  	v9 =	vld [tilespmem:s20+$0x3D50];
	v8 =	vshll.u32 v0, $0x10;
	v7 =	vshll.u32 v2, $0x10  }
0xdb: {  	v0 =	vand.u32 $0xFFFF0000, v0;
	v2 =	vand.u32 $0xFFFF0000, v2;
	v7 =	vmul.f32 v8, v7  }
0xdc: {  	v60 =	vand.u32 $0xFFFF0000, v1;
	v10 =	vand.u32 $0xFFFF0000, v4;
	v0 =	vmul.f32 v0, v2  }
0xdd: {  	v1 =	vshll.u32 v1, $0x10;
	v4 =	vshll.u32 v4, $0x10;
	v8 =	vmul.f32 v10, v60;
	[tilespmem:s16+$0x20] =	vst v7  }
0xde: {  	v61 =	vand.u32 $0xFFFF0000, v5;
	v2 =	vand.u32 $0xFFFF0000, v3;
	v1 =	vmul.f32 v4, v1;
	[tilespmem:s16+$0x30] =	vst v0  }
0xdf: {  	v62 =	vand.u32 $0xFFFF0000, v6;
	v63 =	vand.u32 $0xFFFF0000, v9;
	v2 =	vmul.f32 v61, v2;
	[tilespmem:s16+$0xFFFFFFD0] =	vst v8  }
0xe0: {  	v4 =	vmul.f32 v63, v62;
	v0 =	vshll.u32 v3, $0x10;
	v3 =	vshll.u32 v5, $0x10;
	[tilespmem:s16+$0xFFFFFFC0] =	vst v1  }
0xe1: {  	v0 =	vmul.f32 v3, v0;
	[tilespmem:s16+$0x10] =	vst v2;
	v2 =	vshll.u32 v6, $0x10;
	v3 =	vshll.u32 v9, $0x10  }
0xe2: {  	[tilespmem:s16+$0xFFFFFFF0] =	vst v4;
	v1 =	vmul.f32 v3, v2  }
0xe3: {  	[tilespmem:s16+$0x0] =	vst v0  }
0xe4: {  	s21 =	simm.s32 $0xF0;
	s18 =	simm.s32 $0x7940;
	[tilespmem:s16+$0xFFFFFFE0] =	vst v1  }
0xe5: {  	[spmem:s4] =	stream.indirect.scatter.add.f32 [tilespmem:s18], [sflag:$0x13], $0x80, s21, s17, $0xb8;
	[tilespmem:$0x1D9C0] =	vst v63  }
0xe6: {  	_ =	swait.ge [sflag:s12], $0xA00  }
0xe7: {  	[sflag:s12] =	ssyncset.done $0x0  }
0xe8: {  	[sflag:s12] =	ssyncadd.s32 $0xFFFFF600  }
0xe9: {  	_ =	swait.ge [sflag:s30], $0xA00  }
0xea: {  	[sflag:s30] =	ssyncset.done $0x0  }
0xeb: {  	s20 =	simm.s32 $0x0;
	[sflag:s30] =	ssyncadd.s32 $0xFFFFF600  }
0xec: {  	s19 =	simm.s32 $0x100;
	s16 =	simm.s32 $0x8D80;
	s18 =	simm.s32 $0x8D80;
	v0 =	vld [tilespmem:s20+$0x4770]  }
.LBB2_9:
0xed: {  	p0 =	sne.s32 s19, $0x2700  }
0xee: {  	v1 =	vld [tilespmem:s20+$0x1F40];
	s18 =	sadd.s32 $0x80, s18;
	s21 =	smov.u32 s19;
	s19 =	sadd.s32 $0x100, s19  }
0xef: {  	v2 =	vld [tilespmem:s20+$0x1F70]  }
0xf0: {  	v3 =	vld [tilespmem:s20+$0x1F60]  }
0xf1: {  	v4 =	vld [tilespmem:s20+$0x4740]  }
0xf2: {  	v5 =	vld [tilespmem:s20+$0x1F50]  }
0xf3: {  	v6 =	vld [tilespmem:s20+$0x4760];
	v7 =	vand.u32 $0xFFFF0000, v1  }
0xf4: {  	v9 =	vand.u32 $0xFFFF0000, v0;
	v1 =	vshll.u32 v1, $0x10;
	v8 =	vld [tilespmem:s20+$0x4750]  }
0xf5: {  	v0 =	vshll.u32 v0, $0x10;
	v10 =	vshll.u32 v2, $0x10;
	v11 =	vand.u32 $0xFFFF0000, v3  }
0xf6: {  	v2 =	vand.u32 $0xFFFF0000, v2;
	v0 =	vmul.f32 v0, v10;
	v10 =	vand.u32 $0xFFFF0000, v4  }
0xf7: {  	v2 =	vmul.f32 v9, v2;
	v12 =	vshll.u32 v5, $0x10;
	v5 =	vand.u32 $0xFFFF0000, v5  }
0xf8: {  	s20 =	sshra.s32 s21, $0x2;
	v4 =	vshll.u32 v4, $0x10;
	v7 =	vmul.f32 v10, v7;
	v9 =	vand.u32 $0xFFFF0000, v6;
	[tilespmem:s16+$0x20] =	vst v0  }
0xf9: {  	v0 =	vshll.u32 v3, $0x10;
	v3 =	vshll.u32 v6, $0x10;
	v6 =	vmul.f32 v9, v11;
	[tilespmem:s16+$0x30] =	vst v2  }
0xfa: {  	v1 =	vmul.f32 v4, v1;
	v2 =	vshll.u32 v8, $0x10;
	v4 =	vand.u32 $0xFFFF0000, v8;
	[tilespmem:s16+$0xFFFFFFD0] =	vst v7  }
0xfb: {  	v0 =	vmul.f32 v3, v0;
	v2 =	vmul.f32 v2, v12;
	[tilespmem:s16+$0x10] =	vst v6  }
.Ltmp3:
0xfc: {  	v3 =	vmul.f32 v4, v5;
	[tilespmem:s16+$0xFFFFFFC0] =	vst v1;
	(pc) =	sbr.rel @p0 .LBB2_9-.Ltmp3, $4  }
0xfd: {  	[tilespmem:s16+$0x0] =	vst v0  }
0xfe: {  	[tilespmem:s16+$0xFFFFFFF0] =	vst v3  }
0xff: {  	[tilespmem:s16+$0xFFFFFFE0] =	vst v2;
	s16 =	smov.u32 s18  }
0x100: {  	v0 =	vld [tilespmem:s20+$0x4770]  }
0x101: {  	v1 =	vld [tilespmem:s20+$0x1F40]  }
0x102: {  	v2 =	vld [tilespmem:s20+$0x1F70]  }
0x103: {  	v3 =	vld [tilespmem:s20+$0x1F60]  }
0x104: {  	v4 =	vld [tilespmem:s20+$0x4740]  }
0x105: {  	v5 =	vld [tilespmem:s20+$0x4760]  }
0x106: {  	v6 =	vld [tilespmem:s20+$0x1F50]  }
0x107: {  	v9 =	vld [tilespmem:s20+$0x4750];
	v8 =	vshll.u32 v0, $0x10;
	v7 =	vshll.u32 v2, $0x10  }
0x108: {  	v53 =	vand.u32 $0xFFFF0000, v0;
	v2 =	vand.u32 $0xFFFF0000, v2;
	v7 =	vmul.f32 v8, v7  }
0x109: {  	v54 =	vand.u32 $0xFFFF0000, v1;
	v10 =	vand.u32 $0xFFFF0000, v4;
	v0 =	vmul.f32 v53, v2  }
0x10a: {  	v55 =	vand.u32 $0xFFFF0000, v3;
	v56 =	vand.u32 $0xFFFF0000, v5;
	v8 =	vmul.f32 v10, v54;
	[tilespmem:s16+$0x20] =	vst v7  }
0x10b: {  	v1 =	vshll.u32 v1, $0x10;
	v4 =	vshll.u32 v4, $0x10;
	v2 =	vmul.f32 v56, v55;
	[tilespmem:s16+$0x30] =	vst v0  }
0x10c: {  	s10 =	sadd.s32 $0x1, s10;
	v59 =	vand.u32 $0xFFFF0000, v6;
	v60 =	vand.u32 $0xFFFF0000, v9;
	v1 =	vmul.f32 v4, v1;
	[tilespmem:s16+$0xFFFFFFD0] =	vst v8  }
0x10d: {  	p0 =	sne.s32 s10, $0x7D;
	v61 =	vshll.u32 v6, $0x10;
	v62 =	vshll.u32 v9, $0x10;
	v4 =	vmul.f32 v60, v59;
	[tilespmem:s16+$0x10] =	vst v2  }
.Ltmp4:
0x10e: {  	v57 =	vshll.u32 v3, $0x10;
	v58 =	vshll.u32 v5, $0x10;
	v63 =	vmul.f32 v62, v61;
	[tilespmem:s16+$0xFFFFFFC0] =	vst v1;
	(pc) =	sbr.rel @p0 .LBB2_2-.Ltmp4, $4  }
0x10f: {  	v0 =	vmul.f32 v58, v57;
	[tilespmem:s16+$0xFFFFFFF0] =	vst v4  }
0x110: {  	[tilespmem:s16+$0xFFFFFFE0] =	vst v63  }
0x111: {  	s21 =	simm.s32 $0x118;
	s18 =	simm.s32 $0x8D40;
	[tilespmem:s16+$0x0] =	vst v0  }
0x112: {  	[spmem:s4] =	stream.indirect.scatter.add.f32 [tilespmem:s18], [sflag:$0x14], $0x80, s21, s17, $0xb8;
	[tilespmem:$0x1D9C0] =	vst v63  }
0x113: {  	s10 =	simm.s32 $0x11  }
0x114: {  	_ =	swait.ge [sflag:s10], $0x1400  }
0x115: {  	[sflag:s10] =	ssyncset.done $0x0  }
0x116: {  	s16 =	simm.s32 $0x12;
	[sflag:s10] =	ssyncadd.s32 $0xFFFFEC00  }
0x117: {  	_ =	swait.ge [sflag:s16], $0x1400  }
0x118: {  	[sflag:s16] =	ssyncset.done $0x0  }
0x119: {  	s18 =	simm.s32 $0x13;
	[sflag:s16] =	ssyncadd.s32 $0xFFFFEC00  }
0x11a: {  	_ =	swait.ge [sflag:s18], $0x1400  }
0x11b: {  	[sflag:s18] =	ssyncset.done $0x0  }
0x11c: {  	s19 =	simm.s32 $0x14;
	[sflag:s18] =	ssyncadd.s32 $0xFFFFEC00  }
0x11d: {  	_ =	swait.ge [sflag:s19], $0x1400  }
0x11e: {  	[sflag:s19] =	ssyncset.done $0x0  }
0x11f: {  	[sflag:s19] =	ssyncadd.s32 $0xFFFFEC00  }
0x120: {  	[bflag:$0x0] =	sbarrier.arrive $0xFFFF  }
0x121: {  	s16 =	rddreg [dreg:$0x6]  }
0x122: {  	s20 =	rddreg [dreg:$0x8]  }
0x123: {  	s19 =	simm.s32 $0x15;
	s18 =	rddreg [dreg:$0xa]  }
0x124: {  	[hbm:s20], [sflag:s16] =	dma.local [spmem:s18], $0x2710  }
0x125: {  	_ =	swait.ge [sflag:s19], $0x2710  }
0x126: {  	s20 =	rddreg [dreg:$0xb]  }
0x127: {  	s21 =	rddreg [dreg:$0x9];
	s20 =	sadd.s32 $0x1, s20  }
0x128: {  	p0 =	sne.s32 s20, s21  }
.Ltmp5:
0x129: {  	_ = 	snop;
	(pc) =	sbr.rel @p0 .LBB2_1-.Ltmp5, $3  }
0x12a: {  	_ =	sdelay $0x1  }
0x12b: {  	[sflag:s19] =	ssyncset.done $0x0  }
0x12c: {  	[sflag:s19] =	ssyncadd.s32 $0xFFFFD8F0  }
0x12d: {  	_ =	sfence.sel $0x180000  }
0x12e: {  	[bflag:$0x0] =	sbarrier.arrive $0xFFFF  }
0x12f: {  	_ =	strace $0x9000004A  }
0x130: {  	s0 =	stileid.u32;
	[bflag:$0x2] =	sbarrier.arrive $0xFFFF  }
0x131: {  	p0 =	sne.s32 s0, $0x0;
	s0 =	rddreg [dreg:$0x4]  }
0x132: {  	s0 =	sadd.s32 @!p0 $0x100000, s0  }
0x133: {  	[sflag:s0] =	ssyncadd.tile.s32 @!p0 $0x1;
	_ =	shalt  }
.Lfunc_end2:
_tile_overlayer_lowered:
.L_overlay_start_2:
0x134: {  	(tag) =	ssettag $0x2  }
0x135: {  	s0 =	rddreg [dreg:$0x0];
	s2 =	stileid.u32  }
0x136: {  	s1 =	rddreg [dreg:$0x1];
	p0 =	sne.s32 s2, $0x0  }
0x137: {  	s3 =	rddreg [dreg:$0x2];
	[bflag:$0x3] =	sbarrier.arrive $0xFFFF;
	s2 =	simm.s32 @!p0 $0x1C15  }
0x138: {  	[timem:s3], [sflag:s2] =	dma.local @!p0 [hbm:s0], s1  }
0x139: {  	s0 =	simm.s32 @!p0 $0x15  }
0x13a: {  	_ =	swait.ge @!p0 [sflag:s0], s1  }
0x13b: {  	s1 =	ssub.s32 @!p0 $0x0, s1;
	[sflag:s0] =	ssyncset.done @!p0 $0x0  }
0x13c: {  	[sflag:s0] =	ssyncadd.s32 @!p0 s1  }
0x13d: {  	[bflag:$0x3] =	sbarrier.arrive $0xFFFF  }
0x13e: {  	_ =	shalt  }

// kernel: kernel.23.cloned.1.call-start
scs
__scs_entry_jumppad:
0x0: {  	(pc) =	sbr.rel $0x88, $3  }
0x1: {  	(tag) =	ssettag $0x0;
	lr =	simm.s32 $0x1  }
0x2: {  	[smem:$0x3F96] =	sst lr;
	_ =	strace $0xD0000000  }
0x3: {  	_ = 	snop  }
0x4: {  	_ = 	snop  }
0x5: {  	_ = 	snop  }
0x6: {  	_ = 	snop  }
0x7: {  	_ = 	snop  }
__scs_overlays_trampoline_lowered:
0x8: {  	[smem:$0x3FA5] =	sst s0  }
0x9: {  	[smem:$0x3FA6] =	sst s1  }
0xa: {  	[smem:$0x3FA7] =	sst s2  }
0xb: {  	[smem:$0x3FA8] =	sst s3  }
0xc: {  	[smem:$0x3FA9] =	sst s4  }
0xd: {  	[smem:$0x3FAA] =	sst s5  }
0xe: {  	[smem:$0x3FAB] =	sst s6  }
0xf: {  	[smem:$0x3FAC] =	sst s7  }
0x10: {  	[smem:$0x3FAD] =	sst s8  }
0x11: {  	[smem:$0x3FAE] =	sst s9;
	s0 =	simm.s32 @!p0 $0x0  }
0x12: {  	s1 =	sld [smem:$0x3F94];
	s0 =	simm.s32 @p0 $0x1  }
0x13: {  	[smem:$0x3FAF] =	sst s0;
	s0 =	simm.s32 @!p1 $0x0  }
0x14: {  	s2 =	sld [smem:$0x3F93];
	s0 =	simm.s32 @p1 $0x1  }
0x15: {  	[smem:$0x3FB0] =	sst s0;
	s0 =	simm.s32 @!p2 $0x0  }
0x16: {  	s3 =	sld [smem:$0x3FDB];
	s0 =	simm.s32 @p2 $0x1  }
0x17: {  	s4 =	simm.s32 $0x1BF5;
	[smem:$0x3FB2] =	sst s0  }
0x18: {  	s0 =	sld [smem:$0x3F95];
	_ =	swait.ge [sflag:s4], $0x0  }
0x19: {  	s7 =	sld [smem:$0x3F96]  }
0x1a: {  	s8 =	sadd.s32 $0xFFFFE003, lr  }
0x1b: {  	s9 =	sadd.s32 $0xFFFFFEF7, lr;
	s5 =	simm.s32 $0xFFFFFFFF;
	p2 =	slt.u32 s8, $0xFFFFF086  }
0x1c: {  	p1 =	slt.u32 s9, $0xF7A;
	s5 =	simm.s32 @!p2 $0x0  }
0x1d: {  	s5 =	simm.s32 @p1 $0x1;
	p0 =	seq.s32 s7, s2  }
0x1e: {  	s7 =	smul.u32 @!p0 $0xF7A, s2;
	p2 =	seq.s32 @!p0 s5, $0x0  }
0x1f: {  	s9 =	smul.u32 $0xF7A, s1;
	s8 =	simm.s32 @!p0 $0x1BF5;
	p2 =	por !p2, p0  }
0x20: {  	[sflag:s8] =	ssyncset.s32 @!p0 $0xFFFFF086;
	s6 =	sadd.s32 @!p0 s3, s7;
	s7 =	simm.s32 @!p0 $0x108  }
0x21: {  	s3 =	sadd.s32 s3, s9;
	s6 =	sadd.s32 @!p0 $0x88, s6;
	s7 =	simm.s32 @p2 $0x1082  }
0x22: {  	[simem:s7], [sflag:s8] =	dma.local @!p0 [hbm:s6], $0xF7A  }
0x23: {  	s9 =	sor.u32 $0xD0000000, s2;
	s6 =	simm.s32 $0x108;
	_ =	swait.ge @!p0 [sflag:s8], $0x0  }
0x24: {  	s3 =	sadd.s32 $0x88, s3;
	s6 =	simm.s32 @!p1 $0x1082;
	[sflag:s4] =	ssyncset.s32 $0xFFFFF086  }
0x25: {  	[simem:s6], [sflag:s4] =	dma.local [hbm:s3], $0xF7A  }
0x26: {  	[smem:$0x3F96] =	sst s1;
	(tag) =	ssettag s2;
	_ =	strace s9  }
0x27: {  	s1 =	sld [smem:$0x3FA6]  }
0x28: {  	s2 =	sld [smem:$0x3FA7]  }
0x29: {  	s4 =	sld [smem:$0x3FA9]  }
0x2a: {  	p0 =	seq.s32 s5, $0x0;
	s5 =	sld [smem:$0x3FAA]  }
0x2b: {  	s6 =	sld [smem:$0x3FAB]  }
0x2c: {  	s7 =	sld [smem:$0x3FAC]  }
0x2d: {  	s3 =	simm.s32 $0x108;
	s8 =	sld [smem:$0x3FAD]  }
0x2e: {  	s3 =	simm.s32 @!p0 $0x1082;
	s9 =	sld [smem:$0x3FAE]  }
0x2f: {  	lr =	sadd.s32 s0, s3;
	s0 =	sld [smem:$0x3FA5]  }
0x30: {  	s3 =	sld [smem:$0x3FA8]  }
0x31: {  	[smem:$0x3FB1] =	sst s10  }
0x32: {  	s10 =	sld [smem:$0x3FAF];
	_ =	sdelay $0x3  }
0x33: {  	p0 =	seq.s32 s10, $0x1;
	s10 =	sld [smem:$0x3FB1];
	_ =	sdelay $0x3  }
0x34: {  	[smem:$0x3FB1] =	sst s10  }
0x35: {  	s10 =	sld [smem:$0x3FB0];
	_ =	sdelay $0x3  }
0x36: {  	p1 =	seq.s32 s10, $0x1;
	s10 =	sld [smem:$0x3FB1];
	_ =	sdelay $0x3  }
0x37: {  	[smem:$0x3FB1] =	sst s10  }
0x38: {  	s10 =	sld [smem:$0x3FB2]  }
0x39: {  	_ = 	snop;
	(pc) =	sbr.ind lr, $3  }
0x3a: {  	_ = 	snop  }
0x3b: {  	_ = 	snop  }
0x3c: {  	p2 =	seq.s32 s10, $0x1;
	s10 =	sld [smem:$0x3FB1]  }
0x3d: {  	_ =	shalt  }
0x3e: {  	_ =	shalt  }
0x3f: {  	_ =	shalt  }
0x40: {  	_ =	shalt  }
0x41: {  	_ =	shalt  }
0x42: {  	_ =	shalt  }
0x43: {  	_ =	shalt  }
0x44: {  	_ =	shalt  }
0x45: {  	_ =	shalt  }
0x46: {  	_ =	shalt  }
0x47: {  	_ =	shalt  }
0x48: {  	_ =	shalt  }
0x49: {  	_ =	shalt  }
0x4a: {  	_ =	shalt  }
0x4b: {  	_ =	shalt  }
0x4c: {  	_ =	shalt  }
0x4d: {  	_ =	shalt  }
0x4e: {  	_ =	shalt  }
0x4f: {  	_ =	shalt  }
0x50: {  	_ =	shalt  }
0x51: {  	_ =	shalt  }
0x52: {  	_ =	shalt  }
0x53: {  	_ =	shalt  }
0x54: {  	_ =	shalt  }
0x55: {  	_ =	shalt  }
0x56: {  	_ =	shalt  }
0x57: {  	_ =	shalt  }
0x58: {  	_ =	shalt  }
0x59: {  	_ =	shalt  }
0x5a: {  	_ =	shalt  }
0x5b: {  	_ =	shalt  }
0x5c: {  	_ =	shalt  }
0x5d: {  	_ =	shalt  }
0x5e: {  	_ =	shalt  }
0x5f: {  	_ =	shalt  }
0x60: {  	_ =	shalt  }
0x61: {  	_ =	shalt  }
0x62: {  	_ =	shalt  }
0x63: {  	_ =	shalt  }
0x64: {  	_ =	shalt  }
0x65: {  	_ =	shalt  }
0x66: {  	_ =	shalt  }
0x67: {  	_ =	shalt  }
0x68: {  	_ =	shalt  }
0x69: {  	_ =	shalt  }
0x6a: {  	_ =	shalt  }
0x6b: {  	_ =	shalt  }
0x6c: {  	_ =	shalt  }
0x6d: {  	_ =	shalt  }
0x6e: {  	_ =	shalt  }
0x6f: {  	_ =	shalt  }
0x70: {  	_ =	shalt  }
0x71: {  	_ =	shalt  }
0x72: {  	_ =	shalt  }
0x73: {  	_ =	shalt  }
0x74: {  	_ =	shalt  }
0x75: {  	_ =	shalt  }
0x76: {  	_ =	shalt  }
0x77: {  	_ =	shalt  }
0x78: {  	_ =	shalt  }
0x79: {  	_ =	shalt  }
0x7a: {  	_ =	shalt  }
0x7b: {  	_ =	shalt  }
0x7c: {  	_ =	shalt  }
0x7d: {  	_ =	shalt  }
0x7e: {  	_ =	shalt  }
0x7f: {  	_ =	shalt  }
0x80: {  	_ =	shalt  }
0x81: {  	_ =	shalt  }
0x82: {  	_ =	shalt  }
0x83: {  	_ =	shalt  }
0x84: {  	_ =	shalt  }
0x85: {  	_ =	shalt  }
0x86: {  	_ =	shalt  }
0x87: {  	_ =	shalt  }
.Lfunc_end0:
.L_simem_size_0:
called_computation.2_lowered:
.L_overlay_start_0:
0x88: {  	s2 =	sld [smem:$0x3FD9]  }
0x89: {  	s3 =	sld [smem:$0x3FFE];
	_ =	sdelay $0x1  }
0x8a: {  	s1 =	srdreg.scid  }
0x8b: {  	s0 =	sand.u32 $0x1, s1  }
0x8c: {  	s17 =	sshll.u32 s0, $0xA;
	s2 =	sadd.s32 s3, s2  }
0x8d: {  	s2 =	sadd.s32 s2, s17  }
0x8e: {  	[smem:$0x3FBD] =	sst s2  }
0x8f: {  	_ = 	snop  }
0x90: {  	s2 =	sld [smem:$0x3FC7]  }
0x91: {  	s18 =	sld [smem:$0x3FC6];
	(tm) =	ssettm $0x1  }
0x92: {  	s4 =	sld [smem:$0x3FFB];
	_ =	sdelay $0x3  }
0x93: {  	_ =	strace s4  }
0x94: {  	s4 =	sld [smem:$0x3FFC];
	_ =	sdelay $0x3  }
0x95: {  	_ =	strace s4  }
0x96: {  	s4 =	sld [smem:$0x3FFD];
	_ =	sdelay $0x3  }
0x97: {  	_ =	strace s4  }
0x98: {  	_ =	strace $0x8FFFFFFF  }
0x99: {  	s19 =	sld [smem:$0x3FDB];
	_ =	sdelay $0x1  }
0x9a: {  	s5 =	simm.s32 $_scs_section_size  }
0x9b: {  	s6 =	simm.s32 $_size__tile_overlayer_lowered;
	s7 =	simm.s32 $_tile_overlayer_lowered  }
0x9c: {  	s22 =	simm.s32 $0x1BFF;
	s21 =	sshll.u32 s7, $0x1;
	s4 =	sadd.s32 s5, s19  }
0x9d: {  	s8 =	simm.s32 $0x0;
	s20 =	sshll.u32 s6, $0x1;
	s6 =	sadd.s32 s21, s4  }
0x9e: {  	[timem:s8], [sflag:s22] =	dma.local [hbm:s6], s20  }
0x9f: {  	_ =	swait.ge [sflag:s22], s20  }
0xa0: {  	s5 =	ssub.s32 $0x0, s20;
	[sflag:s22] =	ssyncset.done $0x0  }
0xa1: {  	[sflag:s22] =	ssyncadd.s32 s5;
	_ =	sdelay $0x1  }
0xa2: {  	s23 =	simm.s32 $0x1B8B  }
0xa3: {  	_ =	swait.ge [sflag:s23], $0x1  }
0xa4: {  	[sflag:s23] =	ssyncset.done $0x0  }
0xa5: {  	s25 =	simm.s32 $0x1B8E;
	s24 =	sld [smem:$0x3FFE];
	[sflag:s23] =	ssyncadd.s32 $0xFFFFFFFF  }
0xa6: {  	s26 =	simm.s32 $execute0_lowered;
	[smem:$0x3FD2] =	sst s25  }
0xa7: {  	s6 =	sshll.u32 s26, $0x1;
	_ =	strace $0x8000004C;
	[dreg:$0x1] =	wrdreg $0xFFFFFFFF  }
0xa8: {  	s28 =	simm.s32 $_size_execute0_lowered;
	s4 =	sadd.s32 s4, s6;
	[dreg:$0x0] =	wrdreg $0x0  }
0xa9: {  	s6 =	sshll.u32 s28, $0x1;
	[dreg:$0x2] =	wrdreg s4  }
0xaa: {  	[dreg:$0x3] =	wrdreg s6  }
0xab: {  	[dreg:$0x4] =	wrdreg $0xC0  }
0xac: {  	_ =	task [dreg:s8], $0x5FFFF  }
0xad: {  	[dreg:$0x1] =	wrdreg $0xFFFFFFFF  }
0xae: {  	[dreg:$0x0] =	wrdreg $0x60  }
0xaf: {  	[dreg:$0x2] =	wrdreg s24  }
0xb0: {  	[dreg:$0x3] =	wrdreg s2  }
0xb1: {  	[dreg:$0x4] =	wrdreg s18  }
0xb2: {  	[dreg:$0x5] =	wrdreg $0xA1400  }
0xb3: {  	[dreg:$0x6] =	wrdreg $0x9  }
0xb4: {  	_ =	task.clear_ibuf [dreg:s8], $0x7FFFF;
	_ =	strace $0x9000004C  }
0xb5: {  	s29 =	simm.s32 $0x9;
	_ =	strace $0x8000004E  }
0xb6: {  	_ =	swait.ge [sflag:s29], $0x1  }
0xb7: {  	[sflag:s29] =	ssyncadd.s32 $0xFFFFFFFF  }
0xb8: {  	_ =	strace $0x9000004E  }
0xb9: {  	_ =	sfence  }
0xba: {  	s30 =	sld [smem:$0x0];
	_ =	sdelay $0x2  }
0xbb: {  	s31 =	sshll.u32 s1, $0xD;
	s1 =	sshrl.u32 s1, $0x2  }
0xbc: {  	s3 =	sand.u32 $0x4000, s31;
	s1 =	sadd.s32 s1, s30  }
0xbd: {  	s0 =	sor.u32 s3, s0;
	s1 =	sshll.u32 s1, $0x11  }
0xbe: {  	s0 =	sor.u32 s1, s0  }
0xbf: {  	s0 =	sadd.s32 $0x8F2B, s0  }
0xc0: {  	[sflag:s0] =	ssyncadd.remote.s32 $0x1  }
0xc1: {  	_ =	sfence.sel $0xFFFF  }
0xc2: {  	[dreg:$0x0] =	wrdreg $0xFFFFFFFF;
	(pc) =	sbr.abs _section_cstart, $3  }
0xc3: {  	[dreg:$0x1] =	wrdreg $0xFFFFFFFF  }
0xc4: {  	_ =	task.clear_ibuf [dreg:s8], $0x2FFFF;
	_ =	strace $0x9FFFFFFF  }
0xc5: {  	(tm) =	ssettm $0x7FFFFFFF  }
tec
execute0_lowered:
.L_overlay_start_1:
0x0: {  	(tag) =	ssettag $0x1  }
0x1: {  	s0 =	rddreg [dreg:$0x0]  }
0x2: {  	s1 =	rddreg [dreg:$0x1]  }
0x3: {  	s3 =	rddreg [dreg:$0x2]  }
0x4: {  	s4 =	rddreg [dreg:$0x3]  }
0x5: {  	s2 =	srdreg.scid;
	s12 =	stileid.u32;
	s5 =	simm.s32 $0x0  }
0x6: {  	s19 =	simm.s32 $0x15;
	s17 =	simm.s32 $0x28;
	s13 =	simm.s32 $0x4  }
0x7: {  	s31 =	simm.s32 $0xA;
	s14 =	simm.s32 $0xB;
	s15 =	simm.s32 $0xF  }
0x8: {  	s30 =	simm.s32 $0x10;
	s29 =	simm.s32 $0x118;
	s28 =	simm.s32 $0x78  }
0x9: {  	s8 =	smul.u32 $0x13880, s12;
	[smem:$0x7FF] =	sst s5;
	s6 =	sadd.s32 $0xD3400, s0  }
0xa: {  	s2 =	sand.u32 $0x1, s2;
	s7 =	sadd.s32 $0x18AE00, s0;
	s11 =	sadd.s32 $0x138C00, s0  }
0xb: {  	s24 =	sshll.u32 s12, $0x6;
	s25 =	smul.u32 $0x4E20, s12;
	s12 =	simm.s32 $0xC  }
0xc: {  	s20 =	simm.s32 $0x0;
	s9 =	smul.u32 $0x138800, s2;
	_ =	strace $0x8000004D  }
0xd: {  	s10 =	ssub.s32 $0x2, s2;
	[dreg:$0x5] =	wrdreg s11;
	s16 =	sor.u32 $0x1C15, s24  }
0xe: {  	s11 =	smul.u32 $0x1400000, s2;
	s2 =	simm.s32 $0x7;
	s24 =	simm.s32 $0x50  }
0xf: {  	s22 =	sshrl.u32 s10, $0x1;
	[dreg:$0x7] =	wrdreg s25;
	s25 =	simm.s32 $0x9  }
0x10: {  	[dreg:$0x6] =	wrdreg s16;
	s9 =	sadd.s32 s8, s9;
	s23 =	ssub.s32 s10, s22  }
0x11: {  	s8 =	sadd.s32 s8, s4;
	s22 =	simm.s32 $0xA0;
	s9 =	sshrl.u32 s9, $0x3  }
0x12: {  	s26 =	smax.u32 s23, $0x1;
	s18 =	sshrl.u32 s8, $0x3;
	s23 =	simm.s32 $0xC8  }
0x13: {  	s8 =	simm.s32 $0xE;
	s0 =	sadd.s32 s9, s0;
	[dreg:$0x9] =	wrdreg s26  }
0x14: {  	s9 =	simm.s32 $0x8;
	[dreg:$0xa] =	wrdreg s18;
	s0 =	sadd.s32 $0x13B400, s0  }
0x15: {  	s26 =	simm.s32 $0xD;
	[dreg:$0x8] =	wrdreg s0;
	s0 =	simm.s32 $0x3  }
.LBB2_1:
0x16: {  	[dreg:$0xb] =	wrdreg s20  }
0x17: {  	s10 =	rddreg [dreg:$0x5]  }
0x18: {  	[spmem:s18], [sflag:s16] =	dma.local [hbm:s10], $0x2710  }
0x19: {  	_ =	swait.ge [sflag:s19], $0x2710  }
0x1a: {  	[sflag:s19] =	ssyncset.done $0x0  }
0x1b: {  	[sflag:s19] =	ssyncadd.s32 $0xFFFFD8F0  }
0x1c: {  	s10 =	simm.s32 $0x0;
	[bflag:$0x0] =	sbarrier.arrive $0xFFFF  }
.LBB2_2:
0x1d: {  	s16 =	smul.u32 $0xA0, s10;
	p0 =	seq.s32 s10, $0x0  }
0x1e: {  	s19 =	rddreg [dreg:$0x7];
	s18 =	simm.s32 @!p0 $0x11  }
0x1f: {  	s16 =	sadd.s32 s19, s16;
	_ =	swait.ge @!p0 [sflag:s18], $0x1400  }
0x20: {  	[sflag:s18] =	ssyncset.done @!p0 $0x0;
	s19 =	sshrl.u32 s16, $0x3  }
0x21: {  	[sflag:s18] =	ssyncadd.s32 @!p0 $0xFFFFEC00;
	s21 =	sadd.s32 s1, s19  }
0x22: {  	[tilespmem:s5], [sflag:$0x1] =	stream.linear.gather [hbm4b:s21+s5], $0x28, $0x38;
	[tilespmem:$0x1D9C0] =	vst v63  }
0x23: {  	s20 =	sadd.s32 s3, s19;
	s18 =	simm.s32 @!p0 $0x12  }
0x24: {  	[tilespmem:s22], [sflag:$0x5] =	stream.linear.gather [hbm4b:s20+s5], $0x28, $0x38;
	[tilespmem:$0x1D9C0] =	vst v63  }
0x25: {  	s19 =	sadd.s32 $0x28, s16;
	_ =	swait.ge @!p0 [sflag:s18], $0x1400  }
0x26: {  	s20 =	sshrl.u32 s19, $0x3;
	[sflag:s18] =	ssyncset.done @!p0 $0x0  }
0x27: {  	s21 =	sadd.s32 s1, s20;
	[sflag:s18] =	ssyncadd.s32 @!p0 $0xFFFFEC00  }
0x28: {  	[tilespmem:s17], [sflag:$0x2] =	stream.linear.gather [hbm4b:s21+s5], $0x28, $0x38;
	[tilespmem:$0x1D9C0] =	vst v63  }
0x29: {  	s22 =	sadd.s32 s3, s20;
	s18 =	simm.s32 @!p0 $0x13  }
0x2a: {  	[tilespmem:s23], [sflag:$0x6] =	stream.linear.gather [hbm4b:s22+s5], $0x28, $0x38;
	[tilespmem:$0x1D9C0] =	vst v63  }
0x2b: {  	s20 =	sadd.s32 $0x50, s16;
	_ =	swait.ge @!p0 [sflag:s18], $0x1400  }
0x2c: {  	s21 =	sshrl.u32 s20, $0x3;
	[sflag:s18] =	ssyncset.done @!p0 $0x0  }
0x2d: {  	s23 =	sadd.s32 s1, s21;
	[sflag:s18] =	ssyncadd.s32 @!p0 $0xFFFFEC00  }
0x2e: {  	[tilespmem:s24], [sflag:$0x3] =	stream.linear.gather [hbm4b:s23+s5], $0x28, $0x38;
	[tilespmem:$0x1D9C0] =	vst v63  }
0x2f: {  	s22 =	sadd.s32 s3, s21;
	s18 =	simm.s32 @!p0 $0x14;
	s23 =	simm.s32 $0xF0  }
0x30: {  	[tilespmem:s23], [sflag:$0x7] =	stream.linear.gather [hbm4b:s22+s5], $0x28, $0x38;
	[tilespmem:$0x1D9C0] =	vst v63  }
0x31: {  	s21 =	sadd.s32 $0x78, s16;
	_ =	swait.ge @!p0 [sflag:s18], $0x1400  }
0x32: {  	s22 =	sshrl.u32 s21, $0x3;
	[sflag:s18] =	ssyncset.done @!p0 $0x0  }
0x33: {  	s23 =	simm.s32 $0x0;
	[sflag:s18] =	ssyncadd.s32 @!p0 $0xFFFFEC00;
	s18 =	sadd.s32 s1, s22  }
0x34: {  	[tilespmem:s28], [sflag:$0x4] =	stream.linear.gather [hbm4b:s18+s23], $0x28, $0x38;
	[tilespmem:$0x1D9C0] =	vst v63  }
0x35: {  	s22 =	sadd.s32 s3, s22  }
0x36: {  	[tilespmem:s29], [sflag:$0x8] =	stream.linear.gather [hbm4b:s22+s23], $0x28, $0x38;
	[tilespmem:$0x1D9C0] =	vst v63  }
0x37: {  	s22 =	simm.s32 $0x1  }
0x38: {  	_ =	swait.ge [sflag:s22], $0x28  }
0x39: {  	[sflag:s22] =	ssyncset.done $0x0  }
0x3a: {  	[sflag:s22] =	ssyncadd.s32 $0xFFFFFFD8;
	s22 =	simm.s32 $0x5  }
0x3b: {  	s16 =	sshll.u32 s16, $0x6;
	_ =	swait.ge [sflag:s22], $0x28  }
0x3c: {  	s16 =	sadd.s32 s11, s16;
	[sflag:s22] =	ssyncset.done $0x0  }
0x3d: {  	s16 =	sshrl.u32 s16, $0x3;
	[sflag:s22] =	ssyncadd.s32 $0xFFFFFFD8;
	s22 =	simm.s32 $0x2940  }
0x3e: {  	[tilespmem:s22], [sflag:$0x9] =	stream.indirect.gather [hbm4b:s6+s17], $0x40, s23, s17, $0xb8;
	[tilespmem:$0x1D9C0] =	vst v63  }
0x3f: {  	s16 =	sadd.s32 s7, s16;
	s22 =	simm.s32 $0x140  }
0x40: {  	[tilespmem:s22], [sflag:$0xD] =	stream.linear.gather [hbm4b:s16+s23], $0xA00, $0x38;
	[tilespmem:$0x1D9C0] =	vst v63  }
0x41: {  	s22 =	simm.s32 $0x2  }
0x42: {  	_ =	swait.ge [sflag:s22], $0x28  }
0x43: {  	[sflag:s22] =	ssyncset.done $0x0  }
0x44: {  	s18 =	simm.s32 $0x6;
	[sflag:s22] =	ssyncadd.s32 $0xFFFFFFD8  }
0x45: {  	_ =	swait.ge [sflag:s18], $0x28  }
0x46: {  	[sflag:s18] =	ssyncset.done $0x0  }
0x47: {  	s22 =	simm.s32 $0x3340;
	[sflag:s18] =	ssyncadd.s32 $0xFFFFFFD8;
	s18 =	sshll.u32 s19, $0x6  }
0x48: {  	[tilespmem:s22], [sflag:$0xA] =	stream.indirect.gather [hbm4b:s6+s17], $0x40, s17, s17, $0xb8;
	[tilespmem:$0x1D9C0] =	vst v63  }
0x49: {  	s16 =	sadd.s32 s11, s18  }
0x4a: {  	s16 =	sshrl.u32 s16, $0x3  }
0x4b: {  	s19 =	simm.s32 $0xB40;
	s16 =	sadd.s32 s7, s16  }
0x4c: {  	[tilespmem:s19], [sflag:$0xE] =	stream.linear.gather [hbm4b:s16+s23], $0xA00, $0x38;
	[tilespmem:$0x1D9C0] =	vst v63  }
0x4d: {  	_ =	swait.ge [sflag:s0], $0x28  }
0x4e: {  	[sflag:s0] =	ssyncset.done $0x0  }
0x4f: {  	[sflag:s0] =	ssyncadd.s32 $0xFFFFFFD8  }
0x50: {  	s18 =	sshll.u32 s20, $0x6;
	_ =	swait.ge [sflag:s2], $0x28  }
0x51: {  	s16 =	sadd.s32 s11, s18;
	[sflag:s2] =	ssyncset.done $0x0  }
0x52: {  	s22 =	simm.s32 $0x3D40;
	s16 =	sshrl.u32 s16, $0x3;
	[sflag:s2] =	ssyncadd.s32 $0xFFFFFFD8  }
0x53: {  	[tilespmem:s22], [sflag:$0xB] =	stream.indirect.gather [hbm4b:s6+s17], $0x40, s24, s17, $0xb8;
	[tilespmem:$0x1D9C0] =	vst v63  }
0x54: {  	s19 =	simm.s32 $0x1540;
	s16 =	sadd.s32 s7, s16  }
0x55: {  	[tilespmem:s19], [sflag:$0xF] =	stream.linear.gather [hbm4b:s16+s23], $0xA00, $0x38;
	[tilespmem:$0x1D9C0] =	vst v63  }
0x56: {  	_ =	swait.ge [sflag:s13], $0x28  }
0x57: {  	[sflag:s13] =	ssyncset.done $0x0  }
0x58: {  	[sflag:s13] =	ssyncadd.s32 $0xFFFFFFD8  }
0x59: {  	s21 =	sshll.u32 s21, $0x6;
	_ =	swait.ge [sflag:s9], $0x28  }
0x5a: {  	s16 =	sadd.s32 s11, s21;
	[sflag:s9] =	ssyncset.done $0x0  }
0x5b: {  	s20 =	simm.s32 $0x4740;
	s16 =	sshrl.u32 s16, $0x3;
	[sflag:s9] =	ssyncadd.s32 $0xFFFFFFD8  }
0x5c: {  	[tilespmem:s20], [sflag:$0xC] =	stream.indirect.gather [hbm4b:s6+s17], $0x40, s28, s17, $0xb8;
	[tilespmem:$0x1D9C0] =	vst v63  }
0x5d: {  	s22 =	simm.s32 $0x1F40;
	s16 =	sadd.s32 s7, s16  }
0x5e: {  	[tilespmem:s22], [sflag:$0x10] =	stream.linear.gather [hbm4b:s16+s23], $0xA00, $0x38;
	[tilespmem:$0x1D9C0] =	vst v63  }
0x5f: {  	_ =	swait.ge [sflag:s25], $0xA00  }
0x60: {  	[sflag:s25] =	ssyncset.done $0x0  }
0x61: {  	[sflag:s25] =	ssyncadd.s32 $0xFFFFF600  }
0x62: {  	_ =	swait.ge [sflag:s26], $0xA00  }
0x63: {  	[sflag:s26] =	ssyncset.done $0x0  }
0x64: {  	s20 =	simm.s32 $0x0;
	[sflag:s26] =	ssyncadd.s32 $0xFFFFF600  }
0x65: {  	s18 =	simm.s32 $0x5180;
	s19 =	simm.s32 $0x100;
	s16 =	simm.s32 $0x5180;
	v0 =	vld [tilespmem:s20+$0x2970]  }
.LBB2_3:
0x66: {  	p0 =	sne.s32 s19, $0x2700  }
0x67: {  	v1 =	vld [tilespmem:s20+$0x140];
	s18 =	sadd.s32 $0x80, s18;
	s21 =	smov.u32 s19;
	s19 =	sadd.s32 $0x100, s19  }
0x68: {  	v2 =	vld [tilespmem:s20+$0x170]  }
0x69: {  	v3 =	vld [tilespmem:s20+$0x160]  }
0x6a: {  	v4 =	vld [tilespmem:s20+$0x2940]  }
0x6b: {  	v5 =	vld [tilespmem:s20+$0x150]  }
0x6c: {  	v6 =	vld [tilespmem:s20+$0x2960];
	v7 =	vand.u32 $0xFFFF0000, v1  }
0x6d: {  	v9 =	vand.u32 $0xFFFF0000, v0;
	v1 =	vshll.u32 v1, $0x10;
	v8 =	vld [tilespmem:s20+$0x2950]  }
0x6e: {  	v0 =	vshll.u32 v0, $0x10;
	v10 =	vshll.u32 v2, $0x10;
	v11 =	vand.u32 $0xFFFF0000, v3  }
0x6f: {  	v2 =	vand.u32 $0xFFFF0000, v2;
	v0 =	vmul.f32 v0, v10;
	v10 =	vand.u32 $0xFFFF0000, v4  }
0x70: {  	v2 =	vmul.f32 v9, v2;
	v12 =	vshll.u32 v5, $0x10;
	v5 =	vand.u32 $0xFFFF0000, v5  }
0x71: {  	s20 =	sshra.s32 s21, $0x2;
	v4 =	vshll.u32 v4, $0x10;
	v7 =	vmul.f32 v10, v7;
	v9 =	vand.u32 $0xFFFF0000, v6;
	[tilespmem:s16+$0x20] =	vst v0  }
0x72: {  	v0 =	vshll.u32 v3, $0x10;
	v3 =	vshll.u32 v6, $0x10;
	v6 =	vmul.f32 v9, v11;
	[tilespmem:s16+$0x30] =	vst v2  }
0x73: {  	v1 =	vmul.f32 v4, v1;
	v2 =	vshll.u32 v8, $0x10;
	v4 =	vand.u32 $0xFFFF0000, v8;
	[tilespmem:s16+$0xFFFFFFD0] =	vst v7  }
0x74: {  	v0 =	vmul.f32 v3, v0;
	v2 =	vmul.f32 v2, v12;
	[tilespmem:s16+$0x10] =	vst v6  }
.Ltmp0:
0x75: {  	v3 =	vmul.f32 v4, v5;
	[tilespmem:s16+$0xFFFFFFC0] =	vst v1;
	(pc) =	sbr.rel @p0 .LBB2_3-.Ltmp0, $4  }
0x76: {  	[tilespmem:s16+$0x0] =	vst v0  }
0x77: {  	[tilespmem:s16+$0xFFFFFFF0] =	vst v3  }
0x78: {  	[tilespmem:s16+$0xFFFFFFE0] =	vst v2;
	s16 =	smov.u32 s18  }
0x79: {  	v0 =	vld [tilespmem:s20+$0x2970]  }
0x7a: {  	v1 =	vld [tilespmem:s20+$0x140]  }
0x7b: {  	v2 =	vld [tilespmem:s20+$0x170]  }
0x7c: {  	v3 =	vld [tilespmem:s20+$0x160]  }
0x7d: {  	v4 =	vld [tilespmem:s20+$0x2940]  }
0x7e: {  	v5 =	vld [tilespmem:s20+$0x2960]  }
0x7f: {  	v6 =	vld [tilespmem:s20+$0x150]  }
0x80: {  	v9 =	vld [tilespmem:s20+$0x2950];
	v8 =	vshll.u32 v0, $0x10;
	v7 =	vshll.u32 v2, $0x10  }
0x81: {  	v0 =	vand.u32 $0xFFFF0000, v0;
	v2 =	vand.u32 $0xFFFF0000, v2;
	v7 =	vmul.f32 v8, v7  }
0x82: {  	v60 =	vand.u32 $0xFFFF0000, v1;
	v10 =	vand.u32 $0xFFFF0000, v4;
	v0 =	vmul.f32 v0, v2  }
0x83: {  	v1 =	vshll.u32 v1, $0x10;
	v4 =	vshll.u32 v4, $0x10;
	v8 =	vmul.f32 v10, v60;
	[tilespmem:s16+$0x20] =	vst v7  }
0x84: {  	v61 =	vand.u32 $0xFFFF0000, v5;
	v2 =	vand.u32 $0xFFFF0000, v3;
	v1 =	vmul.f32 v4, v1;
	[tilespmem:s16+$0x30] =	vst v0  }
0x85: {  	v62 =	vand.u32 $0xFFFF0000, v6;
	v63 =	vand.u32 $0xFFFF0000, v9;
	v2 =	vmul.f32 v61, v2;
	[tilespmem:s16+$0xFFFFFFD0] =	vst v8  }
0x86: {  	v4 =	vmul.f32 v63, v62;
	v0 =	vshll.u32 v3, $0x10;
	v3 =	vshll.u32 v5, $0x10;
	[tilespmem:s16+$0xFFFFFFC0] =	vst v1  }
0x87: {  	v0 =	vmul.f32 v3, v0;
	[tilespmem:s16+$0x10] =	vst v2;
	v2 =	vshll.u32 v6, $0x10;
	v3 =	vshll.u32 v9, $0x10  }
0x88: {  	[tilespmem:s16+$0xFFFFFFF0] =	vst v4;
	v1 =	vmul.f32 v3, v2  }
0x89: {  	[tilespmem:s16+$0x0] =	vst v0  }
0x8a: {  	s22 =	simm.s32 $0xA0;
	s23 =	simm.s32 $0x5140;
	[tilespmem:s16+$0xFFFFFFE0] =	vst v1  }
0x8b: {  	[spmem:s4] =	stream.indirect.scatter.add.f32 [tilespmem:s23], [sflag:$0x11], $0x80, s22, s17, $0xb8;
	[tilespmem:$0x1D9C0] =	vst v63  }
0x8c: {  	_ =	swait.ge [sflag:s31], $0xA00  }
0x8d: {  	[sflag:s31] =	ssyncset.done $0x0  }
0x8e: {  	[sflag:s31] =	ssyncadd.s32 $0xFFFFF600  }
0x8f: {  	_ =	swait.ge [sflag:s8], $0xA00  }
0x90: {  	[sflag:s8] =	ssyncset.done $0x0  }
0x91: {  	s20 =	simm.s32 $0x0;
	[sflag:s8] =	ssyncadd.s32 $0xFFFFF600  }
0x92: {  	s18 =	simm.s32 $0x6580;
	s19 =	simm.s32 $0x100;
	s16 =	simm.s32 $0x6580;
	v0 =	vld [tilespmem:s20+$0x3370]  }
.LBB2_5:
0x93: {  	p0 =	sne.s32 s19, $0x2700  }
0x94: {  	v1 =	vld [tilespmem:s20+$0xB40];
	s18 =	sadd.s32 $0x80, s18;
	s21 =	smov.u32 s19;
	s19 =	sadd.s32 $0x100, s19  }
0x95: {  	v2 =	vld [tilespmem:s20+$0xB70]  }
0x96: {  	v3 =	vld [tilespmem:s20+$0xB60]  }
0x97: {  	v4 =	vld [tilespmem:s20+$0x3340]  }
0x98: {  	v5 =	vld [tilespmem:s20+$0xB50]  }
0x99: {  	v6 =	vld [tilespmem:s20+$0x3360];
	v7 =	vand.u32 $0xFFFF0000, v1  }
0x9a: {  	v9 =	vand.u32 $0xFFFF0000, v0;
	v1 =	vshll.u32 v1, $0x10;
	v8 =	vld [tilespmem:s20+$0x3350]  }
0x9b: {  	v0 =	vshll.u32 v0, $0x10;
	v10 =	vshll.u32 v2, $0x10;
	v11 =	vand.u32 $0xFFFF0000, v3  }
0x9c: {  	v2 =	vand.u32 $0xFFFF0000, v2;
	v0 =	vmul.f32 v0, v10;
	v10 =	vand.u32 $0xFFFF0000, v4  }
0x9d: {  	v2 =	vmul.f32 v9, v2;
	v12 =	vshll.u32 v5, $0x10;
	v5 =	vand.u32 $0xFFFF0000, v5  }
0x9e: {  	s20 =	sshra.s32 s21, $0x2;
	v4 =	vshll.u32 v4, $0x10;
	v7 =	vmul.f32 v10, v7;
	v9 =	vand.u32 $0xFFFF0000, v6;
	[tilespmem:s16+$0x20] =	vst v0  }
0x9f: {  	v0 =	vshll.u32 v3, $0x10;
	v3 =	vshll.u32 v6, $0x10;
	v6 =	vmul.f32 v9, v11;
	[tilespmem:s16+$0x30] =	vst v2  }
0xa0: {  	v1 =	vmul.f32 v4, v1;
	v2 =	vshll.u32 v8, $0x10;
	v4 =	vand.u32 $0xFFFF0000, v8;
	[tilespmem:s16+$0xFFFFFFD0] =	vst v7  }
0xa1: {  	v0 =	vmul.f32 v3, v0;
	v2 =	vmul.f32 v2, v12;
	[tilespmem:s16+$0x10] =	vst v6  }
.Ltmp1:
0xa2: {  	v3 =	vmul.f32 v4, v5;
	[tilespmem:s16+$0xFFFFFFC0] =	vst v1;
	(pc) =	sbr.rel @p0 .LBB2_5-.Ltmp1, $4  }
0xa3: {  	[tilespmem:s16+$0x0] =	vst v0  }
0xa4: {  	[tilespmem:s16+$0xFFFFFFF0] =	vst v3  }
0xa5: {  	[tilespmem:s16+$0xFFFFFFE0] =	vst v2;
	s16 =	smov.u32 s18  }
0xa6: {  	v0 =	vld [tilespmem:s20+$0x3370]  }
0xa7: {  	v1 =	vld [tilespmem:s20+$0xB40]  }
0xa8: {  	v2 =	vld [tilespmem:s20+$0xB70]  }
0xa9: {  	v3 =	vld [tilespmem:s20+$0xB60]  }
0xaa: {  	v4 =	vld [tilespmem:s20+$0x3340]  }
0xab: {  	v5 =	vld [tilespmem:s20+$0x3360]  }
0xac: {  	v6 =	vld [tilespmem:s20+$0xB50]  }
0xad: {  	v9 =	vld [tilespmem:s20+$0x3350];
	v8 =	vshll.u32 v0, $0x10;
	v7 =	vshll.u32 v2, $0x10  }
0xae: {  	v0 =	vand.u32 $0xFFFF0000, v0;
	v2 =	vand.u32 $0xFFFF0000, v2;
	v7 =	vmul.f32 v8, v7  }
0xaf: {  	v60 =	vand.u32 $0xFFFF0000, v1;
	v10 =	vand.u32 $0xFFFF0000, v4;
	v0 =	vmul.f32 v0, v2  }
0xb0: {  	v1 =	vshll.u32 v1, $0x10;
	v4 =	vshll.u32 v4, $0x10;
	v8 =	vmul.f32 v10, v60;
	[tilespmem:s16+$0x20] =	vst v7  }
0xb1: {  	v61 =	vand.u32 $0xFFFF0000, v5;
	v2 =	vand.u32 $0xFFFF0000, v3;
	v1 =	vmul.f32 v4, v1;
	[tilespmem:s16+$0x30] =	vst v0  }
0xb2: {  	v62 =	vand.u32 $0xFFFF0000, v6;
	v63 =	vand.u32 $0xFFFF0000, v9;
	v2 =	vmul.f32 v61, v2;
	[tilespmem:s16+$0xFFFFFFD0] =	vst v8  }
0xb3: {  	v4 =	vmul.f32 v63, v62;
	v0 =	vshll.u32 v3, $0x10;
	v3 =	vshll.u32 v5, $0x10;
	[tilespmem:s16+$0xFFFFFFC0] =	vst v1  }
0xb4: {  	v0 =	vmul.f32 v3, v0;
	[tilespmem:s16+$0x10] =	vst v2;
	v2 =	vshll.u32 v6, $0x10;
	v3 =	vshll.u32 v9, $0x10  }
0xb5: {  	[tilespmem:s16+$0xFFFFFFF0] =	vst v4;
	v1 =	vmul.f32 v3, v2  }
0xb6: {  	[tilespmem:s16+$0x0] =	vst v0  }
0xb7: {  	s23 =	simm.s32 $0xC8;
	s21 =	simm.s32 $0x6540;
	[tilespmem:s16+$0xFFFFFFE0] =	vst v1  }
0xb8: {  	[spmem:s4] =	stream.indirect.scatter.add.f32 [tilespmem:s21], [sflag:$0x12], $0x80, s23, s17, $0xb8;
	[tilespmem:$0x1D9C0] =	vst v63  }
0xb9: {  	_ =	swait.ge [sflag:s14], $0xA00  }
0xba: {  	[sflag:s14] =	ssyncset.done $0x0  }
0xbb: {  	[sflag:s14] =	ssyncadd.s32 $0xFFFFF600  }
0xbc: {  	_ =	swait.ge [sflag:s15], $0xA00  }
0xbd: {  	[sflag:s15] =	ssyncset.done $0x0  }
0xbe: {  	s20 =	simm.s32 $0x0;
	[sflag:s15] =	ssyncadd.s32 $0xFFFFF600  }
0xbf: {  	s18 =	simm.s32 $0x7980;
	s19 =	simm.s32 $0x100;
	s16 =	simm.s32 $0x7980;
	v0 =	vld [tilespmem:s20+$0x3D70]  }
.LBB2_7:
0xc0: {  	p0 =	sne.s32 s19, $0x2700  }
0xc1: {  	v1 =	vld [tilespmem:s20+$0x1540];
	s18 =	sadd.s32 $0x80, s18;
	s21 =	smov.u32 s19;
	s19 =	sadd.s32 $0x100, s19  }
0xc2: {  	v2 =	vld [tilespmem:s20+$0x1570]  }
0xc3: {  	v3 =	vld [tilespmem:s20+$0x1560]  }
0xc4: {  	v4 =	vld [tilespmem:s20+$0x3D40]  }
0xc5: {  	v5 =	vld [tilespmem:s20+$0x1550]  }
0xc6: {  	v6 =	vld [tilespmem:s20+$0x3D60];
	v7 =	vand.u32 $0xFFFF0000, v1  }
0xc7: {  	v9 =	vand.u32 $0xFFFF0000, v0;
	v1 =	vshll.u32 v1, $0x10;
	v8 =	vld [tilespmem:s20+$0x3D50]  }
0xc8: {  	v0 =	vshll.u32 v0, $0x10;
	v10 =	vshll.u32 v2, $0x10;
	v11 =	vand.u32 $0xFFFF0000, v3  }
0xc9: {  	v2 =	vand.u32 $0xFFFF0000, v2;
	v0 =	vmul.f32 v0, v10;
	v10 =	vand.u32 $0xFFFF0000, v4  }
0xca: {  	v2 =	vmul.f32 v9, v2;
	v12 =	vshll.u32 v5, $0x10;
	v5 =	vand.u32 $0xFFFF0000, v5  }
0xcb: {  	s20 =	sshra.s32 s21, $0x2;
	v4 =	vshll.u32 v4, $0x10;
	v7 =	vmul.f32 v10, v7;
	v9 =	vand.u32 $0xFFFF0000, v6;
	[tilespmem:s16+$0x20] =	vst v0  }
0xcc: {  	v0 =	vshll.u32 v3, $0x10;
	v3 =	vshll.u32 v6, $0x10;
	v6 =	vmul.f32 v9, v11;
	[tilespmem:s16+$0x30] =	vst v2  }
0xcd: {  	v1 =	vmul.f32 v4, v1;
	v2 =	vshll.u32 v8, $0x10;
	v4 =	vand.u32 $0xFFFF0000, v8;
	[tilespmem:s16+$0xFFFFFFD0] =	vst v7  }
0xce: {  	v0 =	vmul.f32 v3, v0;
	v2 =	vmul.f32 v2, v12;
	[tilespmem:s16+$0x10] =	vst v6  }
.Ltmp2:
0xcf: {  	v3 =	vmul.f32 v4, v5;
	[tilespmem:s16+$0xFFFFFFC0] =	vst v1;
	(pc) =	sbr.rel @p0 .LBB2_7-.Ltmp2, $4  }
0xd0: {  	[tilespmem:s16+$0x0] =	vst v0  }
0xd1: {  	[tilespmem:s16+$0xFFFFFFF0] =	vst v3  }
0xd2: {  	[tilespmem:s16+$0xFFFFFFE0] =	vst v2;
	s16 =	smov.u32 s18  }
0xd3: {  	v0 =	vld [tilespmem:s20+$0x3D70]  }
0xd4: {  	v1 =	vld [tilespmem:s20+$0x1540]  }
0xd5: {  	v2 =	vld [tilespmem:s20+$0x1570]  }
0xd6: {  	v3 =	vld [tilespmem:s20+$0x1560]  }
0xd7: {  	v4 =	vld [tilespmem:s20+$0x3D40]  }
0xd8: {  	v5 =	vld [tilespmem:s20+$0x3D60]  }
0xd9: {  	v6 =	vld [tilespmem:s20+$0x1550]  }
0xda: {  	v9 =	vld [tilespmem:s20+$0x3D50];
	v8 =	vshll.u32 v0, $0x10;
	v7 =	vshll.u32 v2, $0x10  }
0xdb: {  	v0 =	vand.u32 $0xFFFF0000, v0;
	v2 =	vand.u32 $0xFFFF0000, v2;
	v7 =	vmul.f32 v8, v7  }
0xdc: {  	v60 =	vand.u32 $0xFFFF0000, v1;
	v10 =	vand.u32 $0xFFFF0000, v4;
	v0 =	vmul.f32 v0, v2  }
0xdd: {  	v1 =	vshll.u32 v1, $0x10;
	v4 =	vshll.u32 v4, $0x10;
	v8 =	vmul.f32 v10, v60;
	[tilespmem:s16+$0x20] =	vst v7  }
0xde: {  	v61 =	vand.u32 $0xFFFF0000, v5;
	v2 =	vand.u32 $0xFFFF0000, v3;
	v1 =	vmul.f32 v4, v1;
	[tilespmem:s16+$0x30] =	vst v0  }
0xdf: {  	v62 =	vand.u32 $0xFFFF0000, v6;
	v63 =	vand.u32 $0xFFFF0000, v9;
	v2 =	vmul.f32 v61, v2;
	[tilespmem:s16+$0xFFFFFFD0] =	vst v8  }
0xe0: {  	v4 =	vmul.f32 v63, v62;
	v0 =	vshll.u32 v3, $0x10;
	v3 =	vshll.u32 v5, $0x10;
	[tilespmem:s16+$0xFFFFFFC0] =	vst v1  }
0xe1: {  	v0 =	vmul.f32 v3, v0;
	[tilespmem:s16+$0x10] =	vst v2;
	v2 =	vshll.u32 v6, $0x10;
	v3 =	vshll.u32 v9, $0x10  }
0xe2: {  	[tilespmem:s16+$0xFFFFFFF0] =	vst v4;
	v1 =	vmul.f32 v3, v2  }
0xe3: {  	[tilespmem:s16+$0x0] =	vst v0  }
0xe4: {  	s21 =	simm.s32 $0xF0;
	s18 =	simm.s32 $0x7940;
	[tilespmem:s16+$0xFFFFFFE0] =	vst v1  }
0xe5: {  	[spmem:s4] =	stream.indirect.scatter.add.f32 [tilespmem:s18], [sflag:$0x13], $0x80, s21, s17, $0xb8;
	[tilespmem:$0x1D9C0] =	vst v63  }
0xe6: {  	_ =	swait.ge [sflag:s12], $0xA00  }
0xe7: {  	[sflag:s12] =	ssyncset.done $0x0  }
0xe8: {  	[sflag:s12] =	ssyncadd.s32 $0xFFFFF600  }
0xe9: {  	_ =	swait.ge [sflag:s30], $0xA00  }
0xea: {  	[sflag:s30] =	ssyncset.done $0x0  }
0xeb: {  	s20 =	simm.s32 $0x0;
	[sflag:s30] =	ssyncadd.s32 $0xFFFFF600  }
0xec: {  	s19 =	simm.s32 $0x100;
	s16 =	simm.s32 $0x8D80;
	s18 =	simm.s32 $0x8D80;
	v0 =	vld [tilespmem:s20+$0x4770]  }
.LBB2_9:
0xed: {  	p0 =	sne.s32 s19, $0x2700  }
0xee: {  	v1 =	vld [tilespmem:s20+$0x1F40];
	s18 =	sadd.s32 $0x80, s18;
	s21 =	smov.u32 s19;
	s19 =	sadd.s32 $0x100, s19  }
0xef: {  	v2 =	vld [tilespmem:s20+$0x1F70]  }
0xf0: {  	v3 =	vld [tilespmem:s20+$0x1F60]  }
0xf1: {  	v4 =	vld [tilespmem:s20+$0x4740]  }
0xf2: {  	v5 =	vld [tilespmem:s20+$0x1F50]  }
0xf3: {  	v6 =	vld [tilespmem:s20+$0x4760];
	v7 =	vand.u32 $0xFFFF0000, v1  }
0xf4: {  	v9 =	vand.u32 $0xFFFF0000, v0;
	v1 =	vshll.u32 v1, $0x10;
	v8 =	vld [tilespmem:s20+$0x4750]  }
0xf5: {  	v0 =	vshll.u32 v0, $0x10;
	v10 =	vshll.u32 v2, $0x10;
	v11 =	vand.u32 $0xFFFF0000, v3  }
0xf6: {  	v2 =	vand.u32 $0xFFFF0000, v2;
	v0 =	vmul.f32 v0, v10;
	v10 =	vand.u32 $0xFFFF0000, v4  }
0xf7: {  	v2 =	vmul.f32 v9, v2;
	v12 =	vshll.u32 v5, $0x10;
	v5 =	vand.u32 $0xFFFF0000, v5  }
0xf8: {  	s20 =	sshra.s32 s21, $0x2;
	v4 =	vshll.u32 v4, $0x10;
	v7 =	vmul.f32 v10, v7;
	v9 =	vand.u32 $0xFFFF0000, v6;
	[tilespmem:s16+$0x20] =	vst v0  }
0xf9: {  	v0 =	vshll.u32 v3, $0x10;
	v3 =	vshll.u32 v6, $0x10;
	v6 =	vmul.f32 v9, v11;
	[tilespmem:s16+$0x30] =	vst v2  }
0xfa: {  	v1 =	vmul.f32 v4, v1;
	v2 =	vshll.u32 v8, $0x10;
	v4 =	vand.u32 $0xFFFF0000, v8;
	[tilespmem:s16+$0xFFFFFFD0] =	vst v7  }
0xfb: {  	v0 =	vmul.f32 v3, v0;
	v2 =	vmul.f32 v2, v12;
	[tilespmem:s16+$0x10] =	vst v6  }
.Ltmp3:
0xfc: {  	v3 =	vmul.f32 v4, v5;
	[tilespmem:s16+$0xFFFFFFC0] =	vst v1;
	(pc) =	sbr.rel @p0 .LBB2_9-.Ltmp3, $4  }
0xfd: {  	[tilespmem:s16+$0x0] =	vst v0  }
0xfe: {  	[tilespmem:s16+$0xFFFFFFF0] =	vst v3  }
0xff: {  	[tilespmem:s16+$0xFFFFFFE0] =	vst v2;
	s16 =	smov.u32 s18  }
0x100: {  	v0 =	vld [tilespmem:s20+$0x4770]  }
0x101: {  	v1 =	vld [tilespmem:s20+$0x1F40]  }
0x102: {  	v2 =	vld [tilespmem:s20+$0x1F70]  }
0x103: {  	v3 =	vld [tilespmem:s20+$0x1F60]  }
0x104: {  	v4 =	vld [tilespmem:s20+$0x4740]  }
0x105: {  	v5 =	vld [tilespmem:s20+$0x4760]  }
0x106: {  	v6 =	vld [tilespmem:s20+$0x1F50]  }
0x107: {  	v9 =	vld [tilespmem:s20+$0x4750];
	v8 =	vshll.u32 v0, $0x10;
	v7 =	vshll.u32 v2, $0x10  }
0x108: {  	v53 =	vand.u32 $0xFFFF0000, v0;
	v2 =	vand.u32 $0xFFFF0000, v2;
	v7 =	vmul.f32 v8, v7  }
0x109: {  	v54 =	vand.u32 $0xFFFF0000, v1;
	v10 =	vand.u32 $0xFFFF0000, v4;
	v0 =	vmul.f32 v53, v2  }
0x10a: {  	v55 =	vand.u32 $0xFFFF0000, v3;
	v56 =	vand.u32 $0xFFFF0000, v5;
	v8 =	vmul.f32 v10, v54;
	[tilespmem:s16+$0x20] =	vst v7  }
0x10b: {  	v1 =	vshll.u32 v1, $0x10;
	v4 =	vshll.u32 v4, $0x10;
	v2 =	vmul.f32 v56, v55;
	[tilespmem:s16+$0x30] =	vst v0  }
0x10c: {  	s10 =	sadd.s32 $0x1, s10;
	v59 =	vand.u32 $0xFFFF0000, v6;
	v60 =	vand.u32 $0xFFFF0000, v9;
	v1 =	vmul.f32 v4, v1;
	[tilespmem:s16+$0xFFFFFFD0] =	vst v8  }
0x10d: {  	p0 =	sne.s32 s10, $0x7D;
	v61 =	vshll.u32 v6, $0x10;
	v62 =	vshll.u32 v9, $0x10;
	v4 =	vmul.f32 v60, v59;
	[tilespmem:s16+$0x10] =	vst v2  }
.Ltmp4:
0x10e: {  	v57 =	vshll.u32 v3, $0x10;
	v58 =	vshll.u32 v5, $0x10;
	v63 =	vmul.f32 v62, v61;
	[tilespmem:s16+$0xFFFFFFC0] =	vst v1;
	(pc) =	sbr.rel @p0 .LBB2_2-.Ltmp4, $4  }
0x10f: {  	v0 =	vmul.f32 v58, v57;
	[tilespmem:s16+$0xFFFFFFF0] =	vst v4  }
0x110: {  	[tilespmem:s16+$0xFFFFFFE0] =	vst v63  }
0x111: {  	s21 =	simm.s32 $0x118;
	s18 =	simm.s32 $0x8D40;
	[tilespmem:s16+$0x0] =	vst v0  }
0x112: {  	[spmem:s4] =	stream.indirect.scatter.add.f32 [tilespmem:s18], [sflag:$0x14], $0x80, s21, s17, $0xb8;
	[tilespmem:$0x1D9C0] =	vst v63  }
0x113: {  	s10 =	simm.s32 $0x11  }
0x114: {  	_ =	swait.ge [sflag:s10], $0x1400  }
0x115: {  	[sflag:s10] =	ssyncset.done $0x0  }
0x116: {  	s16 =	simm.s32 $0x12;
	[sflag:s10] =	ssyncadd.s32 $0xFFFFEC00  }
0x117: {  	_ =	swait.ge [sflag:s16], $0x1400  }
0x118: {  	[sflag:s16] =	ssyncset.done $0x0  }
0x119: {  	s18 =	simm.s32 $0x13;
	[sflag:s16] =	ssyncadd.s32 $0xFFFFEC00  }
0x11a: {  	_ =	swait.ge [sflag:s18], $0x1400  }
0x11b: {  	[sflag:s18] =	ssyncset.done $0x0  }
0x11c: {  	s19 =	simm.s32 $0x14;
	[sflag:s18] =	ssyncadd.s32 $0xFFFFEC00  }
0x11d: {  	_ =	swait.ge [sflag:s19], $0x1400  }
0x11e: {  	[sflag:s19] =	ssyncset.done $0x0  }
0x11f: {  	[sflag:s19] =	ssyncadd.s32 $0xFFFFEC00  }
0x120: {  	[bflag:$0x0] =	sbarrier.arrive $0xFFFF  }
0x121: {  	s16 =	rddreg [dreg:$0x6]  }
0x122: {  	s20 =	rddreg [dreg:$0x8]  }
0x123: {  	s19 =	simm.s32 $0x15;
	s18 =	rddreg [dreg:$0xa]  }
0x124: {  	[hbm:s20], [sflag:s16] =	dma.local [spmem:s18], $0x2710  }
0x125: {  	_ =	swait.ge [sflag:s19], $0x2710  }
0x126: {  	s20 =	rddreg [dreg:$0xb]  }
0x127: {  	s21 =	rddreg [dreg:$0x9];
	s20 =	sadd.s32 $0x1, s20  }
0x128: {  	p0 =	sne.s32 s20, s21  }
.Ltmp5:
0x129: {  	_ = 	snop;
	(pc) =	sbr.rel @p0 .LBB2_1-.Ltmp5, $3  }
0x12a: {  	_ =	sdelay $0x1  }
0x12b: {  	[sflag:s19] =	ssyncset.done $0x0  }
0x12c: {  	[sflag:s19] =	ssyncadd.s32 $0xFFFFD8F0  }
0x12d: {  	_ =	sfence.sel $0x180000  }
0x12e: {  	[bflag:$0x0] =	sbarrier.arrive $0xFFFF  }
0x12f: {  	_ =	strace $0x9000004D  }
0x130: {  	s0 =	stileid.u32;
	[bflag:$0x2] =	sbarrier.arrive $0xFFFF  }
0x131: {  	p0 =	sne.s32 s0, $0x0;
	s0 =	rddreg [dreg:$0x4]  }
0x132: {  	s0 =	sadd.s32 @!p0 $0x100000, s0  }
0x133: {  	[sflag:s0] =	ssyncadd.tile.s32 @!p0 $0x1;
	_ =	shalt  }
.Lfunc_end2:
_tile_overlayer_lowered:
.L_overlay_start_2:
0x134: {  	(tag) =	ssettag $0x2  }
0x135: {  	s0 =	rddreg [dreg:$0x0];
	s2 =	stileid.u32  }
0x136: {  	s1 =	rddreg [dreg:$0x1];
	p0 =	sne.s32 s2, $0x0  }
0x137: {  	s3 =	rddreg [dreg:$0x2];
	[bflag:$0x3] =	sbarrier.arrive $0xFFFF;
	s2 =	simm.s32 @!p0 $0x1C15  }
0x138: {  	[timem:s3], [sflag:s2] =	dma.local @!p0 [hbm:s0], s1  }
0x139: {  	s0 =	simm.s32 @!p0 $0x15  }
0x13a: {  	_ =	swait.ge @!p0 [sflag:s0], s1  }
0x13b: {  	s1 =	ssub.s32 @!p0 $0x0, s1;
	[sflag:s0] =	ssyncset.done @!p0 $0x0  }
0x13c: {  	[sflag:s0] =	ssyncadd.s32 @!p0 s1  }
0x13d: {  	[bflag:$0x3] =	sbarrier.arrive $0xFFFF  }
0x13e: {  	_ =	shalt  }

// kernel: kernel.26.cloned.1.call-start
scs
__scs_entry_jumppad:
0x0: {  	(pc) =	sbr.rel $0x88, $3  }
0x1: {  	(tag) =	ssettag $0x0;
	lr =	simm.s32 $0x1  }
0x2: {  	[smem:$0x3F96] =	sst lr;
	_ =	strace $0xD0000000  }
0x3: {  	_ = 	snop  }
0x4: {  	_ = 	snop  }
0x5: {  	_ = 	snop  }
0x6: {  	_ = 	snop  }
0x7: {  	_ = 	snop  }
__scs_overlays_trampoline_lowered:
0x8: {  	[smem:$0x3FA5] =	sst s0  }
0x9: {  	[smem:$0x3FA6] =	sst s1  }
0xa: {  	[smem:$0x3FA7] =	sst s2  }
0xb: {  	[smem:$0x3FA8] =	sst s3  }
0xc: {  	[smem:$0x3FA9] =	sst s4  }
0xd: {  	[smem:$0x3FAA] =	sst s5  }
0xe: {  	[smem:$0x3FAB] =	sst s6  }
0xf: {  	[smem:$0x3FAC] =	sst s7  }
0x10: {  	[smem:$0x3FAD] =	sst s8  }
0x11: {  	[smem:$0x3FAE] =	sst s9;
	s0 =	simm.s32 @!p0 $0x0  }
0x12: {  	s1 =	sld [smem:$0x3F94];
	s0 =	simm.s32 @p0 $0x1  }
0x13: {  	[smem:$0x3FAF] =	sst s0;
	s0 =	simm.s32 @!p1 $0x0  }
0x14: {  	s2 =	sld [smem:$0x3F93];
	s0 =	simm.s32 @p1 $0x1  }
0x15: {  	[smem:$0x3FB0] =	sst s0;
	s0 =	simm.s32 @!p2 $0x0  }
0x16: {  	s3 =	sld [smem:$0x3FDB];
	s0 =	simm.s32 @p2 $0x1  }
0x17: {  	s4 =	simm.s32 $0x1BF5;
	[smem:$0x3FB2] =	sst s0  }
0x18: {  	s0 =	sld [smem:$0x3F95];
	_ =	swait.ge [sflag:s4], $0x0  }
0x19: {  	s7 =	sld [smem:$0x3F96]  }
0x1a: {  	s8 =	sadd.s32 $0xFFFFE003, lr  }
0x1b: {  	s9 =	sadd.s32 $0xFFFFFEF7, lr;
	s5 =	simm.s32 $0xFFFFFFFF;
	p2 =	slt.u32 s8, $0xFFFFF086  }
0x1c: {  	p1 =	slt.u32 s9, $0xF7A;
	s5 =	simm.s32 @!p2 $0x0  }
0x1d: {  	s5 =	simm.s32 @p1 $0x1;
	p0 =	seq.s32 s7, s2  }
0x1e: {  	s7 =	smul.u32 @!p0 $0xF7A, s2;
	p2 =	seq.s32 @!p0 s5, $0x0  }
0x1f: {  	s9 =	smul.u32 $0xF7A, s1;
	s8 =	simm.s32 @!p0 $0x1BF5;
	p2 =	por !p2, p0  }
0x20: {  	[sflag:s8] =	ssyncset.s32 @!p0 $0xFFFFF086;
	s6 =	sadd.s32 @!p0 s3, s7;
	s7 =	simm.s32 @!p0 $0x108  }
0x21: {  	s3 =	sadd.s32 s3, s9;
	s6 =	sadd.s32 @!p0 $0x88, s6;
	s7 =	simm.s32 @p2 $0x1082  }
0x22: {  	[simem:s7], [sflag:s8] =	dma.local @!p0 [hbm:s6], $0xF7A  }
0x23: {  	s9 =	sor.u32 $0xD0000000, s2;
	s6 =	simm.s32 $0x108;
	_ =	swait.ge @!p0 [sflag:s8], $0x0  }
0x24: {  	s3 =	sadd.s32 $0x88, s3;
	s6 =	simm.s32 @!p1 $0x1082;
	[sflag:s4] =	ssyncset.s32 $0xFFFFF086  }
0x25: {  	[simem:s6], [sflag:s4] =	dma.local [hbm:s3], $0xF7A  }
0x26: {  	[smem:$0x3F96] =	sst s1;
	(tag) =	ssettag s2;
	_ =	strace s9  }
0x27: {  	s1 =	sld [smem:$0x3FA6]  }
0x28: {  	s2 =	sld [smem:$0x3FA7]  }
0x29: {  	s4 =	sld [smem:$0x3FA9]  }
0x2a: {  	p0 =	seq.s32 s5, $0x0;
	s5 =	sld [smem:$0x3FAA]  }
0x2b: {  	s6 =	sld [smem:$0x3FAB]  }
0x2c: {  	s7 =	sld [smem:$0x3FAC]  }
0x2d: {  	s3 =	simm.s32 $0x108;
	s8 =	sld [smem:$0x3FAD]  }
0x2e: {  	s3 =	simm.s32 @!p0 $0x1082;
	s9 =	sld [smem:$0x3FAE]  }
0x2f: {  	lr =	sadd.s32 s0, s3;
	s0 =	sld [smem:$0x3FA5]  }
0x30: {  	s3 =	sld [smem:$0x3FA8]  }
0x31: {  	[smem:$0x3FB1] =	sst s10  }
0x32: {  	s10 =	sld [smem:$0x3FAF];
	_ =	sdelay $0x3  }
0x33: {  	p0 =	seq.s32 s10, $0x1;
	s10 =	sld [smem:$0x3FB1];
	_ =	sdelay $0x3  }
0x34: {  	[smem:$0x3FB1] =	sst s10  }
0x35: {  	s10 =	sld [smem:$0x3FB0];
	_ =	sdelay $0x3  }
0x36: {  	p1 =	seq.s32 s10, $0x1;
	s10 =	sld [smem:$0x3FB1];
	_ =	sdelay $0x3  }
0x37: {  	[smem:$0x3FB1] =	sst s10  }
0x38: {  	s10 =	sld [smem:$0x3FB2]  }
0x39: {  	_ = 	snop;
	(pc) =	sbr.ind lr, $3  }
0x3a: {  	_ = 	snop  }
0x3b: {  	_ = 	snop  }
0x3c: {  	p2 =	seq.s32 s10, $0x1;
	s10 =	sld [smem:$0x3FB1]  }
0x3d: {  	_ =	shalt  }
0x3e: {  	_ =	shalt  }
0x3f: {  	_ =	shalt  }
0x40: {  	_ =	shalt  }
0x41: {  	_ =	shalt  }
0x42: {  	_ =	shalt  }
0x43: {  	_ =	shalt  }
0x44: {  	_ =	shalt  }
0x45: {  	_ =	shalt  }
0x46: {  	_ =	shalt  }
0x47: {  	_ =	shalt  }
0x48: {  	_ =	shalt  }
0x49: {  	_ =	shalt  }
0x4a: {  	_ =	shalt  }
0x4b: {  	_ =	shalt  }
0x4c: {  	_ =	shalt  }
0x4d: {  	_ =	shalt  }
0x4e: {  	_ =	shalt  }
0x4f: {  	_ =	shalt  }
0x50: {  	_ =	shalt  }
0x51: {  	_ =	shalt  }
0x52: {  	_ =	shalt  }
0x53: {  	_ =	shalt  }
0x54: {  	_ =	shalt  }
0x55: {  	_ =	shalt  }
0x56: {  	_ =	shalt  }
0x57: {  	_ =	shalt  }
0x58: {  	_ =	shalt  }
0x59: {  	_ =	shalt  }
0x5a: {  	_ =	shalt  }
0x5b: {  	_ =	shalt  }
0x5c: {  	_ =	shalt  }
0x5d: {  	_ =	shalt  }
0x5e: {  	_ =	shalt  }
0x5f: {  	_ =	shalt  }
0x60: {  	_ =	shalt  }
0x61: {  	_ =	shalt  }
0x62: {  	_ =	shalt  }
0x63: {  	_ =	shalt  }
0x64: {  	_ =	shalt  }
0x65: {  	_ =	shalt  }
0x66: {  	_ =	shalt  }
0x67: {  	_ =	shalt  }
0x68: {  	_ =	shalt  }
0x69: {  	_ =	shalt  }
0x6a: {  	_ =	shalt  }
0x6b: {  	_ =	shalt  }
0x6c: {  	_ =	shalt  }
0x6d: {  	_ =	shalt  }
0x6e: {  	_ =	shalt  }
0x6f: {  	_ =	shalt  }
0x70: {  	_ =	shalt  }
0x71: {  	_ =	shalt  }
0x72: {  	_ =	shalt  }
0x73: {  	_ =	shalt  }
0x74: {  	_ =	shalt  }
0x75: {  	_ =	shalt  }
0x76: {  	_ =	shalt  }
0x77: {  	_ =	shalt  }
0x78: {  	_ =	shalt  }
0x79: {  	_ =	shalt  }
0x7a: {  	_ =	shalt  }
0x7b: {  	_ =	shalt  }
0x7c: {  	_ =	shalt  }
0x7d: {  	_ =	shalt  }
0x7e: {  	_ =	shalt  }
0x7f: {  	_ =	shalt  }
0x80: {  	_ =	shalt  }
0x81: {  	_ =	shalt  }
0x82: {  	_ =	shalt  }
0x83: {  	_ =	shalt  }
0x84: {  	_ =	shalt  }
0x85: {  	_ =	shalt  }
0x86: {  	_ =	shalt  }
0x87: {  	_ =	shalt  }
.Lfunc_end0:
.L_simem_size_0:
called_computation.3_lowered:
.L_overlay_start_0:
0x88: {  	s2 =	sld [smem:$0x3FD9]  }
0x89: {  	s3 =	sld [smem:$0x3FFE];
	_ =	sdelay $0x1  }
0x8a: {  	s1 =	srdreg.scid  }
0x8b: {  	s0 =	sand.u32 $0x1, s1  }
0x8c: {  	s17 =	sshll.u32 s0, $0xA;
	s2 =	sadd.s32 s3, s2  }
0x8d: {  	s2 =	sadd.s32 s2, s17  }
0x8e: {  	[smem:$0x3FBD] =	sst s2  }
0x8f: {  	_ = 	snop  }
0x90: {  	s2 =	sld [smem:$0x3FC7]  }
0x91: {  	s18 =	sld [smem:$0x3FC6];
	(tm) =	ssettm $0x1  }
0x92: {  	s4 =	sld [smem:$0x3FFB];
	_ =	sdelay $0x3  }
0x93: {  	_ =	strace s4  }
0x94: {  	s4 =	sld [smem:$0x3FFC];
	_ =	sdelay $0x3  }
0x95: {  	_ =	strace s4  }
0x96: {  	s4 =	sld [smem:$0x3FFD];
	_ =	sdelay $0x3  }
0x97: {  	_ =	strace s4  }
0x98: {  	_ =	strace $0x8FFFFFFF  }
0x99: {  	s19 =	sld [smem:$0x3FDB];
	_ =	sdelay $0x1  }
0x9a: {  	s5 =	simm.s32 $_scs_section_size  }
0x9b: {  	s6 =	simm.s32 $_size__tile_overlayer_lowered;
	s7 =	simm.s32 $_tile_overlayer_lowered  }
0x9c: {  	s22 =	simm.s32 $0x1BFF;
	s21 =	sshll.u32 s7, $0x1;
	s4 =	sadd.s32 s5, s19  }
0x9d: {  	s8 =	simm.s32 $0x0;
	s20 =	sshll.u32 s6, $0x1;
	s6 =	sadd.s32 s21, s4  }
0x9e: {  	[timem:s8], [sflag:s22] =	dma.local [hbm:s6], s20  }
0x9f: {  	_ =	swait.ge [sflag:s22], s20  }
0xa0: {  	s5 =	ssub.s32 $0x0, s20;
	[sflag:s22] =	ssyncset.done $0x0  }
0xa1: {  	[sflag:s22] =	ssyncadd.s32 s5;
	_ =	sdelay $0x1  }
0xa2: {  	s23 =	simm.s32 $0x1B8B  }
0xa3: {  	_ =	swait.ge [sflag:s23], $0x1  }
0xa4: {  	[sflag:s23] =	ssyncset.done $0x0  }
0xa5: {  	s25 =	simm.s32 $0x1B8E;
	s24 =	sld [smem:$0x3FFE];
	[sflag:s23] =	ssyncadd.s32 $0xFFFFFFFF  }
0xa6: {  	s26 =	simm.s32 $execute0_lowered;
	[smem:$0x3FD2] =	sst s25  }
0xa7: {  	s6 =	sshll.u32 s26, $0x1;
	_ =	strace $0x8000004F;
	[dreg:$0x1] =	wrdreg $0xFFFFFFFF  }
0xa8: {  	s28 =	simm.s32 $_size_execute0_lowered;
	s4 =	sadd.s32 s4, s6;
	[dreg:$0x0] =	wrdreg $0x0  }
0xa9: {  	s6 =	sshll.u32 s28, $0x1;
	[dreg:$0x2] =	wrdreg s4  }
0xaa: {  	[dreg:$0x3] =	wrdreg s6  }
0xab: {  	[dreg:$0x4] =	wrdreg $0xC0  }
0xac: {  	_ =	task [dreg:s8], $0x5FFFF  }
0xad: {  	[dreg:$0x1] =	wrdreg $0xFFFFFFFF  }
0xae: {  	[dreg:$0x0] =	wrdreg $0x60  }
0xaf: {  	[dreg:$0x2] =	wrdreg s24  }
0xb0: {  	[dreg:$0x3] =	wrdreg s2  }
0xb1: {  	[dreg:$0x4] =	wrdreg s18  }
0xb2: {  	[dreg:$0x5] =	wrdreg $0xA1400  }
0xb3: {  	[dreg:$0x6] =	wrdreg $0x9  }
0xb4: {  	_ =	task.clear_ibuf [dreg:s8], $0x7FFFF;
	_ =	strace $0x9000004F  }
0xb5: {  	s29 =	simm.s32 $0x9;
	_ =	strace $0x80000051  }
0xb6: {  	_ =	swait.ge [sflag:s29], $0x1  }
0xb7: {  	[sflag:s29] =	ssyncadd.s32 $0xFFFFFFFF  }
0xb8: {  	_ =	strace $0x90000051  }
0xb9: {  	_ =	sfence  }
0xba: {  	s30 =	sld [smem:$0x0];
	_ =	sdelay $0x2  }
0xbb: {  	s31 =	sshll.u32 s1, $0xD;
	s1 =	sshrl.u32 s1, $0x2  }
0xbc: {  	s3 =	sand.u32 $0x4000, s31;
	s1 =	sadd.s32 s1, s30  }
0xbd: {  	s0 =	sor.u32 s3, s0;
	s1 =	sshll.u32 s1, $0x11  }
0xbe: {  	s0 =	sor.u32 s1, s0  }
0xbf: {  	s0 =	sadd.s32 $0x8F2B, s0  }
0xc0: {  	[sflag:s0] =	ssyncadd.remote.s32 $0x1  }
0xc1: {  	_ =	sfence.sel $0xFFFF  }
0xc2: {  	[dreg:$0x0] =	wrdreg $0xFFFFFFFF;
	(pc) =	sbr.abs _section_cstart, $3  }
0xc3: {  	[dreg:$0x1] =	wrdreg $0xFFFFFFFF  }
0xc4: {  	_ =	task.clear_ibuf [dreg:s8], $0x2FFFF;
	_ =	strace $0x9FFFFFFF  }
0xc5: {  	(tm) =	ssettm $0x7FFFFFFF  }
tec
execute0_lowered:
.L_overlay_start_1:
0x0: {  	(tag) =	ssettag $0x1  }
0x1: {  	s0 =	rddreg [dreg:$0x0]  }
0x2: {  	s1 =	rddreg [dreg:$0x1]  }
0x3: {  	s3 =	rddreg [dreg:$0x2]  }
0x4: {  	s4 =	rddreg [dreg:$0x3]  }
0x5: {  	s2 =	srdreg.scid;
	s12 =	stileid.u32;
	s5 =	simm.s32 $0x0  }
0x6: {  	s19 =	simm.s32 $0x15;
	s17 =	simm.s32 $0x28;
	s13 =	simm.s32 $0x4  }
0x7: {  	s31 =	simm.s32 $0xA;
	s14 =	simm.s32 $0xB;
	s15 =	simm.s32 $0xF  }
0x8: {  	s30 =	simm.s32 $0x10;
	s29 =	simm.s32 $0x118;
	s28 =	simm.s32 $0x78  }
0x9: {  	s8 =	smul.u32 $0x13880, s12;
	[smem:$0x7FF] =	sst s5;
	s6 =	sadd.s32 $0xD0C00, s0  }
0xa: {  	s2 =	sand.u32 $0x1, s2;
	s7 =	sadd.s32 $0x108AE00, s0;
	s11 =	sadd.s32 $0x138C00, s0  }
0xb: {  	s24 =	sshll.u32 s12, $0x6;
	s25 =	smul.u32 $0x4E20, s12;
	s12 =	simm.s32 $0xC  }
0xc: {  	s20 =	simm.s32 $0x0;
	s9 =	smul.u32 $0x138800, s2;
	_ =	strace $0x80000050  }
0xd: {  	s10 =	ssub.s32 $0x2, s2;
	[dreg:$0x5] =	wrdreg s11;
	s16 =	sor.u32 $0x1C15, s24  }
0xe: {  	s11 =	smul.u32 $0x1400000, s2;
	s2 =	simm.s32 $0x7;
	s24 =	simm.s32 $0x50  }
0xf: {  	s22 =	sshrl.u32 s10, $0x1;
	[dreg:$0x7] =	wrdreg s25;
	s25 =	simm.s32 $0x9  }
0x10: {  	[dreg:$0x6] =	wrdreg s16;
	s9 =	sadd.s32 s8, s9;
	s23 =	ssub.s32 s10, s22  }
0x11: {  	s8 =	sadd.s32 s8, s4;
	s22 =	simm.s32 $0xA0;
	s9 =	sshrl.u32 s9, $0x3  }
0x12: {  	s26 =	smax.u32 s23, $0x1;
	s18 =	sshrl.u32 s8, $0x3;
	s23 =	simm.s32 $0xC8  }
0x13: {  	s8 =	simm.s32 $0xE;
	s0 =	sadd.s32 s9, s0;
	[dreg:$0x9] =	wrdreg s26  }
0x14: {  	s9 =	simm.s32 $0x8;
	[dreg:$0xa] =	wrdreg s18;
	s0 =	sadd.s32 $0x13B400, s0  }
0x15: {  	s26 =	simm.s32 $0xD;
	[dreg:$0x8] =	wrdreg s0;
	s0 =	simm.s32 $0x3  }
.LBB2_1:
0x16: {  	[dreg:$0xb] =	wrdreg s20  }
0x17: {  	s10 =	rddreg [dreg:$0x5]  }
0x18: {  	[spmem:s18], [sflag:s16] =	dma.local [hbm:s10], $0x2710  }
0x19: {  	_ =	swait.ge [sflag:s19], $0x2710  }
0x1a: {  	[sflag:s19] =	ssyncset.done $0x0  }
0x1b: {  	[sflag:s19] =	ssyncadd.s32 $0xFFFFD8F0  }
0x1c: {  	s10 =	simm.s32 $0x0;
	[bflag:$0x0] =	sbarrier.arrive $0xFFFF  }
.LBB2_2:
0x1d: {  	s16 =	smul.u32 $0xA0, s10;
	p0 =	seq.s32 s10, $0x0  }
0x1e: {  	s19 =	rddreg [dreg:$0x7];
	s18 =	simm.s32 @!p0 $0x11  }
0x1f: {  	s16 =	sadd.s32 s19, s16;
	_ =	swait.ge @!p0 [sflag:s18], $0x1400  }
0x20: {  	[sflag:s18] =	ssyncset.done @!p0 $0x0;
	s19 =	sshrl.u32 s16, $0x3  }
0x21: {  	[sflag:s18] =	ssyncadd.s32 @!p0 $0xFFFFEC00;
	s21 =	sadd.s32 s1, s19  }
0x22: {  	[tilespmem:s5], [sflag:$0x1] =	stream.linear.gather [hbm4b:s21+s5], $0x28, $0x38;
	[tilespmem:$0x1D9C0] =	vst v63  }
0x23: {  	s20 =	sadd.s32 s3, s19;
	s18 =	simm.s32 @!p0 $0x12  }
0x24: {  	[tilespmem:s22], [sflag:$0x5] =	stream.linear.gather [hbm4b:s20+s5], $0x28, $0x38;
	[tilespmem:$0x1D9C0] =	vst v63  }
0x25: {  	s19 =	sadd.s32 $0x28, s16;
	_ =	swait.ge @!p0 [sflag:s18], $0x1400  }
0x26: {  	s20 =	sshrl.u32 s19, $0x3;
	[sflag:s18] =	ssyncset.done @!p0 $0x0  }
0x27: {  	s21 =	sadd.s32 s1, s20;
	[sflag:s18] =	ssyncadd.s32 @!p0 $0xFFFFEC00  }
0x28: {  	[tilespmem:s17], [sflag:$0x2] =	stream.linear.gather [hbm4b:s21+s5], $0x28, $0x38;
	[tilespmem:$0x1D9C0] =	vst v63  }
0x29: {  	s22 =	sadd.s32 s3, s20;
	s18 =	simm.s32 @!p0 $0x13  }
0x2a: {  	[tilespmem:s23], [sflag:$0x6] =	stream.linear.gather [hbm4b:s22+s5], $0x28, $0x38;
	[tilespmem:$0x1D9C0] =	vst v63  }
0x2b: {  	s20 =	sadd.s32 $0x50, s16;
	_ =	swait.ge @!p0 [sflag:s18], $0x1400  }
0x2c: {  	s21 =	sshrl.u32 s20, $0x3;
	[sflag:s18] =	ssyncset.done @!p0 $0x0  }
0x2d: {  	s23 =	sadd.s32 s1, s21;
	[sflag:s18] =	ssyncadd.s32 @!p0 $0xFFFFEC00  }
0x2e: {  	[tilespmem:s24], [sflag:$0x3] =	stream.linear.gather [hbm4b:s23+s5], $0x28, $0x38;
	[tilespmem:$0x1D9C0] =	vst v63  }
0x2f: {  	s22 =	sadd.s32 s3, s21;
	s18 =	simm.s32 @!p0 $0x14;
	s23 =	simm.s32 $0xF0  }
0x30: {  	[tilespmem:s23], [sflag:$0x7] =	stream.linear.gather [hbm4b:s22+s5], $0x28, $0x38;
	[tilespmem:$0x1D9C0] =	vst v63  }
0x31: {  	s21 =	sadd.s32 $0x78, s16;
	_ =	swait.ge @!p0 [sflag:s18], $0x1400  }
0x32: {  	s22 =	sshrl.u32 s21, $0x3;
	[sflag:s18] =	ssyncset.done @!p0 $0x0  }
0x33: {  	s23 =	simm.s32 $0x0;
	[sflag:s18] =	ssyncadd.s32 @!p0 $0xFFFFEC00;
	s18 =	sadd.s32 s1, s22  }
0x34: {  	[tilespmem:s28], [sflag:$0x4] =	stream.linear.gather [hbm4b:s18+s23], $0x28, $0x38;
	[tilespmem:$0x1D9C0] =	vst v63  }
0x35: {  	s22 =	sadd.s32 s3, s22  }
0x36: {  	[tilespmem:s29], [sflag:$0x8] =	stream.linear.gather [hbm4b:s22+s23], $0x28, $0x38;
	[tilespmem:$0x1D9C0] =	vst v63  }
0x37: {  	s22 =	simm.s32 $0x1  }
0x38: {  	_ =	swait.ge [sflag:s22], $0x28  }
0x39: {  	[sflag:s22] =	ssyncset.done $0x0  }
0x3a: {  	[sflag:s22] =	ssyncadd.s32 $0xFFFFFFD8;
	s22 =	simm.s32 $0x5  }
0x3b: {  	s16 =	sshll.u32 s16, $0x6;
	_ =	swait.ge [sflag:s22], $0x28  }
0x3c: {  	s16 =	sadd.s32 s11, s16;
	[sflag:s22] =	ssyncset.done $0x0  }
0x3d: {  	s16 =	sshrl.u32 s16, $0x3;
	[sflag:s22] =	ssyncadd.s32 $0xFFFFFFD8;
	s22 =	simm.s32 $0x2940  }
0x3e: {  	[tilespmem:s22], [sflag:$0x9] =	stream.indirect.gather [hbm4b:s6+s17], $0x40, s23, s17, $0xb8;
	[tilespmem:$0x1D9C0] =	vst v63  }
0x3f: {  	s16 =	sadd.s32 s7, s16;
	s22 =	simm.s32 $0x140  }
0x40: {  	[tilespmem:s22], [sflag:$0xD] =	stream.linear.gather [hbm4b:s16+s23], $0xA00, $0x38;
	[tilespmem:$0x1D9C0] =	vst v63  }
0x41: {  	s22 =	simm.s32 $0x2  }
0x42: {  	_ =	swait.ge [sflag:s22], $0x28  }
0x43: {  	[sflag:s22] =	ssyncset.done $0x0  }
0x44: {  	s18 =	simm.s32 $0x6;
	[sflag:s22] =	ssyncadd.s32 $0xFFFFFFD8  }
0x45: {  	_ =	swait.ge [sflag:s18], $0x28  }
0x46: {  	[sflag:s18] =	ssyncset.done $0x0  }
0x47: {  	s22 =	simm.s32 $0x3340;
	[sflag:s18] =	ssyncadd.s32 $0xFFFFFFD8;
	s18 =	sshll.u32 s19, $0x6  }
0x48: {  	[tilespmem:s22], [sflag:$0xA] =	stream.indirect.gather [hbm4b:s6+s17], $0x40, s17, s17, $0xb8;
	[tilespmem:$0x1D9C0] =	vst v63  }
0x49: {  	s16 =	sadd.s32 s11, s18  }
0x4a: {  	s16 =	sshrl.u32 s16, $0x3  }
0x4b: {  	s19 =	simm.s32 $0xB40;
	s16 =	sadd.s32 s7, s16  }
0x4c: {  	[tilespmem:s19], [sflag:$0xE] =	stream.linear.gather [hbm4b:s16+s23], $0xA00, $0x38;
	[tilespmem:$0x1D9C0] =	vst v63  }
0x4d: {  	_ =	swait.ge [sflag:s0], $0x28  }
0x4e: {  	[sflag:s0] =	ssyncset.done $0x0  }
0x4f: {  	[sflag:s0] =	ssyncadd.s32 $0xFFFFFFD8  }
0x50: {  	s18 =	sshll.u32 s20, $0x6;
	_ =	swait.ge [sflag:s2], $0x28  }
0x51: {  	s16 =	sadd.s32 s11, s18;
	[sflag:s2] =	ssyncset.done $0x0  }
0x52: {  	s22 =	simm.s32 $0x3D40;
	s16 =	sshrl.u32 s16, $0x3;
	[sflag:s2] =	ssyncadd.s32 $0xFFFFFFD8  }
0x53: {  	[tilespmem:s22], [sflag:$0xB] =	stream.indirect.gather [hbm4b:s6+s17], $0x40, s24, s17, $0xb8;
	[tilespmem:$0x1D9C0] =	vst v63  }
0x54: {  	s19 =	simm.s32 $0x1540;
	s16 =	sadd.s32 s7, s16  }
0x55: {  	[tilespmem:s19], [sflag:$0xF] =	stream.linear.gather [hbm4b:s16+s23], $0xA00, $0x38;
	[tilespmem:$0x1D9C0] =	vst v63  }
0x56: {  	_ =	swait.ge [sflag:s13], $0x28  }
0x57: {  	[sflag:s13] =	ssyncset.done $0x0  }
0x58: {  	[sflag:s13] =	ssyncadd.s32 $0xFFFFFFD8  }
0x59: {  	s21 =	sshll.u32 s21, $0x6;
	_ =	swait.ge [sflag:s9], $0x28  }
0x5a: {  	s16 =	sadd.s32 s11, s21;
	[sflag:s9] =	ssyncset.done $0x0  }
0x5b: {  	s20 =	simm.s32 $0x4740;
	s16 =	sshrl.u32 s16, $0x3;
	[sflag:s9] =	ssyncadd.s32 $0xFFFFFFD8  }
0x5c: {  	[tilespmem:s20], [sflag:$0xC] =	stream.indirect.gather [hbm4b:s6+s17], $0x40, s28, s17, $0xb8;
	[tilespmem:$0x1D9C0] =	vst v63  }
0x5d: {  	s22 =	simm.s32 $0x1F40;
	s16 =	sadd.s32 s7, s16  }
0x5e: {  	[tilespmem:s22], [sflag:$0x10] =	stream.linear.gather [hbm4b:s16+s23], $0xA00, $0x38;
	[tilespmem:$0x1D9C0] =	vst v63  }
0x5f: {  	_ =	swait.ge [sflag:s25], $0xA00  }
0x60: {  	[sflag:s25] =	ssyncset.done $0x0  }
0x61: {  	[sflag:s25] =	ssyncadd.s32 $0xFFFFF600  }
0x62: {  	_ =	swait.ge [sflag:s26], $0xA00  }
0x63: {  	[sflag:s26] =	ssyncset.done $0x0  }
0x64: {  	s20 =	simm.s32 $0x0;
	[sflag:s26] =	ssyncadd.s32 $0xFFFFF600  }
0x65: {  	s18 =	simm.s32 $0x5180;
	s19 =	simm.s32 $0x100;
	s16 =	simm.s32 $0x5180;
	v0 =	vld [tilespmem:s20+$0x2970]  }
.LBB2_3:
0x66: {  	p0 =	sne.s32 s19, $0x2700  }
0x67: {  	v1 =	vld [tilespmem:s20+$0x140];
	s18 =	sadd.s32 $0x80, s18;
	s21 =	smov.u32 s19;
	s19 =	sadd.s32 $0x100, s19  }
0x68: {  	v2 =	vld [tilespmem:s20+$0x170]  }
0x69: {  	v3 =	vld [tilespmem:s20+$0x160]  }
0x6a: {  	v4 =	vld [tilespmem:s20+$0x2940]  }
0x6b: {  	v5 =	vld [tilespmem:s20+$0x150]  }
0x6c: {  	v6 =	vld [tilespmem:s20+$0x2960];
	v7 =	vand.u32 $0xFFFF0000, v1  }
0x6d: {  	v9 =	vand.u32 $0xFFFF0000, v0;
	v1 =	vshll.u32 v1, $0x10;
	v8 =	vld [tilespmem:s20+$0x2950]  }
0x6e: {  	v0 =	vshll.u32 v0, $0x10;
	v10 =	vshll.u32 v2, $0x10;
	v11 =	vand.u32 $0xFFFF0000, v3  }
0x6f: {  	v2 =	vand.u32 $0xFFFF0000, v2;
	v0 =	vmul.f32 v0, v10;
	v10 =	vand.u32 $0xFFFF0000, v4  }
0x70: {  	v2 =	vmul.f32 v9, v2;
	v12 =	vshll.u32 v5, $0x10;
	v5 =	vand.u32 $0xFFFF0000, v5  }
0x71: {  	s20 =	sshra.s32 s21, $0x2;
	v4 =	vshll.u32 v4, $0x10;
	v7 =	vmul.f32 v10, v7;
	v9 =	vand.u32 $0xFFFF0000, v6;
	[tilespmem:s16+$0x20] =	vst v0  }
0x72: {  	v0 =	vshll.u32 v3, $0x10;
	v3 =	vshll.u32 v6, $0x10;
	v6 =	vmul.f32 v9, v11;
	[tilespmem:s16+$0x30] =	vst v2  }
0x73: {  	v1 =	vmul.f32 v4, v1;
	v2 =	vshll.u32 v8, $0x10;
	v4 =	vand.u32 $0xFFFF0000, v8;
	[tilespmem:s16+$0xFFFFFFD0] =	vst v7  }
0x74: {  	v0 =	vmul.f32 v3, v0;
	v2 =	vmul.f32 v2, v12;
	[tilespmem:s16+$0x10] =	vst v6  }
.Ltmp0:
0x75: {  	v3 =	vmul.f32 v4, v5;
	[tilespmem:s16+$0xFFFFFFC0] =	vst v1;
	(pc) =	sbr.rel @p0 .LBB2_3-.Ltmp0, $4  }
0x76: {  	[tilespmem:s16+$0x0] =	vst v0  }
0x77: {  	[tilespmem:s16+$0xFFFFFFF0] =	vst v3  }
0x78: {  	[tilespmem:s16+$0xFFFFFFE0] =	vst v2;
	s16 =	smov.u32 s18  }
0x79: {  	v0 =	vld [tilespmem:s20+$0x2970]  }
0x7a: {  	v1 =	vld [tilespmem:s20+$0x140]  }
0x7b: {  	v2 =	vld [tilespmem:s20+$0x170]  }
0x7c: {  	v3 =	vld [tilespmem:s20+$0x160]  }
0x7d: {  	v4 =	vld [tilespmem:s20+$0x2940]  }
0x7e: {  	v5 =	vld [tilespmem:s20+$0x2960]  }
0x7f: {  	v6 =	vld [tilespmem:s20+$0x150]  }
0x80: {  	v9 =	vld [tilespmem:s20+$0x2950];
	v8 =	vshll.u32 v0, $0x10;
	v7 =	vshll.u32 v2, $0x10  }
0x81: {  	v0 =	vand.u32 $0xFFFF0000, v0;
	v2 =	vand.u32 $0xFFFF0000, v2;
	v7 =	vmul.f32 v8, v7  }
0x82: {  	v60 =	vand.u32 $0xFFFF0000, v1;
	v10 =	vand.u32 $0xFFFF0000, v4;
	v0 =	vmul.f32 v0, v2  }
0x83: {  	v1 =	vshll.u32 v1, $0x10;
	v4 =	vshll.u32 v4, $0x10;
	v8 =	vmul.f32 v10, v60;
	[tilespmem:s16+$0x20] =	vst v7  }
0x84: {  	v61 =	vand.u32 $0xFFFF0000, v5;
	v2 =	vand.u32 $0xFFFF0000, v3;
	v1 =	vmul.f32 v4, v1;
	[tilespmem:s16+$0x30] =	vst v0  }
0x85: {  	v62 =	vand.u32 $0xFFFF0000, v6;
	v63 =	vand.u32 $0xFFFF0000, v9;
	v2 =	vmul.f32 v61, v2;
	[tilespmem:s16+$0xFFFFFFD0] =	vst v8  }
0x86: {  	v4 =	vmul.f32 v63, v62;
	v0 =	vshll.u32 v3, $0x10;
	v3 =	vshll.u32 v5, $0x10;
	[tilespmem:s16+$0xFFFFFFC0] =	vst v1  }
0x87: {  	v0 =	vmul.f32 v3, v0;
	[tilespmem:s16+$0x10] =	vst v2;
	v2 =	vshll.u32 v6, $0x10;
	v3 =	vshll.u32 v9, $0x10  }
0x88: {  	[tilespmem:s16+$0xFFFFFFF0] =	vst v4;
	v1 =	vmul.f32 v3, v2  }
0x89: {  	[tilespmem:s16+$0x0] =	vst v0  }
0x8a: {  	s22 =	simm.s32 $0xA0;
	s23 =	simm.s32 $0x5140;
	[tilespmem:s16+$0xFFFFFFE0] =	vst v1  }
0x8b: {  	[spmem:s4] =	stream.indirect.scatter.add.f32 [tilespmem:s23], [sflag:$0x11], $0x80, s22, s17, $0xb8;
	[tilespmem:$0x1D9C0] =	vst v63  }
0x8c: {  	_ =	swait.ge [sflag:s31], $0xA00  }
0x8d: {  	[sflag:s31] =	ssyncset.done $0x0  }
0x8e: {  	[sflag:s31] =	ssyncadd.s32 $0xFFFFF600  }
0x8f: {  	_ =	swait.ge [sflag:s8], $0xA00  }
0x90: {  	[sflag:s8] =	ssyncset.done $0x0  }
0x91: {  	s20 =	simm.s32 $0x0;
	[sflag:s8] =	ssyncadd.s32 $0xFFFFF600  }
0x92: {  	s18 =	simm.s32 $0x6580;
	s19 =	simm.s32 $0x100;
	s16 =	simm.s32 $0x6580;
	v0 =	vld [tilespmem:s20+$0x3370]  }
.LBB2_5:
0x93: {  	p0 =	sne.s32 s19, $0x2700  }
0x94: {  	v1 =	vld [tilespmem:s20+$0xB40];
	s18 =	sadd.s32 $0x80, s18;
	s21 =	smov.u32 s19;
	s19 =	sadd.s32 $0x100, s19  }
0x95: {  	v2 =	vld [tilespmem:s20+$0xB70]  }
0x96: {  	v3 =	vld [tilespmem:s20+$0xB60]  }
0x97: {  	v4 =	vld [tilespmem:s20+$0x3340]  }
0x98: {  	v5 =	vld [tilespmem:s20+$0xB50]  }
0x99: {  	v6 =	vld [tilespmem:s20+$0x3360];
	v7 =	vand.u32 $0xFFFF0000, v1  }
0x9a: {  	v9 =	vand.u32 $0xFFFF0000, v0;
	v1 =	vshll.u32 v1, $0x10;
	v8 =	vld [tilespmem:s20+$0x3350]  }
0x9b: {  	v0 =	vshll.u32 v0, $0x10;
	v10 =	vshll.u32 v2, $0x10;
	v11 =	vand.u32 $0xFFFF0000, v3  }
0x9c: {  	v2 =	vand.u32 $0xFFFF0000, v2;
	v0 =	vmul.f32 v0, v10;
	v10 =	vand.u32 $0xFFFF0000, v4  }
0x9d: {  	v2 =	vmul.f32 v9, v2;
	v12 =	vshll.u32 v5, $0x10;
	v5 =	vand.u32 $0xFFFF0000, v5  }
0x9e: {  	s20 =	sshra.s32 s21, $0x2;
	v4 =	vshll.u32 v4, $0x10;
	v7 =	vmul.f32 v10, v7;
	v9 =	vand.u32 $0xFFFF0000, v6;
	[tilespmem:s16+$0x20] =	vst v0  }
0x9f: {  	v0 =	vshll.u32 v3, $0x10;
	v3 =	vshll.u32 v6, $0x10;
	v6 =	vmul.f32 v9, v11;
	[tilespmem:s16+$0x30] =	vst v2  }
0xa0: {  	v1 =	vmul.f32 v4, v1;
	v2 =	vshll.u32 v8, $0x10;
	v4 =	vand.u32 $0xFFFF0000, v8;
	[tilespmem:s16+$0xFFFFFFD0] =	vst v7  }
0xa1: {  	v0 =	vmul.f32 v3, v0;
	v2 =	vmul.f32 v2, v12;
	[tilespmem:s16+$0x10] =	vst v6  }
.Ltmp1:
0xa2: {  	v3 =	vmul.f32 v4, v5;
	[tilespmem:s16+$0xFFFFFFC0] =	vst v1;
	(pc) =	sbr.rel @p0 .LBB2_5-.Ltmp1, $4  }
0xa3: {  	[tilespmem:s16+$0x0] =	vst v0  }
0xa4: {  	[tilespmem:s16+$0xFFFFFFF0] =	vst v3  }
0xa5: {  	[tilespmem:s16+$0xFFFFFFE0] =	vst v2;
	s16 =	smov.u32 s18  }
0xa6: {  	v0 =	vld [tilespmem:s20+$0x3370]  }
0xa7: {  	v1 =	vld [tilespmem:s20+$0xB40]  }
0xa8: {  	v2 =	vld [tilespmem:s20+$0xB70]  }
0xa9: {  	v3 =	vld [tilespmem:s20+$0xB60]  }
0xaa: {  	v4 =	vld [tilespmem:s20+$0x3340]  }
0xab: {  	v5 =	vld [tilespmem:s20+$0x3360]  }
0xac: {  	v6 =	vld [tilespmem:s20+$0xB50]  }
0xad: {  	v9 =	vld [tilespmem:s20+$0x3350];
	v8 =	vshll.u32 v0, $0x10;
	v7 =	vshll.u32 v2, $0x10  }
0xae: {  	v0 =	vand.u32 $0xFFFF0000, v0;
	v2 =	vand.u32 $0xFFFF0000, v2;
	v7 =	vmul.f32 v8, v7  }
0xaf: {  	v60 =	vand.u32 $0xFFFF0000, v1;
	v10 =	vand.u32 $0xFFFF0000, v4;
	v0 =	vmul.f32 v0, v2  }
0xb0: {  	v1 =	vshll.u32 v1, $0x10;
	v4 =	vshll.u32 v4, $0x10;
	v8 =	vmul.f32 v10, v60;
	[tilespmem:s16+$0x20] =	vst v7  }
0xb1: {  	v61 =	vand.u32 $0xFFFF0000, v5;
	v2 =	vand.u32 $0xFFFF0000, v3;
	v1 =	vmul.f32 v4, v1;
	[tilespmem:s16+$0x30] =	vst v0  }
0xb2: {  	v62 =	vand.u32 $0xFFFF0000, v6;
	v63 =	vand.u32 $0xFFFF0000, v9;
	v2 =	vmul.f32 v61, v2;
	[tilespmem:s16+$0xFFFFFFD0] =	vst v8  }
0xb3: {  	v4 =	vmul.f32 v63, v62;
	v0 =	vshll.u32 v3, $0x10;
	v3 =	vshll.u32 v5, $0x10;
	[tilespmem:s16+$0xFFFFFFC0] =	vst v1  }
0xb4: {  	v0 =	vmul.f32 v3, v0;
	[tilespmem:s16+$0x10] =	vst v2;
	v2 =	vshll.u32 v6, $0x10;
	v3 =	vshll.u32 v9, $0x10  }
0xb5: {  	[tilespmem:s16+$0xFFFFFFF0] =	vst v4;
	v1 =	vmul.f32 v3, v2  }
0xb6: {  	[tilespmem:s16+$0x0] =	vst v0  }
0xb7: {  	s23 =	simm.s32 $0xC8;
	s21 =	simm.s32 $0x6540;
	[tilespmem:s16+$0xFFFFFFE0] =	vst v1  }
0xb8: {  	[spmem:s4] =	stream.indirect.scatter.add.f32 [tilespmem:s21], [sflag:$0x12], $0x80, s23, s17, $0xb8;
	[tilespmem:$0x1D9C0] =	vst v63  }
0xb9: {  	_ =	swait.ge [sflag:s14], $0xA00  }
0xba: {  	[sflag:s14] =	ssyncset.done $0x0  }
0xbb: {  	[sflag:s14] =	ssyncadd.s32 $0xFFFFF600  }
0xbc: {  	_ =	swait.ge [sflag:s15], $0xA00  }
0xbd: {  	[sflag:s15] =	ssyncset.done $0x0  }
0xbe: {  	s20 =	simm.s32 $0x0;
	[sflag:s15] =	ssyncadd.s32 $0xFFFFF600  }
0xbf: {  	s18 =	simm.s32 $0x7980;
	s19 =	simm.s32 $0x100;
	s16 =	simm.s32 $0x7980;
	v0 =	vld [tilespmem:s20+$0x3D70]  }
.LBB2_7:
0xc0: {  	p0 =	sne.s32 s19, $0x2700  }
0xc1: {  	v1 =	vld [tilespmem:s20+$0x1540];
	s18 =	sadd.s32 $0x80, s18;
	s21 =	smov.u32 s19;
	s19 =	sadd.s32 $0x100, s19  }
0xc2: {  	v2 =	vld [tilespmem:s20+$0x1570]  }
0xc3: {  	v3 =	vld [tilespmem:s20+$0x1560]  }
0xc4: {  	v4 =	vld [tilespmem:s20+$0x3D40]  }
0xc5: {  	v5 =	vld [tilespmem:s20+$0x1550]  }
0xc6: {  	v6 =	vld [tilespmem:s20+$0x3D60];
	v7 =	vand.u32 $0xFFFF0000, v1  }
0xc7: {  	v9 =	vand.u32 $0xFFFF0000, v0;
	v1 =	vshll.u32 v1, $0x10;
	v8 =	vld [tilespmem:s20+$0x3D50]  }
0xc8: {  	v0 =	vshll.u32 v0, $0x10;
	v10 =	vshll.u32 v2, $0x10;
	v11 =	vand.u32 $0xFFFF0000, v3  }
0xc9: {  	v2 =	vand.u32 $0xFFFF0000, v2;
	v0 =	vmul.f32 v0, v10;
	v10 =	vand.u32 $0xFFFF0000, v4  }
0xca: {  	v2 =	vmul.f32 v9, v2;
	v12 =	vshll.u32 v5, $0x10;
	v5 =	vand.u32 $0xFFFF0000, v5  }
0xcb: {  	s20 =	sshra.s32 s21, $0x2;
	v4 =	vshll.u32 v4, $0x10;
	v7 =	vmul.f32 v10, v7;
	v9 =	vand.u32 $0xFFFF0000, v6;
	[tilespmem:s16+$0x20] =	vst v0  }
0xcc: {  	v0 =	vshll.u32 v3, $0x10;
	v3 =	vshll.u32 v6, $0x10;
	v6 =	vmul.f32 v9, v11;
	[tilespmem:s16+$0x30] =	vst v2  }
0xcd: {  	v1 =	vmul.f32 v4, v1;
	v2 =	vshll.u32 v8, $0x10;
	v4 =	vand.u32 $0xFFFF0000, v8;
	[tilespmem:s16+$0xFFFFFFD0] =	vst v7  }
0xce: {  	v0 =	vmul.f32 v3, v0;
	v2 =	vmul.f32 v2, v12;
	[tilespmem:s16+$0x10] =	vst v6  }
.Ltmp2:
0xcf: {  	v3 =	vmul.f32 v4, v5;
	[tilespmem:s16+$0xFFFFFFC0] =	vst v1;
	(pc) =	sbr.rel @p0 .LBB2_7-.Ltmp2, $4  }
0xd0: {  	[tilespmem:s16+$0x0] =	vst v0  }
0xd1: {  	[tilespmem:s16+$0xFFFFFFF0] =	vst v3  }
0xd2: {  	[tilespmem:s16+$0xFFFFFFE0] =	vst v2;
	s16 =	smov.u32 s18  }
0xd3: {  	v0 =	vld [tilespmem:s20+$0x3D70]  }
0xd4: {  	v1 =	vld [tilespmem:s20+$0x1540]  }
0xd5: {  	v2 =	vld [tilespmem:s20+$0x1570]  }
0xd6: {  	v3 =	vld [tilespmem:s20+$0x1560]  }
0xd7: {  	v4 =	vld [tilespmem:s20+$0x3D40]  }
0xd8: {  	v5 =	vld [tilespmem:s20+$0x3D60]  }
0xd9: {  	v6 =	vld [tilespmem:s20+$0x1550]  }
0xda: {  	v9 =	vld [tilespmem:s20+$0x3D50];
	v8 =	vshll.u32 v0, $0x10;
	v7 =	vshll.u32 v2, $0x10  }
0xdb: {  	v0 =	vand.u32 $0xFFFF0000, v0;
	v2 =	vand.u32 $0xFFFF0000, v2;
	v7 =	vmul.f32 v8, v7  }
0xdc: {  	v60 =	vand.u32 $0xFFFF0000, v1;
	v10 =	vand.u32 $0xFFFF0000, v4;
	v0 =	vmul.f32 v0, v2  }
0xdd: {  	v1 =	vshll.u32 v1, $0x10;
	v4 =	vshll.u32 v4, $0x10;
	v8 =	vmul.f32 v10, v60;
	[tilespmem:s16+$0x20] =	vst v7  }
0xde: {  	v61 =	vand.u32 $0xFFFF0000, v5;
	v2 =	vand.u32 $0xFFFF0000, v3;
	v1 =	vmul.f32 v4, v1;
	[tilespmem:s16+$0x30] =	vst v0  }
0xdf: {  	v62 =	vand.u32 $0xFFFF0000, v6;
	v63 =	vand.u32 $0xFFFF0000, v9;
	v2 =	vmul.f32 v61, v2;
	[tilespmem:s16+$0xFFFFFFD0] =	vst v8  }
0xe0: {  	v4 =	vmul.f32 v63, v62;
	v0 =	vshll.u32 v3, $0x10;
	v3 =	vshll.u32 v5, $0x10;
	[tilespmem:s16+$0xFFFFFFC0] =	vst v1  }
0xe1: {  	v0 =	vmul.f32 v3, v0;
	[tilespmem:s16+$0x10] =	vst v2;
	v2 =	vshll.u32 v6, $0x10;
	v3 =	vshll.u32 v9, $0x10  }
0xe2: {  	[tilespmem:s16+$0xFFFFFFF0] =	vst v4;
	v1 =	vmul.f32 v3, v2  }
0xe3: {  	[tilespmem:s16+$0x0] =	vst v0  }
0xe4: {  	s21 =	simm.s32 $0xF0;
	s18 =	simm.s32 $0x7940;
	[tilespmem:s16+$0xFFFFFFE0] =	vst v1  }
0xe5: {  	[spmem:s4] =	stream.indirect.scatter.add.f32 [tilespmem:s18], [sflag:$0x13], $0x80, s21, s17, $0xb8;
	[tilespmem:$0x1D9C0] =	vst v63  }
0xe6: {  	_ =	swait.ge [sflag:s12], $0xA00  }
0xe7: {  	[sflag:s12] =	ssyncset.done $0x0  }
0xe8: {  	[sflag:s12] =	ssyncadd.s32 $0xFFFFF600  }
0xe9: {  	_ =	swait.ge [sflag:s30], $0xA00  }
0xea: {  	[sflag:s30] =	ssyncset.done $0x0  }
0xeb: {  	s20 =	simm.s32 $0x0;
	[sflag:s30] =	ssyncadd.s32 $0xFFFFF600  }
0xec: {  	s19 =	simm.s32 $0x100;
	s16 =	simm.s32 $0x8D80;
	s18 =	simm.s32 $0x8D80;
	v0 =	vld [tilespmem:s20+$0x4770]  }
.LBB2_9:
0xed: {  	p0 =	sne.s32 s19, $0x2700  }
0xee: {  	v1 =	vld [tilespmem:s20+$0x1F40];
	s18 =	sadd.s32 $0x80, s18;
	s21 =	smov.u32 s19;
	s19 =	sadd.s32 $0x100, s19  }
0xef: {  	v2 =	vld [tilespmem:s20+$0x1F70]  }
0xf0: {  	v3 =	vld [tilespmem:s20+$0x1F60]  }
0xf1: {  	v4 =	vld [tilespmem:s20+$0x4740]  }
0xf2: {  	v5 =	vld [tilespmem:s20+$0x1F50]  }
0xf3: {  	v6 =	vld [tilespmem:s20+$0x4760];
	v7 =	vand.u32 $0xFFFF0000, v1  }
0xf4: {  	v9 =	vand.u32 $0xFFFF0000, v0;
	v1 =	vshll.u32 v1, $0x10;
	v8 =	vld [tilespmem:s20+$0x4750]  }
0xf5: {  	v0 =	vshll.u32 v0, $0x10;
	v10 =	vshll.u32 v2, $0x10;
	v11 =	vand.u32 $0xFFFF0000, v3  }
0xf6: {  	v2 =	vand.u32 $0xFFFF0000, v2;
	v0 =	vmul.f32 v0, v10;
	v10 =	vand.u32 $0xFFFF0000, v4  }
0xf7: {  	v2 =	vmul.f32 v9, v2;
	v12 =	vshll.u32 v5, $0x10;
	v5 =	vand.u32 $0xFFFF0000, v5  }
0xf8: {  	s20 =	sshra.s32 s21, $0x2;
	v4 =	vshll.u32 v4, $0x10;
	v7 =	vmul.f32 v10, v7;
	v9 =	vand.u32 $0xFFFF0000, v6;
	[tilespmem:s16+$0x20] =	vst v0  }
0xf9: {  	v0 =	vshll.u32 v3, $0x10;
	v3 =	vshll.u32 v6, $0x10;
	v6 =	vmul.f32 v9, v11;
	[tilespmem:s16+$0x30] =	vst v2  }
0xfa: {  	v1 =	vmul.f32 v4, v1;
	v2 =	vshll.u32 v8, $0x10;
	v4 =	vand.u32 $0xFFFF0000, v8;
	[tilespmem:s16+$0xFFFFFFD0] =	vst v7  }
0xfb: {  	v0 =	vmul.f32 v3, v0;
	v2 =	vmul.f32 v2, v12;
	[tilespmem:s16+$0x10] =	vst v6  }
.Ltmp3:
0xfc: {  	v3 =	vmul.f32 v4, v5;
	[tilespmem:s16+$0xFFFFFFC0] =	vst v1;
	(pc) =	sbr.rel @p0 .LBB2_9-.Ltmp3, $4  }
0xfd: {  	[tilespmem:s16+$0x0] =	vst v0  }
0xfe: {  	[tilespmem:s16+$0xFFFFFFF0] =	vst v3  }
0xff: {  	[tilespmem:s16+$0xFFFFFFE0] =	vst v2;
	s16 =	smov.u32 s18  }
0x100: {  	v0 =	vld [tilespmem:s20+$0x4770]  }
0x101: {  	v1 =	vld [tilespmem:s20+$0x1F40]  }
0x102: {  	v2 =	vld [tilespmem:s20+$0x1F70]  }
0x103: {  	v3 =	vld [tilespmem:s20+$0x1F60]  }
0x104: {  	v4 =	vld [tilespmem:s20+$0x4740]  }
0x105: {  	v5 =	vld [tilespmem:s20+$0x4760]  }
0x106: {  	v6 =	vld [tilespmem:s20+$0x1F50]  }
0x107: {  	v9 =	vld [tilespmem:s20+$0x4750];
	v8 =	vshll.u32 v0, $0x10;
	v7 =	vshll.u32 v2, $0x10  }
0x108: {  	v53 =	vand.u32 $0xFFFF0000, v0;
	v2 =	vand.u32 $0xFFFF0000, v2;
	v7 =	vmul.f32 v8, v7  }
0x109: {  	v54 =	vand.u32 $0xFFFF0000, v1;
	v10 =	vand.u32 $0xFFFF0000, v4;
	v0 =	vmul.f32 v53, v2  }
0x10a: {  	v55 =	vand.u32 $0xFFFF0000, v3;
	v56 =	vand.u32 $0xFFFF0000, v5;
	v8 =	vmul.f32 v10, v54;
	[tilespmem:s16+$0x20] =	vst v7  }
0x10b: {  	v1 =	vshll.u32 v1, $0x10;
	v4 =	vshll.u32 v4, $0x10;
	v2 =	vmul.f32 v56, v55;
	[tilespmem:s16+$0x30] =	vst v0  }
0x10c: {  	s10 =	sadd.s32 $0x1, s10;
	v59 =	vand.u32 $0xFFFF0000, v6;
	v60 =	vand.u32 $0xFFFF0000, v9;
	v1 =	vmul.f32 v4, v1;
	[tilespmem:s16+$0xFFFFFFD0] =	vst v8  }
0x10d: {  	p0 =	sne.s32 s10, $0x7D;
	v61 =	vshll.u32 v6, $0x10;
	v62 =	vshll.u32 v9, $0x10;
	v4 =	vmul.f32 v60, v59;
	[tilespmem:s16+$0x10] =	vst v2  }
.Ltmp4:
0x10e: {  	v57 =	vshll.u32 v3, $0x10;
	v58 =	vshll.u32 v5, $0x10;
	v63 =	vmul.f32 v62, v61;
	[tilespmem:s16+$0xFFFFFFC0] =	vst v1;
	(pc) =	sbr.rel @p0 .LBB2_2-.Ltmp4, $4  }
0x10f: {  	v0 =	vmul.f32 v58, v57;
	[tilespmem:s16+$0xFFFFFFF0] =	vst v4  }
0x110: {  	[tilespmem:s16+$0xFFFFFFE0] =	vst v63  }
0x111: {  	s21 =	simm.s32 $0x118;
	s18 =	simm.s32 $0x8D40;
	[tilespmem:s16+$0x0] =	vst v0  }
0x112: {  	[spmem:s4] =	stream.indirect.scatter.add.f32 [tilespmem:s18], [sflag:$0x14], $0x80, s21, s17, $0xb8;
	[tilespmem:$0x1D9C0] =	vst v63  }
0x113: {  	s10 =	simm.s32 $0x11  }
0x114: {  	_ =	swait.ge [sflag:s10], $0x1400  }
0x115: {  	[sflag:s10] =	ssyncset.done $0x0  }
0x116: {  	s16 =	simm.s32 $0x12;
	[sflag:s10] =	ssyncadd.s32 $0xFFFFEC00  }
0x117: {  	_ =	swait.ge [sflag:s16], $0x1400  }
0x118: {  	[sflag:s16] =	ssyncset.done $0x0  }
0x119: {  	s18 =	simm.s32 $0x13;
	[sflag:s16] =	ssyncadd.s32 $0xFFFFEC00  }
0x11a: {  	_ =	swait.ge [sflag:s18], $0x1400  }
0x11b: {  	[sflag:s18] =	ssyncset.done $0x0  }
0x11c: {  	s19 =	simm.s32 $0x14;
	[sflag:s18] =	ssyncadd.s32 $0xFFFFEC00  }
0x11d: {  	_ =	swait.ge [sflag:s19], $0x1400  }
0x11e: {  	[sflag:s19] =	ssyncset.done $0x0  }
0x11f: {  	[sflag:s19] =	ssyncadd.s32 $0xFFFFEC00  }
0x120: {  	[bflag:$0x0] =	sbarrier.arrive $0xFFFF  }
0x121: {  	s16 =	rddreg [dreg:$0x6]  }
0x122: {  	s20 =	rddreg [dreg:$0x8]  }
0x123: {  	s19 =	simm.s32 $0x15;
	s18 =	rddreg [dreg:$0xa]  }
0x124: {  	[hbm:s20], [sflag:s16] =	dma.local [spmem:s18], $0x2710  }
0x125: {  	_ =	swait.ge [sflag:s19], $0x2710  }
0x126: {  	s20 =	rddreg [dreg:$0xb]  }
0x127: {  	s21 =	rddreg [dreg:$0x9];
	s20 =	sadd.s32 $0x1, s20  }
0x128: {  	p0 =	sne.s32 s20, s21  }
.Ltmp5:
0x129: {  	_ = 	snop;
	(pc) =	sbr.rel @p0 .LBB2_1-.Ltmp5, $3  }
0x12a: {  	_ =	sdelay $0x1  }
0x12b: {  	[sflag:s19] =	ssyncset.done $0x0  }
0x12c: {  	[sflag:s19] =	ssyncadd.s32 $0xFFFFD8F0  }
0x12d: {  	_ =	sfence.sel $0x180000  }
0x12e: {  	[bflag:$0x0] =	sbarrier.arrive $0xFFFF  }
0x12f: {  	_ =	strace $0x90000050  }
0x130: {  	s0 =	stileid.u32;
	[bflag:$0x2] =	sbarrier.arrive $0xFFFF  }
0x131: {  	p0 =	sne.s32 s0, $0x0;
	s0 =	rddreg [dreg:$0x4]  }
0x132: {  	s0 =	sadd.s32 @!p0 $0x100000, s0  }
0x133: {  	[sflag:s0] =	ssyncadd.tile.s32 @!p0 $0x1;
	_ =	shalt  }
.Lfunc_end2:
_tile_overlayer_lowered:
.L_overlay_start_2:
0x134: {  	(tag) =	ssettag $0x2  }
0x135: {  	s0 =	rddreg [dreg:$0x0];
	s2 =	stileid.u32  }
0x136: {  	s1 =	rddreg [dreg:$0x1];
	p0 =	sne.s32 s2, $0x0  }
0x137: {  	s3 =	rddreg [dreg:$0x2];
	[bflag:$0x3] =	sbarrier.arrive $0xFFFF;
	s2 =	simm.s32 @!p0 $0x1C15  }
0x138: {  	[timem:s3], [sflag:s2] =	dma.local @!p0 [hbm:s0], s1  }
0x139: {  	s0 =	simm.s32 @!p0 $0x15  }
0x13a: {  	_ =	swait.ge @!p0 [sflag:s0], s1  }
0x13b: {  	s1 =	ssub.s32 @!p0 $0x0, s1;
	[sflag:s0] =	ssyncset.done @!p0 $0x0  }
0x13c: {  	[sflag:s0] =	ssyncadd.s32 @!p0 s1  }
0x13d: {  	[bflag:$0x3] =	sbarrier.arrive $0xFFFF  }
0x13e: {  	_ =	shalt  }

</sc_bundles>
